<compile_context>
chip_gen: v7x
topology: tpu7x:2x2x1
jax: 0.10.2.dev20260603
libtpu: 0.0.44.dev20260713+nightly
codegen_flags: <defaults>
</compile_context>

<pallas_src>
import functools

import jax
import jax.numpy as jnp
from jax import lax
from jax.experimental import pallas as pl
from jax.experimental.pallas import tpu as pltpu
from jax.experimental.pallas import tpu_sc as plsc

MAX_POS = 8192
HIDDEN = 768
B = 4
L = 8192

N_TOK = B * L
LANES = 16
NC = 2
NS = 16
NW = NC * NS
N_SC = N_TOK
TPW = N_SC // NW
CHUNK = 16
NGROUP = TPW // CHUNK
NVREG = HIDDEN // LANES

_EPS = 1e-12
_INV_H = 1.0 / HIDDEN


def _rsqrt(u):
    yi = lax.bitcast_convert_type(u, jnp.int32)
    yi = jnp.full((LANES,), 0x5F3759DF, jnp.int32) - lax.shift_right_logical(
        yi, jnp.full((LANES,), 1, jnp.int32))
    g = lax.bitcast_convert_type(yi, jnp.float32)
    for _ in range(3):
        g = g * (1.5 - 0.5 * u * g * g)
    return g


_GATHER_DNUMS = lax.GatherDimensionNumbers(
    offset_dims=(), collapsed_slice_dims=(0,), start_index_map=(0,))


def _lane_sum(v):
    lanes = lax.iota(jnp.int32, LANES)
    for k in (8, 4, 2, 1):
        idx = lax.reshape(lanes ^ k, (LANES, 1))
        v = v + lax.gather(v, idx, _GATHER_DNUMS, (1,),
                           mode=lax.GatherScatterMode.PROMISE_IN_BOUNDS)
    return v


def _body(x_hbm, idx_hbm, t1_hbm, t2_hbm, w_hbm, b_hbm, out_hbm,
          idx_v, r1_v, r2_v, x_v, o_v, w_v, b_v,
          gsem0, gsem1, osem0, osem1):
    wid = lax.axis_index("s") * NC + lax.axis_index("c")
    base0 = wid * TPW
    gsem = (gsem0, gsem1)
    osem = (osem0, osem1)
    pltpu.sync_copy(w_hbm, w_v)
    pltpu.sync_copy(b_hbm, b_v)

    def fetch(g, b):
        base = base0 + g * CHUNK
        pltpu.sync_copy(idx_hbm.at[pl.ds(base, CHUNK)], idx_v.at[b])
        pltpu.async_copy(t1_hbm.at[idx_v.at[b]], r1_v.at[b], gsem[b])
        pltpu.async_copy(t2_hbm.at[idx_v.at[b]], r2_v.at[b], gsem[b])
        pltpu.async_copy(x_hbm.at[pl.ds(base, CHUNK)], x_v.at[b], gsem[b])

    def wait_fetch(g, b):
        base = base0 + g * CHUNK
        pltpu.make_async_copy(t1_hbm.at[idx_v.at[b]], r1_v.at[b], gsem[b]).wait()
        pltpu.make_async_copy(t2_hbm.at[idx_v.at[b]], r2_v.at[b], gsem[b]).wait()
        pltpu.make_async_copy(x_hbm.at[pl.ds(base, CHUNK)], x_v.at[b], gsem[b]).wait()

    def compute(b):
        zero = jnp.zeros((LANES,), jnp.float32)

        def pass1_pair(t0, t1):
            @plsc.parallel_loop(0, NVREG, step=2, unroll=2,
                                carry=(zero, zero, zero, zero,
                                       zero, zero, zero, zero))
            def p1(j, c):
                sa0, qa0, sa1, qa1, sb0, qb0, sb1, qb1 = c
                sl0 = pl.ds(j * LANES, LANES)
                sl1 = pl.ds((j + 1) * LANES, LANES)
                va0 = r1_v[b, t0, sl0] * x_v[b, t0, sl0] + r2_v[b, t0, sl0]
                va1 = r1_v[b, t0, sl1] * x_v[b, t0, sl1] + r2_v[b, t0, sl1]
                vb0 = r1_v[b, t1, sl0] * x_v[b, t1, sl0] + r2_v[b, t1, sl0]
                vb1 = r1_v[b, t1, sl1] * x_v[b, t1, sl1] + r2_v[b, t1, sl1]
                o_v[b, t0, sl0] = va0
                o_v[b, t0, sl1] = va1
                o_v[b, t1, sl0] = vb0
                o_v[b, t1, sl1] = vb1
                return (sa0 + va0, qa0 + va0 * va0, sa1 + va1, qa1 + va1 * va1,
                        sb0 + vb0, qb0 + vb0 * vb0, sb1 + vb1, qb1 + vb1 * vb1)

            sa0, qa0, sa1, qa1, sb0, qb0, sb1, qb1 = p1
            return sa0 + sa1, qa0 + qa1, sb0 + sb1, qb0 + qb1

        TGRP = 8

        @plsc.parallel_loop(0, CHUNK, step=TGRP)
        def token(t):
            means = []
            invs = []
            for k in range(0, TGRP, 2):
                sa, qa, sb, qb = pass1_pair(t + k, t + k + 1)
                for s, q in ((sa, qa), (sb, qb)):
                    m = _lane_sum(s) * _INV_H
                    means.append(m)
                    invs.append(_rsqrt(_lane_sum(q) * _INV_H - m * m + _EPS))

            @plsc.parallel_loop(0, NVREG, unroll=2)
            def pass2(j):
                sl = pl.ds(j * LANES, LANES)
                wv = w_v[sl]
                bv = b_v[sl]
                for k in range(TGRP):
                    o_v[b, t + k, sl] = (
                        (o_v[b, t + k, sl] - means[k]) * (wv * invs[k]) + bv)

    fetch(0, 0)

    def pair(p, carry):
        for b in (0, 1):
            g = p * 2 + b
            wait_fetch(g, b)

            @pl.when(g + 1 < NGROUP)
            def _():
                fetch(g + 1, 1 - b)

            base = base0 + g * CHUNK

            @pl.when(g >= 2)
            def _():
                pltpu.make_async_copy(
                    o_v.at[b], out_hbm.at[pl.ds(base, CHUNK)], osem[b]).wait()

            compute(b)
            pltpu.async_copy(o_v.at[b], out_hbm.at[pl.ds(base, CHUNK)], osem[b])
        return carry

    lax.fori_loop(0, NGROUP // 2, pair, 0)
    for b in (0, 1):
        base = base0 + (NGROUP - 2 + b) * CHUNK
        pltpu.make_async_copy(
            o_v.at[b], out_hbm.at[pl.ds(base, CHUNK)], osem[b]).wait()


@jax.jit
def _fc_embed(x2d, ids, t1, t2, w, b):
    mesh = plsc.VectorSubcoreMesh(core_axis_name="c", subcore_axis_name="s")
    f = functools.partial(
        pl.kernel,
        mesh=mesh,
        out_type=jax.ShapeDtypeStruct((N_SC, HIDDEN), jnp.float32),
        scratch_types=[
            pltpu.VMEM((2, CHUNK), jnp.int32),
            pltpu.VMEM((2, CHUNK, HIDDEN), jnp.float32),
            pltpu.VMEM((2, CHUNK, HIDDEN), jnp.float32),
            pltpu.VMEM((2, CHUNK, HIDDEN), jnp.float32),
            pltpu.VMEM((2, CHUNK, HIDDEN), jnp.float32),
            pltpu.VMEM((HIDDEN,), jnp.float32),
            pltpu.VMEM((HIDDEN,), jnp.float32),
            pltpu.SemaphoreType.DMA,
            pltpu.SemaphoreType.DMA,
            pltpu.SemaphoreType.DMA,
            pltpu.SemaphoreType.DMA,
        ],
    )(_body)
    return f(x2d, ids, t1, t2, w, b)


def kernel(inputs_embeds, position_ids, pos_table1, pos_table2, ln_weight, ln_bias):
    x2d = inputs_embeds.reshape(N_TOK, HIDDEN)
    ids = position_ids.reshape(N_TOK).astype(jnp.int32)
    out = _fc_embed(x2d, ids, pos_table1, pos_table2, ln_weight, ln_bias)
    return out.reshape(B, L, HIDDEN)

# --- scband reference (transcript-rebuilt; emitter-appended) ---
"""Pipeline reference for scband-fcembeddings-60309930771107 (READ-ONLY COPY).

The authoritative reference and input builder live on the scoring server;
editing this copy changes nothing except your own understanding.
"""

import jax, jax.numpy as jnp
import numpy as np

MAX_POS = 8192
HIDDEN = 768
B = 4
L = 8192

def setup_inputs(seed: int = 0) -> dict:
    key = jax.random.key(seed)
    k1, k2, k3, k4 = jax.random.split(key, 4)
    inputs_embeds = jax.random.normal(k1, (B, L, HIDDEN), dtype=jnp.float32)
    position_ids = jax.random.randint(k2, (B, L), 0, MAX_POS, dtype=jnp.int64)
    pos_table1 = jax.random.normal(k3, (MAX_POS, HIDDEN), dtype=jnp.float32)
    pos_table2 = jax.random.normal(k4, (MAX_POS, HIDDEN), dtype=jnp.float32)
    ln_weight = jnp.ones((HIDDEN,), dtype=jnp.float32)
    ln_bias = jnp.zeros((HIDDEN,), dtype=jnp.float32)
    return {
        "inputs_embeds": inputs_embeds,
        "position_ids": position_ids,
        "pos_table1": pos_table1,
        "pos_table2": pos_table2,
        "ln_weight": ln_weight,
        "ln_bias": ln_bias,
    }

def _layer_norm(x, weight, bias, eps=1e-12):
    mean = jnp.mean(x, axis=-1, keepdims=True)
    var = jnp.mean(jnp.square(x - mean), axis=-1, keepdims=True)
    x_hat = (x - mean) / jnp.sqrt(var + eps)
    return x_hat * weight + bias

def reference(inputs_embeds, position_ids, pos_table1, pos_table2, ln_weight, ln_bias):
    position_embeddings = jnp.take(pos_table1, position_ids, axis=0)
    position_embeddings2 = jnp.take(pos_table2, position_ids, axis=0)
    embeddings = position_embeddings * inputs_embeds + position_embeddings2
    embeddings = _layer_norm(embeddings, ln_weight, ln_bias, eps=1e-12)
    return embeddings

if __name__ == "__main__":
    import jax
    _d = setup_inputs()
    print(jax.jit(kernel)(*tuple(_d.values())))

</pallas_src>

<mosaic_0001>
#map = affine_map<(d0, d1) -> (0, 0)>
#map1 = affine_map<(d0, d1) -> (0)>
module attributes {stable_mosaic.version = 14 : i64} {
  func.func @_body(%arg0: i32, %arg1: i32, %arg2: memref<32768x768xf32, #tpu.memory_space<hbm>>, %arg3: memref<32768xi32, #tpu.memory_space<hbm>>, %arg4: memref<8192x768xf32, #tpu.memory_space<hbm>>, %arg5: memref<8192x768xf32, #tpu.memory_space<hbm>>, %arg6: memref<768xf32, #tpu.memory_space<hbm>>, %arg7: memref<768xf32, #tpu.memory_space<hbm>>, %arg8: memref<32768x768xf32, #tpu.memory_space<hbm>>, %arg9: memref<2x16xi32, #tpu.memory_space<vmem>>, %arg10: memref<2x16x768xf32, #tpu.memory_space<vmem>>, %arg11: memref<2x16x768xf32, #tpu.memory_space<vmem>>, %arg12: memref<2x16x768xf32, #tpu.memory_space<vmem>>, %arg13: memref<2x16x768xf32, #tpu.memory_space<vmem>>, %arg14: memref<768xf32, #tpu.memory_space<vmem>>, %arg15: memref<768xf32, #tpu.memory_space<vmem>>, %arg16: memref<!tpu.dma_semaphore, #tpu.memory_space<semaphore_mem>>, %arg17: memref<!tpu.dma_semaphore, #tpu.memory_space<semaphore_mem>>, %arg18: memref<!tpu.dma_semaphore, #tpu.memory_space<semaphore_mem>>, %arg19: memref<!tpu.dma_semaphore, #tpu.memory_space<semaphore_mem>>) attributes {dimension_semantics = [#tpu.dimension_semantics<core_parallel>, #tpu.dimension_semantics<subcore_parallel>], iteration_bounds = array<i64: 2, 16>, scalar_prefetch = 0 : i64, scratch_operands = 11 : i64, tpu.core_type = #tpu.core_type<sc_vector_subcore>, window_params = [{transform_indices = #map}, {transform_indices = #map1}, {transform_indices = #map}, {transform_indices = #map}, {transform_indices = #map1}, {transform_indices = #map1}, {transform_indices = #map}]} {
    %mul3A = arith.constant 2 : i32
    %mul3A_0 = arith.muli %arg1, %mul3A : i32
    %add3A = arith.addi %mul3A_0, %arg0 : i32
    %mul3A_1 = arith.constant 1024 : i32
    %mul3A_2 = arith.muli %add3A, %mul3A_1 : i32
    "tpu.region"() ({
      %run_scoped3A_75 = tpu.sem_alloc : memref<!tpu.dma_semaphore, #tpu.memory_space<semaphore_mem>>
      tpu.enqueue_dma source(%arg6 : memref<768xf32, #tpu.memory_space<hbm>>) target(%arg14 : memref<768xf32, #tpu.memory_space<vmem>>) target_semaphore(%run_scoped3A_75 : memref<!tpu.dma_semaphore, #tpu.memory_space<semaphore_mem>>)
      tpu.wait_dma2 semaphore(%run_scoped3A_75 : memref<!tpu.dma_semaphore, #tpu.memory_space<semaphore_mem>>) src(%arg6 : memref<768xf32, #tpu.memory_space<hbm>>) dst(%arg14 : memref<768xf32, #tpu.memory_space<vmem>>)
      tpu.yield
    }) : () -> ()
    "tpu.region"() ({
      %run_scoped3A_75 = tpu.sem_alloc : memref<!tpu.dma_semaphore, #tpu.memory_space<semaphore_mem>>
      tpu.enqueue_dma source(%arg7 : memref<768xf32, #tpu.memory_space<hbm>>) target(%arg15 : memref<768xf32, #tpu.memory_space<vmem>>) target_semaphore(%run_scoped3A_75 : memref<!tpu.dma_semaphore, #tpu.memory_space<semaphore_mem>>)
      tpu.wait_dma2 semaphore(%run_scoped3A_75 : memref<!tpu.dma_semaphore, #tpu.memory_space<semaphore_mem>>) src(%arg7 : memref<768xf32, #tpu.memory_space<hbm>>) dst(%arg15 : memref<768xf32, #tpu.memory_space<vmem>>)
      tpu.yield
    }) : () -> ()
    %add3A_3 = arith.constant 0 : i32
    %add3A_4 = arith.addi %mul3A_2, %add3A_3 : i32
    %run_scoped3A = arith.constant 0 : i32
    "tpu.region"() ({
      %run_scoped3A_75 = tpu.sem_alloc : memref<!tpu.dma_semaphore, #tpu.memory_space<semaphore_mem>>
      %dma_start3A_76 = arith.constant 0 : i32
      %dma_start3A_77 = tpu.memref_slice %arg9[%run_scoped3A, %dma_start3A_76] : memref<2x16xi32, #tpu.memory_space<vmem>> -> memref<1x16xi32, #tpu.memory_space<vmem>>
      %dma_start3A_78 = tpu.memref_squeeze %dma_start3A_77 : memref<1x16xi32, #tpu.memory_space<vmem>> -> memref<16xi32, #tpu.memory_space<vmem>>
      %dma_start3A_79 = tpu.memref_slice %arg3[%add3A_4] : memref<32768xi32, #tpu.memory_space<hbm>> -> memref<16xi32, #tpu.memory_space<hbm>>
      %dma_start3A_80 = arith.constant 0 : i32
      %dma_start3A_81 = tpu.memref_slice %arg9[%run_scoped3A, %dma_start3A_80] : memref<2x16xi32, #tpu.memory_space<vmem>> -> memref<1x16xi32, #tpu.memory_space<vmem>>
      %dma_start3A_82 = tpu.memref_squeeze %dma_start3A_81 : memref<1x16xi32, #tpu.memory_space<vmem>> -> memref<16xi32, #tpu.memory_space<vmem>>
      %dma_start3A_83 = tpu.memref_slice %arg3[%add3A_4] : memref<32768xi32, #tpu.memory_space<hbm>> -> memref<16xi32, #tpu.memory_space<hbm>>
      tpu.enqueue_dma source(%dma_start3A_83 : memref<16xi32, #tpu.memory_space<hbm>>) target(%dma_start3A_82 : memref<16xi32, #tpu.memory_space<vmem>>) target_semaphore(%run_scoped3A_75 : memref<!tpu.dma_semaphore, #tpu.memory_space<semaphore_mem>>)
      %dma_wait3A_84 = arith.constant 0 : i32
      %dma_wait3A_85 = tpu.memref_slice %arg9[%run_scoped3A, %dma_wait3A_84] : memref<2x16xi32, #tpu.memory_space<vmem>> -> memref<1x16xi32, #tpu.memory_space<vmem>>
      %dma_wait3A_86 = tpu.memref_squeeze %dma_wait3A_85 : memref<1x16xi32, #tpu.memory_space<vmem>> -> memref<16xi32, #tpu.memory_space<vmem>>
      %dma_wait3A_87 = tpu.memref_slice %arg3[%add3A_4] : memref<32768xi32, #tpu.memory_space<hbm>> -> memref<16xi32, #tpu.memory_space<hbm>>
      %dma_wait3A_88 = arith.constant 0 : i32
      %dma_wait3A_89 = tpu.memref_slice %arg9[%run_scoped3A, %dma_wait3A_88] : memref<2x16xi32, #tpu.memory_space<vmem>> -> memref<1x16xi32, #tpu.memory_space<vmem>>
      %dma_wait3A_90 = tpu.memref_squeeze %dma_wait3A_89 : memref<1x16xi32, #tpu.memory_space<vmem>> -> memref<16xi32, #tpu.memory_space<vmem>>
      %dma_wait3A_91 = tpu.memref_slice %arg3[%add3A_4] : memref<32768xi32, #tpu.memory_space<hbm>> -> memref<16xi32, #tpu.memory_space<hbm>>
      tpu.wait_dma2 semaphore(%run_scoped3A_75 : memref<!tpu.dma_semaphore, #tpu.memory_space<semaphore_mem>>) src(%dma_wait3A_91 : memref<16xi32, #tpu.memory_space<hbm>>) dst(%dma_wait3A_90 : memref<16xi32, #tpu.memory_space<vmem>>)
      tpu.yield
    }) : () -> ()
    %dma_start3A = arith.constant 0 : i32
    %dma_start3A_5 = arith.constant 0 : i32
    %dma_start3A_6 = arith.constant 0 : i32
    %dma_start3A_7 = arith.constant 0 : i32
    %dma_start3A_8 = tpu.memref_slice %arg10[%dma_start3A_5, %dma_start3A_6, %dma_start3A_7] : memref<2x16x768xf32, #tpu.memory_space<vmem>> -> memref<1x16x768xf32, #tpu.memory_space<vmem>>
    %dma_start3A_9 = tpu.memref_squeeze %dma_start3A_8 : memref<1x16x768xf32, #tpu.memory_space<vmem>> -> memref<16x768xf32, #tpu.memory_space<vmem>>
    %dma_start3A_10 = arith.constant 0 : i32
    %dma_start3A_11 = tpu.memref_slice %arg9[%dma_start3A, %dma_start3A_10] : memref<2x16xi32, #tpu.memory_space<vmem>> -> memref<1x16xi32, #tpu.memory_space<vmem>>
    %dma_start3A_12 = tpu.memref_squeeze %dma_start3A_11 : memref<1x16xi32, #tpu.memory_space<vmem>> -> memref<16xi32, #tpu.memory_space<vmem>>
    %dma_start3A_13 = arith.constant 0 : i32
    %dma_start3A_14 = arith.constant 0 : i32
    %dma_start3A_15 = tpu.memref_slice %arg4[%dma_start3A_13, %dma_start3A_14] : memref<8192x768xf32, #tpu.memory_space<hbm>> -> memref<8192x768xf32, #tpu.memory_space<hbm>>
    tpu.enqueue_indirect_dma source(%dma_start3A_15 : memref<8192x768xf32, #tpu.memory_space<hbm>>) target(%dma_start3A_9 : memref<16x768xf32, #tpu.memory_space<vmem>>) offsets(%dma_start3A_12 : memref<16xi32, #tpu.memory_space<vmem>>) semaphore(%arg16 : memref<!tpu.dma_semaphore, #tpu.memory_space<semaphore_mem>>)
    %dma_start3A_16 = arith.constant 0 : i32
    %dma_start3A_17 = arith.constant 0 : i32
    %dma_start3A_18 = arith.constant 0 : i32
    %dma_start3A_19 = arith.constant 0 : i32
    %dma_start3A_20 = tpu.memref_slice %arg11[%dma_start3A_17, %dma_start3A_18, %dma_start3A_19] : memref<2x16x768xf32, #tpu.memory_space<vmem>> -> memref<1x16x768xf32, #tpu.memory_space<vmem>>
    %dma_start3A_21 = tpu.memref_squeeze %dma_start3A_20 : memref<1x16x768xf32, #tpu.memory_space<vmem>> -> memref<16x768xf32, #tpu.memory_space<vmem>>
    %dma_start3A_22 = arith.constant 0 : i32
    %dma_start3A_23 = tpu.memref_slice %arg9[%dma_start3A_16, %dma_start3A_22] : memref<2x16xi32, #tpu.memory_space<vmem>> -> memref<1x16xi32, #tpu.memory_space<vmem>>
    %dma_start3A_24 = tpu.memref_squeeze %dma_start3A_23 : memref<1x16xi32, #tpu.memory_space<vmem>> -> memref<16xi32, #tpu.memory_space<vmem>>
    %dma_start3A_25 = arith.constant 0 : i32
    %dma_start3A_26 = arith.constant 0 : i32
    %dma_start3A_27 = tpu.memref_slice %arg5[%dma_start3A_25, %dma_start3A_26] : memref<8192x768xf32, #tpu.memory_space<hbm>> -> memref<8192x768xf32, #tpu.memory_space<hbm>>
    tpu.enqueue_indirect_dma source(%dma_start3A_27 : memref<8192x768xf32, #tpu.memory_space<hbm>>) target(%dma_start3A_21 : memref<16x768xf32, #tpu.memory_space<vmem>>) offsets(%dma_start3A_24 : memref<16xi32, #tpu.memory_space<vmem>>) semaphore(%arg16 : memref<!tpu.dma_semaphore, #tpu.memory_space<semaphore_mem>>)
    %dma_start3A_28 = arith.constant 0 : i32
    %dma_start3A_29 = arith.constant 0 : i32
    %dma_start3A_30 = arith.constant 0 : i32
    %dma_start3A_31 = tpu.memref_slice %arg12[%dma_start3A_28, %dma_start3A_29, %dma_start3A_30] : memref<2x16x768xf32, #tpu.memory_space<vmem>> -> memref<1x16x768xf32, #tpu.memory_space<vmem>>
    %dma_start3A_32 = tpu.memref_squeeze %dma_start3A_31 : memref<1x16x768xf32, #tpu.memory_space<vmem>> -> memref<16x768xf32, #tpu.memory_space<vmem>>
    %dma_start3A_33 = arith.constant 0 : i32
    %dma_start3A_34 = tpu.memref_slice %arg2[%add3A_4, %dma_start3A_33] : memref<32768x768xf32, #tpu.memory_space<hbm>> -> memref<16x768xf32, #tpu.memory_space<hbm>>
    %dma_start3A_35 = arith.constant 0 : i32
    %dma_start3A_36 = arith.constant 0 : i32
    %dma_start3A_37 = tpu.memref_slice %arg12[%dma_start3A_28, %dma_start3A_35, %dma_start3A_36] : memref<2x16x768xf32, #tpu.memory_space<vmem>> -> memref<1x16x768xf32, #tpu.memory_space<vmem>>
    %dma_start3A_38 = tpu.memref_squeeze %dma_start3A_37 : memref<1x16x768xf32, #tpu.memory_space<vmem>> -> memref<16x768xf32, #tpu.memory_space<vmem>>
    %dma_start3A_39 = arith.constant 0 : i32
    %dma_start3A_40 = tpu.memref_slice %arg2[%add3A_4, %dma_start3A_39] : memref<32768x768xf32, #tpu.memory_space<hbm>> -> memref<16x768xf32, #tpu.memory_space<hbm>>
    tpu.enqueue_dma source(%dma_start3A_40 : memref<16x768xf32, #tpu.memory_space<hbm>>) target(%dma_start3A_38 : memref<16x768xf32, #tpu.memory_space<vmem>>) target_semaphore(%arg16 : memref<!tpu.dma_semaphore, #tpu.memory_space<semaphore_mem>>)
    %scan3A = arith.constant 0 : i32
    %scan3A_41 = arith.constant 0 : i32
    %scan3A_42 = arith.constant 32 : i32
    %scan3A_43 = arith.addi %scan3A_41, %scan3A_42 : i32
    %scan3A_44 = arith.constant 1 : i32
    scf.for %scan3A_75 = %scan3A_41 to %scan3A_43 step %scan3A_44  : i32 {
      %mul3A_76 = arith.constant 2 : i32
      %mul3A_77 = arith.muli %scan3A_75, %mul3A_76 : i32
      %add3A_78 = arith.constant 0 : i32
      %add3A_79 = arith.addi %mul3A_77, %add3A_78 : i32
      %mul3A_80 = arith.constant 16 : i32
      %mul3A_81 = arith.muli %add3A_79, %mul3A_80 : i32
      %add3A_82 = arith.addi %mul3A_2, %mul3A_81 : i32
      %dma_wait3A_83 = arith.constant 0 : i32
      %dma_wait3A_84 = arith.constant 0 : i32
      %dma_wait3A_85 = arith.constant 0 : i32
      %dma_wait3A_86 = arith.constant 0 : i32
      %dma_wait3A_87 = tpu.memref_slice %arg10[%dma_wait3A_84, %dma_wait3A_85, %dma_wait3A_86] : memref<2x16x768xf32, #tpu.memory_space<vmem>> -> memref<1x16x768xf32, #tpu.memory_space<vmem>>
      %dma_wait3A_88 = tpu.memref_squeeze %dma_wait3A_87 : memref<1x16x768xf32, #tpu.memory_space<vmem>> -> memref<16x768xf32, #tpu.memory_space<vmem>>
      %dma_wait3A_89 = arith.constant 0 : i32
      %dma_wait3A_90 = tpu.memref_slice %arg9[%dma_wait3A_83, %dma_wait3A_89] : memref<2x16xi32, #tpu.memory_space<vmem>> -> memref<1x16xi32, #tpu.memory_space<vmem>>
      %dma_wait3A_91 = tpu.memref_squeeze %dma_wait3A_90 : memref<1x16xi32, #tpu.memory_space<vmem>> -> memref<16xi32, #tpu.memory_space<vmem>>
      %dma_wait3A_92 = arith.constant 0 : i32
      %dma_wait3A_93 = arith.constant 0 : i32
      %dma_wait3A_94 = tpu.memref_slice %arg4[%dma_wait3A_92, %dma_wait3A_93] : memref<8192x768xf32, #tpu.memory_space<hbm>> -> memref<8192x768xf32, #tpu.memory_space<hbm>>
      tpu.wait_indirect_dma semaphore(%arg16 : memref<!tpu.dma_semaphore, #tpu.memory_space<semaphore_mem>>) src(%dma_wait3A_94 : memref<8192x768xf32, #tpu.memory_space<hbm>>) dst(%dma_wait3A_88 : memref<16x768xf32, #tpu.memory_space<vmem>>)
      %dma_wait3A_95 = arith.constant 0 : i32
      %dma_wait3A_96 = arith.constant 0 : i32
      %dma_wait3A_97 = arith.constant 0 : i32
      %dma_wait3A_98 = arith.constant 0 : i32
      %dma_wait3A_99 = tpu.memref_slice %arg11[%dma_wait3A_96, %dma_wait3A_97, %dma_wait3A_98] : memref<2x16x768xf32, #tpu.memory_space<vmem>> -> memref<1x16x768xf32, #tpu.memory_space<vmem>>
      %dma_wait3A_100 = tpu.memref_squeeze %dma_wait3A_99 : memref<1x16x768xf32, #tpu.memory_space<vmem>> -> memref<16x768xf32, #tpu.memory_space<vmem>>
      %dma_wait3A_101 = arith.constant 0 : i32
      %dma_wait3A_102 = tpu.memref_slice %arg9[%dma_wait3A_95, %dma_wait3A_101] : memref<2x16xi32, #tpu.memory_space<vmem>> -> memref<1x16xi32, #tpu.memory_space<vmem>>
      %dma_wait3A_103 = tpu.memref_squeeze %dma_wait3A_102 : memref<1x16xi32, #tpu.memory_space<vmem>> -> memref<16xi32, #tpu.memory_space<vmem>>
      %dma_wait3A_104 = arith.constant 0 : i32
      %dma_wait3A_105 = arith.constant 0 : i32
      %dma_wait3A_106 = tpu.memref_slice %arg5[%dma_wait3A_104, %dma_wait3A_105] : memref<8192x768xf32, #tpu.memory_space<hbm>> -> memref<8192x768xf32, #tpu.memory_space<hbm>>
      tpu.wait_indirect_dma semaphore(%arg16 : memref<!tpu.dma_semaphore, #tpu.memory_space<semaphore_mem>>) src(%dma_wait3A_106 : memref<8192x768xf32, #tpu.memory_space<hbm>>) dst(%dma_wait3A_100 : memref<16x768xf32, #tpu.memory_space<vmem>>)
      %dma_wait3A_107 = arith.constant 0 : i32
      %dma_wait3A_108 = arith.constant 0 : i32
      %dma_wait3A_109 = arith.constant 0 : i32
      %dma_wait3A_110 = tpu.memref_slice %arg12[%dma_wait3A_107, %dma_wait3A_108, %dma_wait3A_109] : memref<2x16x768xf32, #tpu.memory_space<vmem>> -> memref<1x16x768xf32, #tpu.memory_space<vmem>>
      %dma_wait3A_111 = tpu.memref_squeeze %dma_wait3A_110 : memref<1x16x768xf32, #tpu.memory_space<vmem>> -> memref<16x768xf32, #tpu.memory_space<vmem>>
      %dma_wait3A_112 = arith.constant 0 : i32
      %dma_wait3A_113 = tpu.memref_slice %arg2[%add3A_82, %dma_wait3A_112] : memref<32768x768xf32, #tpu.memory_space<hbm>> -> memref<16x768xf32, #tpu.memory_space<hbm>>
      %dma_wait3A_114 = arith.constant 0 : i32
      %dma_wait3A_115 = arith.constant 0 : i32
      %dma_wait3A_116 = tpu.memref_slice %arg12[%dma_wait3A_107, %dma_wait3A_114, %dma_wait3A_115] : memref<2x16x768xf32, #tpu.memory_space<vmem>> -> memref<1x16x768xf32, #tpu.memory_space<vmem>>
      %dma_wait3A_117 = tpu.memref_squeeze %dma_wait3A_116 : memref<1x16x768xf32, #tpu.memory_space<vmem>> -> memref<16x768xf32, #tpu.memory_space<vmem>>
      %dma_wait3A_118 = arith.constant 0 : i32
      %dma_wait3A_119 = tpu.memref_slice %arg2[%add3A_82, %dma_wait3A_118] : memref<32768x768xf32, #tpu.memory_space<hbm>> -> memref<16x768xf32, #tpu.memory_space<hbm>>
      tpu.wait_dma2 semaphore(%arg16 : memref<!tpu.dma_semaphore, #tpu.memory_space<semaphore_mem>>) src(%dma_wait3A_119 : memref<16x768xf32, #tpu.memory_space<hbm>>) dst(%dma_wait3A_117 : memref<16x768xf32, #tpu.memory_space<vmem>>)
      %add3A_120 = arith.constant 1 : i32
      %add3A_121 = arith.addi %add3A_79, %add3A_120 : i32
      %lt3A = arith.constant 64 : i32
      %lt3A_122 = arith.cmpi slt, %add3A_121, %lt3A : i32
      %convert_element_type3A = arith.extui %lt3A_122 : i1 to i32
      %cond3A = arith.constant 0 : i32
      %cond3A_123 = arith.cmpi ne, %convert_element_type3A, %cond3A : i32
      scf.if %cond3A_123 {
        %add3A_224 = arith.constant 1 : i32
        %add3A_225 = arith.addi %add3A_79, %add3A_224 : i32
        %mul3A_226 = arith.constant 16 : i32
        %mul3A_227 = arith.muli %add3A_225, %mul3A_226 : i32
        %add3A_228 = arith.addi %mul3A_2, %mul3A_227 : i32
        %run_scoped3A_229 = arith.constant 1 : i32
        "tpu.region"() ({
          %run_scoped3A_267 = tpu.sem_alloc : memref<!tpu.dma_semaphore, #tpu.memory_space<semaphore_mem>>
          %dma_start3A_268 = arith.constant 0 : i32
          %dma_start3A_269 = tpu.memref_slice %arg9[%run_scoped3A_229, %dma_start3A_268] : memref<2x16xi32, #tpu.memory_space<vmem>> -> memref<1x16xi32, #tpu.memory_space<vmem>>
          %dma_start3A_270 = tpu.memref_squeeze %dma_start3A_269 : memref<1x16xi32, #tpu.memory_space<vmem>> -> memref<16xi32, #tpu.memory_space<vmem>>
          %dma_start3A_271 = tpu.memref_slice %arg3[%add3A_228] : memref<32768xi32, #tpu.memory_space<hbm>> -> memref<16xi32, #tpu.memory_space<hbm>>
          %dma_start3A_272 = arith.constant 0 : i32
          %dma_start3A_273 = tpu.memref_slice %arg9[%run_scoped3A_229, %dma_start3A_272] : memref<2x16xi32, #tpu.memory_space<vmem>> -> memref<1x16xi32, #tpu.memory_space<vmem>>
          %dma_start3A_274 = tpu.memref_squeeze %dma_start3A_273 : memref<1x16xi32, #tpu.memory_space<vmem>> -> memref<16xi32, #tpu.memory_space<vmem>>
          %dma_start3A_275 = tpu.memref_slice %arg3[%add3A_228] : memref<32768xi32, #tpu.memory_space<hbm>> -> memref<16xi32, #tpu.memory_space<hbm>>
          tpu.enqueue_dma source(%dma_start3A_275 : memref<16xi32, #tpu.memory_space<hbm>>) target(%dma_start3A_274 : memref<16xi32, #tpu.memory_space<vmem>>) target_semaphore(%run_scoped3A_267 : memref<!tpu.dma_semaphore, #tpu.memory_space<semaphore_mem>>)
          %dma_wait3A_276 = arith.constant 0 : i32
          %dma_wait3A_277 = tpu.memref_slice %arg9[%run_scoped3A_229, %dma_wait3A_276] : memref<2x16xi32, #tpu.memory_space<vmem>> -> memref<1x16xi32, #tpu.memory_space<vmem>>
          %dma_wait3A_278 = tpu.memref_squeeze %dma_wait3A_277 : memref<1x16xi32, #tpu.memory_space<vmem>> -> memref<16xi32, #tpu.memory_space<vmem>>
          %dma_wait3A_279 = tpu.memref_slice %arg3[%add3A_228] : memref<32768xi32, #tpu.memory_space<hbm>> -> memref<16xi32, #tpu.memory_space<hbm>>
          %dma_wait3A_280 = arith.constant 0 : i32
          %dma_wait3A_281 = tpu.memref_slice %arg9[%run_scoped3A_229, %dma_wait3A_280] : memref<2x16xi32, #tpu.memory_space<vmem>> -> memref<1x16xi32, #tpu.memory_space<vmem>>
          %dma_wait3A_282 = tpu.memref_squeeze %dma_wait3A_281 : memref<1x16xi32, #tpu.memory_space<vmem>> -> memref<16xi32, #tpu.memory_space<vmem>>
          %dma_wait3A_283 = tpu.memref_slice %arg3[%add3A_228] : memref<32768xi32, #tpu.memory_space<hbm>> -> memref<16xi32, #tpu.memory_space<hbm>>
          tpu.wait_dma2 semaphore(%run_scoped3A_267 : memref<!tpu.dma_semaphore, #tpu.memory_space<semaphore_mem>>) src(%dma_wait3A_283 : memref<16xi32, #tpu.memory_space<hbm>>) dst(%dma_wait3A_282 : memref<16xi32, #tpu.memory_space<vmem>>)
          tpu.yield
        }) : () -> ()
        %dma_start3A_230 = arith.constant 1 : i32
        %dma_start3A_231 = arith.constant 1 : i32
        %dma_start3A_232 = arith.constant 0 : i32
        %dma_start3A_233 = arith.constant 0 : i32
        %dma_start3A_234 = tpu.memref_slice %arg10[%dma_start3A_231, %dma_start3A_232, %dma_start3A_233] : memref<2x16x768xf32, #tpu.memory_space<vmem>> -> memref<1x16x768xf32, #tpu.memory_space<vmem>>
        %dma_start3A_235 = tpu.memref_squeeze %dma_start3A_234 : memref<1x16x768xf32, #tpu.memory_space<vmem>> -> memref<16x768xf32, #tpu.memory_space<vmem>>
        %dma_start3A_236 = arith.constant 0 : i32
        %dma_start3A_237 = tpu.memref_slice %arg9[%dma_start3A_230, %dma_start3A_236] : memref<2x16xi32, #tpu.memory_space<vmem>> -> memref<1x16xi32, #tpu.memory_space<vmem>>
        %dma_start3A_238 = tpu.memref_squeeze %dma_start3A_237 : memref<1x16xi32, #tpu.memory_space<vmem>> -> memref<16xi32, #tpu.memory_space<vmem>>
        %dma_start3A_239 = arith.constant 0 : i32
        %dma_start3A_240 = arith.constant 0 : i32
        %dma_start3A_241 = tpu.memref_slice %arg4[%dma_start3A_239, %dma_start3A_240] : memref<8192x768xf32, #tpu.memory_space<hbm>> -> memref<8192x768xf32, #tpu.memory_space<hbm>>
        tpu.enqueue_indirect_dma source(%dma_start3A_241 : memref<8192x768xf32, #tpu.memory_space<hbm>>) target(%dma_start3A_235 : memref<16x768xf32, #tpu.memory_space<vmem>>) offsets(%dma_start3A_238 : memref<16xi32, #tpu.memory_space<vmem>>) semaphore(%arg17 : memref<!tpu.dma_semaphore, #tpu.memory_space<semaphore_mem>>)
        %dma_start3A_242 = arith.constant 1 : i32
        %dma_start3A_243 = arith.constant 1 : i32
        %dma_start3A_244 = arith.constant 0 : i32
        %dma_start3A_245 = arith.constant 0 : i32
        %dma_start3A_246 = tpu.memref_slice %arg11[%dma_start3A_243, %dma_start3A_244, %dma_start3A_245] : memref<2x16x768xf32, #tpu.memory_space<vmem>> -> memref<1x16x768xf32, #tpu.memory_space<vmem>>
        %dma_start3A_247 = tpu.memref_squeeze %dma_start3A_246 : memref<1x16x768xf32, #tpu.memory_space<vmem>> -> memref<16x768xf32, #tpu.memory_space<vmem>>
        %dma_start3A_248 = arith.constant 0 : i32
        %dma_start3A_249 = tpu.memref_slice %arg9[%dma_start3A_242, %dma_start3A_248] : memref<2x16xi32, #tpu.memory_space<vmem>> -> memref<1x16xi32, #tpu.memory_space<vmem>>
        %dma_start3A_250 = tpu.memref_squeeze %dma_start3A_249 : memref<1x16xi32, #tpu.memory_space<vmem>> -> memref<16xi32, #tpu.memory_space<vmem>>
        %dma_start3A_251 = arith.constant 0 : i32
        %dma_start3A_252 = arith.constant 0 : i32
        %dma_start3A_253 = tpu.memref_slice %arg5[%dma_start3A_251, %dma_start3A_252] : memref<8192x768xf32, #tpu.memory_space<hbm>> -> memref<8192x768xf32, #tpu.memory_space<hbm>>
        tpu.enqueue_indirect_dma source(%dma_start3A_253 : memref<8192x768xf32, #tpu.memory_space<hbm>>) target(%dma_start3A_247 : memref<16x768xf32, #tpu.memory_space<vmem>>) offsets(%dma_start3A_250 : memref<16xi32, #tpu.memory_space<vmem>>) semaphore(%arg17 : memref<!tpu.dma_semaphore, #tpu.memory_space<semaphore_mem>>)
        %dma_start3A_254 = arith.constant 1 : i32
        %dma_start3A_255 = arith.constant 0 : i32
        %dma_start3A_256 = arith.constant 0 : i32
        %dma_start3A_257 = tpu.memref_slice %arg12[%dma_start3A_254, %dma_start3A_255, %dma_start3A_256] : memref<2x16x768xf32, #tpu.memory_space<vmem>> -> memref<1x16x768xf32, #tpu.memory_space<vmem>>
        %dma_start3A_258 = tpu.memref_squeeze %dma_start3A_257 : memref<1x16x768xf32, #tpu.memory_space<vmem>> -> memref<16x768xf32, #tpu.memory_space<vmem>>
        %dma_start3A_259 = arith.constant 0 : i32
        %dma_start3A_260 = tpu.memref_slice %arg2[%add3A_228, %dma_start3A_259] : memref<32768x768xf32, #tpu.memory_space<hbm>> -> memref<16x768xf32, #tpu.memory_space<hbm>>
        %dma_start3A_261 = arith.constant 0 : i32
        %dma_start3A_262 = arith.constant 0 : i32
        %dma_start3A_263 = tpu.memref_slice %arg12[%dma_start3A_254, %dma_start3A_261, %dma_start3A_262] : memref<2x16x768xf32, #tpu.memory_space<vmem>> -> memref<1x16x768xf32, #tpu.memory_space<vmem>>
        %dma_start3A_264 = tpu.memref_squeeze %dma_start3A_263 : memref<1x16x768xf32, #tpu.memory_space<vmem>> -> memref<16x768xf32, #tpu.memory_space<vmem>>
        %dma_start3A_265 = arith.constant 0 : i32
        %dma_start3A_266 = tpu.memref_slice %arg2[%add3A_228, %dma_start3A_265] : memref<32768x768xf32, #tpu.memory_space<hbm>> -> memref<16x768xf32, #tpu.memory_space<hbm>>
        tpu.enqueue_dma source(%dma_start3A_266 : memref<16x768xf32, #tpu.memory_space<hbm>>) target(%dma_start3A_264 : memref<16x768xf32, #tpu.memory_space<vmem>>) target_semaphore(%arg17 : memref<!tpu.dma_semaphore, #tpu.memory_space<semaphore_mem>>)
      } else {
      }
      %mul3A_124 = arith.constant 16 : i32
      %mul3A_125 = arith.muli %add3A_79, %mul3A_124 : i32
      %add3A_126 = arith.addi %mul3A_2, %mul3A_125 : i32
      %ge3A = arith.constant 2 : i32
      %ge3A_127 = arith.cmpi sge, %add3A_79, %ge3A : i32
      %convert_element_type3A_128 = arith.extui %ge3A_127 : i1 to i32
      %cond3A_129 = arith.constant 0 : i32
      %cond3A_130 = arith.cmpi ne, %convert_element_type3A_128, %cond3A_129 : i32
      scf.if %cond3A_130 {
        %dma_wait3A_224 = arith.constant 0 : i32
        %dma_wait3A_225 = arith.constant 0 : i32
        %dma_wait3A_226 = arith.constant 0 : i32
        %dma_wait3A_227 = tpu.memref_slice %arg13[%dma_wait3A_224, %dma_wait3A_225, %dma_wait3A_226] : memref<2x16x768xf32, #tpu.memory_space<vmem>> -> memref<1x16x768xf32, #tpu.memory_space<vmem>>
        %dma_wait3A_228 = tpu.memref_squeeze %dma_wait3A_227 : memref<1x16x768xf32, #tpu.memory_space<vmem>> -> memref<16x768xf32, #tpu.memory_space<vmem>>
        %dma_wait3A_229 = arith.constant 0 : i32
        %dma_wait3A_230 = tpu.memref_slice %arg8[%add3A_126, %dma_wait3A_229] : memref<32768x768xf32, #tpu.memory_space<hbm>> -> memref<16x768xf32, #tpu.memory_space<hbm>>
        %dma_wait3A_231 = arith.constant 0 : i32
        %dma_wait3A_232 = tpu.memref_slice %arg8[%add3A_126, %dma_wait3A_231] : memref<32768x768xf32, #tpu.memory_space<hbm>> -> memref<16x768xf32, #tpu.memory_space<hbm>>
        %dma_wait3A_233 = arith.constant 0 : i32
        %dma_wait3A_234 = arith.constant 0 : i32
        %dma_wait3A_235 = tpu.memref_slice %arg13[%dma_wait3A_224, %dma_wait3A_233, %dma_wait3A_234] : memref<2x16x768xf32, #tpu.memory_space<vmem>> -> memref<1x16x768xf32, #tpu.memory_space<vmem>>
        %dma_wait3A_236 = tpu.memref_squeeze %dma_wait3A_235 : memref<1x16x768xf32, #tpu.memory_space<vmem>> -> memref<16x768xf32, #tpu.memory_space<vmem>>
        tpu.wait_dma2 semaphore(%arg18 : memref<!tpu.dma_semaphore, #tpu.memory_space<semaphore_mem>>) src(%dma_wait3A_236 : memref<16x768xf32, #tpu.memory_space<vmem>>) dst(%dma_wait3A_232 : memref<16x768xf32, #tpu.memory_space<hbm>>)
      } else {
      }
      %broadcast_in_dim3A = arith.constant 0.000000e+00 : f32
      %broadcast_in_dim3A_131 = vector.broadcast %broadcast_in_dim3A : f32 to vector<16xf32>
      %parallel_loop3A = arith.constant 0 : i32
      %parallel_loop3A_132 = arith.constant 16 : i32
      %parallel_loop3A_133 = arith.constant 8 : i32
      scf.for %parallel_loop3A_224 = %parallel_loop3A to %parallel_loop3A_132 step %parallel_loop3A_133  : i32 {
        %parallel_loop3A_225 = arith.constant 0 : i32
        %parallel_loop3A_226 = arith.addi %parallel_loop3A_224, %parallel_loop3A_225 : i32
        %parallel_loop3A_227 = arith.constant 0 : i32
        %parallel_loop3A_228 = arith.addi %parallel_loop3A_224, %parallel_loop3A_227 : i32
        %parallel_loop3A_229 = arith.constant 1 : i32
        %parallel_loop3A_230 = arith.addi %parallel_loop3A_228, %parallel_loop3A_229 : i32
        %parallel_loop3A_231 = arith.constant 0 : i32
        %parallel_loop3A_232 = arith.constant 48 : i32
        %parallel_loop3A_233 = arith.constant 2 : i32
        %parallel_loop3A_234:8 = scf.for %parallel_loop3A_1116 = %parallel_loop3A_231 to %parallel_loop3A_232 step %parallel_loop3A_233 iter_args(%parallel_loop3A_1117 = %broadcast_in_dim3A_131, %parallel_loop3A_1118 = %broadcast_in_dim3A_131, %parallel_loop3A_1119 = %broadcast_in_dim3A_131, %parallel_loop3A_1120 = %broadcast_in_dim3A_131, %parallel_loop3A_1121 = %broadcast_in_dim3A_131, %parallel_loop3A_1122 = %broadcast_in_dim3A_131, %parallel_loop3A_1123 = %broadcast_in_dim3A_131, %parallel_loop3A_1124 = %broadcast_in_dim3A_131) -> (vector<16xf32>, vector<16xf32>, vector<16xf32>, vector<16xf32>, vector<16xf32>, vector<16xf32>, vector<16xf32>, vector<16xf32>)  : i32 {
          %parallel_loop3A_1125 = arith.constant 16 : i32
          %parallel_loop3A_1126 = arith.muli %parallel_loop3A_1116, %parallel_loop3A_1125 : i32
          %parallel_loop3A_1127 = arith.constant 1 : i32
          %parallel_loop3A_1128 = arith.addi %parallel_loop3A_1116, %parallel_loop3A_1127 : i32
          %parallel_loop3A_1129 = arith.constant 16 : i32
          %parallel_loop3A_1130 = arith.muli %parallel_loop3A_1128, %parallel_loop3A_1129 : i32
          %parallel_loop3A_1131 = arith.constant 0 : i32
          %parallel_loop3A_1132 = arith.index_cast %parallel_loop3A_1131 : i32 to index
          %parallel_loop3A_1133 = arith.index_cast %parallel_loop3A_226 : i32 to index
          %parallel_loop3A_1134 = arith.index_cast %parallel_loop3A_1126 : i32 to index
          %parallel_loop3A_1135 = tpu.vector_load %arg10[%parallel_loop3A_1132, %parallel_loop3A_1133, %parallel_loop3A_1134] {strides = array<i32>} : memref<2x16x768xf32, #tpu.memory_space<vmem>>, vector<1x1x16xf32>,
          %parallel_loop3A_1136 = vector.shape_cast %parallel_loop3A_1135 : vector<1x1x16xf32> to vector<16xf32>
          %parallel_loop3A_1137 = arith.constant 0 : i32
          %parallel_loop3A_1138 = arith.index_cast %parallel_loop3A_1137 : i32 to index
          %parallel_loop3A_1139 = arith.index_cast %parallel_loop3A_226 : i32 to index
          %parallel_loop3A_1140 = arith.index_cast %parallel_loop3A_1126 : i32 to index
          %parallel_loop3A_1141 = tpu.vector_load %arg12[%parallel_loop3A_1138, %parallel_loop3A_1139, %parallel_loop3A_1140] {strides = array<i32>} : memref<2x16x768xf32, #tpu.memory_space<vmem>>, vector<1x1x16xf32>,
          %parallel_loop3A_1142 = vector.shape_cast %parallel_loop3A_1141 : vector<1x1x16xf32> to vector<16xf32>
          %parallel_loop3A_1143 = arith.mulf %parallel_loop3A_1136, %parallel_loop3A_1142 : vector<16xf32>
          %parallel_loop3A_1144 = arith.constant 0 : i32
          %parallel_loop3A_1145 = arith.index_cast %parallel_loop3A_1144 : i32 to index
          %parallel_loop3A_1146 = arith.index_cast %parallel_loop3A_226 : i32 to index
          %parallel_loop3A_1147 = arith.index_cast %parallel_loop3A_1126 : i32 to index
          %parallel_loop3A_1148 = tpu.vector_load %arg11[%parallel_loop3A_1145, %parallel_loop3A_1146, %parallel_loop3A_1147] {strides = array<i32>} : memref<2x16x768xf32, #tpu.memory_space<vmem>>, vector<1x1x16xf32>,
          %parallel_loop3A_1149 = vector.shape_cast %parallel_loop3A_1148 : vector<1x1x16xf32> to vector<16xf32>
          %parallel_loop3A_1150 = arith.addf %parallel_loop3A_1143, %parallel_loop3A_1149 : vector<16xf32>
          %parallel_loop3A_1151 = arith.constant 0 : i32
          %parallel_loop3A_1152 = arith.index_cast %parallel_loop3A_1151 : i32 to index
          %parallel_loop3A_1153 = arith.index_cast %parallel_loop3A_226 : i32 to index
          %parallel_loop3A_1154 = arith.index_cast %parallel_loop3A_1130 : i32 to index
          %parallel_loop3A_1155 = tpu.vector_load %arg10[%parallel_loop3A_1152, %parallel_loop3A_1153, %parallel_loop3A_1154] {strides = array<i32>} : memref<2x16x768xf32, #tpu.memory_space<vmem>>, vector<1x1x16xf32>,
          %parallel_loop3A_1156 = vector.shape_cast %parallel_loop3A_1155 : vector<1x1x16xf32> to vector<16xf32>
          %parallel_loop3A_1157 = arith.constant 0 : i32
          %parallel_loop3A_1158 = arith.index_cast %parallel_loop3A_1157 : i32 to index
          %parallel_loop3A_1159 = arith.index_cast %parallel_loop3A_226 : i32 to index
          %parallel_loop3A_1160 = arith.index_cast %parallel_loop3A_1130 : i32 to index
          %parallel_loop3A_1161 = tpu.vector_load %arg12[%parallel_loop3A_1158, %parallel_loop3A_1159, %parallel_loop3A_1160] {strides = array<i32>} : memref<2x16x768xf32, #tpu.memory_space<vmem>>, vector<1x1x16xf32>,
          %parallel_loop3A_1162 = vector.shape_cast %parallel_loop3A_1161 : vector<1x1x16xf32> to vector<16xf32>
          %parallel_loop3A_1163 = arith.mulf %parallel_loop3A_1156, %parallel_loop3A_1162 : vector<16xf32>
          %parallel_loop3A_1164 = arith.constant 0 : i32
          %parallel_loop3A_1165 = arith.index_cast %parallel_loop3A_1164 : i32 to index
          %parallel_loop3A_1166 = arith.index_cast %parallel_loop3A_226 : i32 to index
          %parallel_loop3A_1167 = arith.index_cast %parallel_loop3A_1130 : i32 to index
          %parallel_loop3A_1168 = tpu.vector_load %arg11[%parallel_loop3A_1165, %parallel_loop3A_1166, %parallel_loop3A_1167] {strides = array<i32>} : memref<2x16x768xf32, #tpu.memory_space<vmem>>, vector<1x1x16xf32>,
          %parallel_loop3A_1169 = vector.shape_cast %parallel_loop3A_1168 : vector<1x1x16xf32> to vector<16xf32>
          %parallel_loop3A_1170 = arith.addf %parallel_loop3A_1163, %parallel_loop3A_1169 : vector<16xf32>
          %parallel_loop3A_1171 = arith.constant 0 : i32
          %parallel_loop3A_1172 = arith.index_cast %parallel_loop3A_1171 : i32 to index
          %parallel_loop3A_1173 = arith.index_cast %parallel_loop3A_230 : i32 to index
          %parallel_loop3A_1174 = arith.index_cast %parallel_loop3A_1126 : i32 to index
          %parallel_loop3A_1175 = tpu.vector_load %arg10[%parallel_loop3A_1172, %parallel_loop3A_1173, %parallel_loop3A_1174] {strides = array<i32>} : memref<2x16x768xf32, #tpu.memory_space<vmem>>, vector<1x1x16xf32>,
          %parallel_loop3A_1176 = vector.shape_cast %parallel_loop3A_1175 : vector<1x1x16xf32> to vector<16xf32>
          %parallel_loop3A_1177 = arith.constant 0 : i32
          %parallel_loop3A_1178 = arith.index_cast %parallel_loop3A_1177 : i32 to index
          %parallel_loop3A_1179 = arith.index_cast %parallel_loop3A_230 : i32 to index
          %parallel_loop3A_1180 = arith.index_cast %parallel_loop3A_1126 : i32 to index
          %parallel_loop3A_1181 = tpu.vector_load %arg12[%parallel_loop3A_1178, %parallel_loop3A_1179, %parallel_loop3A_1180] {strides = array<i32>} : memref<2x16x768xf32, #tpu.memory_space<vmem>>, vector<1x1x16xf32>,
          %parallel_loop3A_1182 = vector.shape_cast %parallel_loop3A_1181 : vector<1x1x16xf32> to vector<16xf32>
          %parallel_loop3A_1183 = arith.mulf %parallel_loop3A_1176, %parallel_loop3A_1182 : vector<16xf32>
          %parallel_loop3A_1184 = arith.constant 0 : i32
          %parallel_loop3A_1185 = arith.index_cast %parallel_loop3A_1184 : i32 to index
          %parallel_loop3A_1186 = arith.index_cast %parallel_loop3A_230 : i32 to index
          %parallel_loop3A_1187 = arith.index_cast %parallel_loop3A_1126 : i32 to index
          %parallel_loop3A_1188 = tpu.vector_load %arg11[%parallel_loop3A_1185, %parallel_loop3A_1186, %parallel_loop3A_1187] {strides = array<i32>} : memref<2x16x768xf32, #tpu.memory_space<vmem>>, vector<1x1x16xf32>,
          %parallel_loop3A_1189 = vector.shape_cast %parallel_loop3A_1188 : vector<1x1x16xf32> to vector<16xf32>
          %parallel_loop3A_1190 = arith.addf %parallel_loop3A_1183, %parallel_loop3A_1189 : vector<16xf32>
          %parallel_loop3A_1191 = arith.constant 0 : i32
          %parallel_loop3A_1192 = arith.index_cast %parallel_loop3A_1191 : i32 to index
          %parallel_loop3A_1193 = arith.index_cast %parallel_loop3A_230 : i32 to index
          %parallel_loop3A_1194 = arith.index_cast %parallel_loop3A_1130 : i32 to index
          %parallel_loop3A_1195 = tpu.vector_load %arg10[%parallel_loop3A_1192, %parallel_loop3A_1193, %parallel_loop3A_1194] {strides = array<i32>} : memref<2x16x768xf32, #tpu.memory_space<vmem>>, vector<1x1x16xf32>,
          %parallel_loop3A_1196 = vector.shape_cast %parallel_loop3A_1195 : vector<1x1x16xf32> to vector<16xf32>
          %parallel_loop3A_1197 = arith.constant 0 : i32
          %parallel_loop3A_1198 = arith.index_cast %parallel_loop3A_1197 : i32 to index
          %parallel_loop3A_1199 = arith.index_cast %parallel_loop3A_230 : i32 to index
          %parallel_loop3A_1200 = arith.index_cast %parallel_loop3A_1130 : i32 to index
          %parallel_loop3A_1201 = tpu.vector_load %arg12[%parallel_loop3A_1198, %parallel_loop3A_1199, %parallel_loop3A_1200] {strides = array<i32>} : memref<2x16x768xf32, #tpu.memory_space<vmem>>, vector<1x1x16xf32>,
          %parallel_loop3A_1202 = vector.shape_cast %parallel_loop3A_1201 : vector<1x1x16xf32> to vector<16xf32>
          %parallel_loop3A_1203 = arith.mulf %parallel_loop3A_1196, %parallel_loop3A_1202 : vector<16xf32>
          %parallel_loop3A_1204 = arith.constant 0 : i32
          %parallel_loop3A_1205 = arith.index_cast %parallel_loop3A_1204 : i32 to index
          %parallel_loop3A_1206 = arith.index_cast %parallel_loop3A_230 : i32 to index
          %parallel_loop3A_1207 = arith.index_cast %parallel_loop3A_1130 : i32 to index
          %parallel_loop3A_1208 = tpu.vector_load %arg11[%parallel_loop3A_1205, %parallel_loop3A_1206, %parallel_loop3A_1207] {strides = array<i32>} : memref<2x16x768xf32, #tpu.memory_space<vmem>>, vector<1x1x16xf32>,
          %parallel_loop3A_1209 = vector.shape_cast %parallel_loop3A_1208 : vector<1x1x16xf32> to vector<16xf32>
          %parallel_loop3A_1210 = arith.addf %parallel_loop3A_1203, %parallel_loop3A_1209 : vector<16xf32>
          %parallel_loop3A_1211 = arith.constant 0 : i32
          %parallel_loop3A_1212 = arith.index_cast %parallel_loop3A_1211 : i32 to index
          %parallel_loop3A_1213 = arith.index_cast %parallel_loop3A_226 : i32 to index
          %parallel_loop3A_1214 = arith.index_cast %parallel_loop3A_1126 : i32 to index
          %parallel_loop3A_1215 = tpu.vector_load %arg13[%parallel_loop3A_1212, %parallel_loop3A_1213, %parallel_loop3A_1214] {strides = array<i32>} : memref<2x16x768xf32, #tpu.memory_space<vmem>>, vector<1x1x16xf32>,
          %parallel_loop3A_1216 = vector.shape_cast %parallel_loop3A_1215 : vector<1x1x16xf32> to vector<16xf32>
          %parallel_loop3A_1217 = vector.shape_cast %parallel_loop3A_1150 : vector<16xf32> to vector<1x1x16xf32>
          tpu.vector_store %arg13[%parallel_loop3A_1212, %parallel_loop3A_1213, %parallel_loop3A_1214], %parallel_loop3A_1217 {strides = array<i32>} : memref<2x16x768xf32, #tpu.memory_space<vmem>>, vector<1x1x16xf32>,
          %parallel_loop3A_1218 = arith.constant 0 : i32
          %parallel_loop3A_1219 = arith.index_cast %parallel_loop3A_1218 : i32 to index
          %parallel_loop3A_1220 = arith.index_cast %parallel_loop3A_226 : i32 to index
          %parallel_loop3A_1221 = arith.index_cast %parallel_loop3A_1130 : i32 to index
          %parallel_loop3A_1222 = tpu.vector_load %arg13[%parallel_loop3A_1219, %parallel_loop3A_1220, %parallel_loop3A_1221] {strides = array<i32>} : memref<2x16x768xf32, #tpu.memory_space<vmem>>, vector<1x1x16xf32>,
          %parallel_loop3A_1223 = vector.shape_cast %parallel_loop3A_1222 : vector<1x1x16xf32> to vector<16xf32>
          %parallel_loop3A_1224 = vector.shape_cast %parallel_loop3A_1170 : vector<16xf32> to vector<1x1x16xf32>
          tpu.vector_store %arg13[%parallel_loop3A_1219, %parallel_loop3A_1220, %parallel_loop3A_1221], %parallel_loop3A_1224 {strides = array<i32>} : memref<2x16x768xf32, #tpu.memory_space<vmem>>, vector<1x1x16xf32>,
          %parallel_loop3A_1225 = arith.constant 0 : i32
          %parallel_loop3A_1226 = arith.index_cast %parallel_loop3A_1225 : i32 to index
          %parallel_loop3A_1227 = arith.index_cast %parallel_loop3A_230 : i32 to index
          %parallel_loop3A_1228 = arith.index_cast %parallel_loop3A_1126 : i32 to index
          %parallel_loop3A_1229 = tpu.vector_load %arg13[%parallel_loop3A_1226, %parallel_loop3A_1227, %parallel_loop3A_1228] {strides = array<i32>} : memref<2x16x768xf32, #tpu.memory_space<vmem>>, vector<1x1x16xf32>,
          %parallel_loop3A_1230 = vector.shape_cast %parallel_loop3A_1229 : vector<1x1x16xf32> to vector<16xf32>
          %parallel_loop3A_1231 = vector.shape_cast %parallel_loop3A_1190 : vector<16xf32> to vector<1x1x16xf32>
          tpu.vector_store %arg13[%parallel_loop3A_1226, %parallel_loop3A_1227, %parallel_loop3A_1228], %parallel_loop3A_1231 {strides = array<i32>} : memref<2x16x768xf32, #tpu.memory_space<vmem>>, vector<1x1x16xf32>,
          %parallel_loop3A_1232 = arith.constant 0 : i32
          %parallel_loop3A_1233 = arith.index_cast %parallel_loop3A_1232 : i32 to index
          %parallel_loop3A_1234 = arith.index_cast %parallel_loop3A_230 : i32 to index
          %parallel_loop3A_1235 = arith.index_cast %parallel_loop3A_1130 : i32 to index
          %parallel_loop3A_1236 = tpu.vector_load %arg13[%parallel_loop3A_1233, %parallel_loop3A_1234, %parallel_loop3A_1235] {strides = array<i32>} : memref<2x16x768xf32, #tpu.memory_space<vmem>>, vector<1x1x16xf32>,
          %parallel_loop3A_1237 = vector.shape_cast %parallel_loop3A_1236 : vector<1x1x16xf32> to vector<16xf32>
          %parallel_loop3A_1238 = vector.shape_cast %parallel_loop3A_1210 : vector<16xf32> to vector<1x1x16xf32>
          tpu.vector_store %arg13[%parallel_loop3A_1233, %parallel_loop3A_1234, %parallel_loop3A_1235], %parallel_loop3A_1238 {strides = array<i32>} : memref<2x16x768xf32, #tpu.memory_space<vmem>>, vector<1x1x16xf32>,
          %parallel_loop3A_1239 = arith.addf %parallel_loop3A_1117, %parallel_loop3A_1150 : vector<16xf32>
          %parallel_loop3A_1240 = arith.mulf %parallel_loop3A_1150, %parallel_loop3A_1150 : vector<16xf32>
          %parallel_loop3A_1241 = arith.addf %parallel_loop3A_1118, %parallel_loop3A_1240 : vector<16xf32>
          %parallel_loop3A_1242 = arith.addf %parallel_loop3A_1119, %parallel_loop3A_1170 : vector<16xf32>
          %parallel_loop3A_1243 = arith.mulf %parallel_loop3A_1170, %parallel_loop3A_1170 : vector<16xf32>
          %parallel_loop3A_1244 = arith.addf %parallel_loop3A_1120, %parallel_loop3A_1243 : vector<16xf32>
          %parallel_loop3A_1245 = arith.addf %parallel_loop3A_1121, %parallel_loop3A_1190 : vector<16xf32>
          %parallel_loop3A_1246 = arith.mulf %parallel_loop3A_1190, %parallel_loop3A_1190 : vector<16xf32>
          %parallel_loop3A_1247 = arith.addf %parallel_loop3A_1122, %parallel_loop3A_1246 : vector<16xf32>
          %parallel_loop3A_1248 = arith.addf %parallel_loop3A_1123, %parallel_loop3A_1210 : vector<16xf32>
          %parallel_loop3A_1249 = arith.mulf %parallel_loop3A_1210, %parallel_loop3A_1210 : vector<16xf32>
          %parallel_loop3A_1250 = arith.addf %parallel_loop3A_1124, %parallel_loop3A_1249 : vector<16xf32>
          scf.yield %parallel_loop3A_1239, %parallel_loop3A_1241, %parallel_loop3A_1242, %parallel_loop3A_1244, %parallel_loop3A_1245, %parallel_loop3A_1247, %parallel_loop3A_1248, %parallel_loop3A_1250 : vector<16xf32>, vector<16xf32>, vector<16xf32>, vector<16xf32>, vector<16xf32>, vector<16xf32>, vector<16xf32>, vector<16xf32>
        } {sc.loop_unroll_factor = 2 : i64, sc.parallel_access}
        %parallel_loop3A_235 = arith.addf %parallel_loop3A_234#0, %parallel_loop3A_234#2 : vector<16xf32>
        %parallel_loop3A_236 = arith.addf %parallel_loop3A_234#1, %parallel_loop3A_234#3 : vector<16xf32>
        %parallel_loop3A_237 = arith.addf %parallel_loop3A_234#4, %parallel_loop3A_234#6 : vector<16xf32>
        %parallel_loop3A_238 = arith.addf %parallel_loop3A_234#5, %parallel_loop3A_234#7 : vector<16xf32>
        %parallel_loop3A_239 = tpu.iota {dimensions = array<i32: 0>} : vector<16xi32>
        %parallel_loop3A_240 = arith.constant 8 : i32
        %parallel_loop3A_241 = vector.broadcast %parallel_loop3A_240 : i32 to vector<16xi32>
        %parallel_loop3A_242 = arith.xori %parallel_loop3A_239, %parallel_loop3A_241 : vector<16xi32>
        %parallel_loop3A_243 = vector.shape_cast %parallel_loop3A_242 : vector<16xi32> to vector<16x1xi32>
        %parallel_loop3A_244 = vector.shape_cast %parallel_loop3A_243 : vector<16x1xi32> to vector<16xi32>
        %parallel_loop3A_245 = tpu.dynamic_gather %parallel_loop3A_235[%parallel_loop3A_244] in [0] : vector<16xf32>, vector<16xi32> -> vector<16xf32>
        %parallel_loop3A_246 = arith.addf %parallel_loop3A_235, %parallel_loop3A_245 : vector<16xf32>
        %parallel_loop3A_247 = arith.constant 4 : i32
        %parallel_loop3A_248 = vector.broadcast %parallel_loop3A_247 : i32 to vector<16xi32>
        %parallel_loop3A_249 = arith.xori %parallel_loop3A_239, %parallel_loop3A_248 : vector<16xi32>
        %parallel_loop3A_250 = vector.shape_cast %parallel_loop3A_249 : vector<16xi32> to vector<16x1xi32>
        %parallel_loop3A_251 = vector.shape_cast %parallel_loop3A_250 : vector<16x1xi32> to vector<16xi32>
        %parallel_loop3A_252 = tpu.dynamic_gather %parallel_loop3A_246[%parallel_loop3A_251] in [0] : vector<16xf32>, vector<16xi32> -> vector<16xf32>
        %parallel_loop3A_253 = arith.addf %parallel_loop3A_246, %parallel_loop3A_252 : vector<16xf32>
        %parallel_loop3A_254 = arith.constant 2 : i32
        %parallel_loop3A_255 = vector.broadcast %parallel_loop3A_254 : i32 to vector<16xi32>
        %parallel_loop3A_256 = arith.xori %parallel_loop3A_239, %parallel_loop3A_255 : vector<16xi32>
        %parallel_loop3A_257 = vector.shape_cast %parallel_loop3A_256 : vector<16xi32> to vector<16x1xi32>
        %parallel_loop3A_258 = vector.shape_cast %parallel_loop3A_257 : vector<16x1xi32> to vector<16xi32>
        %parallel_loop3A_259 = tpu.dynamic_gather %parallel_loop3A_253[%parallel_loop3A_258] in [0] : vector<16xf32>, vector<16xi32> -> vector<16xf32>
        %parallel_loop3A_260 = arith.addf %parallel_loop3A_253, %parallel_loop3A_259 : vector<16xf32>
        %parallel_loop3A_261 = arith.constant 1 : i32
        %parallel_loop3A_262 = vector.broadcast %parallel_loop3A_261 : i32 to vector<16xi32>
        %parallel_loop3A_263 = arith.xori %parallel_loop3A_239, %parallel_loop3A_262 : vector<16xi32>
        %parallel_loop3A_264 = vector.shape_cast %parallel_loop3A_263 : vector<16xi32> to vector<16x1xi32>
        %parallel_loop3A_265 = vector.shape_cast %parallel_loop3A_264 : vector<16x1xi32> to vector<16xi32>
        %parallel_loop3A_266 = tpu.dynamic_gather %parallel_loop3A_260[%parallel_loop3A_265] in [0] : vector<16xf32>, vector<16xi32> -> vector<16xf32>
        %parallel_loop3A_267 = arith.addf %parallel_loop3A_260, %parallel_loop3A_266 : vector<16xf32>
        %parallel_loop3A_268 = arith.constant 0.00130208337 : f32
        %parallel_loop3A_269 = vector.broadcast %parallel_loop3A_268 : f32 to vector<16xf32>
        %parallel_loop3A_270 = arith.mulf %parallel_loop3A_267, %parallel_loop3A_269 : vector<16xf32>
        %parallel_loop3A_271 = tpu.iota {dimensions = array<i32: 0>} : vector<16xi32>
        %parallel_loop3A_272 = arith.constant 8 : i32
        %parallel_loop3A_273 = vector.broadcast %parallel_loop3A_272 : i32 to vector<16xi32>
        %parallel_loop3A_274 = arith.xori %parallel_loop3A_271, %parallel_loop3A_273 : vector<16xi32>
        %parallel_loop3A_275 = vector.shape_cast %parallel_loop3A_274 : vector<16xi32> to vector<16x1xi32>
        %parallel_loop3A_276 = vector.shape_cast %parallel_loop3A_275 : vector<16x1xi32> to vector<16xi32>
        %parallel_loop3A_277 = tpu.dynamic_gather %parallel_loop3A_236[%parallel_loop3A_276] in [0] : vector<16xf32>, vector<16xi32> -> vector<16xf32>
        %parallel_loop3A_278 = arith.addf %parallel_loop3A_236, %parallel_loop3A_277 : vector<16xf32>
        %parallel_loop3A_279 = arith.constant 4 : i32
        %parallel_loop3A_280 = vector.broadcast %parallel_loop3A_279 : i32 to vector<16xi32>
        %parallel_loop3A_281 = arith.xori %parallel_loop3A_271, %parallel_loop3A_280 : vector<16xi32>
        %parallel_loop3A_282 = vector.shape_cast %parallel_loop3A_281 : vector<16xi32> to vector<16x1xi32>
        %parallel_loop3A_283 = vector.shape_cast %parallel_loop3A_282 : vector<16x1xi32> to vector<16xi32>
        %parallel_loop3A_284 = tpu.dynamic_gather %parallel_loop3A_278[%parallel_loop3A_283] in [0] : vector<16xf32>, vector<16xi32> -> vector<16xf32>
        %parallel_loop3A_285 = arith.addf %parallel_loop3A_278, %parallel_loop3A_284 : vector<16xf32>
        %parallel_loop3A_286 = arith.constant 2 : i32
        %parallel_loop3A_287 = vector.broadcast %parallel_loop3A_286 : i32 to vector<16xi32>
        %parallel_loop3A_288 = arith.xori %parallel_loop3A_271, %parallel_loop3A_287 : vector<16xi32>
        %parallel_loop3A_289 = vector.shape_cast %parallel_loop3A_288 : vector<16xi32> to vector<16x1xi32>
        %parallel_loop3A_290 = vector.shape_cast %parallel_loop3A_289 : vector<16x1xi32> to vector<16xi32>
        %parallel_loop3A_291 = tpu.dynamic_gather %parallel_loop3A_285[%parallel_loop3A_290] in [0] : vector<16xf32>, vector<16xi32> -> vector<16xf32>
        %parallel_loop3A_292 = arith.addf %parallel_loop3A_285, %parallel_loop3A_291 : vector<16xf32>
        %parallel_loop3A_293 = arith.constant 1 : i32
        %parallel_loop3A_294 = vector.broadcast %parallel_loop3A_293 : i32 to vector<16xi32>
        %parallel_loop3A_295 = arith.xori %parallel_loop3A_271, %parallel_loop3A_294 : vector<16xi32>
        %parallel_loop3A_296 = vector.shape_cast %parallel_loop3A_295 : vector<16xi32> to vector<16x1xi32>
        %parallel_loop3A_297 = vector.shape_cast %parallel_loop3A_296 : vector<16x1xi32> to vector<16xi32>
        %parallel_loop3A_298 = tpu.dynamic_gather %parallel_loop3A_292[%parallel_loop3A_297] in [0] : vector<16xf32>, vector<16xi32> -> vector<16xf32>
        %parallel_loop3A_299 = arith.addf %parallel_loop3A_292, %parallel_loop3A_298 : vector<16xf32>
        %parallel_loop3A_300 = arith.constant 0.00130208337 : f32
        %parallel_loop3A_301 = vector.broadcast %parallel_loop3A_300 : f32 to vector<16xf32>
        %parallel_loop3A_302 = arith.mulf %parallel_loop3A_299, %parallel_loop3A_301 : vector<16xf32>
        %parallel_loop3A_303 = arith.mulf %parallel_loop3A_270, %parallel_loop3A_270 : vector<16xf32>
        %parallel_loop3A_304 = arith.subf %parallel_loop3A_302, %parallel_loop3A_303 : vector<16xf32>
        %parallel_loop3A_305 = arith.constant 9.99999996E-13 : f32
        %parallel_loop3A_306 = vector.broadcast %parallel_loop3A_305 : f32 to vector<16xf32>
        %parallel_loop3A_307 = arith.addf %parallel_loop3A_304, %parallel_loop3A_306 : vector<16xf32>
        %parallel_loop3A_308 = tpu.bitcast %parallel_loop3A_307 : vector<16xf32> -> vector<16xi32>
        %parallel_loop3A_309 = arith.constant 1597463007 : i32
        %parallel_loop3A_310 = vector.broadcast %parallel_loop3A_309 : i32 to vector<16xi32>
        %parallel_loop3A_311 = arith.constant 1 : i32
        %parallel_loop3A_312 = vector.broadcast %parallel_loop3A_311 : i32 to vector<16xi32>
        %parallel_loop3A_313 = arith.shrui %parallel_loop3A_308, %parallel_loop3A_312 : vector<16xi32>
        %parallel_loop3A_314 = arith.subi %parallel_loop3A_310, %parallel_loop3A_313 : vector<16xi32>
        %parallel_loop3A_315 = tpu.bitcast %parallel_loop3A_314 : vector<16xi32> -> vector<16xf32>
        %parallel_loop3A_316 = arith.constant 5.000000e-01 : f32
        %parallel_loop3A_317 = vector.broadcast %parallel_loop3A_316 : f32 to vector<16xf32>
        %parallel_loop3A_318 = arith.mulf %parallel_loop3A_317, %parallel_loop3A_307 : vector<16xf32>
        %parallel_loop3A_319 = arith.mulf %parallel_loop3A_318, %parallel_loop3A_315 : vector<16xf32>
        %parallel_loop3A_320 = arith.mulf %parallel_loop3A_319, %parallel_loop3A_315 : vector<16xf32>
        %parallel_loop3A_321 = arith.constant 1.500000e+00 : f32
        %parallel_loop3A_322 = vector.broadcast %parallel_loop3A_321 : f32 to vector<16xf32>
        %parallel_loop3A_323 = arith.subf %parallel_loop3A_322, %parallel_loop3A_320 : vector<16xf32>
        %parallel_loop3A_324 = arith.mulf %parallel_loop3A_315, %parallel_loop3A_323 : vector<16xf32>
        %parallel_loop3A_325 = arith.constant 5.000000e-01 : f32
        %parallel_loop3A_326 = vector.broadcast %parallel_loop3A_325 : f32 to vector<16xf32>
        %parallel_loop3A_327 = arith.mulf %parallel_loop3A_326, %parallel_loop3A_307 : vector<16xf32>
        %parallel_loop3A_328 = arith.mulf %parallel_loop3A_327, %parallel_loop3A_324 : vector<16xf32>
        %parallel_loop3A_329 = arith.mulf %parallel_loop3A_328, %parallel_loop3A_324 : vector<16xf32>
        %parallel_loop3A_330 = arith.constant 1.500000e+00 : f32
        %parallel_loop3A_331 = vector.broadcast %parallel_loop3A_330 : f32 to vector<16xf32>
        %parallel_loop3A_332 = arith.subf %parallel_loop3A_331, %parallel_loop3A_329 : vector<16xf32>
        %parallel_loop3A_333 = arith.mulf %parallel_loop3A_324, %parallel_loop3A_332 : vector<16xf32>
        %parallel_loop3A_334 = arith.constant 5.000000e-01 : f32
        %parallel_loop3A_335 = vector.broadcast %parallel_loop3A_334 : f32 to vector<16xf32>
        %parallel_loop3A_336 = arith.mulf %parallel_loop3A_335, %parallel_loop3A_307 : vector<16xf32>
        %parallel_loop3A_337 = arith.mulf %parallel_loop3A_336, %parallel_loop3A_333 : vector<16xf32>
        %parallel_loop3A_338 = arith.mulf %parallel_loop3A_337, %parallel_loop3A_333 : vector<16xf32>
        %parallel_loop3A_339 = arith.constant 1.500000e+00 : f32
        %parallel_loop3A_340 = vector.broadcast %parallel_loop3A_339 : f32 to vector<16xf32>
        %parallel_loop3A_341 = arith.subf %parallel_loop3A_340, %parallel_loop3A_338 : vector<16xf32>
        %parallel_loop3A_342 = arith.mulf %parallel_loop3A_333, %parallel_loop3A_341 : vector<16xf32>
        %parallel_loop3A_343 = tpu.iota {dimensions = array<i32: 0>} : vector<16xi32>
        %parallel_loop3A_344 = arith.constant 8 : i32
        %parallel_loop3A_345 = vector.broadcast %parallel_loop3A_344 : i32 to vector<16xi32>
        %parallel_loop3A_346 = arith.xori %parallel_loop3A_343, %parallel_loop3A_345 : vector<16xi32>
        %parallel_loop3A_347 = vector.shape_cast %parallel_loop3A_346 : vector<16xi32> to vector<16x1xi32>
        %parallel_loop3A_348 = vector.shape_cast %parallel_loop3A_347 : vector<16x1xi32> to vector<16xi32>
        %parallel_loop3A_349 = tpu.dynamic_gather %parallel_loop3A_237[%parallel_loop3A_348] in [0] : vector<16xf32>, vector<16xi32> -> vector<16xf32>
        %parallel_loop3A_350 = arith.addf %parallel_loop3A_237, %parallel_loop3A_349 : vector<16xf32>
        %parallel_loop3A_351 = arith.constant 4 : i32
        %parallel_loop3A_352 = vector.broadcast %parallel_loop3A_351 : i32 to vector<16xi32>
        %parallel_loop3A_353 = arith.xori %parallel_loop3A_343, %parallel_loop3A_352 : vector<16xi32>
        %parallel_loop3A_354 = vector.shape_cast %parallel_loop3A_353 : vector<16xi32> to vector<16x1xi32>
        %parallel_loop3A_355 = vector.shape_cast %parallel_loop3A_354 : vector<16x1xi32> to vector<16xi32>
        %parallel_loop3A_356 = tpu.dynamic_gather %parallel_loop3A_350[%parallel_loop3A_355] in [0] : vector<16xf32>, vector<16xi32> -> vector<16xf32>
        %parallel_loop3A_357 = arith.addf %parallel_loop3A_350, %parallel_loop3A_356 : vector<16xf32>
        %parallel_loop3A_358 = arith.constant 2 : i32
        %parallel_loop3A_359 = vector.broadcast %parallel_loop3A_358 : i32 to vector<16xi32>
        %parallel_loop3A_360 = arith.xori %parallel_loop3A_343, %parallel_loop3A_359 : vector<16xi32>
        %parallel_loop3A_361 = vector.shape_cast %parallel_loop3A_360 : vector<16xi32> to vector<16x1xi32>
        %parallel_loop3A_362 = vector.shape_cast %parallel_loop3A_361 : vector<16x1xi32> to vector<16xi32>
        %parallel_loop3A_363 = tpu.dynamic_gather %parallel_loop3A_357[%parallel_loop3A_362] in [0] : vector<16xf32>, vector<16xi32> -> vector<16xf32>
        %parallel_loop3A_364 = arith.addf %parallel_loop3A_357, %parallel_loop3A_363 : vector<16xf32>
        %parallel_loop3A_365 = arith.constant 1 : i32
        %parallel_loop3A_366 = vector.broadcast %parallel_loop3A_365 : i32 to vector<16xi32>
        %parallel_loop3A_367 = arith.xori %parallel_loop3A_343, %parallel_loop3A_366 : vector<16xi32>
        %parallel_loop3A_368 = vector.shape_cast %parallel_loop3A_367 : vector<16xi32> to vector<16x1xi32>
        %parallel_loop3A_369 = vector.shape_cast %parallel_loop3A_368 : vector<16x1xi32> to vector<16xi32>
        %parallel_loop3A_370 = tpu.dynamic_gather %parallel_loop3A_364[%parallel_loop3A_369] in [0] : vector<16xf32>, vector<16xi32> -> vector<16xf32>
        %parallel_loop3A_371 = arith.addf %parallel_loop3A_364, %parallel_loop3A_370 : vector<16xf32>
        %parallel_loop3A_372 = arith.constant 0.00130208337 : f32
        %parallel_loop3A_373 = vector.broadcast %parallel_loop3A_372 : f32 to vector<16xf32>
        %parallel_loop3A_374 = arith.mulf %parallel_loop3A_371, %parallel_loop3A_373 : vector<16xf32>
        %parallel_loop3A_375 = tpu.iota {dimensions = array<i32: 0>} : vector<16xi32>
        %parallel_loop3A_376 = arith.constant 8 : i32
        %parallel_loop3A_377 = vector.broadcast %parallel_loop3A_376 : i32 to vector<16xi32>
        %parallel_loop3A_378 = arith.xori %parallel_loop3A_375, %parallel_loop3A_377 : vector<16xi32>
        %parallel_loop3A_379 = vector.shape_cast %parallel_loop3A_378 : vector<16xi32> to vector<16x1xi32>
        %parallel_loop3A_380 = vector.shape_cast %parallel_loop3A_379 : vector<16x1xi32> to vector<16xi32>
        %parallel_loop3A_381 = tpu.dynamic_gather %parallel_loop3A_238[%parallel_loop3A_380] in [0] : vector<16xf32>, vector<16xi32> -> vector<16xf32>
        %parallel_loop3A_382 = arith.addf %parallel_loop3A_238, %parallel_loop3A_381 : vector<16xf32>
        %parallel_loop3A_383 = arith.constant 4 : i32
        %parallel_loop3A_384 = vector.broadcast %parallel_loop3A_383 : i32 to vector<16xi32>
        %parallel_loop3A_385 = arith.xori %parallel_loop3A_375, %parallel_loop3A_384 : vector<16xi32>
        %parallel_loop3A_386 = vector.shape_cast %parallel_loop3A_385 : vector<16xi32> to vector<16x1xi32>
        %parallel_loop3A_387 = vector.shape_cast %parallel_loop3A_386 : vector<16x1xi32> to vector<16xi32>
        %parallel_loop3A_388 = tpu.dynamic_gather %parallel_loop3A_382[%parallel_loop3A_387] in [0] : vector<16xf32>, vector<16xi32> -> vector<16xf32>
        %parallel_loop3A_389 = arith.addf %parallel_loop3A_382, %parallel_loop3A_388 : vector<16xf32>
        %parallel_loop3A_390 = arith.constant 2 : i32
        %parallel_loop3A_391 = vector.broadcast %parallel_loop3A_390 : i32 to vector<16xi32>
        %parallel_loop3A_392 = arith.xori %parallel_loop3A_375, %parallel_loop3A_391 : vector<16xi32>
        %parallel_loop3A_393 = vector.shape_cast %parallel_loop3A_392 : vector<16xi32> to vector<16x1xi32>
        %parallel_loop3A_394 = vector.shape_cast %parallel_loop3A_393 : vector<16x1xi32> to vector<16xi32>
        %parallel_loop3A_395 = tpu.dynamic_gather %parallel_loop3A_389[%parallel_loop3A_394] in [0] : vector<16xf32>, vector<16xi32> -> vector<16xf32>
        %parallel_loop3A_396 = arith.addf %parallel_loop3A_389, %parallel_loop3A_395 : vector<16xf32>
        %parallel_loop3A_397 = arith.constant 1 : i32
        %parallel_loop3A_398 = vector.broadcast %parallel_loop3A_397 : i32 to vector<16xi32>
        %parallel_loop3A_399 = arith.xori %parallel_loop3A_375, %parallel_loop3A_398 : vector<16xi32>
        %parallel_loop3A_400 = vector.shape_cast %parallel_loop3A_399 : vector<16xi32> to vector<16x1xi32>
        %parallel_loop3A_401 = vector.shape_cast %parallel_loop3A_400 : vector<16x1xi32> to vector<16xi32>
        %parallel_loop3A_402 = tpu.dynamic_gather %parallel_loop3A_396[%parallel_loop3A_401] in [0] : vector<16xf32>, vector<16xi32> -> vector<16xf32>
        %parallel_loop3A_403 = arith.addf %parallel_loop3A_396, %parallel_loop3A_402 : vector<16xf32>
        %parallel_loop3A_404 = arith.constant 0.00130208337 : f32
        %parallel_loop3A_405 = vector.broadcast %parallel_loop3A_404 : f32 to vector<16xf32>
        %parallel_loop3A_406 = arith.mulf %parallel_loop3A_403, %parallel_loop3A_405 : vector<16xf32>
        %parallel_loop3A_407 = arith.mulf %parallel_loop3A_374, %parallel_loop3A_374 : vector<16xf32>
        %parallel_loop3A_408 = arith.subf %parallel_loop3A_406, %parallel_loop3A_407 : vector<16xf32>
        %parallel_loop3A_409 = arith.constant 9.99999996E-13 : f32
        %parallel_loop3A_410 = vector.broadcast %parallel_loop3A_409 : f32 to vector<16xf32>
        %parallel_loop3A_411 = arith.addf %parallel_loop3A_408, %parallel_loop3A_410 : vector<16xf32>
        %parallel_loop3A_412 = tpu.bitcast %parallel_loop3A_411 : vector<16xf32> -> vector<16xi32>
        %parallel_loop3A_413 = arith.constant 1597463007 : i32
        %parallel_loop3A_414 = vector.broadcast %parallel_loop3A_413 : i32 to vector<16xi32>
        %parallel_loop3A_415 = arith.constant 1 : i32
        %parallel_loop3A_416 = vector.broadcast %parallel_loop3A_415 : i32 to vector<16xi32>
        %parallel_loop3A_417 = arith.shrui %parallel_loop3A_412, %parallel_loop3A_416 : vector<16xi32>
        %parallel_loop3A_418 = arith.subi %parallel_loop3A_414, %parallel_loop3A_417 : vector<16xi32>
        %parallel_loop3A_419 = tpu.bitcast %parallel_loop3A_418 : vector<16xi32> -> vector<16xf32>
        %parallel_loop3A_420 = arith.constant 5.000000e-01 : f32
        %parallel_loop3A_421 = vector.broadcast %parallel_loop3A_420 : f32 to vector<16xf32>
        %parallel_loop3A_422 = arith.mulf %parallel_loop3A_421, %parallel_loop3A_411 : vector<16xf32>
        %parallel_loop3A_423 = arith.mulf %parallel_loop3A_422, %parallel_loop3A_419 : vector<16xf32>
        %parallel_loop3A_424 = arith.mulf %parallel_loop3A_423, %parallel_loop3A_419 : vector<16xf32>
        %parallel_loop3A_425 = arith.constant 1.500000e+00 : f32
        %parallel_loop3A_426 = vector.broadcast %parallel_loop3A_425 : f32 to vector<16xf32>
        %parallel_loop3A_427 = arith.subf %parallel_loop3A_426, %parallel_loop3A_424 : vector<16xf32>
        %parallel_loop3A_428 = arith.mulf %parallel_loop3A_419, %parallel_loop3A_427 : vector<16xf32>
        %parallel_loop3A_429 = arith.constant 5.000000e-01 : f32
        %parallel_loop3A_430 = vector.broadcast %parallel_loop3A_429 : f32 to vector<16xf32>
        %parallel_loop3A_431 = arith.mulf %parallel_loop3A_430, %parallel_loop3A_411 : vector<16xf32>
        %parallel_loop3A_432 = arith.mulf %parallel_loop3A_431, %parallel_loop3A_428 : vector<16xf32>
        %parallel_loop3A_433 = arith.mulf %parallel_loop3A_432, %parallel_loop3A_428 : vector<16xf32>
        %parallel_loop3A_434 = arith.constant 1.500000e+00 : f32
        %parallel_loop3A_435 = vector.broadcast %parallel_loop3A_434 : f32 to vector<16xf32>
        %parallel_loop3A_436 = arith.subf %parallel_loop3A_435, %parallel_loop3A_433 : vector<16xf32>
        %parallel_loop3A_437 = arith.mulf %parallel_loop3A_428, %parallel_loop3A_436 : vector<16xf32>
        %parallel_loop3A_438 = arith.constant 5.000000e-01 : f32
        %parallel_loop3A_439 = vector.broadcast %parallel_loop3A_438 : f32 to vector<16xf32>
        %parallel_loop3A_440 = arith.mulf %parallel_loop3A_439, %parallel_loop3A_411 : vector<16xf32>
        %parallel_loop3A_441 = arith.mulf %parallel_loop3A_440, %parallel_loop3A_437 : vector<16xf32>
        %parallel_loop3A_442 = arith.mulf %parallel_loop3A_441, %parallel_loop3A_437 : vector<16xf32>
        %parallel_loop3A_443 = arith.constant 1.500000e+00 : f32
        %parallel_loop3A_444 = vector.broadcast %parallel_loop3A_443 : f32 to vector<16xf32>
        %parallel_loop3A_445 = arith.subf %parallel_loop3A_444, %parallel_loop3A_442 : vector<16xf32>
        %parallel_loop3A_446 = arith.mulf %parallel_loop3A_437, %parallel_loop3A_445 : vector<16xf32>
        %parallel_loop3A_447 = arith.constant 2 : i32
        %parallel_loop3A_448 = arith.addi %parallel_loop3A_224, %parallel_loop3A_447 : i32
        %parallel_loop3A_449 = arith.constant 2 : i32
        %parallel_loop3A_450 = arith.addi %parallel_loop3A_224, %parallel_loop3A_449 : i32
        %parallel_loop3A_451 = arith.constant 1 : i32
        %parallel_loop3A_452 = arith.addi %parallel_loop3A_450, %parallel_loop3A_451 : i32
        %parallel_loop3A_453 = arith.constant 0 : i32
        %parallel_loop3A_454 = arith.constant 48 : i32
        %parallel_loop3A_455 = arith.constant 2 : i32
        %parallel_loop3A_456:8 = scf.for %parallel_loop3A_1116 = %parallel_loop3A_453 to %parallel_loop3A_454 step %parallel_loop3A_455 iter_args(%parallel_loop3A_1117 = %broadcast_in_dim3A_131, %parallel_loop3A_1118 = %broadcast_in_dim3A_131, %parallel_loop3A_1119 = %broadcast_in_dim3A_131, %parallel_loop3A_1120 = %broadcast_in_dim3A_131, %parallel_loop3A_1121 = %broadcast_in_dim3A_131, %parallel_loop3A_1122 = %broadcast_in_dim3A_131, %parallel_loop3A_1123 = %broadcast_in_dim3A_131, %parallel_loop3A_1124 = %broadcast_in_dim3A_131) -> (vector<16xf32>, vector<16xf32>, vector<16xf32>, vector<16xf32>, vector<16xf32>, vector<16xf32>, vector<16xf32>, vector<16xf32>)  : i32 {
          %parallel_loop3A_1125 = arith.constant 16 : i32
          %parallel_loop3A_1126 = arith.muli %parallel_loop3A_1116, %parallel_loop3A_1125 : i32
          %parallel_loop3A_1127 = arith.constant 1 : i32
          %parallel_loop3A_1128 = arith.addi %parallel_loop3A_1116, %parallel_loop3A_1127 : i32
          %parallel_loop3A_1129 = arith.constant 16 : i32
          %parallel_loop3A_1130 = arith.muli %parallel_loop3A_1128, %parallel_loop3A_1129 : i32
          %parallel_loop3A_1131 = arith.constant 0 : i32
          %parallel_loop3A_1132 = arith.index_cast %parallel_loop3A_1131 : i32 to index
          %parallel_loop3A_1133 = arith.index_cast %parallel_loop3A_448 : i32 to index
          %parallel_loop3A_1134 = arith.index_cast %parallel_loop3A_1126 : i32 to index
          %parallel_loop3A_1135 = tpu.vector_load %arg10[%parallel_loop3A_1132, %parallel_loop3A_1133, %parallel_loop3A_1134] {strides = array<i32>} : memref<2x16x768xf32, #tpu.memory_space<vmem>>, vector<1x1x16xf32>,
          %parallel_loop3A_1136 = vector.shape_cast %parallel_loop3A_1135 : vector<1x1x16xf32> to vector<16xf32>
          %parallel_loop3A_1137 = arith.constant 0 : i32
          %parallel_loop3A_1138 = arith.index_cast %parallel_loop3A_1137 : i32 to index
          %parallel_loop3A_1139 = arith.index_cast %parallel_loop3A_448 : i32 to index
          %parallel_loop3A_1140 = arith.index_cast %parallel_loop3A_1126 : i32 to index
          %parallel_loop3A_1141 = tpu.vector_load %arg12[%parallel_loop3A_1138, %parallel_loop3A_1139, %parallel_loop3A_1140] {strides = array<i32>} : memref<2x16x768xf32, #tpu.memory_space<vmem>>, vector<1x1x16xf32>,
          %parallel_loop3A_1142 = vector.shape_cast %parallel_loop3A_1141 : vector<1x1x16xf32> to vector<16xf32>
          %parallel_loop3A_1143 = arith.mulf %parallel_loop3A_1136, %parallel_loop3A_1142 : vector<16xf32>
          %parallel_loop3A_1144 = arith.constant 0 : i32
          %parallel_loop3A_1145 = arith.index_cast %parallel_loop3A_1144 : i32 to index
          %parallel_loop3A_1146 = arith.index_cast %parallel_loop3A_448 : i32 to index
          %parallel_loop3A_1147 = arith.index_cast %parallel_loop3A_1126 : i32 to index
          %parallel_loop3A_1148 = tpu.vector_load %arg11[%parallel_loop3A_1145, %parallel_loop3A_1146, %parallel_loop3A_1147] {strides = array<i32>} : memref<2x16x768xf32, #tpu.memory_space<vmem>>, vector<1x1x16xf32>,
          %parallel_loop3A_1149 = vector.shape_cast %parallel_loop3A_1148 : vector<1x1x16xf32> to vector<16xf32>
          %parallel_loop3A_1150 = arith.addf %parallel_loop3A_1143, %parallel_loop3A_1149 : vector<16xf32>
          %parallel_loop3A_1151 = arith.constant 0 : i32
          %parallel_loop3A_1152 = arith.index_cast %parallel_loop3A_1151 : i32 to index
          %parallel_loop3A_1153 = arith.index_cast %parallel_loop3A_448 : i32 to index
          %parallel_loop3A_1154 = arith.index_cast %parallel_loop3A_1130 : i32 to index
          %parallel_loop3A_1155 = tpu.vector_load %arg10[%parallel_loop3A_1152, %parallel_loop3A_1153, %parallel_loop3A_1154] {strides = array<i32>} : memref<2x16x768xf32, #tpu.memory_space<vmem>>, vector<1x1x16xf32>,
          %parallel_loop3A_1156 = vector.shape_cast %parallel_loop3A_1155 : vector<1x1x16xf32> to vector<16xf32>
          %parallel_loop3A_1157 = arith.constant 0 : i32
          %parallel_loop3A_1158 = arith.index_cast %parallel_loop3A_1157 : i32 to index
          %parallel_loop3A_1159 = arith.index_cast %parallel_loop3A_448 : i32 to index
          %parallel_loop3A_1160 = arith.index_cast %parallel_loop3A_1130 : i32 to index
          %parallel_loop3A_1161 = tpu.vector_load %arg12[%parallel_loop3A_1158, %parallel_loop3A_1159, %parallel_loop3A_1160] {strides = array<i32>} : memref<2x16x768xf32, #tpu.memory_space<vmem>>, vector<1x1x16xf32>,
          %parallel_loop3A_1162 = vector.shape_cast %parallel_loop3A_1161 : vector<1x1x16xf32> to vector<16xf32>
          %parallel_loop3A_1163 = arith.mulf %parallel_loop3A_1156, %parallel_loop3A_1162 : vector<16xf32>
          %parallel_loop3A_1164 = arith.constant 0 : i32
          %parallel_loop3A_1165 = arith.index_cast %parallel_loop3A_1164 : i32 to index
          %parallel_loop3A_1166 = arith.index_cast %parallel_loop3A_448 : i32 to index
          %parallel_loop3A_1167 = arith.index_cast %parallel_loop3A_1130 : i32 to index
          %parallel_loop3A_1168 = tpu.vector_load %arg11[%parallel_loop3A_1165, %parallel_loop3A_1166, %parallel_loop3A_1167] {strides = array<i32>} : memref<2x16x768xf32, #tpu.memory_space<vmem>>, vector<1x1x16xf32>,
          %parallel_loop3A_1169 = vector.shape_cast %parallel_loop3A_1168 : vector<1x1x16xf32> to vector<16xf32>
          %parallel_loop3A_1170 = arith.addf %parallel_loop3A_1163, %parallel_loop3A_1169 : vector<16xf32>
          %parallel_loop3A_1171 = arith.constant 0 : i32
          %parallel_loop3A_1172 = arith.index_cast %parallel_loop3A_1171 : i32 to index
          %parallel_loop3A_1173 = arith.index_cast %parallel_loop3A_452 : i32 to index
          %parallel_loop3A_1174 = arith.index_cast %parallel_loop3A_1126 : i32 to index
          %parallel_loop3A_1175 = tpu.vector_load %arg10[%parallel_loop3A_1172, %parallel_loop3A_1173, %parallel_loop3A_1174] {strides = array<i32>} : memref<2x16x768xf32, #tpu.memory_space<vmem>>, vector<1x1x16xf32>,
          %parallel_loop3A_1176 = vector.shape_cast %parallel_loop3A_1175 : vector<1x1x16xf32> to vector<16xf32>
          %parallel_loop3A_1177 = arith.constant 0 : i32
          %parallel_loop3A_1178 = arith.index_cast %parallel_loop3A_1177 : i32 to index
          %parallel_loop3A_1179 = arith.index_cast %parallel_loop3A_452 : i32 to index
          %parallel_loop3A_1180 = arith.index_cast %parallel_loop3A_1126 : i32 to index
          %parallel_loop3A_1181 = tpu.vector_load %arg12[%parallel_loop3A_1178, %parallel_loop3A_1179, %parallel_loop3A_1180] {strides = array<i32>} : memref<2x16x768xf32, #tpu.memory_space<vmem>>, vector<1x1x16xf32>,
          %parallel_loop3A_1182 = vector.shape_cast %parallel_loop3A_1181 : vector<1x1x16xf32> to vector<16xf32>
          %parallel_loop3A_1183 = arith.mulf %parallel_loop3A_1176, %parallel_loop3A_1182 : vector<16xf32>
          %parallel_loop3A_1184 = arith.constant 0 : i32
          %parallel_loop3A_1185 = arith.index_cast %parallel_loop3A_1184 : i32 to index
          %parallel_loop3A_1186 = arith.index_cast %parallel_loop3A_452 : i32 to index
          %parallel_loop3A_1187 = arith.index_cast %parallel_loop3A_1126 : i32 to index
          %parallel_loop3A_1188 = tpu.vector_load %arg11[%parallel_loop3A_1185, %parallel_loop3A_1186, %parallel_loop3A_1187] {strides = array<i32>} : memref<2x16x768xf32, #tpu.memory_space<vmem>>, vector<1x1x16xf32>,
          %parallel_loop3A_1189 = vector.shape_cast %parallel_loop3A_1188 : vector<1x1x16xf32> to vector<16xf32>
          %parallel_loop3A_1190 = arith.addf %parallel_loop3A_1183, %parallel_loop3A_1189 : vector<16xf32>
          %parallel_loop3A_1191 = arith.constant 0 : i32
          %parallel_loop3A_1192 = arith.index_cast %parallel_loop3A_1191 : i32 to index
          %parallel_loop3A_1193 = arith.index_cast %parallel_loop3A_452 : i32 to index
          %parallel_loop3A_1194 = arith.index_cast %parallel_loop3A_1130 : i32 to index
          %parallel_loop3A_1195 = tpu.vector_load %arg10[%parallel_loop3A_1192, %parallel_loop3A_1193, %parallel_loop3A_1194] {strides = array<i32>} : memref<2x16x768xf32, #tpu.memory_space<vmem>>, vector<1x1x16xf32>,
          %parallel_loop3A_1196 = vector.shape_cast %parallel_loop3A_1195 : vector<1x1x16xf32> to vector<16xf32>
          %parallel_loop3A_1197 = arith.constant 0 : i32
          %parallel_loop3A_1198 = arith.index_cast %parallel_loop3A_1197 : i32 to index
          %parallel_loop3A_1199 = arith.index_cast %parallel_loop3A_452 : i32 to index
          %parallel_loop3A_1200 = arith.index_cast %parallel_loop3A_1130 : i32 to index
          %parallel_loop3A_1201 = tpu.vector_load %arg12[%parallel_loop3A_1198, %parallel_loop3A_1199, %parallel_loop3A_1200] {strides = array<i32>} : memref<2x16x768xf32, #tpu.memory_space<vmem>>, vector<1x1x16xf32>,
          %parallel_loop3A_1202 = vector.shape_cast %parallel_loop3A_1201 : vector<1x1x16xf32> to vector<16xf32>
          %parallel_loop3A_1203 = arith.mulf %parallel_loop3A_1196, %parallel_loop3A_1202 : vector<16xf32>
          %parallel_loop3A_1204 = arith.constant 0 : i32
          %parallel_loop3A_1205 = arith.index_cast %parallel_loop3A_1204 : i32 to index
          %parallel_loop3A_1206 = arith.index_cast %parallel_loop3A_452 : i32 to index
          %parallel_loop3A_1207 = arith.index_cast %parallel_loop3A_1130 : i32 to index
          %parallel_loop3A_1208 = tpu.vector_load %arg11[%parallel_loop3A_1205, %parallel_loop3A_1206, %parallel_loop3A_1207] {strides = array<i32>} : memref<2x16x768xf32, #tpu.memory_space<vmem>>, vector<1x1x16xf32>,
          %parallel_loop3A_1209 = vector.shape_cast %parallel_loop3A_1208 : vector<1x1x16xf32> to vector<16xf32>
          %parallel_loop3A_1210 = arith.addf %parallel_loop3A_1203, %parallel_loop3A_1209 : vector<16xf32>
          %parallel_loop3A_1211 = arith.constant 0 : i32
          %parallel_loop3A_1212 = arith.index_cast %parallel_loop3A_1211 : i32 to index
          %parallel_loop3A_1213 = arith.index_cast %parallel_loop3A_448 : i32 to index
          %parallel_loop3A_1214 = arith.index_cast %parallel_loop3A_1126 : i32 to index
          %parallel_loop3A_1215 = tpu.vector_load %arg13[%parallel_loop3A_1212, %parallel_loop3A_1213, %parallel_loop3A_1214] {strides = array<i32>} : memref<2x16x768xf32, #tpu.memory_space<vmem>>, vector<1x1x16xf32>,
          %parallel_loop3A_1216 = vector.shape_cast %parallel_loop3A_1215 : vector<1x1x16xf32> to vector<16xf32>
          %parallel_loop3A_1217 = vector.shape_cast %parallel_loop3A_1150 : vector<16xf32> to vector<1x1x16xf32>
          tpu.vector_store %arg13[%parallel_loop3A_1212, %parallel_loop3A_1213, %parallel_loop3A_1214], %parallel_loop3A_1217 {strides = array<i32>} : memref<2x16x768xf32, #tpu.memory_space<vmem>>, vector<1x1x16xf32>,
          %parallel_loop3A_1218 = arith.constant 0 : i32
          %parallel_loop3A_1219 = arith.index_cast %parallel_loop3A_1218 : i32 to index
          %parallel_loop3A_1220 = arith.index_cast %parallel_loop3A_448 : i32 to index
          %parallel_loop3A_1221 = arith.index_cast %parallel_loop3A_1130 : i32 to index
          %parallel_loop3A_1222 = tpu.vector_load %arg13[%parallel_loop3A_1219, %parallel_loop3A_1220, %parallel_loop3A_1221] {strides = array<i32>} : memref<2x16x768xf32, #tpu.memory_space<vmem>>, vector<1x1x16xf32>,
          %parallel_loop3A_1223 = vector.shape_cast %parallel_loop3A_1222 : vector<1x1x16xf32> to vector<16xf32>
          %parallel_loop3A_1224 = vector.shape_cast %parallel_loop3A_1170 : vector<16xf32> to vector<1x1x16xf32>
          tpu.vector_store %arg13[%parallel_loop3A_1219, %parallel_loop3A_1220, %parallel_loop3A_1221], %parallel_loop3A_1224 {strides = array<i32>} : memref<2x16x768xf32, #tpu.memory_space<vmem>>, vector<1x1x16xf32>,
          %parallel_loop3A_1225 = arith.constant 0 : i32
          %parallel_loop3A_1226 = arith.index_cast %parallel_loop3A_1225 : i32 to index
          %parallel_loop3A_1227 = arith.index_cast %parallel_loop3A_452 : i32 to index
          %parallel_loop3A_1228 = arith.index_cast %parallel_loop3A_1126 : i32 to index
          %parallel_loop3A_1229 = tpu.vector_load %arg13[%parallel_loop3A_1226, %parallel_loop3A_1227, %parallel_loop3A_1228] {strides = array<i32>} : memref<2x16x768xf32, #tpu.memory_space<vmem>>, vector<1x1x16xf32>,
          %parallel_loop3A_1230 = vector.shape_cast %parallel_loop3A_1229 : vector<1x1x16xf32> to vector<16xf32>
          %parallel_loop3A_1231 = vector.shape_cast %parallel_loop3A_1190 : vector<16xf32> to vector<1x1x16xf32>
          tpu.vector_store %arg13[%parallel_loop3A_1226, %parallel_loop3A_1227, %parallel_loop3A_1228], %parallel_loop3A_1231 {strides = array<i32>} : memref<2x16x768xf32, #tpu.memory_space<vmem>>, vector<1x1x16xf32>,
          %parallel_loop3A_1232 = arith.constant 0 : i32
          %parallel_loop3A_1233 = arith.index_cast %parallel_loop3A_1232 : i32 to index
          %parallel_loop3A_1234 = arith.index_cast %parallel_loop3A_452 : i32 to index
          %parallel_loop3A_1235 = arith.index_cast %parallel_loop3A_1130 : i32 to index
          %parallel_loop3A_1236 = tpu.vector_load %arg13[%parallel_loop3A_1233, %parallel_loop3A_1234, %parallel_loop3A_1235] {strides = array<i32>} : memref<2x16x768xf32, #tpu.memory_space<vmem>>, vector<1x1x16xf32>,
          %parallel_loop3A_1237 = vector.shape_cast %parallel_loop3A_1236 : vector<1x1x16xf32> to vector<16xf32>
          %parallel_loop3A_1238 = vector.shape_cast %parallel_loop3A_1210 : vector<16xf32> to vector<1x1x16xf32>
          tpu.vector_store %arg13[%parallel_loop3A_1233, %parallel_loop3A_1234, %parallel_loop3A_1235], %parallel_loop3A_1238 {strides = array<i32>} : memref<2x16x768xf32, #tpu.memory_space<vmem>>, vector<1x1x16xf32>,
          %parallel_loop3A_1239 = arith.addf %parallel_loop3A_1117, %parallel_loop3A_1150 : vector<16xf32>
          %parallel_loop3A_1240 = arith.mulf %parallel_loop3A_1150, %parallel_loop3A_1150 : vector<16xf32>
          %parallel_loop3A_1241 = arith.addf %parallel_loop3A_1118, %parallel_loop3A_1240 : vector<16xf32>
          %parallel_loop3A_1242 = arith.addf %parallel_loop3A_1119, %parallel_loop3A_1170 : vector<16xf32>
          %parallel_loop3A_1243 = arith.mulf %parallel_loop3A_1170, %parallel_loop3A_1170 : vector<16xf32>
          %parallel_loop3A_1244 = arith.addf %parallel_loop3A_1120, %parallel_loop3A_1243 : vector<16xf32>
          %parallel_loop3A_1245 = arith.addf %parallel_loop3A_1121, %parallel_loop3A_1190 : vector<16xf32>
          %parallel_loop3A_1246 = arith.mulf %parallel_loop3A_1190, %parallel_loop3A_1190 : vector<16xf32>
          %parallel_loop3A_1247 = arith.addf %parallel_loop3A_1122, %parallel_loop3A_1246 : vector<16xf32>
          %parallel_loop3A_1248 = arith.addf %parallel_loop3A_1123, %parallel_loop3A_1210 : vector<16xf32>
          %parallel_loop3A_1249 = arith.mulf %parallel_loop3A_1210, %parallel_loop3A_1210 : vector<16xf32>
          %parallel_loop3A_1250 = arith.addf %parallel_loop3A_1124, %parallel_loop3A_1249 : vector<16xf32>
          scf.yield %parallel_loop3A_1239, %parallel_loop3A_1241, %parallel_loop3A_1242, %parallel_loop3A_1244, %parallel_loop3A_1245, %parallel_loop3A_1247, %parallel_loop3A_1248, %parallel_loop3A_1250 : vector<16xf32>, vector<16xf32>, vector<16xf32>, vector<16xf32>, vector<16xf32>, vector<16xf32>, vector<16xf32>, vector<16xf32>
        } {sc.loop_unroll_factor = 2 : i64, sc.parallel_access}
        %parallel_loop3A_457 = arith.addf %parallel_loop3A_456#0, %parallel_loop3A_456#2 : vector<16xf32>
        %parallel_loop3A_458 = arith.addf %parallel_loop3A_456#1, %parallel_loop3A_456#3 : vector<16xf32>
        %parallel_loop3A_459 = arith.addf %parallel_loop3A_456#4, %parallel_loop3A_456#6 : vector<16xf32>
        %parallel_loop3A_460 = arith.addf %parallel_loop3A_456#5, %parallel_loop3A_456#7 : vector<16xf32>
        %parallel_loop3A_461 = tpu.iota {dimensions = array<i32: 0>} : vector<16xi32>
        %parallel_loop3A_462 = arith.constant 8 : i32
        %parallel_loop3A_463 = vector.broadcast %parallel_loop3A_462 : i32 to vector<16xi32>
        %parallel_loop3A_464 = arith.xori %parallel_loop3A_461, %parallel_loop3A_463 : vector<16xi32>
        %parallel_loop3A_465 = vector.shape_cast %parallel_loop3A_464 : vector<16xi32> to vector<16x1xi32>
        %parallel_loop3A_466 = vector.shape_cast %parallel_loop3A_465 : vector<16x1xi32> to vector<16xi32>
        %parallel_loop3A_467 = tpu.dynamic_gather %parallel_loop3A_457[%parallel_loop3A_466] in [0] : vector<16xf32>, vector<16xi32> -> vector<16xf32>
        %parallel_loop3A_468 = arith.addf %parallel_loop3A_457, %parallel_loop3A_467 : vector<16xf32>
        %parallel_loop3A_469 = arith.constant 4 : i32
        %parallel_loop3A_470 = vector.broadcast %parallel_loop3A_469 : i32 to vector<16xi32>
        %parallel_loop3A_471 = arith.xori %parallel_loop3A_461, %parallel_loop3A_470 : vector<16xi32>
        %parallel_loop3A_472 = vector.shape_cast %parallel_loop3A_471 : vector<16xi32> to vector<16x1xi32>
        %parallel_loop3A_473 = vector.shape_cast %parallel_loop3A_472 : vector<16x1xi32> to vector<16xi32>
        %parallel_loop3A_474 = tpu.dynamic_gather %parallel_loop3A_468[%parallel_loop3A_473] in [0] : vector<16xf32>, vector<16xi32> -> vector<16xf32>
        %parallel_loop3A_475 = arith.addf %parallel_loop3A_468, %parallel_loop3A_474 : vector<16xf32>
        %parallel_loop3A_476 = arith.constant 2 : i32
        %parallel_loop3A_477 = vector.broadcast %parallel_loop3A_476 : i32 to vector<16xi32>
        %parallel_loop3A_478 = arith.xori %parallel_loop3A_461, %parallel_loop3A_477 : vector<16xi32>
        %parallel_loop3A_479 = vector.shape_cast %parallel_loop3A_478 : vector<16xi32> to vector<16x1xi32>
        %parallel_loop3A_480 = vector.shape_cast %parallel_loop3A_479 : vector<16x1xi32> to vector<16xi32>
        %parallel_loop3A_481 = tpu.dynamic_gather %parallel_loop3A_475[%parallel_loop3A_480] in [0] : vector<16xf32>, vector<16xi32> -> vector<16xf32>
        %parallel_loop3A_482 = arith.addf %parallel_loop3A_475, %parallel_loop3A_481 : vector<16xf32>
        %parallel_loop3A_483 = arith.constant 1 : i32
        %parallel_loop3A_484 = vector.broadcast %parallel_loop3A_483 : i32 to vector<16xi32>
        %parallel_loop3A_485 = arith.xori %parallel_loop3A_461, %parallel_loop3A_484 : vector<16xi32>
        %parallel_loop3A_486 = vector.shape_cast %parallel_loop3A_485 : vector<16xi32> to vector<16x1xi32>
        %parallel_loop3A_487 = vector.shape_cast %parallel_loop3A_486 : vector<16x1xi32> to vector<16xi32>
        %parallel_loop3A_488 = tpu.dynamic_gather %parallel_loop3A_482[%parallel_loop3A_487] in [0] : vector<16xf32>, vector<16xi32> -> vector<16xf32>
        %parallel_loop3A_489 = arith.addf %parallel_loop3A_482, %parallel_loop3A_488 : vector<16xf32>
        %parallel_loop3A_490 = arith.constant 0.00130208337 : f32
        %parallel_loop3A_491 = vector.broadcast %parallel_loop3A_490 : f32 to vector<16xf32>
        %parallel_loop3A_492 = arith.mulf %parallel_loop3A_489, %parallel_loop3A_491 : vector<16xf32>
        %parallel_loop3A_493 = tpu.iota {dimensions = array<i32: 0>} : vector<16xi32>
        %parallel_loop3A_494 = arith.constant 8 : i32
        %parallel_loop3A_495 = vector.broadcast %parallel_loop3A_494 : i32 to vector<16xi32>
        %parallel_loop3A_496 = arith.xori %parallel_loop3A_493, %parallel_loop3A_495 : vector<16xi32>
        %parallel_loop3A_497 = vector.shape_cast %parallel_loop3A_496 : vector<16xi32> to vector<16x1xi32>
        %parallel_loop3A_498 = vector.shape_cast %parallel_loop3A_497 : vector<16x1xi32> to vector<16xi32>
        %parallel_loop3A_499 = tpu.dynamic_gather %parallel_loop3A_458[%parallel_loop3A_498] in [0] : vector<16xf32>, vector<16xi32> -> vector<16xf32>
        %parallel_loop3A_500 = arith.addf %parallel_loop3A_458, %parallel_loop3A_499 : vector<16xf32>
        %parallel_loop3A_501 = arith.constant 4 : i32
        %parallel_loop3A_502 = vector.broadcast %parallel_loop3A_501 : i32 to vector<16xi32>
        %parallel_loop3A_503 = arith.xori %parallel_loop3A_493, %parallel_loop3A_502 : vector<16xi32>
        %parallel_loop3A_504 = vector.shape_cast %parallel_loop3A_503 : vector<16xi32> to vector<16x1xi32>
        %parallel_loop3A_505 = vector.shape_cast %parallel_loop3A_504 : vector<16x1xi32> to vector<16xi32>
        %parallel_loop3A_506 = tpu.dynamic_gather %parallel_loop3A_500[%parallel_loop3A_505] in [0] : vector<16xf32>, vector<16xi32> -> vector<16xf32>
        %parallel_loop3A_507 = arith.addf %parallel_loop3A_500, %parallel_loop3A_506 : vector<16xf32>
        %parallel_loop3A_508 = arith.constant 2 : i32
        %parallel_loop3A_509 = vector.broadcast %parallel_loop3A_508 : i32 to vector<16xi32>
        %parallel_loop3A_510 = arith.xori %parallel_loop3A_493, %parallel_loop3A_509 : vector<16xi32>
        %parallel_loop3A_511 = vector.shape_cast %parallel_loop3A_510 : vector<16xi32> to vector<16x1xi32>
        %parallel_loop3A_512 = vector.shape_cast %parallel_loop3A_511 : vector<16x1xi32> to vector<16xi32>
        %parallel_loop3A_513 = tpu.dynamic_gather %parallel_loop3A_507[%parallel_loop3A_512] in [0] : vector<16xf32>, vector<16xi32> -> vector<16xf32>
        %parallel_loop3A_514 = arith.addf %parallel_loop3A_507, %parallel_loop3A_513 : vector<16xf32>
        %parallel_loop3A_515 = arith.constant 1 : i32
        %parallel_loop3A_516 = vector.broadcast %parallel_loop3A_515 : i32 to vector<16xi32>
        %parallel_loop3A_517 = arith.xori %parallel_loop3A_493, %parallel_loop3A_516 : vector<16xi32>
        %parallel_loop3A_518 = vector.shape_cast %parallel_loop3A_517 : vector<16xi32> to vector<16x1xi32>
        %parallel_loop3A_519 = vector.shape_cast %parallel_loop3A_518 : vector<16x1xi32> to vector<16xi32>
        %parallel_loop3A_520 = tpu.dynamic_gather %parallel_loop3A_514[%parallel_loop3A_519] in [0] : vector<16xf32>, vector<16xi32> -> vector<16xf32>
        %parallel_loop3A_521 = arith.addf %parallel_loop3A_514, %parallel_loop3A_520 : vector<16xf32>
        %parallel_loop3A_522 = arith.constant 0.00130208337 : f32
        %parallel_loop3A_523 = vector.broadcast %parallel_loop3A_522 : f32 to vector<16xf32>
        %parallel_loop3A_524 = arith.mulf %parallel_loop3A_521, %parallel_loop3A_523 : vector<16xf32>
        %parallel_loop3A_525 = arith.mulf %parallel_loop3A_492, %parallel_loop3A_492 : vector<16xf32>
        %parallel_loop3A_526 = arith.subf %parallel_loop3A_524, %parallel_loop3A_525 : vector<16xf32>
        %parallel_loop3A_527 = arith.constant 9.99999996E-13 : f32
        %parallel_loop3A_528 = vector.broadcast %parallel_loop3A_527 : f32 to vector<16xf32>
        %parallel_loop3A_529 = arith.addf %parallel_loop3A_526, %parallel_loop3A_528 : vector<16xf32>
        %parallel_loop3A_530 = tpu.bitcast %parallel_loop3A_529 : vector<16xf32> -> vector<16xi32>
        %parallel_loop3A_531 = arith.constant 1597463007 : i32
        %parallel_loop3A_532 = vector.broadcast %parallel_loop3A_531 : i32 to vector<16xi32>
        %parallel_loop3A_533 = arith.constant 1 : i32
        %parallel_loop3A_534 = vector.broadcast %parallel_loop3A_533 : i32 to vector<16xi32>
        %parallel_loop3A_535 = arith.shrui %parallel_loop3A_530, %parallel_loop3A_534 : vector<16xi32>
        %parallel_loop3A_536 = arith.subi %parallel_loop3A_532, %parallel_loop3A_535 : vector<16xi32>
        %parallel_loop3A_537 = tpu.bitcast %parallel_loop3A_536 : vector<16xi32> -> vector<16xf32>
        %parallel_loop3A_538 = arith.constant 5.000000e-01 : f32
        %parallel_loop3A_539 = vector.broadcast %parallel_loop3A_538 : f32 to vector<16xf32>
        %parallel_loop3A_540 = arith.mulf %parallel_loop3A_539, %parallel_loop3A_529 : vector<16xf32>
        %parallel_loop3A_541 = arith.mulf %parallel_loop3A_540, %parallel_loop3A_537 : vector<16xf32>
        %parallel_loop3A_542 = arith.mulf %parallel_loop3A_541, %parallel_loop3A_537 : vector<16xf32>
        %parallel_loop3A_543 = arith.constant 1.500000e+00 : f32
        %parallel_loop3A_544 = vector.broadcast %parallel_loop3A_543 : f32 to vector<16xf32>
        %parallel_loop3A_545 = arith.subf %parallel_loop3A_544, %parallel_loop3A_542 : vector<16xf32>
        %parallel_loop3A_546 = arith.mulf %parallel_loop3A_537, %parallel_loop3A_545 : vector<16xf32>
        %parallel_loop3A_547 = arith.constant 5.000000e-01 : f32
        %parallel_loop3A_548 = vector.broadcast %parallel_loop3A_547 : f32 to vector<16xf32>
        %parallel_loop3A_549 = arith.mulf %parallel_loop3A_548, %parallel_loop3A_529 : vector<16xf32>
        %parallel_loop3A_550 = arith.mulf %parallel_loop3A_549, %parallel_loop3A_546 : vector<16xf32>
        %parallel_loop3A_551 = arith.mulf %parallel_loop3A_550, %parallel_loop3A_546 : vector<16xf32>
        %parallel_loop3A_552 = arith.constant 1.500000e+00 : f32
        %parallel_loop3A_553 = vector.broadcast %parallel_loop3A_552 : f32 to vector<16xf32>
        %parallel_loop3A_554 = arith.subf %parallel_loop3A_553, %parallel_loop3A_551 : vector<16xf32>
        %parallel_loop3A_555 = arith.mulf %parallel_loop3A_546, %parallel_loop3A_554 : vector<16xf32>
        %parallel_loop3A_556 = arith.constant 5.000000e-01 : f32
        %parallel_loop3A_557 = vector.broadcast %parallel_loop3A_556 : f32 to vector<16xf32>
        %parallel_loop3A_558 = arith.mulf %parallel_loop3A_557, %parallel_loop3A_529 : vector<16xf32>
        %parallel_loop3A_559 = arith.mulf %parallel_loop3A_558, %parallel_loop3A_555 : vector<16xf32>
        %parallel_loop3A_560 = arith.mulf %parallel_loop3A_559, %parallel_loop3A_555 : vector<16xf32>
        %parallel_loop3A_561 = arith.constant 1.500000e+00 : f32
        %parallel_loop3A_562 = vector.broadcast %parallel_loop3A_561 : f32 to vector<16xf32>
        %parallel_loop3A_563 = arith.subf %parallel_loop3A_562, %parallel_loop3A_560 : vector<16xf32>
        %parallel_loop3A_564 = arith.mulf %parallel_loop3A_555, %parallel_loop3A_563 : vector<16xf32>
        %parallel_loop3A_565 = tpu.iota {dimensions = array<i32: 0>} : vector<16xi32>
        %parallel_loop3A_566 = arith.constant 8 : i32
        %parallel_loop3A_567 = vector.broadcast %parallel_loop3A_566 : i32 to vector<16xi32>
        %parallel_loop3A_568 = arith.xori %parallel_loop3A_565, %parallel_loop3A_567 : vector<16xi32>
        %parallel_loop3A_569 = vector.shape_cast %parallel_loop3A_568 : vector<16xi32> to vector<16x1xi32>
        %parallel_loop3A_570 = vector.shape_cast %parallel_loop3A_569 : vector<16x1xi32> to vector<16xi32>
        %parallel_loop3A_571 = tpu.dynamic_gather %parallel_loop3A_459[%parallel_loop3A_570] in [0] : vector<16xf32>, vector<16xi32> -> vector<16xf32>
        %parallel_loop3A_572 = arith.addf %parallel_loop3A_459, %parallel_loop3A_571 : vector<16xf32>
        %parallel_loop3A_573 = arith.constant 4 : i32
        %parallel_loop3A_574 = vector.broadcast %parallel_loop3A_573 : i32 to vector<16xi32>
        %parallel_loop3A_575 = arith.xori %parallel_loop3A_565, %parallel_loop3A_574 : vector<16xi32>
        %parallel_loop3A_576 = vector.shape_cast %parallel_loop3A_575 : vector<16xi32> to vector<16x1xi32>
        %parallel_loop3A_577 = vector.shape_cast %parallel_loop3A_576 : vector<16x1xi32> to vector<16xi32>
        %parallel_loop3A_578 = tpu.dynamic_gather %parallel_loop3A_572[%parallel_loop3A_577] in [0] : vector<16xf32>, vector<16xi32> -> vector<16xf32>
        %parallel_loop3A_579 = arith.addf %parallel_loop3A_572, %parallel_loop3A_578 : vector<16xf32>
        %parallel_loop3A_580 = arith.constant 2 : i32
        %parallel_loop3A_581 = vector.broadcast %parallel_loop3A_580 : i32 to vector<16xi32>
        %parallel_loop3A_582 = arith.xori %parallel_loop3A_565, %parallel_loop3A_581 : vector<16xi32>
        %parallel_loop3A_583 = vector.shape_cast %parallel_loop3A_582 : vector<16xi32> to vector<16x1xi32>
        %parallel_loop3A_584 = vector.shape_cast %parallel_loop3A_583 : vector<16x1xi32> to vector<16xi32>
        %parallel_loop3A_585 = tpu.dynamic_gather %parallel_loop3A_579[%parallel_loop3A_584] in [0] : vector<16xf32>, vector<16xi32> -> vector<16xf32>
        %parallel_loop3A_586 = arith.addf %parallel_loop3A_579, %parallel_loop3A_585 : vector<16xf32>
        %parallel_loop3A_587 = arith.constant 1 : i32
        %parallel_loop3A_588 = vector.broadcast %parallel_loop3A_587 : i32 to vector<16xi32>
        %parallel_loop3A_589 = arith.xori %parallel_loop3A_565, %parallel_loop3A_588 : vector<16xi32>
        %parallel_loop3A_590 = vector.shape_cast %parallel_loop3A_589 : vector<16xi32> to vector<16x1xi32>
        %parallel_loop3A_591 = vector.shape_cast %parallel_loop3A_590 : vector<16x1xi32> to vector<16xi32>
        %parallel_loop3A_592 = tpu.dynamic_gather %parallel_loop3A_586[%parallel_loop3A_591] in [0] : vector<16xf32>, vector<16xi32> -> vector<16xf32>
        %parallel_loop3A_593 = arith.addf %parallel_loop3A_586, %parallel_loop3A_592 : vector<16xf32>
        %parallel_loop3A_594 = arith.constant 0.00130208337 : f32
        %parallel_loop3A_595 = vector.broadcast %parallel_loop3A_594 : f32 to vector<16xf32>
        %parallel_loop3A_596 = arith.mulf %parallel_loop3A_593, %parallel_loop3A_595 : vector<16xf32>
        %parallel_loop3A_597 = tpu.iota {dimensions = array<i32: 0>} : vector<16xi32>
        %parallel_loop3A_598 = arith.constant 8 : i32
        %parallel_loop3A_599 = vector.broadcast %parallel_loop3A_598 : i32 to vector<16xi32>
        %parallel_loop3A_600 = arith.xori %parallel_loop3A_597, %parallel_loop3A_599 : vector<16xi32>
        %parallel_loop3A_601 = vector.shape_cast %parallel_loop3A_600 : vector<16xi32> to vector<16x1xi32>
        %parallel_loop3A_602 = vector.shape_cast %parallel_loop3A_601 : vector<16x1xi32> to vector<16xi32>
        %parallel_loop3A_603 = tpu.dynamic_gather %parallel_loop3A_460[%parallel_loop3A_602] in [0] : vector<16xf32>, vector<16xi32> -> vector<16xf32>
        %parallel_loop3A_604 = arith.addf %parallel_loop3A_460, %parallel_loop3A_603 : vector<16xf32>
        %parallel_loop3A_605 = arith.constant 4 : i32
        %parallel_loop3A_606 = vector.broadcast %parallel_loop3A_605 : i32 to vector<16xi32>
        %parallel_loop3A_607 = arith.xori %parallel_loop3A_597, %parallel_loop3A_606 : vector<16xi32>
        %parallel_loop3A_608 = vector.shape_cast %parallel_loop3A_607 : vector<16xi32> to vector<16x1xi32>
        %parallel_loop3A_609 = vector.shape_cast %parallel_loop3A_608 : vector<16x1xi32> to vector<16xi32>
        %parallel_loop3A_610 = tpu.dynamic_gather %parallel_loop3A_604[%parallel_loop3A_609] in [0] : vector<16xf32>, vector<16xi32> -> vector<16xf32>
        %parallel_loop3A_611 = arith.addf %parallel_loop3A_604, %parallel_loop3A_610 : vector<16xf32>
        %parallel_loop3A_612 = arith.constant 2 : i32
        %parallel_loop3A_613 = vector.broadcast %parallel_loop3A_612 : i32 to vector<16xi32>
        %parallel_loop3A_614 = arith.xori %parallel_loop3A_597, %parallel_loop3A_613 : vector<16xi32>
        %parallel_loop3A_615 = vector.shape_cast %parallel_loop3A_614 : vector<16xi32> to vector<16x1xi32>
        %parallel_loop3A_616 = vector.shape_cast %parallel_loop3A_615 : vector<16x1xi32> to vector<16xi32>
        %parallel_loop3A_617 = tpu.dynamic_gather %parallel_loop3A_611[%parallel_loop3A_616] in [0] : vector<16xf32>, vector<16xi32> -> vector<16xf32>
        %parallel_loop3A_618 = arith.addf %parallel_loop3A_611, %parallel_loop3A_617 : vector<16xf32>
        %parallel_loop3A_619 = arith.constant 1 : i32
        %parallel_loop3A_620 = vector.broadcast %parallel_loop3A_619 : i32 to vector<16xi32>
        %parallel_loop3A_621 = arith.xori %parallel_loop3A_597, %parallel_loop3A_620 : vector<16xi32>
        %parallel_loop3A_622 = vector.shape_cast %parallel_loop3A_621 : vector<16xi32> to vector<16x1xi32>
        %parallel_loop3A_623 = vector.shape_cast %parallel_loop3A_622 : vector<16x1xi32> to vector<16xi32>
        %parallel_loop3A_624 = tpu.dynamic_gather %parallel_loop3A_618[%parallel_loop3A_623] in [0] : vector<16xf32>, vector<16xi32> -> vector<16xf32>
        %parallel_loop3A_625 = arith.addf %parallel_loop3A_618, %parallel_loop3A_624 : vector<16xf32>
        %parallel_loop3A_626 = arith.constant 0.00130208337 : f32
        %parallel_loop3A_627 = vector.broadcast %parallel_loop3A_626 : f32 to vector<16xf32>
        %parallel_loop3A_628 = arith.mulf %parallel_loop3A_625, %parallel_loop3A_627 : vector<16xf32>
        %parallel_loop3A_629 = arith.mulf %parallel_loop3A_596, %parallel_loop3A_596 : vector<16xf32>
        %parallel_loop3A_630 = arith.subf %parallel_loop3A_628, %parallel_loop3A_629 : vector<16xf32>
        %parallel_loop3A_631 = arith.constant 9.99999996E-13 : f32
        %parallel_loop3A_632 = vector.broadcast %parallel_loop3A_631 : f32 to vector<16xf32>
        %parallel_loop3A_633 = arith.addf %parallel_loop3A_630, %parallel_loop3A_632 : vector<16xf32>
        %parallel_loop3A_634 = tpu.bitcast %parallel_loop3A_633 : vector<16xf32> -> vector<16xi32>
        %parallel_loop3A_635 = arith.constant 1597463007 : i32
        %parallel_loop3A_636 = vector.broadcast %parallel_loop3A_635 : i32 to vector<16xi32>
        %parallel_loop3A_637 = arith.constant 1 : i32
        %parallel_loop3A_638 = vector.broadcast %parallel_loop3A_637 : i32 to vector<16xi32>
        %parallel_loop3A_639 = arith.shrui %parallel_loop3A_634, %parallel_loop3A_638 : vector<16xi32>
        %parallel_loop3A_640 = arith.subi %parallel_loop3A_636, %parallel_loop3A_639 : vector<16xi32>
        %parallel_loop3A_641 = tpu.bitcast %parallel_loop3A_640 : vector<16xi32> -> vector<16xf32>
        %parallel_loop3A_642 = arith.constant 5.000000e-01 : f32
        %parallel_loop3A_643 = vector.broadcast %parallel_loop3A_642 : f32 to vector<16xf32>
        %parallel_loop3A_644 = arith.mulf %parallel_loop3A_643, %parallel_loop3A_633 : vector<16xf32>
        %parallel_loop3A_645 = arith.mulf %parallel_loop3A_644, %parallel_loop3A_641 : vector<16xf32>
        %parallel_loop3A_646 = arith.mulf %parallel_loop3A_645, %parallel_loop3A_641 : vector<16xf32>
        %parallel_loop3A_647 = arith.constant 1.500000e+00 : f32
        %parallel_loop3A_648 = vector.broadcast %parallel_loop3A_647 : f32 to vector<16xf32>
        %parallel_loop3A_649 = arith.subf %parallel_loop3A_648, %parallel_loop3A_646 : vector<16xf32>
        %parallel_loop3A_650 = arith.mulf %parallel_loop3A_641, %parallel_loop3A_649 : vector<16xf32>
        %parallel_loop3A_651 = arith.constant 5.000000e-01 : f32
        %parallel_loop3A_652 = vector.broadcast %parallel_loop3A_651 : f32 to vector<16xf32>
        %parallel_loop3A_653 = arith.mulf %parallel_loop3A_652, %parallel_loop3A_633 : vector<16xf32>
        %parallel_loop3A_654 = arith.mulf %parallel_loop3A_653, %parallel_loop3A_650 : vector<16xf32>
        %parallel_loop3A_655 = arith.mulf %parallel_loop3A_654, %parallel_loop3A_650 : vector<16xf32>
        %parallel_loop3A_656 = arith.constant 1.500000e+00 : f32
        %parallel_loop3A_657 = vector.broadcast %parallel_loop3A_656 : f32 to vector<16xf32>
        %parallel_loop3A_658 = arith.subf %parallel_loop3A_657, %parallel_loop3A_655 : vector<16xf32>
        %parallel_loop3A_659 = arith.mulf %parallel_loop3A_650, %parallel_loop3A_658 : vector<16xf32>
        %parallel_loop3A_660 = arith.constant 5.000000e-01 : f32
        %parallel_loop3A_661 = vector.broadcast %parallel_loop3A_660 : f32 to vector<16xf32>
        %parallel_loop3A_662 = arith.mulf %parallel_loop3A_661, %parallel_loop3A_633 : vector<16xf32>
        %parallel_loop3A_663 = arith.mulf %parallel_loop3A_662, %parallel_loop3A_659 : vector<16xf32>
        %parallel_loop3A_664 = arith.mulf %parallel_loop3A_663, %parallel_loop3A_659 : vector<16xf32>
        %parallel_loop3A_665 = arith.constant 1.500000e+00 : f32
        %parallel_loop3A_666 = vector.broadcast %parallel_loop3A_665 : f32 to vector<16xf32>
        %parallel_loop3A_667 = arith.subf %parallel_loop3A_666, %parallel_loop3A_664 : vector<16xf32>
        %parallel_loop3A_668 = arith.mulf %parallel_loop3A_659, %parallel_loop3A_667 : vector<16xf32>
        %parallel_loop3A_669 = arith.constant 4 : i32
        %parallel_loop3A_670 = arith.addi %parallel_loop3A_224, %parallel_loop3A_669 : i32
        %parallel_loop3A_671 = arith.constant 4 : i32
        %parallel_loop3A_672 = arith.addi %parallel_loop3A_224, %parallel_loop3A_671 : i32
        %parallel_loop3A_673 = arith.constant 1 : i32
        %parallel_loop3A_674 = arith.addi %parallel_loop3A_672, %parallel_loop3A_673 : i32
        %parallel_loop3A_675 = arith.constant 0 : i32
        %parallel_loop3A_676 = arith.constant 48 : i32
        %parallel_loop3A_677 = arith.constant 2 : i32
        %parallel_loop3A_678:8 = scf.for %parallel_loop3A_1116 = %parallel_loop3A_675 to %parallel_loop3A_676 step %parallel_loop3A_677 iter_args(%parallel_loop3A_1117 = %broadcast_in_dim3A_131, %parallel_loop3A_1118 = %broadcast_in_dim3A_131, %parallel_loop3A_1119 = %broadcast_in_dim3A_131, %parallel_loop3A_1120 = %broadcast_in_dim3A_131, %parallel_loop3A_1121 = %broadcast_in_dim3A_131, %parallel_loop3A_1122 = %broadcast_in_dim3A_131, %parallel_loop3A_1123 = %broadcast_in_dim3A_131, %parallel_loop3A_1124 = %broadcast_in_dim3A_131) -> (vector<16xf32>, vector<16xf32>, vector<16xf32>, vector<16xf32>, vector<16xf32>, vector<16xf32>, vector<16xf32>, vector<16xf32>)  : i32 {
          %parallel_loop3A_1125 = arith.constant 16 : i32
          %parallel_loop3A_1126 = arith.muli %parallel_loop3A_1116, %parallel_loop3A_1125 : i32
          %parallel_loop3A_1127 = arith.constant 1 : i32
          %parallel_loop3A_1128 = arith.addi %parallel_loop3A_1116, %parallel_loop3A_1127 : i32
          %parallel_loop3A_1129 = arith.constant 16 : i32
          %parallel_loop3A_1130 = arith.muli %parallel_loop3A_1128, %parallel_loop3A_1129 : i32
          %parallel_loop3A_1131 = arith.constant 0 : i32
          %parallel_loop3A_1132 = arith.index_cast %parallel_loop3A_1131 : i32 to index
          %parallel_loop3A_1133 = arith.index_cast %parallel_loop3A_670 : i32 to index
          %parallel_loop3A_1134 = arith.index_cast %parallel_loop3A_1126 : i32 to index
          %parallel_loop3A_1135 = tpu.vector_load %arg10[%parallel_loop3A_1132, %parallel_loop3A_1133, %parallel_loop3A_1134] {strides = array<i32>} : memref<2x16x768xf32, #tpu.memory_space<vmem>>, vector<1x1x16xf32>,
          %parallel_loop3A_1136 = vector.shape_cast %parallel_loop3A_1135 : vector<1x1x16xf32> to vector<16xf32>
          %parallel_loop3A_1137 = arith.constant 0 : i32
          %parallel_loop3A_1138 = arith.index_cast %parallel_loop3A_1137 : i32 to index
          %parallel_loop3A_1139 = arith.index_cast %parallel_loop3A_670 : i32 to index
          %parallel_loop3A_1140 = arith.index_cast %parallel_loop3A_1126 : i32 to index
          %parallel_loop3A_1141 = tpu.vector_load %arg12[%parallel_loop3A_1138, %parallel_loop3A_1139, %parallel_loop3A_1140] {strides = array<i32>} : memref<2x16x768xf32, #tpu.memory_space<vmem>>, vector<1x1x16xf32>,
          %parallel_loop3A_1142 = vector.shape_cast %parallel_loop3A_1141 : vector<1x1x16xf32> to vector<16xf32>
          %parallel_loop3A_1143 = arith.mulf %parallel_loop3A_1136, %parallel_loop3A_1142 : vector<16xf32>
          %parallel_loop3A_1144 = arith.constant 0 : i32
          %parallel_loop3A_1145 = arith.index_cast %parallel_loop3A_1144 : i32 to index
          %parallel_loop3A_1146 = arith.index_cast %parallel_loop3A_670 : i32 to index
          %parallel_loop3A_1147 = arith.index_cast %parallel_loop3A_1126 : i32 to index
          %parallel_loop3A_1148 = tpu.vector_load %arg11[%parallel_loop3A_1145, %parallel_loop3A_1146, %parallel_loop3A_1147] {strides = array<i32>} : memref<2x16x768xf32, #tpu.memory_space<vmem>>, vector<1x1x16xf32>,
          %parallel_loop3A_1149 = vector.shape_cast %parallel_loop3A_1148 : vector<1x1x16xf32> to vector<16xf32>
          %parallel_loop3A_1150 = arith.addf %parallel_loop3A_1143, %parallel_loop3A_1149 : vector<16xf32>
          %parallel_loop3A_1151 = arith.constant 0 : i32
          %parallel_loop3A_1152 = arith.index_cast %parallel_loop3A_1151 : i32 to index
          %parallel_loop3A_1153 = arith.index_cast %parallel_loop3A_670 : i32 to index
          %parallel_loop3A_1154 = arith.index_cast %parallel_loop3A_1130 : i32 to index
          %parallel_loop3A_1155 = tpu.vector_load %arg10[%parallel_loop3A_1152, %parallel_loop3A_1153, %parallel_loop3A_1154] {strides = array<i32>} : memref<2x16x768xf32, #tpu.memory_space<vmem>>, vector<1x1x16xf32>,
          %parallel_loop3A_1156 = vector.shape_cast %parallel_loop3A_1155 : vector<1x1x16xf32> to vector<16xf32>
          %parallel_loop3A_1157 = arith.constant 0 : i32
          %parallel_loop3A_1158 = arith.index_cast %parallel_loop3A_1157 : i32 to index
          %parallel_loop3A_1159 = arith.index_cast %parallel_loop3A_670 : i32 to index
          %parallel_loop3A_1160 = arith.index_cast %parallel_loop3A_1130 : i32 to index
          %parallel_loop3A_1161 = tpu.vector_load %arg12[%parallel_loop3A_1158, %parallel_loop3A_1159, %parallel_loop3A_1160] {strides = array<i32>} : memref<2x16x768xf32, #tpu.memory_space<vmem>>, vector<1x1x16xf32>,
          %parallel_loop3A_1162 = vector.shape_cast %parallel_loop3A_1161 : vector<1x1x16xf32> to vector<16xf32>
          %parallel_loop3A_1163 = arith.mulf %parallel_loop3A_1156, %parallel_loop3A_1162 : vector<16xf32>
          %parallel_loop3A_1164 = arith.constant 0 : i32
          %parallel_loop3A_1165 = arith.index_cast %parallel_loop3A_1164 : i32 to index
          %parallel_loop3A_1166 = arith.index_cast %parallel_loop3A_670 : i32 to index
          %parallel_loop3A_1167 = arith.index_cast %parallel_loop3A_1130 : i32 to index
          %parallel_loop3A_1168 = tpu.vector_load %arg11[%parallel_loop3A_1165, %parallel_loop3A_1166, %parallel_loop3A_1167] {strides = array<i32>} : memref<2x16x768xf32, #tpu.memory_space<vmem>>, vector<1x1x16xf32>,
          %parallel_loop3A_1169 = vector.shape_cast %parallel_loop3A_1168 : vector<1x1x16xf32> to vector<16xf32>
          %parallel_loop3A_1170 = arith.addf %parallel_loop3A_1163, %parallel_loop3A_1169 : vector<16xf32>
          %parallel_loop3A_1171 = arith.constant 0 : i32
          %parallel_loop3A_1172 = arith.index_cast %parallel_loop3A_1171 : i32 to index
          %parallel_loop3A_1173 = arith.index_cast %parallel_loop3A_674 : i32 to index
          %parallel_loop3A_1174 = arith.index_cast %parallel_loop3A_1126 : i32 to index
          %parallel_loop3A_1175 = tpu.vector_load %arg10[%parallel_loop3A_1172, %parallel_loop3A_1173, %parallel_loop3A_1174] {strides = array<i32>} : memref<2x16x768xf32, #tpu.memory_space<vmem>>, vector<1x1x16xf32>,
          %parallel_loop3A_1176 = vector.shape_cast %parallel_loop3A_1175 : vector<1x1x16xf32> to vector<16xf32>
          %parallel_loop3A_1177 = arith.constant 0 : i32
          %parallel_loop3A_1178 = arith.index_cast %parallel_loop3A_1177 : i32 to index
          %parallel_loop3A_1179 = arith.index_cast %parallel_loop3A_674 : i32 to index
          %parallel_loop3A_1180 = arith.index_cast %parallel_loop3A_1126 : i32 to index
          %parallel_loop3A_1181 = tpu.vector_load %arg12[%parallel_loop3A_1178, %parallel_loop3A_1179, %parallel_loop3A_1180] {strides = array<i32>} : memref<2x16x768xf32, #tpu.memory_space<vmem>>, vector<1x1x16xf32>,
          %parallel_loop3A_1182 = vector.shape_cast %parallel_loop3A_1181 : vector<1x1x16xf32> to vector<16xf32>
          %parallel_loop3A_1183 = arith.mulf %parallel_loop3A_1176, %parallel_loop3A_1182 : vector<16xf32>
          %parallel_loop3A_1184 = arith.constant 0 : i32
          %parallel_loop3A_1185 = arith.index_cast %parallel_loop3A_1184 : i32 to index
          %parallel_loop3A_1186 = arith.index_cast %parallel_loop3A_674 : i32 to index
          %parallel_loop3A_1187 = arith.index_cast %parallel_loop3A_1126 : i32 to index
          %parallel_loop3A_1188 = tpu.vector_load %arg11[%parallel_loop3A_1185, %parallel_loop3A_1186, %parallel_loop3A_1187] {strides = array<i32>} : memref<2x16x768xf32, #tpu.memory_space<vmem>>, vector<1x1x16xf32>,
          %parallel_loop3A_1189 = vector.shape_cast %parallel_loop3A_1188 : vector<1x1x16xf32> to vector<16xf32>
          %parallel_loop3A_1190 = arith.addf %parallel_loop3A_1183, %parallel_loop3A_1189 : vector<16xf32>
          %parallel_loop3A_1191 = arith.constant 0 : i32
          %parallel_loop3A_1192 = arith.index_cast %parallel_loop3A_1191 : i32 to index
          %parallel_loop3A_1193 = arith.index_cast %parallel_loop3A_674 : i32 to index
          %parallel_loop3A_1194 = arith.index_cast %parallel_loop3A_1130 : i32 to index
          %parallel_loop3A_1195 = tpu.vector_load %arg10[%parallel_loop3A_1192, %parallel_loop3A_1193, %parallel_loop3A_1194] {strides = array<i32>} : memref<2x16x768xf32, #tpu.memory_space<vmem>>, vector<1x1x16xf32>,
          %parallel_loop3A_1196 = vector.shape_cast %parallel_loop3A_1195 : vector<1x1x16xf32> to vector<16xf32>
          %parallel_loop3A_1197 = arith.constant 0 : i32
          %parallel_loop3A_1198 = arith.index_cast %parallel_loop3A_1197 : i32 to index
          %parallel_loop3A_1199 = arith.index_cast %parallel_loop3A_674 : i32 to index
          %parallel_loop3A_1200 = arith.index_cast %parallel_loop3A_1130 : i32 to index
          %parallel_loop3A_1201 = tpu.vector_load %arg12[%parallel_loop3A_1198, %parallel_loop3A_1199, %parallel_loop3A_1200] {strides = array<i32>} : memref<2x16x768xf32, #tpu.memory_space<vmem>>, vector<1x1x16xf32>,
          %parallel_loop3A_1202 = vector.shape_cast %parallel_loop3A_1201 : vector<1x1x16xf32> to vector<16xf32>
          %parallel_loop3A_1203 = arith.mulf %parallel_loop3A_1196, %parallel_loop3A_1202 : vector<16xf32>
          %parallel_loop3A_1204 = arith.constant 0 : i32
          %parallel_loop3A_1205 = arith.index_cast %parallel_loop3A_1204 : i32 to index
          %parallel_loop3A_1206 = arith.index_cast %parallel_loop3A_674 : i32 to index
          %parallel_loop3A_1207 = arith.index_cast %parallel_loop3A_1130 : i32 to index
          %parallel_loop3A_1208 = tpu.vector_load %arg11[%parallel_loop3A_1205, %parallel_loop3A_1206, %parallel_loop3A_1207] {strides = array<i32>} : memref<2x16x768xf32, #tpu.memory_space<vmem>>, vector<1x1x16xf32>,
          %parallel_loop3A_1209 = vector.shape_cast %parallel_loop3A_1208 : vector<1x1x16xf32> to vector<16xf32>
          %parallel_loop3A_1210 = arith.addf %parallel_loop3A_1203, %parallel_loop3A_1209 : vector<16xf32>
          %parallel_loop3A_1211 = arith.constant 0 : i32
          %parallel_loop3A_1212 = arith.index_cast %parallel_loop3A_1211 : i32 to index
          %parallel_loop3A_1213 = arith.index_cast %parallel_loop3A_670 : i32 to index
          %parallel_loop3A_1214 = arith.index_cast %parallel_loop3A_1126 : i32 to index
          %parallel_loop3A_1215 = tpu.vector_load %arg13[%parallel_loop3A_1212, %parallel_loop3A_1213, %parallel_loop3A_1214] {strides = array<i32>} : memref<2x16x768xf32, #tpu.memory_space<vmem>>, vector<1x1x16xf32>,
          %parallel_loop3A_1216 = vector.shape_cast %parallel_loop3A_1215 : vector<1x1x16xf32> to vector<16xf32>
          %parallel_loop3A_1217 = vector.shape_cast %parallel_loop3A_1150 : vector<16xf32> to vector<1x1x16xf32>
          tpu.vector_store %arg13[%parallel_loop3A_1212, %parallel_loop3A_1213, %parallel_loop3A_1214], %parallel_loop3A_1217 {strides = array<i32>} : memref<2x16x768xf32, #tpu.memory_space<vmem>>, vector<1x1x16xf32>,
          %parallel_loop3A_1218 = arith.constant 0 : i32
          %parallel_loop3A_1219 = arith.index_cast %parallel_loop3A_1218 : i32 to index
          %parallel_loop3A_1220 = arith.index_cast %parallel_loop3A_670 : i32 to index
          %parallel_loop3A_1221 = arith.index_cast %parallel_loop3A_1130 : i32 to index
          %parallel_loop3A_1222 = tpu.vector_load %arg13[%parallel_loop3A_1219, %parallel_loop3A_1220, %parallel_loop3A_1221] {strides = array<i32>} : memref<2x16x768xf32, #tpu.memory_space<vmem>>, vector<1x1x16xf32>,
          %parallel_loop3A_1223 = vector.shape_cast %parallel_loop3A_1222 : vector<1x1x16xf32> to vector<16xf32>
          %parallel_loop3A_1224 = vector.shape_cast %parallel_loop3A_1170 : vector<16xf32> to vector<1x1x16xf32>
          tpu.vector_store %arg13[%parallel_loop3A_1219, %parallel_loop3A_1220, %parallel_loop3A_1221], %parallel_loop3A_1224 {strides = array<i32>} : memref<2x16x768xf32, #tpu.memory_space<vmem>>, vector<1x1x16xf32>,
          %parallel_loop3A_1225 = arith.constant 0 : i32
          %parallel_loop3A_1226 = arith.index_cast %parallel_loop3A_1225 : i32 to index
          %parallel_loop3A_1227 = arith.index_cast %parallel_loop3A_674 : i32 to index
          %parallel_loop3A_1228 = arith.index_cast %parallel_loop3A_1126 : i32 to index
          %parallel_loop3A_1229 = tpu.vector_load %arg13[%parallel_loop3A_1226, %parallel_loop3A_1227, %parallel_loop3A_1228] {strides = array<i32>} : memref<2x16x768xf32, #tpu.memory_space<vmem>>, vector<1x1x16xf32>,
          %parallel_loop3A_1230 = vector.shape_cast %parallel_loop3A_1229 : vector<1x1x16xf32> to vector<16xf32>
          %parallel_loop3A_1231 = vector.shape_cast %parallel_loop3A_1190 : vector<16xf32> to vector<1x1x16xf32>
          tpu.vector_store %arg13[%parallel_loop3A_1226, %parallel_loop3A_1227, %parallel_loop3A_1228], %parallel_loop3A_1231 {strides = array<i32>} : memref<2x16x768xf32, #tpu.memory_space<vmem>>, vector<1x1x16xf32>,
          %parallel_loop3A_1232 = arith.constant 0 : i32
          %parallel_loop3A_1233 = arith.index_cast %parallel_loop3A_1232 : i32 to index
          %parallel_loop3A_1234 = arith.index_cast %parallel_loop3A_674 : i32 to index
          %parallel_loop3A_1235 = arith.index_cast %parallel_loop3A_1130 : i32 to index
          %parallel_loop3A_1236 = tpu.vector_load %arg13[%parallel_loop3A_1233, %parallel_loop3A_1234, %parallel_loop3A_1235] {strides = array<i32>} : memref<2x16x768xf32, #tpu.memory_space<vmem>>, vector<1x1x16xf32>,
          %parallel_loop3A_1237 = vector.shape_cast %parallel_loop3A_1236 : vector<1x1x16xf32> to vector<16xf32>
          %parallel_loop3A_1238 = vector.shape_cast %parallel_loop3A_1210 : vector<16xf32> to vector<1x1x16xf32>
          tpu.vector_store %arg13[%parallel_loop3A_1233, %parallel_loop3A_1234, %parallel_loop3A_1235], %parallel_loop3A_1238 {strides = array<i32>} : memref<2x16x768xf32, #tpu.memory_space<vmem>>, vector<1x1x16xf32>,
          %parallel_loop3A_1239 = arith.addf %parallel_loop3A_1117, %parallel_loop3A_1150 : vector<16xf32>
          %parallel_loop3A_1240 = arith.mulf %parallel_loop3A_1150, %parallel_loop3A_1150 : vector<16xf32>
          %parallel_loop3A_1241 = arith.addf %parallel_loop3A_1118, %parallel_loop3A_1240 : vector<16xf32>
          %parallel_loop3A_1242 = arith.addf %parallel_loop3A_1119, %parallel_loop3A_1170 : vector<16xf32>
          %parallel_loop3A_1243 = arith.mulf %parallel_loop3A_1170, %parallel_loop3A_1170 : vector<16xf32>
          %parallel_loop3A_1244 = arith.addf %parallel_loop3A_1120, %parallel_loop3A_1243 : vector<16xf32>
          %parallel_loop3A_1245 = arith.addf %parallel_loop3A_1121, %parallel_loop3A_1190 : vector<16xf32>
          %parallel_loop3A_1246 = arith.mulf %parallel_loop3A_1190, %parallel_loop3A_1190 : vector<16xf32>
          %parallel_loop3A_1247 = arith.addf %parallel_loop3A_1122, %parallel_loop3A_1246 : vector<16xf32>
          %parallel_loop3A_1248 = arith.addf %parallel_loop3A_1123, %parallel_loop3A_1210 : vector<16xf32>
          %parallel_loop3A_1249 = arith.mulf %parallel_loop3A_1210, %parallel_loop3A_1210 : vector<16xf32>
          %parallel_loop3A_1250 = arith.addf %parallel_loop3A_1124, %parallel_loop3A_1249 : vector<16xf32>
          scf.yield %parallel_loop3A_1239, %parallel_loop3A_1241, %parallel_loop3A_1242, %parallel_loop3A_1244, %parallel_loop3A_1245, %parallel_loop3A_1247, %parallel_loop3A_1248, %parallel_loop3A_1250 : vector<16xf32>, vector<16xf32>, vector<16xf32>, vector<16xf32>, vector<16xf32>, vector<16xf32>, vector<16xf32>, vector<16xf32>
        } {sc.loop_unroll_factor = 2 : i64, sc.parallel_access}
        %parallel_loop3A_679 = arith.addf %parallel_loop3A_678#0, %parallel_loop3A_678#2 : vector<16xf32>
        %parallel_loop3A_680 = arith.addf %parallel_loop3A_678#1, %parallel_loop3A_678#3 : vector<16xf32>
        %parallel_loop3A_681 = arith.addf %parallel_loop3A_678#4, %parallel_loop3A_678#6 : vector<16xf32>
        %parallel_loop3A_682 = arith.addf %parallel_loop3A_678#5, %parallel_loop3A_678#7 : vector<16xf32>
        %parallel_loop3A_683 = tpu.iota {dimensions = array<i32: 0>} : vector<16xi32>
        %parallel_loop3A_684 = arith.constant 8 : i32
        %parallel_loop3A_685 = vector.broadcast %parallel_loop3A_684 : i32 to vector<16xi32>
        %parallel_loop3A_686 = arith.xori %parallel_loop3A_683, %parallel_loop3A_685 : vector<16xi32>
        %parallel_loop3A_687 = vector.shape_cast %parallel_loop3A_686 : vector<16xi32> to vector<16x1xi32>
        %parallel_loop3A_688 = vector.shape_cast %parallel_loop3A_687 : vector<16x1xi32> to vector<16xi32>
        %parallel_loop3A_689 = tpu.dynamic_gather %parallel_loop3A_679[%parallel_loop3A_688] in [0] : vector<16xf32>, vector<16xi32> -> vector<16xf32>
        %parallel_loop3A_690 = arith.addf %parallel_loop3A_679, %parallel_loop3A_689 : vector<16xf32>
        %parallel_loop3A_691 = arith.constant 4 : i32
        %parallel_loop3A_692 = vector.broadcast %parallel_loop3A_691 : i32 to vector<16xi32>
        %parallel_loop3A_693 = arith.xori %parallel_loop3A_683, %parallel_loop3A_692 : vector<16xi32>
        %parallel_loop3A_694 = vector.shape_cast %parallel_loop3A_693 : vector<16xi32> to vector<16x1xi32>
        %parallel_loop3A_695 = vector.shape_cast %parallel_loop3A_694 : vector<16x1xi32> to vector<16xi32>
        %parallel_loop3A_696 = tpu.dynamic_gather %parallel_loop3A_690[%parallel_loop3A_695] in [0] : vector<16xf32>, vector<16xi32> -> vector<16xf32>
        %parallel_loop3A_697 = arith.addf %parallel_loop3A_690, %parallel_loop3A_696 : vector<16xf32>
        %parallel_loop3A_698 = arith.constant 2 : i32
        %parallel_loop3A_699 = vector.broadcast %parallel_loop3A_698 : i32 to vector<16xi32>
        %parallel_loop3A_700 = arith.xori %parallel_loop3A_683, %parallel_loop3A_699 : vector<16xi32>
        %parallel_loop3A_701 = vector.shape_cast %parallel_loop3A_700 : vector<16xi32> to vector<16x1xi32>
        %parallel_loop3A_702 = vector.shape_cast %parallel_loop3A_701 : vector<16x1xi32> to vector<16xi32>
        %parallel_loop3A_703 = tpu.dynamic_gather %parallel_loop3A_697[%parallel_loop3A_702] in [0] : vector<16xf32>, vector<16xi32> -> vector<16xf32>
        %parallel_loop3A_704 = arith.addf %parallel_loop3A_697, %parallel_loop3A_703 : vector<16xf32>
        %parallel_loop3A_705 = arith.constant 1 : i32
        %parallel_loop3A_706 = vector.broadcast %parallel_loop3A_705 : i32 to vector<16xi32>
        %parallel_loop3A_707 = arith.xori %parallel_loop3A_683, %parallel_loop3A_706 : vector<16xi32>
        %parallel_loop3A_708 = vector.shape_cast %parallel_loop3A_707 : vector<16xi32> to vector<16x1xi32>
        %parallel_loop3A_709 = vector.shape_cast %parallel_loop3A_708 : vector<16x1xi32> to vector<16xi32>
        %parallel_loop3A_710 = tpu.dynamic_gather %parallel_loop3A_704[%parallel_loop3A_709] in [0] : vector<16xf32>, vector<16xi32> -> vector<16xf32>
        %parallel_loop3A_711 = arith.addf %parallel_loop3A_704, %parallel_loop3A_710 : vector<16xf32>
        %parallel_loop3A_712 = arith.constant 0.00130208337 : f32
        %parallel_loop3A_713 = vector.broadcast %parallel_loop3A_712 : f32 to vector<16xf32>
        %parallel_loop3A_714 = arith.mulf %parallel_loop3A_711, %parallel_loop3A_713 : vector<16xf32>
        %parallel_loop3A_715 = tpu.iota {dimensions = array<i32: 0>} : vector<16xi32>
        %parallel_loop3A_716 = arith.constant 8 : i32
        %parallel_loop3A_717 = vector.broadcast %parallel_loop3A_716 : i32 to vector<16xi32>
        %parallel_loop3A_718 = arith.xori %parallel_loop3A_715, %parallel_loop3A_717 : vector<16xi32>
        %parallel_loop3A_719 = vector.shape_cast %parallel_loop3A_718 : vector<16xi32> to vector<16x1xi32>
        %parallel_loop3A_720 = vector.shape_cast %parallel_loop3A_719 : vector<16x1xi32> to vector<16xi32>
        %parallel_loop3A_721 = tpu.dynamic_gather %parallel_loop3A_680[%parallel_loop3A_720] in [0] : vector<16xf32>, vector<16xi32> -> vector<16xf32>
        %parallel_loop3A_722 = arith.addf %parallel_loop3A_680, %parallel_loop3A_721 : vector<16xf32>
        %parallel_loop3A_723 = arith.constant 4 : i32
        %parallel_loop3A_724 = vector.broadcast %parallel_loop3A_723 : i32 to vector<16xi32>
        %parallel_loop3A_725 = arith.xori %parallel_loop3A_715, %parallel_loop3A_724 : vector<16xi32>
        %parallel_loop3A_726 = vector.shape_cast %parallel_loop3A_725 : vector<16xi32> to vector<16x1xi32>
        %parallel_loop3A_727 = vector.shape_cast %parallel_loop3A_726 : vector<16x1xi32> to vector<16xi32>
        %parallel_loop3A_728 = tpu.dynamic_gather %parallel_loop3A_722[%parallel_loop3A_727] in [0] : vector<16xf32>, vector<16xi32> -> vector<16xf32>
        %parallel_loop3A_729 = arith.addf %parallel_loop3A_722, %parallel_loop3A_728 : vector<16xf32>
        %parallel_loop3A_730 = arith.constant 2 : i32
        %parallel_loop3A_731 = vector.broadcast %parallel_loop3A_730 : i32 to vector<16xi32>
        %parallel_loop3A_732 = arith.xori %parallel_loop3A_715, %parallel_loop3A_731 : vector<16xi32>
        %parallel_loop3A_733 = vector.shape_cast %parallel_loop3A_732 : vector<16xi32> to vector<16x1xi32>
        %parallel_loop3A_734 = vector.shape_cast %parallel_loop3A_733 : vector<16x1xi32> to vector<16xi32>
        %parallel_loop3A_735 = tpu.dynamic_gather %parallel_loop3A_729[%parallel_loop3A_734] in [0] : vector<16xf32>, vector<16xi32> -> vector<16xf32>
        %parallel_loop3A_736 = arith.addf %parallel_loop3A_729, %parallel_loop3A_735 : vector<16xf32>
        %parallel_loop3A_737 = arith.constant 1 : i32
        %parallel_loop3A_738 = vector.broadcast %parallel_loop3A_737 : i32 to vector<16xi32>
        %parallel_loop3A_739 = arith.xori %parallel_loop3A_715, %parallel_loop3A_738 : vector<16xi32>
        %parallel_loop3A_740 = vector.shape_cast %parallel_loop3A_739 : vector<16xi32> to vector<16x1xi32>
        %parallel_loop3A_741 = vector.shape_cast %parallel_loop3A_740 : vector<16x1xi32> to vector<16xi32>
        %parallel_loop3A_742 = tpu.dynamic_gather %parallel_loop3A_736[%parallel_loop3A_741] in [0] : vector<16xf32>, vector<16xi32> -> vector<16xf32>
        %parallel_loop3A_743 = arith.addf %parallel_loop3A_736, %parallel_loop3A_742 : vector<16xf32>
        %parallel_loop3A_744 = arith.constant 0.00130208337 : f32
        %parallel_loop3A_745 = vector.broadcast %parallel_loop3A_744 : f32 to vector<16xf32>
        %parallel_loop3A_746 = arith.mulf %parallel_loop3A_743, %parallel_loop3A_745 : vector<16xf32>
        %parallel_loop3A_747 = arith.mulf %parallel_loop3A_714, %parallel_loop3A_714 : vector<16xf32>
        %parallel_loop3A_748 = arith.subf %parallel_loop3A_746, %parallel_loop3A_747 : vector<16xf32>
        %parallel_loop3A_749 = arith.constant 9.99999996E-13 : f32
        %parallel_loop3A_750 = vector.broadcast %parallel_loop3A_749 : f32 to vector<16xf32>
        %parallel_loop3A_751 = arith.addf %parallel_loop3A_748, %parallel_loop3A_750 : vector<16xf32>
        %parallel_loop3A_752 = tpu.bitcast %parallel_loop3A_751 : vector<16xf32> -> vector<16xi32>
        %parallel_loop3A_753 = arith.constant 1597463007 : i32
        %parallel_loop3A_754 = vector.broadcast %parallel_loop3A_753 : i32 to vector<16xi32>
        %parallel_loop3A_755 = arith.constant 1 : i32
        %parallel_loop3A_756 = vector.broadcast %parallel_loop3A_755 : i32 to vector<16xi32>
        %parallel_loop3A_757 = arith.shrui %parallel_loop3A_752, %parallel_loop3A_756 : vector<16xi32>
        %parallel_loop3A_758 = arith.subi %parallel_loop3A_754, %parallel_loop3A_757 : vector<16xi32>
        %parallel_loop3A_759 = tpu.bitcast %parallel_loop3A_758 : vector<16xi32> -> vector<16xf32>
        %parallel_loop3A_760 = arith.constant 5.000000e-01 : f32
        %parallel_loop3A_761 = vector.broadcast %parallel_loop3A_760 : f32 to vector<16xf32>
        %parallel_loop3A_762 = arith.mulf %parallel_loop3A_761, %parallel_loop3A_751 : vector<16xf32>
        %parallel_loop3A_763 = arith.mulf %parallel_loop3A_762, %parallel_loop3A_759 : vector<16xf32>
        %parallel_loop3A_764 = arith.mulf %parallel_loop3A_763, %parallel_loop3A_759 : vector<16xf32>
        %parallel_loop3A_765 = arith.constant 1.500000e+00 : f32
        %parallel_loop3A_766 = vector.broadcast %parallel_loop3A_765 : f32 to vector<16xf32>
        %parallel_loop3A_767 = arith.subf %parallel_loop3A_766, %parallel_loop3A_764 : vector<16xf32>
        %parallel_loop3A_768 = arith.mulf %parallel_loop3A_759, %parallel_loop3A_767 : vector<16xf32>
        %parallel_loop3A_769 = arith.constant 5.000000e-01 : f32
        %parallel_loop3A_770 = vector.broadcast %parallel_loop3A_769 : f32 to vector<16xf32>
        %parallel_loop3A_771 = arith.mulf %parallel_loop3A_770, %parallel_loop3A_751 : vector<16xf32>
        %parallel_loop3A_772 = arith.mulf %parallel_loop3A_771, %parallel_loop3A_768 : vector<16xf32>
        %parallel_loop3A_773 = arith.mulf %parallel_loop3A_772, %parallel_loop3A_768 : vector<16xf32>
        %parallel_loop3A_774 = arith.constant 1.500000e+00 : f32
        %parallel_loop3A_775 = vector.broadcast %parallel_loop3A_774 : f32 to vector<16xf32>
        %parallel_loop3A_776 = arith.subf %parallel_loop3A_775, %parallel_loop3A_773 : vector<16xf32>
        %parallel_loop3A_777 = arith.mulf %parallel_loop3A_768, %parallel_loop3A_776 : vector<16xf32>
        %parallel_loop3A_778 = arith.constant 5.000000e-01 : f32
        %parallel_loop3A_779 = vector.broadcast %parallel_loop3A_778 : f32 to vector<16xf32>
        %parallel_loop3A_780 = arith.mulf %parallel_loop3A_779, %parallel_loop3A_751 : vector<16xf32>
        %parallel_loop3A_781 = arith.mulf %parallel_loop3A_780, %parallel_loop3A_777 : vector<16xf32>
        %parallel_loop3A_782 = arith.mulf %parallel_loop3A_781, %parallel_loop3A_777 : vector<16xf32>
        %parallel_loop3A_783 = arith.constant 1.500000e+00 : f32
        %parallel_loop3A_784 = vector.broadcast %parallel_loop3A_783 : f32 to vector<16xf32>
        %parallel_loop3A_785 = arith.subf %parallel_loop3A_784, %parallel_loop3A_782 : vector<16xf32>
        %parallel_loop3A_786 = arith.mulf %parallel_loop3A_777, %parallel_loop3A_785 : vector<16xf32>
        %parallel_loop3A_787 = tpu.iota {dimensions = array<i32: 0>} : vector<16xi32>
        %parallel_loop3A_788 = arith.constant 8 : i32
        %parallel_loop3A_789 = vector.broadcast %parallel_loop3A_788 : i32 to vector<16xi32>
        %parallel_loop3A_790 = arith.xori %parallel_loop3A_787, %parallel_loop3A_789 : vector<16xi32>
        %parallel_loop3A_791 = vector.shape_cast %parallel_loop3A_790 : vector<16xi32> to vector<16x1xi32>
        %parallel_loop3A_792 = vector.shape_cast %parallel_loop3A_791 : vector<16x1xi32> to vector<16xi32>
        %parallel_loop3A_793 = tpu.dynamic_gather %parallel_loop3A_681[%parallel_loop3A_792] in [0] : vector<16xf32>, vector<16xi32> -> vector<16xf32>
        %parallel_loop3A_794 = arith.addf %parallel_loop3A_681, %parallel_loop3A_793 : vector<16xf32>
        %parallel_loop3A_795 = arith.constant 4 : i32
        %parallel_loop3A_796 = vector.broadcast %parallel_loop3A_795 : i32 to vector<16xi32>
        %parallel_loop3A_797 = arith.xori %parallel_loop3A_787, %parallel_loop3A_796 : vector<16xi32>
        %parallel_loop3A_798 = vector.shape_cast %parallel_loop3A_797 : vector<16xi32> to vector<16x1xi32>
        %parallel_loop3A_799 = vector.shape_cast %parallel_loop3A_798 : vector<16x1xi32> to vector<16xi32>
        %parallel_loop3A_800 = tpu.dynamic_gather %parallel_loop3A_794[%parallel_loop3A_799] in [0] : vector<16xf32>, vector<16xi32> -> vector<16xf32>
        %parallel_loop3A_801 = arith.addf %parallel_loop3A_794, %parallel_loop3A_800 : vector<16xf32>
        %parallel_loop3A_802 = arith.constant 2 : i32
        %parallel_loop3A_803 = vector.broadcast %parallel_loop3A_802 : i32 to vector<16xi32>
        %parallel_loop3A_804 = arith.xori %parallel_loop3A_787, %parallel_loop3A_803 : vector<16xi32>
        %parallel_loop3A_805 = vector.shape_cast %parallel_loop3A_804 : vector<16xi32> to vector<16x1xi32>
        %parallel_loop3A_806 = vector.shape_cast %parallel_loop3A_805 : vector<16x1xi32> to vector<16xi32>
        %parallel_loop3A_807 = tpu.dynamic_gather %parallel_loop3A_801[%parallel_loop3A_806] in [0] : vector<16xf32>, vector<16xi32> -> vector<16xf32>
        %parallel_loop3A_808 = arith.addf %parallel_loop3A_801, %parallel_loop3A_807 : vector<16xf32>
        %parallel_loop3A_809 = arith.constant 1 : i32
        %parallel_loop3A_810 = vector.broadcast %parallel_loop3A_809 : i32 to vector<16xi32>
        %parallel_loop3A_811 = arith.xori %parallel_loop3A_787, %parallel_loop3A_810 : vector<16xi32>
        %parallel_loop3A_812 = vector.shape_cast %parallel_loop3A_811 : vector<16xi32> to vector<16x1xi32>
        %parallel_loop3A_813 = vector.shape_cast %parallel_loop3A_812 : vector<16x1xi32> to vector<16xi32>
        %parallel_loop3A_814 = tpu.dynamic_gather %parallel_loop3A_808[%parallel_loop3A_813] in [0] : vector<16xf32>, vector<16xi32> -> vector<16xf32>
        %parallel_loop3A_815 = arith.addf %parallel_loop3A_808, %parallel_loop3A_814 : vector<16xf32>
        %parallel_loop3A_816 = arith.constant 0.00130208337 : f32
        %parallel_loop3A_817 = vector.broadcast %parallel_loop3A_816 : f32 to vector<16xf32>
        %parallel_loop3A_818 = arith.mulf %parallel_loop3A_815, %parallel_loop3A_817 : vector<16xf32>
        %parallel_loop3A_819 = tpu.iota {dimensions = array<i32: 0>} : vector<16xi32>
        %parallel_loop3A_820 = arith.constant 8 : i32
        %parallel_loop3A_821 = vector.broadcast %parallel_loop3A_820 : i32 to vector<16xi32>
        %parallel_loop3A_822 = arith.xori %parallel_loop3A_819, %parallel_loop3A_821 : vector<16xi32>
        %parallel_loop3A_823 = vector.shape_cast %parallel_loop3A_822 : vector<16xi32> to vector<16x1xi32>
        %parallel_loop3A_824 = vector.shape_cast %parallel_loop3A_823 : vector<16x1xi32> to vector<16xi32>
        %parallel_loop3A_825 = tpu.dynamic_gather %parallel_loop3A_682[%parallel_loop3A_824] in [0] : vector<16xf32>, vector<16xi32> -> vector<16xf32>
        %parallel_loop3A_826 = arith.addf %parallel_loop3A_682, %parallel_loop3A_825 : vector<16xf32>
        %parallel_loop3A_827 = arith.constant 4 : i32
        %parallel_loop3A_828 = vector.broadcast %parallel_loop3A_827 : i32 to vector<16xi32>
        %parallel_loop3A_829 = arith.xori %parallel_loop3A_819, %parallel_loop3A_828 : vector<16xi32>
        %parallel_loop3A_830 = vector.shape_cast %parallel_loop3A_829 : vector<16xi32> to vector<16x1xi32>
        %parallel_loop3A_831 = vector.shape_cast %parallel_loop3A_830 : vector<16x1xi32> to vector<16xi32>
        %parallel_loop3A_832 = tpu.dynamic_gather %parallel_loop3A_826[%parallel_loop3A_831] in [0] : vector<16xf32>, vector<16xi32> -> vector<16xf32>
        %parallel_loop3A_833 = arith.addf %parallel_loop3A_826, %parallel_loop3A_832 : vector<16xf32>
        %parallel_loop3A_834 = arith.constant 2 : i32
        %parallel_loop3A_835 = vector.broadcast %parallel_loop3A_834 : i32 to vector<16xi32>
        %parallel_loop3A_836 = arith.xori %parallel_loop3A_819, %parallel_loop3A_835 : vector<16xi32>
        %parallel_loop3A_837 = vector.shape_cast %parallel_loop3A_836 : vector<16xi32> to vector<16x1xi32>
        %parallel_loop3A_838 = vector.shape_cast %parallel_loop3A_837 : vector<16x1xi32> to vector<16xi32>
        %parallel_loop3A_839 = tpu.dynamic_gather %parallel_loop3A_833[%parallel_loop3A_838] in [0] : vector<16xf32>, vector<16xi32> -> vector<16xf32>
        %parallel_loop3A_840 = arith.addf %parallel_loop3A_833, %parallel_loop3A_839 : vector<16xf32>
        %parallel_loop3A_841 = arith.constant 1 : i32
        %parallel_loop3A_842 = vector.broadcast %parallel_loop3A_841 : i32 to vector<16xi32>
        %parallel_loop3A_843 = arith.xori %parallel_loop3A_819, %parallel_loop3A_842 : vector<16xi32>
        %parallel_loop3A_844 = vector.shape_cast %parallel_loop3A_843 : vector<16xi32> to vector<16x1xi32>
        %parallel_loop3A_845 = vector.shape_cast %parallel_loop3A_844 : vector<16x1xi32> to vector<16xi32>
        %parallel_loop3A_846 = tpu.dynamic_gather %parallel_loop3A_840[%parallel_loop3A_845] in [0] : vector<16xf32>, vector<16xi32> -> vector<16xf32>
        %parallel_loop3A_847 = arith.addf %parallel_loop3A_840, %parallel_loop3A_846 : vector<16xf32>
        %parallel_loop3A_848 = arith.constant 0.00130208337 : f32
        %parallel_loop3A_849 = vector.broadcast %parallel_loop3A_848 : f32 to vector<16xf32>
        %parallel_loop3A_850 = arith.mulf %parallel_loop3A_847, %parallel_loop3A_849 : vector<16xf32>
        %parallel_loop3A_851 = arith.mulf %parallel_loop3A_818, %parallel_loop3A_818 : vector<16xf32>
        %parallel_loop3A_852 = arith.subf %parallel_loop3A_850, %parallel_loop3A_851 : vector<16xf32>
        %parallel_loop3A_853 = arith.constant 9.99999996E-13 : f32
        %parallel_loop3A_854 = vector.broadcast %parallel_loop3A_853 : f32 to vector<16xf32>
        %parallel_loop3A_855 = arith.addf %parallel_loop3A_852, %parallel_loop3A_854 : vector<16xf32>
        %parallel_loop3A_856 = tpu.bitcast %parallel_loop3A_855 : vector<16xf32> -> vector<16xi32>
        %parallel_loop3A_857 = arith.constant 1597463007 : i32
        %parallel_loop3A_858 = vector.broadcast %parallel_loop3A_857 : i32 to vector<16xi32>
        %parallel_loop3A_859 = arith.constant 1 : i32
        %parallel_loop3A_860 = vector.broadcast %parallel_loop3A_859 : i32 to vector<16xi32>
        %parallel_loop3A_861 = arith.shrui %parallel_loop3A_856, %parallel_loop3A_860 : vector<16xi32>
        %parallel_loop3A_862 = arith.subi %parallel_loop3A_858, %parallel_loop3A_861 : vector<16xi32>
        %parallel_loop3A_863 = tpu.bitcast %parallel_loop3A_862 : vector<16xi32> -> vector<16xf32>
        %parallel_loop3A_864 = arith.constant 5.000000e-01 : f32
        %parallel_loop3A_865 = vector.broadcast %parallel_loop3A_864 : f32 to vector<16xf32>
        %parallel_loop3A_866 = arith.mulf %parallel_loop3A_865, %parallel_loop3A_855 : vector<16xf32>
        %parallel_loop3A_867 = arith.mulf %parallel_loop3A_866, %parallel_loop3A_863 : vector<16xf32>
        %parallel_loop3A_868 = arith.mulf %parallel_loop3A_867, %parallel_loop3A_863 : vector<16xf32>
        %parallel_loop3A_869 = arith.constant 1.500000e+00 : f32
        %parallel_loop3A_870 = vector.broadcast %parallel_loop3A_869 : f32 to vector<16xf32>
        %parallel_loop3A_871 = arith.subf %parallel_loop3A_870, %parallel_loop3A_868 : vector<16xf32>
        %parallel_loop3A_872 = arith.mulf %parallel_loop3A_863, %parallel_loop3A_871 : vector<16xf32>
        %parallel_loop3A_873 = arith.constant 5.000000e-01 : f32
        %parallel_loop3A_874 = vector.broadcast %parallel_loop3A_873 : f32 to vector<16xf32>
        %parallel_loop3A_875 = arith.mulf %parallel_loop3A_874, %parallel_loop3A_855 : vector<16xf32>
        %parallel_loop3A_876 = arith.mulf %parallel_loop3A_875, %parallel_loop3A_872 : vector<16xf32>
        %parallel_loop3A_877 = arith.mulf %parallel_loop3A_876, %parallel_loop3A_872 : vector<16xf32>
        %parallel_loop3A_878 = arith.constant 1.500000e+00 : f32
        %parallel_loop3A_879 = vector.broadcast %parallel_loop3A_878 : f32 to vector<16xf32>
        %parallel_loop3A_880 = arith.subf %parallel_loop3A_879, %parallel_loop3A_877 : vector<16xf32>
        %parallel_loop3A_881 = arith.mulf %parallel_loop3A_872, %parallel_loop3A_880 : vector<16xf32>
        %parallel_loop3A_882 = arith.constant 5.000000e-01 : f32
        %parallel_loop3A_883 = vector.broadcast %parallel_loop3A_882 : f32 to vector<16xf32>
        %parallel_loop3A_884 = arith.mulf %parallel_loop3A_883, %parallel_loop3A_855 : vector<16xf32>
        %parallel_loop3A_885 = arith.mulf %parallel_loop3A_884, %parallel_loop3A_881 : vector<16xf32>
        %parallel_loop3A_886 = arith.mulf %parallel_loop3A_885, %parallel_loop3A_881 : vector<16xf32>
        %parallel_loop3A_887 = arith.constant 1.500000e+00 : f32
        %parallel_loop3A_888 = vector.broadcast %parallel_loop3A_887 : f32 to vector<16xf32>
        %parallel_loop3A_889 = arith.subf %parallel_loop3A_888, %parallel_loop3A_886 : vector<16xf32>
        %parallel_loop3A_890 = arith.mulf %parallel_loop3A_881, %parallel_loop3A_889 : vector<16xf32>
        %parallel_loop3A_891 = arith.constant 6 : i32
        %parallel_loop3A_892 = arith.addi %parallel_loop3A_224, %parallel_loop3A_891 : i32
        %parallel_loop3A_893 = arith.constant 6 : i32
        %parallel_loop3A_894 = arith.addi %parallel_loop3A_224, %parallel_loop3A_893 : i32
        %parallel_loop3A_895 = arith.constant 1 : i32
        %parallel_loop3A_896 = arith.addi %parallel_loop3A_894, %parallel_loop3A_895 : i32
        %parallel_loop3A_897 = arith.constant 0 : i32
        %parallel_loop3A_898 = arith.constant 48 : i32
        %parallel_loop3A_899 = arith.constant 2 : i32
        %parallel_loop3A_900:8 = scf.for %parallel_loop3A_1116 = %parallel_loop3A_897 to %parallel_loop3A_898 step %parallel_loop3A_899 iter_args(%parallel_loop3A_1117 = %broadcast_in_dim3A_131, %parallel_loop3A_1118 = %broadcast_in_dim3A_131, %parallel_loop3A_1119 = %broadcast_in_dim3A_131, %parallel_loop3A_1120 = %broadcast_in_dim3A_131, %parallel_loop3A_1121 = %broadcast_in_dim3A_131, %parallel_loop3A_1122 = %broadcast_in_dim3A_131, %parallel_loop3A_1123 = %broadcast_in_dim3A_131, %parallel_loop3A_1124 = %broadcast_in_dim3A_131) -> (vector<16xf32>, vector<16xf32>, vector<16xf32>, vector<16xf32>, vector<16xf32>, vector<16xf32>, vector<16xf32>, vector<16xf32>)  : i32 {
          %parallel_loop3A_1125 = arith.constant 16 : i32
          %parallel_loop3A_1126 = arith.muli %parallel_loop3A_1116, %parallel_loop3A_1125 : i32
          %parallel_loop3A_1127 = arith.constant 1 : i32
          %parallel_loop3A_1128 = arith.addi %parallel_loop3A_1116, %parallel_loop3A_1127 : i32
          %parallel_loop3A_1129 = arith.constant 16 : i32
          %parallel_loop3A_1130 = arith.muli %parallel_loop3A_1128, %parallel_loop3A_1129 : i32
          %parallel_loop3A_1131 = arith.constant 0 : i32
          %parallel_loop3A_1132 = arith.index_cast %parallel_loop3A_1131 : i32 to index
          %parallel_loop3A_1133 = arith.index_cast %parallel_loop3A_892 : i32 to index
          %parallel_loop3A_1134 = arith.index_cast %parallel_loop3A_1126 : i32 to index
          %parallel_loop3A_1135 = tpu.vector_load %arg10[%parallel_loop3A_1132, %parallel_loop3A_1133, %parallel_loop3A_1134] {strides = array<i32>} : memref<2x16x768xf32, #tpu.memory_space<vmem>>, vector<1x1x16xf32>,
          %parallel_loop3A_1136 = vector.shape_cast %parallel_loop3A_1135 : vector<1x1x16xf32> to vector<16xf32>
          %parallel_loop3A_1137 = arith.constant 0 : i32
          %parallel_loop3A_1138 = arith.index_cast %parallel_loop3A_1137 : i32 to index
          %parallel_loop3A_1139 = arith.index_cast %parallel_loop3A_892 : i32 to index
          %parallel_loop3A_1140 = arith.index_cast %parallel_loop3A_1126 : i32 to index
          %parallel_loop3A_1141 = tpu.vector_load %arg12[%parallel_loop3A_1138, %parallel_loop3A_1139, %parallel_loop3A_1140] {strides = array<i32>} : memref<2x16x768xf32, #tpu.memory_space<vmem>>, vector<1x1x16xf32>,
          %parallel_loop3A_1142 = vector.shape_cast %parallel_loop3A_1141 : vector<1x1x16xf32> to vector<16xf32>
          %parallel_loop3A_1143 = arith.mulf %parallel_loop3A_1136, %parallel_loop3A_1142 : vector<16xf32>
          %parallel_loop3A_1144 = arith.constant 0 : i32
          %parallel_loop3A_1145 = arith.index_cast %parallel_loop3A_1144 : i32 to index
          %parallel_loop3A_1146 = arith.index_cast %parallel_loop3A_892 : i32 to index
          %parallel_loop3A_1147 = arith.index_cast %parallel_loop3A_1126 : i32 to index
          %parallel_loop3A_1148 = tpu.vector_load %arg11[%parallel_loop3A_1145, %parallel_loop3A_1146, %parallel_loop3A_1147] {strides = array<i32>} : memref<2x16x768xf32, #tpu.memory_space<vmem>>, vector<1x1x16xf32>,
          %parallel_loop3A_1149 = vector.shape_cast %parallel_loop3A_1148 : vector<1x1x16xf32> to vector<16xf32>
          %parallel_loop3A_1150 = arith.addf %parallel_loop3A_1143, %parallel_loop3A_1149 : vector<16xf32>
          %parallel_loop3A_1151 = arith.constant 0 : i32
          %parallel_loop3A_1152 = arith.index_cast %parallel_loop3A_1151 : i32 to index
          %parallel_loop3A_1153 = arith.index_cast %parallel_loop3A_892 : i32 to index
          %parallel_loop3A_1154 = arith.index_cast %parallel_loop3A_1130 : i32 to index
          %parallel_loop3A_1155 = tpu.vector_load %arg10[%parallel_loop3A_1152, %parallel_loop3A_1153, %parallel_loop3A_1154] {strides = array<i32>} : memref<2x16x768xf32, #tpu.memory_space<vmem>>, vector<1x1x16xf32>,
          %parallel_loop3A_1156 = vector.shape_cast %parallel_loop3A_1155 : vector<1x1x16xf32> to vector<16xf32>
          %parallel_loop3A_1157 = arith.constant 0 : i32
          %parallel_loop3A_1158 = arith.index_cast %parallel_loop3A_1157 : i32 to index
          %parallel_loop3A_1159 = arith.index_cast %parallel_loop3A_892 : i32 to index
          %parallel_loop3A_1160 = arith.index_cast %parallel_loop3A_1130 : i32 to index
          %parallel_loop3A_1161 = tpu.vector_load %arg12[%parallel_loop3A_1158, %parallel_loop3A_1159, %parallel_loop3A_1160] {strides = array<i32>} : memref<2x16x768xf32, #tpu.memory_space<vmem>>, vector<1x1x16xf32>,
          %parallel_loop3A_1162 = vector.shape_cast %parallel_loop3A_1161 : vector<1x1x16xf32> to vector<16xf32>
          %parallel_loop3A_1163 = arith.mulf %parallel_loop3A_1156, %parallel_loop3A_1162 : vector<16xf32>
          %parallel_loop3A_1164 = arith.constant 0 : i32
          %parallel_loop3A_1165 = arith.index_cast %parallel_loop3A_1164 : i32 to index
          %parallel_loop3A_1166 = arith.index_cast %parallel_loop3A_892 : i32 to index
          %parallel_loop3A_1167 = arith.index_cast %parallel_loop3A_1130 : i32 to index
          %parallel_loop3A_1168 = tpu.vector_load %arg11[%parallel_loop3A_1165, %parallel_loop3A_1166, %parallel_loop3A_1167] {strides = array<i32>} : memref<2x16x768xf32, #tpu.memory_space<vmem>>, vector<1x1x16xf32>,
          %parallel_loop3A_1169 = vector.shape_cast %parallel_loop3A_1168 : vector<1x1x16xf32> to vector<16xf32>
          %parallel_loop3A_1170 = arith.addf %parallel_loop3A_1163, %parallel_loop3A_1169 : vector<16xf32>
          %parallel_loop3A_1171 = arith.constant 0 : i32
          %parallel_loop3A_1172 = arith.index_cast %parallel_loop3A_1171 : i32 to index
          %parallel_loop3A_1173 = arith.index_cast %parallel_loop3A_896 : i32 to index
          %parallel_loop3A_1174 = arith.index_cast %parallel_loop3A_1126 : i32 to index
          %parallel_loop3A_1175 = tpu.vector_load %arg10[%parallel_loop3A_1172, %parallel_loop3A_1173, %parallel_loop3A_1174] {strides = array<i32>} : memref<2x16x768xf32, #tpu.memory_space<vmem>>, vector<1x1x16xf32>,
          %parallel_loop3A_1176 = vector.shape_cast %parallel_loop3A_1175 : vector<1x1x16xf32> to vector<16xf32>
          %parallel_loop3A_1177 = arith.constant 0 : i32
          %parallel_loop3A_1178 = arith.index_cast %parallel_loop3A_1177 : i32 to index
          %parallel_loop3A_1179 = arith.index_cast %parallel_loop3A_896 : i32 to index
          %parallel_loop3A_1180 = arith.index_cast %parallel_loop3A_1126 : i32 to index
          %parallel_loop3A_1181 = tpu.vector_load %arg12[%parallel_loop3A_1178, %parallel_loop3A_1179, %parallel_loop3A_1180] {strides = array<i32>} : memref<2x16x768xf32, #tpu.memory_space<vmem>>, vector<1x1x16xf32>,
          %parallel_loop3A_1182 = vector.shape_cast %parallel_loop3A_1181 : vector<1x1x16xf32> to vector<16xf32>
          %parallel_loop3A_1183 = arith.mulf %parallel_loop3A_1176, %parallel_loop3A_1182 : vector<16xf32>
          %parallel_loop3A_1184 = arith.constant 0 : i32
          %parallel_loop3A_1185 = arith.index_cast %parallel_loop3A_1184 : i32 to index
          %parallel_loop3A_1186 = arith.index_cast %parallel_loop3A_896 : i32 to index
          %parallel_loop3A_1187 = arith.index_cast %parallel_loop3A_1126 : i32 to index
          %parallel_loop3A_1188 = tpu.vector_load %arg11[%parallel_loop3A_1185, %parallel_loop3A_1186, %parallel_loop3A_1187] {strides = array<i32>} : memref<2x16x768xf32, #tpu.memory_space<vmem>>, vector<1x1x16xf32>,
          %parallel_loop3A_1189 = vector.shape_cast %parallel_loop3A_1188 : vector<1x1x16xf32> to vector<16xf32>
          %parallel_loop3A_1190 = arith.addf %parallel_loop3A_1183, %parallel_loop3A_1189 : vector<16xf32>
          %parallel_loop3A_1191 = arith.constant 0 : i32
          %parallel_loop3A_1192 = arith.index_cast %parallel_loop3A_1191 : i32 to index
          %parallel_loop3A_1193 = arith.index_cast %parallel_loop3A_896 : i32 to index
          %parallel_loop3A_1194 = arith.index_cast %parallel_loop3A_1130 : i32 to index
          %parallel_loop3A_1195 = tpu.vector_load %arg10[%parallel_loop3A_1192, %parallel_loop3A_1193, %parallel_loop3A_1194] {strides = array<i32>} : memref<2x16x768xf32, #tpu.memory_space<vmem>>, vector<1x1x16xf32>,
          %parallel_loop3A_1196 = vector.shape_cast %parallel_loop3A_1195 : vector<1x1x16xf32> to vector<16xf32>
          %parallel_loop3A_1197 = arith.constant 0 : i32
          %parallel_loop3A_1198 = arith.index_cast %parallel_loop3A_1197 : i32 to index
          %parallel_loop3A_1199 = arith.index_cast %parallel_loop3A_896 : i32 to index
          %parallel_loop3A_1200 = arith.index_cast %parallel_loop3A_1130 : i32 to index
          %parallel_loop3A_1201 = tpu.vector_load %arg12[%parallel_loop3A_1198, %parallel_loop3A_1199, %parallel_loop3A_1200] {strides = array<i32>} : memref<2x16x768xf32, #tpu.memory_space<vmem>>, vector<1x1x16xf32>,
          %parallel_loop3A_1202 = vector.shape_cast %parallel_loop3A_1201 : vector<1x1x16xf32> to vector<16xf32>
          %parallel_loop3A_1203 = arith.mulf %parallel_loop3A_1196, %parallel_loop3A_1202 : vector<16xf32>
          %parallel_loop3A_1204 = arith.constant 0 : i32
          %parallel_loop3A_1205 = arith.index_cast %parallel_loop3A_1204 : i32 to index
          %parallel_loop3A_1206 = arith.index_cast %parallel_loop3A_896 : i32 to index
          %parallel_loop3A_1207 = arith.index_cast %parallel_loop3A_1130 : i32 to index
          %parallel_loop3A_1208 = tpu.vector_load %arg11[%parallel_loop3A_1205, %parallel_loop3A_1206, %parallel_loop3A_1207] {strides = array<i32>} : memref<2x16x768xf32, #tpu.memory_space<vmem>>, vector<1x1x16xf32>,
          %parallel_loop3A_1209 = vector.shape_cast %parallel_loop3A_1208 : vector<1x1x16xf32> to vector<16xf32>
          %parallel_loop3A_1210 = arith.addf %parallel_loop3A_1203, %parallel_loop3A_1209 : vector<16xf32>
          %parallel_loop3A_1211 = arith.constant 0 : i32
          %parallel_loop3A_1212 = arith.index_cast %parallel_loop3A_1211 : i32 to index
          %parallel_loop3A_1213 = arith.index_cast %parallel_loop3A_892 : i32 to index
          %parallel_loop3A_1214 = arith.index_cast %parallel_loop3A_1126 : i32 to index
          %parallel_loop3A_1215 = tpu.vector_load %arg13[%parallel_loop3A_1212, %parallel_loop3A_1213, %parallel_loop3A_1214] {strides = array<i32>} : memref<2x16x768xf32, #tpu.memory_space<vmem>>, vector<1x1x16xf32>,
          %parallel_loop3A_1216 = vector.shape_cast %parallel_loop3A_1215 : vector<1x1x16xf32> to vector<16xf32>
          %parallel_loop3A_1217 = vector.shape_cast %parallel_loop3A_1150 : vector<16xf32> to vector<1x1x16xf32>
          tpu.vector_store %arg13[%parallel_loop3A_1212, %parallel_loop3A_1213, %parallel_loop3A_1214], %parallel_loop3A_1217 {strides = array<i32>} : memref<2x16x768xf32, #tpu.memory_space<vmem>>, vector<1x1x16xf32>,
          %parallel_loop3A_1218 = arith.constant 0 : i32
          %parallel_loop3A_1219 = arith.index_cast %parallel_loop3A_1218 : i32 to index
          %parallel_loop3A_1220 = arith.index_cast %parallel_loop3A_892 : i32 to index
          %parallel_loop3A_1221 = arith.index_cast %parallel_loop3A_1130 : i32 to index
          %parallel_loop3A_1222 = tpu.vector_load %arg13[%parallel_loop3A_1219, %parallel_loop3A_1220, %parallel_loop3A_1221] {strides = array<i32>} : memref<2x16x768xf32, #tpu.memory_space<vmem>>, vector<1x1x16xf32>,
          %parallel_loop3A_1223 = vector.shape_cast %parallel_loop3A_1222 : vector<1x1x16xf32> to vector<16xf32>
          %parallel_loop3A_1224 = vector.shape_cast %parallel_loop3A_1170 : vector<16xf32> to vector<1x1x16xf32>
          tpu.vector_store %arg13[%parallel_loop3A_1219, %parallel_loop3A_1220, %parallel_loop3A_1221], %parallel_loop3A_1224 {strides = array<i32>} : memref<2x16x768xf32, #tpu.memory_space<vmem>>, vector<1x1x16xf32>,
          %parallel_loop3A_1225 = arith.constant 0 : i32
          %parallel_loop3A_1226 = arith.index_cast %parallel_loop3A_1225 : i32 to index
          %parallel_loop3A_1227 = arith.index_cast %parallel_loop3A_896 : i32 to index
          %parallel_loop3A_1228 = arith.index_cast %parallel_loop3A_1126 : i32 to index
          %parallel_loop3A_1229 = tpu.vector_load %arg13[%parallel_loop3A_1226, %parallel_loop3A_1227, %parallel_loop3A_1228] {strides = array<i32>} : memref<2x16x768xf32, #tpu.memory_space<vmem>>, vector<1x1x16xf32>,
          %parallel_loop3A_1230 = vector.shape_cast %parallel_loop3A_1229 : vector<1x1x16xf32> to vector<16xf32>
          %parallel_loop3A_1231 = vector.shape_cast %parallel_loop3A_1190 : vector<16xf32> to vector<1x1x16xf32>
          tpu.vector_store %arg13[%parallel_loop3A_1226, %parallel_loop3A_1227, %parallel_loop3A_1228], %parallel_loop3A_1231 {strides = array<i32>} : memref<2x16x768xf32, #tpu.memory_space<vmem>>, vector<1x1x16xf32>,
          %parallel_loop3A_1232 = arith.constant 0 : i32
          %parallel_loop3A_1233 = arith.index_cast %parallel_loop3A_1232 : i32 to index
          %parallel_loop3A_1234 = arith.index_cast %parallel_loop3A_896 : i32 to index
          %parallel_loop3A_1235 = arith.index_cast %parallel_loop3A_1130 : i32 to index
          %parallel_loop3A_1236 = tpu.vector_load %arg13[%parallel_loop3A_1233, %parallel_loop3A_1234, %parallel_loop3A_1235] {strides = array<i32>} : memref<2x16x768xf32, #tpu.memory_space<vmem>>, vector<1x1x16xf32>,
          %parallel_loop3A_1237 = vector.shape_cast %parallel_loop3A_1236 : vector<1x1x16xf32> to vector<16xf32>
          %parallel_loop3A_1238 = vector.shape_cast %parallel_loop3A_1210 : vector<16xf32> to vector<1x1x16xf32>
          tpu.vector_store %arg13[%parallel_loop3A_1233, %parallel_loop3A_1234, %parallel_loop3A_1235], %parallel_loop3A_1238 {strides = array<i32>} : memref<2x16x768xf32, #tpu.memory_space<vmem>>, vector<1x1x16xf32>,
          %parallel_loop3A_1239 = arith.addf %parallel_loop3A_1117, %parallel_loop3A_1150 : vector<16xf32>
          %parallel_loop3A_1240 = arith.mulf %parallel_loop3A_1150, %parallel_loop3A_1150 : vector<16xf32>
          %parallel_loop3A_1241 = arith.addf %parallel_loop3A_1118, %parallel_loop3A_1240 : vector<16xf32>
          %parallel_loop3A_1242 = arith.addf %parallel_loop3A_1119, %parallel_loop3A_1170 : vector<16xf32>
          %parallel_loop3A_1243 = arith.mulf %parallel_loop3A_1170, %parallel_loop3A_1170 : vector<16xf32>
          %parallel_loop3A_1244 = arith.addf %parallel_loop3A_1120, %parallel_loop3A_1243 : vector<16xf32>
          %parallel_loop3A_1245 = arith.addf %parallel_loop3A_1121, %parallel_loop3A_1190 : vector<16xf32>
          %parallel_loop3A_1246 = arith.mulf %parallel_loop3A_1190, %parallel_loop3A_1190 : vector<16xf32>
          %parallel_loop3A_1247 = arith.addf %parallel_loop3A_1122, %parallel_loop3A_1246 : vector<16xf32>
          %parallel_loop3A_1248 = arith.addf %parallel_loop3A_1123, %parallel_loop3A_1210 : vector<16xf32>
          %parallel_loop3A_1249 = arith.mulf %parallel_loop3A_1210, %parallel_loop3A_1210 : vector<16xf32>
          %parallel_loop3A_1250 = arith.addf %parallel_loop3A_1124, %parallel_loop3A_1249 : vector<16xf32>
          scf.yield %parallel_loop3A_1239, %parallel_loop3A_1241, %parallel_loop3A_1242, %parallel_loop3A_1244, %parallel_loop3A_1245, %parallel_loop3A_1247, %parallel_loop3A_1248, %parallel_loop3A_1250 : vector<16xf32>, vector<16xf32>, vector<16xf32>, vector<16xf32>, vector<16xf32>, vector<16xf32>, vector<16xf32>, vector<16xf32>
        } {sc.loop_unroll_factor = 2 : i64, sc.parallel_access}
        %parallel_loop3A_901 = arith.addf %parallel_loop3A_900#0, %parallel_loop3A_900#2 : vector<16xf32>
        %parallel_loop3A_902 = arith.addf %parallel_loop3A_900#1, %parallel_loop3A_900#3 : vector<16xf32>
        %parallel_loop3A_903 = arith.addf %parallel_loop3A_900#4, %parallel_loop3A_900#6 : vector<16xf32>
        %parallel_loop3A_904 = arith.addf %parallel_loop3A_900#5, %parallel_loop3A_900#7 : vector<16xf32>
        %parallel_loop3A_905 = tpu.iota {dimensions = array<i32: 0>} : vector<16xi32>
        %parallel_loop3A_906 = arith.constant 8 : i32
        %parallel_loop3A_907 = vector.broadcast %parallel_loop3A_906 : i32 to vector<16xi32>
        %parallel_loop3A_908 = arith.xori %parallel_loop3A_905, %parallel_loop3A_907 : vector<16xi32>
        %parallel_loop3A_909 = vector.shape_cast %parallel_loop3A_908 : vector<16xi32> to vector<16x1xi32>
        %parallel_loop3A_910 = vector.shape_cast %parallel_loop3A_909 : vector<16x1xi32> to vector<16xi32>
        %parallel_loop3A_911 = tpu.dynamic_gather %parallel_loop3A_901[%parallel_loop3A_910] in [0] : vector<16xf32>, vector<16xi32> -> vector<16xf32>
        %parallel_loop3A_912 = arith.addf %parallel_loop3A_901, %parallel_loop3A_911 : vector<16xf32>
        %parallel_loop3A_913 = arith.constant 4 : i32
        %parallel_loop3A_914 = vector.broadcast %parallel_loop3A_913 : i32 to vector<16xi32>
        %parallel_loop3A_915 = arith.xori %parallel_loop3A_905, %parallel_loop3A_914 : vector<16xi32>
        %parallel_loop3A_916 = vector.shape_cast %parallel_loop3A_915 : vector<16xi32> to vector<16x1xi32>
        %parallel_loop3A_917 = vector.shape_cast %parallel_loop3A_916 : vector<16x1xi32> to vector<16xi32>
        %parallel_loop3A_918 = tpu.dynamic_gather %parallel_loop3A_912[%parallel_loop3A_917] in [0] : vector<16xf32>, vector<16xi32> -> vector<16xf32>
        %parallel_loop3A_919 = arith.addf %parallel_loop3A_912, %parallel_loop3A_918 : vector<16xf32>
        %parallel_loop3A_920 = arith.constant 2 : i32
        %parallel_loop3A_921 = vector.broadcast %parallel_loop3A_920 : i32 to vector<16xi32>
        %parallel_loop3A_922 = arith.xori %parallel_loop3A_905, %parallel_loop3A_921 : vector<16xi32>
        %parallel_loop3A_923 = vector.shape_cast %parallel_loop3A_922 : vector<16xi32> to vector<16x1xi32>
        %parallel_loop3A_924 = vector.shape_cast %parallel_loop3A_923 : vector<16x1xi32> to vector<16xi32>
        %parallel_loop3A_925 = tpu.dynamic_gather %parallel_loop3A_919[%parallel_loop3A_924] in [0] : vector<16xf32>, vector<16xi32> -> vector<16xf32>
        %parallel_loop3A_926 = arith.addf %parallel_loop3A_919, %parallel_loop3A_925 : vector<16xf32>
        %parallel_loop3A_927 = arith.constant 1 : i32
        %parallel_loop3A_928 = vector.broadcast %parallel_loop3A_927 : i32 to vector<16xi32>
        %parallel_loop3A_929 = arith.xori %parallel_loop3A_905, %parallel_loop3A_928 : vector<16xi32>
        %parallel_loop3A_930 = vector.shape_cast %parallel_loop3A_929 : vector<16xi32> to vector<16x1xi32>
        %parallel_loop3A_931 = vector.shape_cast %parallel_loop3A_930 : vector<16x1xi32> to vector<16xi32>
        %parallel_loop3A_932 = tpu.dynamic_gather %parallel_loop3A_926[%parallel_loop3A_931] in [0] : vector<16xf32>, vector<16xi32> -> vector<16xf32>
        %parallel_loop3A_933 = arith.addf %parallel_loop3A_926, %parallel_loop3A_932 : vector<16xf32>
        %parallel_loop3A_934 = arith.constant 0.00130208337 : f32
        %parallel_loop3A_935 = vector.broadcast %parallel_loop3A_934 : f32 to vector<16xf32>
        %parallel_loop3A_936 = arith.mulf %parallel_loop3A_933, %parallel_loop3A_935 : vector<16xf32>
        %parallel_loop3A_937 = tpu.iota {dimensions = array<i32: 0>} : vector<16xi32>
        %parallel_loop3A_938 = arith.constant 8 : i32
        %parallel_loop3A_939 = vector.broadcast %parallel_loop3A_938 : i32 to vector<16xi32>
        %parallel_loop3A_940 = arith.xori %parallel_loop3A_937, %parallel_loop3A_939 : vector<16xi32>
        %parallel_loop3A_941 = vector.shape_cast %parallel_loop3A_940 : vector<16xi32> to vector<16x1xi32>
        %parallel_loop3A_942 = vector.shape_cast %parallel_loop3A_941 : vector<16x1xi32> to vector<16xi32>
        %parallel_loop3A_943 = tpu.dynamic_gather %parallel_loop3A_902[%parallel_loop3A_942] in [0] : vector<16xf32>, vector<16xi32> -> vector<16xf32>
        %parallel_loop3A_944 = arith.addf %parallel_loop3A_902, %parallel_loop3A_943 : vector<16xf32>
        %parallel_loop3A_945 = arith.constant 4 : i32
        %parallel_loop3A_946 = vector.broadcast %parallel_loop3A_945 : i32 to vector<16xi32>
        %parallel_loop3A_947 = arith.xori %parallel_loop3A_937, %parallel_loop3A_946 : vector<16xi32>
        %parallel_loop3A_948 = vector.shape_cast %parallel_loop3A_947 : vector<16xi32> to vector<16x1xi32>
        %parallel_loop3A_949 = vector.shape_cast %parallel_loop3A_948 : vector<16x1xi32> to vector<16xi32>
        %parallel_loop3A_950 = tpu.dynamic_gather %parallel_loop3A_944[%parallel_loop3A_949] in [0] : vector<16xf32>, vector<16xi32> -> vector<16xf32>
        %parallel_loop3A_951 = arith.addf %parallel_loop3A_944, %parallel_loop3A_950 : vector<16xf32>
        %parallel_loop3A_952 = arith.constant 2 : i32
        %parallel_loop3A_953 = vector.broadcast %parallel_loop3A_952 : i32 to vector<16xi32>
        %parallel_loop3A_954 = arith.xori %parallel_loop3A_937, %parallel_loop3A_953 : vector<16xi32>
        %parallel_loop3A_955 = vector.shape_cast %parallel_loop3A_954 : vector<16xi32> to vector<16x1xi32>
        %parallel_loop3A_956 = vector.shape_cast %parallel_loop3A_955 : vector<16x1xi32> to vector<16xi32>
        %parallel_loop3A_957 = tpu.dynamic_gather %parallel_loop3A_951[%parallel_loop3A_956] in [0] : vector<16xf32>, vector<16xi32> -> vector<16xf32>
        %parallel_loop3A_958 = arith.addf %parallel_loop3A_951, %parallel_loop3A_957 : vector<16xf32>
        %parallel_loop3A_959 = arith.constant 1 : i32
        %parallel_loop3A_960 = vector.broadcast %parallel_loop3A_959 : i32 to vector<16xi32>
        %parallel_loop3A_961 = arith.xori %parallel_loop3A_937, %parallel_loop3A_960 : vector<16xi32>
        %parallel_loop3A_962 = vector.shape_cast %parallel_loop3A_961 : vector<16xi32> to vector<16x1xi32>
        %parallel_loop3A_963 = vector.shape_cast %parallel_loop3A_962 : vector<16x1xi32> to vector<16xi32>
        %parallel_loop3A_964 = tpu.dynamic_gather %parallel_loop3A_958[%parallel_loop3A_963] in [0] : vector<16xf32>, vector<16xi32> -> vector<16xf32>
        %parallel_loop3A_965 = arith.addf %parallel_loop3A_958, %parallel_loop3A_964 : vector<16xf32>
        %parallel_loop3A_966 = arith.constant 0.00130208337 : f32
        %parallel_loop3A_967 = vector.broadcast %parallel_loop3A_966 : f32 to vector<16xf32>
        %parallel_loop3A_968 = arith.mulf %parallel_loop3A_965, %parallel_loop3A_967 : vector<16xf32>
        %parallel_loop3A_969 = arith.mulf %parallel_loop3A_936, %parallel_loop3A_936 : vector<16xf32>
        %parallel_loop3A_970 = arith.subf %parallel_loop3A_968, %parallel_loop3A_969 : vector<16xf32>
        %parallel_loop3A_971 = arith.constant 9.99999996E-13 : f32
        %parallel_loop3A_972 = vector.broadcast %parallel_loop3A_971 : f32 to vector<16xf32>
        %parallel_loop3A_973 = arith.addf %parallel_loop3A_970, %parallel_loop3A_972 : vector<16xf32>
        %parallel_loop3A_974 = tpu.bitcast %parallel_loop3A_973 : vector<16xf32> -> vector<16xi32>
        %parallel_loop3A_975 = arith.constant 1597463007 : i32
        %parallel_loop3A_976 = vector.broadcast %parallel_loop3A_975 : i32 to vector<16xi32>
        %parallel_loop3A_977 = arith.constant 1 : i32
        %parallel_loop3A_978 = vector.broadcast %parallel_loop3A_977 : i32 to vector<16xi32>
        %parallel_loop3A_979 = arith.shrui %parallel_loop3A_974, %parallel_loop3A_978 : vector<16xi32>
        %parallel_loop3A_980 = arith.subi %parallel_loop3A_976, %parallel_loop3A_979 : vector<16xi32>
        %parallel_loop3A_981 = tpu.bitcast %parallel_loop3A_980 : vector<16xi32> -> vector<16xf32>
        %parallel_loop3A_982 = arith.constant 5.000000e-01 : f32
        %parallel_loop3A_983 = vector.broadcast %parallel_loop3A_982 : f32 to vector<16xf32>
        %parallel_loop3A_984 = arith.mulf %parallel_loop3A_983, %parallel_loop3A_973 : vector<16xf32>
        %parallel_loop3A_985 = arith.mulf %parallel_loop3A_984, %parallel_loop3A_981 : vector<16xf32>
        %parallel_loop3A_986 = arith.mulf %parallel_loop3A_985, %parallel_loop3A_981 : vector<16xf32>
        %parallel_loop3A_987 = arith.constant 1.500000e+00 : f32
        %parallel_loop3A_988 = vector.broadcast %parallel_loop3A_987 : f32 to vector<16xf32>
        %parallel_loop3A_989 = arith.subf %parallel_loop3A_988, %parallel_loop3A_986 : vector<16xf32>
        %parallel_loop3A_990 = arith.mulf %parallel_loop3A_981, %parallel_loop3A_989 : vector<16xf32>
        %parallel_loop3A_991 = arith.constant 5.000000e-01 : f32
        %parallel_loop3A_992 = vector.broadcast %parallel_loop3A_991 : f32 to vector<16xf32>
        %parallel_loop3A_993 = arith.mulf %parallel_loop3A_992, %parallel_loop3A_973 : vector<16xf32>
        %parallel_loop3A_994 = arith.mulf %parallel_loop3A_993, %parallel_loop3A_990 : vector<16xf32>
        %parallel_loop3A_995 = arith.mulf %parallel_loop3A_994, %parallel_loop3A_990 : vector<16xf32>
        %parallel_loop3A_996 = arith.constant 1.500000e+00 : f32
        %parallel_loop3A_997 = vector.broadcast %parallel_loop3A_996 : f32 to vector<16xf32>
        %parallel_loop3A_998 = arith.subf %parallel_loop3A_997, %parallel_loop3A_995 : vector<16xf32>
        %parallel_loop3A_999 = arith.mulf %parallel_loop3A_990, %parallel_loop3A_998 : vector<16xf32>
        %parallel_loop3A_1000 = arith.constant 5.000000e-01 : f32
        %parallel_loop3A_1001 = vector.broadcast %parallel_loop3A_1000 : f32 to vector<16xf32>
        %parallel_loop3A_1002 = arith.mulf %parallel_loop3A_1001, %parallel_loop3A_973 : vector<16xf32>
        %parallel_loop3A_1003 = arith.mulf %parallel_loop3A_1002, %parallel_loop3A_999 : vector<16xf32>
        %parallel_loop3A_1004 = arith.mulf %parallel_loop3A_1003, %parallel_loop3A_999 : vector<16xf32>
        %parallel_loop3A_1005 = arith.constant 1.500000e+00 : f32
        %parallel_loop3A_1006 = vector.broadcast %parallel_loop3A_1005 : f32 to vector<16xf32>
        %parallel_loop3A_1007 = arith.subf %parallel_loop3A_1006, %parallel_loop3A_1004 : vector<16xf32>
        %parallel_loop3A_1008 = arith.mulf %parallel_loop3A_999, %parallel_loop3A_1007 : vector<16xf32>
        %parallel_loop3A_1009 = tpu.iota {dimensions = array<i32: 0>} : vector<16xi32>
        %parallel_loop3A_1010 = arith.constant 8 : i32
        %parallel_loop3A_1011 = vector.broadcast %parallel_loop3A_1010 : i32 to vector<16xi32>
        %parallel_loop3A_1012 = arith.xori %parallel_loop3A_1009, %parallel_loop3A_1011 : vector<16xi32>
        %parallel_loop3A_1013 = vector.shape_cast %parallel_loop3A_1012 : vector<16xi32> to vector<16x1xi32>
        %parallel_loop3A_1014 = vector.shape_cast %parallel_loop3A_1013 : vector<16x1xi32> to vector<16xi32>
        %parallel_loop3A_1015 = tpu.dynamic_gather %parallel_loop3A_903[%parallel_loop3A_1014] in [0] : vector<16xf32>, vector<16xi32> -> vector<16xf32>
        %parallel_loop3A_1016 = arith.addf %parallel_loop3A_903, %parallel_loop3A_1015 : vector<16xf32>
        %parallel_loop3A_1017 = arith.constant 4 : i32
        %parallel_loop3A_1018 = vector.broadcast %parallel_loop3A_1017 : i32 to vector<16xi32>
        %parallel_loop3A_1019 = arith.xori %parallel_loop3A_1009, %parallel_loop3A_1018 : vector<16xi32>
        %parallel_loop3A_1020 = vector.shape_cast %parallel_loop3A_1019 : vector<16xi32> to vector<16x1xi32>
        %parallel_loop3A_1021 = vector.shape_cast %parallel_loop3A_1020 : vector<16x1xi32> to vector<16xi32>
        %parallel_loop3A_1022 = tpu.dynamic_gather %parallel_loop3A_1016[%parallel_loop3A_1021] in [0] : vector<16xf32>, vector<16xi32> -> vector<16xf32>
        %parallel_loop3A_1023 = arith.addf %parallel_loop3A_1016, %parallel_loop3A_1022 : vector<16xf32>
        %parallel_loop3A_1024 = arith.constant 2 : i32
        %parallel_loop3A_1025 = vector.broadcast %parallel_loop3A_1024 : i32 to vector<16xi32>
        %parallel_loop3A_1026 = arith.xori %parallel_loop3A_1009, %parallel_loop3A_1025 : vector<16xi32>
        %parallel_loop3A_1027 = vector.shape_cast %parallel_loop3A_1026 : vector<16xi32> to vector<16x1xi32>
        %parallel_loop3A_1028 = vector.shape_cast %parallel_loop3A_1027 : vector<16x1xi32> to vector<16xi32>
        %parallel_loop3A_1029 = tpu.dynamic_gather %parallel_loop3A_1023[%parallel_loop3A_1028] in [0] : vector<16xf32>, vector<16xi32> -> vector<16xf32>
        %parallel_loop3A_1030 = arith.addf %parallel_loop3A_1023, %parallel_loop3A_1029 : vector<16xf32>
        %parallel_loop3A_1031 = arith.constant 1 : i32
        %parallel_loop3A_1032 = vector.broadcast %parallel_loop3A_1031 : i32 to vector<16xi32>
        %parallel_loop3A_1033 = arith.xori %parallel_loop3A_1009, %parallel_loop3A_1032 : vector<16xi32>
        %parallel_loop3A_1034 = vector.shape_cast %parallel_loop3A_1033 : vector<16xi32> to vector<16x1xi32>
        %parallel_loop3A_1035 = vector.shape_cast %parallel_loop3A_1034 : vector<16x1xi32> to vector<16xi32>
        %parallel_loop3A_1036 = tpu.dynamic_gather %parallel_loop3A_1030[%parallel_loop3A_1035] in [0] : vector<16xf32>, vector<16xi32> -> vector<16xf32>
        %parallel_loop3A_1037 = arith.addf %parallel_loop3A_1030, %parallel_loop3A_1036 : vector<16xf32>
        %parallel_loop3A_1038 = arith.constant 0.00130208337 : f32
        %parallel_loop3A_1039 = vector.broadcast %parallel_loop3A_1038 : f32 to vector<16xf32>
        %parallel_loop3A_1040 = arith.mulf %parallel_loop3A_1037, %parallel_loop3A_1039 : vector<16xf32>
        %parallel_loop3A_1041 = tpu.iota {dimensions = array<i32: 0>} : vector<16xi32>
        %parallel_loop3A_1042 = arith.constant 8 : i32
        %parallel_loop3A_1043 = vector.broadcast %parallel_loop3A_1042 : i32 to vector<16xi32>
        %parallel_loop3A_1044 = arith.xori %parallel_loop3A_1041, %parallel_loop3A_1043 : vector<16xi32>
        %parallel_loop3A_1045 = vector.shape_cast %parallel_loop3A_1044 : vector<16xi32> to vector<16x1xi32>
        %parallel_loop3A_1046 = vector.shape_cast %parallel_loop3A_1045 : vector<16x1xi32> to vector<16xi32>
        %parallel_loop3A_1047 = tpu.dynamic_gather %parallel_loop3A_904[%parallel_loop3A_1046] in [0] : vector<16xf32>, vector<16xi32> -> vector<16xf32>
        %parallel_loop3A_1048 = arith.addf %parallel_loop3A_904, %parallel_loop3A_1047 : vector<16xf32>
        %parallel_loop3A_1049 = arith.constant 4 : i32
        %parallel_loop3A_1050 = vector.broadcast %parallel_loop3A_1049 : i32 to vector<16xi32>
        %parallel_loop3A_1051 = arith.xori %parallel_loop3A_1041, %parallel_loop3A_1050 : vector<16xi32>
        %parallel_loop3A_1052 = vector.shape_cast %parallel_loop3A_1051 : vector<16xi32> to vector<16x1xi32>
        %parallel_loop3A_1053 = vector.shape_cast %parallel_loop3A_1052 : vector<16x1xi32> to vector<16xi32>
        %parallel_loop3A_1054 = tpu.dynamic_gather %parallel_loop3A_1048[%parallel_loop3A_1053] in [0] : vector<16xf32>, vector<16xi32> -> vector<16xf32>
        %parallel_loop3A_1055 = arith.addf %parallel_loop3A_1048, %parallel_loop3A_1054 : vector<16xf32>
        %parallel_loop3A_1056 = arith.constant 2 : i32
        %parallel_loop3A_1057 = vector.broadcast %parallel_loop3A_1056 : i32 to vector<16xi32>
        %parallel_loop3A_1058 = arith.xori %parallel_loop3A_1041, %parallel_loop3A_1057 : vector<16xi32>
        %parallel_loop3A_1059 = vector.shape_cast %parallel_loop3A_1058 : vector<16xi32> to vector<16x1xi32>
        %parallel_loop3A_1060 = vector.shape_cast %parallel_loop3A_1059 : vector<16x1xi32> to vector<16xi32>
        %parallel_loop3A_1061 = tpu.dynamic_gather %parallel_loop3A_1055[%parallel_loop3A_1060] in [0] : vector<16xf32>, vector<16xi32> -> vector<16xf32>
        %parallel_loop3A_1062 = arith.addf %parallel_loop3A_1055, %parallel_loop3A_1061 : vector<16xf32>
        %parallel_loop3A_1063 = arith.constant 1 : i32
        %parallel_loop3A_1064 = vector.broadcast %parallel_loop3A_1063 : i32 to vector<16xi32>
        %parallel_loop3A_1065 = arith.xori %parallel_loop3A_1041, %parallel_loop3A_1064 : vector<16xi32>
        %parallel_loop3A_1066 = vector.shape_cast %parallel_loop3A_1065 : vector<16xi32> to vector<16x1xi32>
        %parallel_loop3A_1067 = vector.shape_cast %parallel_loop3A_1066 : vector<16x1xi32> to vector<16xi32>
        %parallel_loop3A_1068 = tpu.dynamic_gather %parallel_loop3A_1062[%parallel_loop3A_1067] in [0] : vector<16xf32>, vector<16xi32> -> vector<16xf32>
        %parallel_loop3A_1069 = arith.addf %parallel_loop3A_1062, %parallel_loop3A_1068 : vector<16xf32>
        %parallel_loop3A_1070 = arith.constant 0.00130208337 : f32
        %parallel_loop3A_1071 = vector.broadcast %parallel_loop3A_1070 : f32 to vector<16xf32>
        %parallel_loop3A_1072 = arith.mulf %parallel_loop3A_1069, %parallel_loop3A_1071 : vector<16xf32>
        %parallel_loop3A_1073 = arith.mulf %parallel_loop3A_1040, %parallel_loop3A_1040 : vector<16xf32>
        %parallel_loop3A_1074 = arith.subf %parallel_loop3A_1072, %parallel_loop3A_1073 : vector<16xf32>
        %parallel_loop3A_1075 = arith.constant 9.99999996E-13 : f32
        %parallel_loop3A_1076 = vector.broadcast %parallel_loop3A_1075 : f32 to vector<16xf32>
        %parallel_loop3A_1077 = arith.addf %parallel_loop3A_1074, %parallel_loop3A_1076 : vector<16xf32>
        %parallel_loop3A_1078 = tpu.bitcast %parallel_loop3A_1077 : vector<16xf32> -> vector<16xi32>
        %parallel_loop3A_1079 = arith.constant 1597463007 : i32
        %parallel_loop3A_1080 = vector.broadcast %parallel_loop3A_1079 : i32 to vector<16xi32>
        %parallel_loop3A_1081 = arith.constant 1 : i32
        %parallel_loop3A_1082 = vector.broadcast %parallel_loop3A_1081 : i32 to vector<16xi32>
        %parallel_loop3A_1083 = arith.shrui %parallel_loop3A_1078, %parallel_loop3A_1082 : vector<16xi32>
        %parallel_loop3A_1084 = arith.subi %parallel_loop3A_1080, %parallel_loop3A_1083 : vector<16xi32>
        %parallel_loop3A_1085 = tpu.bitcast %parallel_loop3A_1084 : vector<16xi32> -> vector<16xf32>
        %parallel_loop3A_1086 = arith.constant 5.000000e-01 : f32
        %parallel_loop3A_1087 = vector.broadcast %parallel_loop3A_1086 : f32 to vector<16xf32>
        %parallel_loop3A_1088 = arith.mulf %parallel_loop3A_1087, %parallel_loop3A_1077 : vector<16xf32>
        %parallel_loop3A_1089 = arith.mulf %parallel_loop3A_1088, %parallel_loop3A_1085 : vector<16xf32>
        %parallel_loop3A_1090 = arith.mulf %parallel_loop3A_1089, %parallel_loop3A_1085 : vector<16xf32>
        %parallel_loop3A_1091 = arith.constant 1.500000e+00 : f32
        %parallel_loop3A_1092 = vector.broadcast %parallel_loop3A_1091 : f32 to vector<16xf32>
        %parallel_loop3A_1093 = arith.subf %parallel_loop3A_1092, %parallel_loop3A_1090 : vector<16xf32>
        %parallel_loop3A_1094 = arith.mulf %parallel_loop3A_1085, %parallel_loop3A_1093 : vector<16xf32>
        %parallel_loop3A_1095 = arith.constant 5.000000e-01 : f32
        %parallel_loop3A_1096 = vector.broadcast %parallel_loop3A_1095 : f32 to vector<16xf32>
        %parallel_loop3A_1097 = arith.mulf %parallel_loop3A_1096, %parallel_loop3A_1077 : vector<16xf32>
        %parallel_loop3A_1098 = arith.mulf %parallel_loop3A_1097, %parallel_loop3A_1094 : vector<16xf32>
        %parallel_loop3A_1099 = arith.mulf %parallel_loop3A_1098, %parallel_loop3A_1094 : vector<16xf32>
        %parallel_loop3A_1100 = arith.constant 1.500000e+00 : f32
        %parallel_loop3A_1101 = vector.broadcast %parallel_loop3A_1100 : f32 to vector<16xf32>
        %parallel_loop3A_1102 = arith.subf %parallel_loop3A_1101, %parallel_loop3A_1099 : vector<16xf32>
        %parallel_loop3A_1103 = arith.mulf %parallel_loop3A_1094, %parallel_loop3A_1102 : vector<16xf32>
        %parallel_loop3A_1104 = arith.constant 5.000000e-01 : f32
        %parallel_loop3A_1105 = vector.broadcast %parallel_loop3A_1104 : f32 to vector<16xf32>
        %parallel_loop3A_1106 = arith.mulf %parallel_loop3A_1105, %parallel_loop3A_1077 : vector<16xf32>
        %parallel_loop3A_1107 = arith.mulf %parallel_loop3A_1106, %parallel_loop3A_1103 : vector<16xf32>
        %parallel_loop3A_1108 = arith.mulf %parallel_loop3A_1107, %parallel_loop3A_1103 : vector<16xf32>
        %parallel_loop3A_1109 = arith.constant 1.500000e+00 : f32
        %parallel_loop3A_1110 = vector.broadcast %parallel_loop3A_1109 : f32 to vector<16xf32>
        %parallel_loop3A_1111 = arith.subf %parallel_loop3A_1110, %parallel_loop3A_1108 : vector<16xf32>
        %parallel_loop3A_1112 = arith.mulf %parallel_loop3A_1103, %parallel_loop3A_1111 : vector<16xf32>
        %parallel_loop3A_1113 = arith.constant 0 : i32
        %parallel_loop3A_1114 = arith.constant 48 : i32
        %parallel_loop3A_1115 = arith.constant 1 : i32
        scf.for %parallel_loop3A_1116 = %parallel_loop3A_1113 to %parallel_loop3A_1114 step %parallel_loop3A_1115  : i32 {
          %parallel_loop3A_1117 = arith.constant 16 : i32
          %parallel_loop3A_1118 = arith.muli %parallel_loop3A_1116, %parallel_loop3A_1117 : i32
          %parallel_loop3A_1119 = arith.index_cast %parallel_loop3A_1118 : i32 to index
          %parallel_loop3A_1120 = tpu.vector_load %arg14[%parallel_loop3A_1119] {strides = array<i32>} : memref<768xf32, #tpu.memory_space<vmem>>, vector<16xf32>,
          %parallel_loop3A_1121 = vector.shape_cast %parallel_loop3A_1120 : vector<16xf32> to vector<16xf32>
          %parallel_loop3A_1122 = arith.index_cast %parallel_loop3A_1118 : i32 to index
          %parallel_loop3A_1123 = tpu.vector_load %arg15[%parallel_loop3A_1122] {strides = array<i32>} : memref<768xf32, #tpu.memory_space<vmem>>, vector<16xf32>,
          %parallel_loop3A_1124 = vector.shape_cast %parallel_loop3A_1123 : vector<16xf32> to vector<16xf32>
          %parallel_loop3A_1125 = arith.constant 0 : i32
          %parallel_loop3A_1126 = arith.addi %parallel_loop3A_224, %parallel_loop3A_1125 : i32
          %parallel_loop3A_1127 = arith.constant 0 : i32
          %parallel_loop3A_1128 = arith.index_cast %parallel_loop3A_1127 : i32 to index
          %parallel_loop3A_1129 = arith.index_cast %parallel_loop3A_1126 : i32 to index
          %parallel_loop3A_1130 = arith.index_cast %parallel_loop3A_1118 : i32 to index
          %parallel_loop3A_1131 = tpu.vector_load %arg13[%parallel_loop3A_1128, %parallel_loop3A_1129, %parallel_loop3A_1130] {strides = array<i32>} : memref<2x16x768xf32, #tpu.memory_space<vmem>>, vector<1x1x16xf32>,
          %parallel_loop3A_1132 = vector.shape_cast %parallel_loop3A_1131 : vector<1x1x16xf32> to vector<16xf32>
          %parallel_loop3A_1133 = arith.subf %parallel_loop3A_1132, %parallel_loop3A_270 : vector<16xf32>
          %parallel_loop3A_1134 = arith.mulf %parallel_loop3A_1121, %parallel_loop3A_342 : vector<16xf32>
          %parallel_loop3A_1135 = arith.mulf %parallel_loop3A_1133, %parallel_loop3A_1134 : vector<16xf32>
          %parallel_loop3A_1136 = arith.addf %parallel_loop3A_1135, %parallel_loop3A_1124 : vector<16xf32>
          %parallel_loop3A_1137 = arith.constant 0 : i32
          %parallel_loop3A_1138 = arith.addi %parallel_loop3A_224, %parallel_loop3A_1137 : i32
          %parallel_loop3A_1139 = arith.constant 0 : i32
          %parallel_loop3A_1140 = arith.index_cast %parallel_loop3A_1139 : i32 to index
          %parallel_loop3A_1141 = arith.index_cast %parallel_loop3A_1138 : i32 to index
          %parallel_loop3A_1142 = arith.index_cast %parallel_loop3A_1118 : i32 to index
          %parallel_loop3A_1143 = tpu.vector_load %arg13[%parallel_loop3A_1140, %parallel_loop3A_1141, %parallel_loop3A_1142] {strides = array<i32>} : memref<2x16x768xf32, #tpu.memory_space<vmem>>, vector<1x1x16xf32>,
          %parallel_loop3A_1144 = vector.shape_cast %parallel_loop3A_1143 : vector<1x1x16xf32> to vector<16xf32>
          %parallel_loop3A_1145 = vector.shape_cast %parallel_loop3A_1136 : vector<16xf32> to vector<1x1x16xf32>
          tpu.vector_store %arg13[%parallel_loop3A_1140, %parallel_loop3A_1141, %parallel_loop3A_1142], %parallel_loop3A_1145 {strides = array<i32>} : memref<2x16x768xf32, #tpu.memory_space<vmem>>, vector<1x1x16xf32>,
          %parallel_loop3A_1146 = arith.constant 1 : i32
          %parallel_loop3A_1147 = arith.addi %parallel_loop3A_224, %parallel_loop3A_1146 : i32
          %parallel_loop3A_1148 = arith.constant 0 : i32
          %parallel_loop3A_1149 = arith.index_cast %parallel_loop3A_1148 : i32 to index
          %parallel_loop3A_1150 = arith.index_cast %parallel_loop3A_1147 : i32 to index
          %parallel_loop3A_1151 = arith.index_cast %parallel_loop3A_1118 : i32 to index
          %parallel_loop3A_1152 = tpu.vector_load %arg13[%parallel_loop3A_1149, %parallel_loop3A_1150, %parallel_loop3A_1151] {strides = array<i32>} : memref<2x16x768xf32, #tpu.memory_space<vmem>>, vector<1x1x16xf32>,
          %parallel_loop3A_1153 = vector.shape_cast %parallel_loop3A_1152 : vector<1x1x16xf32> to vector<16xf32>
          %parallel_loop3A_1154 = arith.subf %parallel_loop3A_1153, %parallel_loop3A_374 : vector<16xf32>
          %parallel_loop3A_1155 = arith.mulf %parallel_loop3A_1121, %parallel_loop3A_446 : vector<16xf32>
          %parallel_loop3A_1156 = arith.mulf %parallel_loop3A_1154, %parallel_loop3A_1155 : vector<16xf32>
          %parallel_loop3A_1157 = arith.addf %parallel_loop3A_1156, %parallel_loop3A_1124 : vector<16xf32>
          %parallel_loop3A_1158 = arith.constant 1 : i32
          %parallel_loop3A_1159 = arith.addi %parallel_loop3A_224, %parallel_loop3A_1158 : i32
          %parallel_loop3A_1160 = arith.constant 0 : i32
          %parallel_loop3A_1161 = arith.index_cast %parallel_loop3A_1160 : i32 to index
          %parallel_loop3A_1162 = arith.index_cast %parallel_loop3A_1159 : i32 to index
          %parallel_loop3A_1163 = arith.index_cast %parallel_loop3A_1118 : i32 to index
          %parallel_loop3A_1164 = tpu.vector_load %arg13[%parallel_loop3A_1161, %parallel_loop3A_1162, %parallel_loop3A_1163] {strides = array<i32>} : memref<2x16x768xf32, #tpu.memory_space<vmem>>, vector<1x1x16xf32>,
          %parallel_loop3A_1165 = vector.shape_cast %parallel_loop3A_1164 : vector<1x1x16xf32> to vector<16xf32>
          %parallel_loop3A_1166 = vector.shape_cast %parallel_loop3A_1157 : vector<16xf32> to vector<1x1x16xf32>
          tpu.vector_store %arg13[%parallel_loop3A_1161, %parallel_loop3A_1162, %parallel_loop3A_1163], %parallel_loop3A_1166 {strides = array<i32>} : memref<2x16x768xf32, #tpu.memory_space<vmem>>, vector<1x1x16xf32>,
          %parallel_loop3A_1167 = arith.constant 2 : i32
          %parallel_loop3A_1168 = arith.addi %parallel_loop3A_224, %parallel_loop3A_1167 : i32
          %parallel_loop3A_1169 = arith.constant 0 : i32
          %parallel_loop3A_1170 = arith.index_cast %parallel_loop3A_1169 : i32 to index
          %parallel_loop3A_1171 = arith.index_cast %parallel_loop3A_1168 : i32 to index
          %parallel_loop3A_1172 = arith.index_cast %parallel_loop3A_1118 : i32 to index
          %parallel_loop3A_1173 = tpu.vector_load %arg13[%parallel_loop3A_1170, %parallel_loop3A_1171, %parallel_loop3A_1172] {strides = array<i32>} : memref<2x16x768xf32, #tpu.memory_space<vmem>>, vector<1x1x16xf32>,
          %parallel_loop3A_1174 = vector.shape_cast %parallel_loop3A_1173 : vector<1x1x16xf32> to vector<16xf32>
          %parallel_loop3A_1175 = arith.subf %parallel_loop3A_1174, %parallel_loop3A_492 : vector<16xf32>
          %parallel_loop3A_1176 = arith.mulf %parallel_loop3A_1121, %parallel_loop3A_564 : vector<16xf32>
          %parallel_loop3A_1177 = arith.mulf %parallel_loop3A_1175, %parallel_loop3A_1176 : vector<16xf32>
          %parallel_loop3A_1178 = arith.addf %parallel_loop3A_1177, %parallel_loop3A_1124 : vector<16xf32>
          %parallel_loop3A_1179 = arith.constant 2 : i32
          %parallel_loop3A_1180 = arith.addi %parallel_loop3A_224, %parallel_loop3A_1179 : i32
          %parallel_loop3A_1181 = arith.constant 0 : i32
          %parallel_loop3A_1182 = arith.index_cast %parallel_loop3A_1181 : i32 to index
          %parallel_loop3A_1183 = arith.index_cast %parallel_loop3A_1180 : i32 to index
          %parallel_loop3A_1184 = arith.index_cast %parallel_loop3A_1118 : i32 to index
          %parallel_loop3A_1185 = tpu.vector_load %arg13[%parallel_loop3A_1182, %parallel_loop3A_1183, %parallel_loop3A_1184] {strides = array<i32>} : memref<2x16x768xf32, #tpu.memory_space<vmem>>, vector<1x1x16xf32>,
          %parallel_loop3A_1186 = vector.shape_cast %parallel_loop3A_1185 : vector<1x1x16xf32> to vector<16xf32>
          %parallel_loop3A_1187 = vector.shape_cast %parallel_loop3A_1178 : vector<16xf32> to vector<1x1x16xf32>
          tpu.vector_store %arg13[%parallel_loop3A_1182, %parallel_loop3A_1183, %parallel_loop3A_1184], %parallel_loop3A_1187 {strides = array<i32>} : memref<2x16x768xf32, #tpu.memory_space<vmem>>, vector<1x1x16xf32>,
          %parallel_loop3A_1188 = arith.constant 3 : i32
          %parallel_loop3A_1189 = arith.addi %parallel_loop3A_224, %parallel_loop3A_1188 : i32
          %parallel_loop3A_1190 = arith.constant 0 : i32
          %parallel_loop3A_1191 = arith.index_cast %parallel_loop3A_1190 : i32 to index
          %parallel_loop3A_1192 = arith.index_cast %parallel_loop3A_1189 : i32 to index
          %parallel_loop3A_1193 = arith.index_cast %parallel_loop3A_1118 : i32 to index
          %parallel_loop3A_1194 = tpu.vector_load %arg13[%parallel_loop3A_1191, %parallel_loop3A_1192, %parallel_loop3A_1193] {strides = array<i32>} : memref<2x16x768xf32, #tpu.memory_space<vmem>>, vector<1x1x16xf32>,
          %parallel_loop3A_1195 = vector.shape_cast %parallel_loop3A_1194 : vector<1x1x16xf32> to vector<16xf32>
          %parallel_loop3A_1196 = arith.subf %parallel_loop3A_1195, %parallel_loop3A_596 : vector<16xf32>
          %parallel_loop3A_1197 = arith.mulf %parallel_loop3A_1121, %parallel_loop3A_668 : vector<16xf32>
          %parallel_loop3A_1198 = arith.mulf %parallel_loop3A_1196, %parallel_loop3A_1197 : vector<16xf32>
          %parallel_loop3A_1199 = arith.addf %parallel_loop3A_1198, %parallel_loop3A_1124 : vector<16xf32>
          %parallel_loop3A_1200 = arith.constant 3 : i32
          %parallel_loop3A_1201 = arith.addi %parallel_loop3A_224, %parallel_loop3A_1200 : i32
          %parallel_loop3A_1202 = arith.constant 0 : i32
          %parallel_loop3A_1203 = arith.index_cast %parallel_loop3A_1202 : i32 to index
          %parallel_loop3A_1204 = arith.index_cast %parallel_loop3A_1201 : i32 to index
          %parallel_loop3A_1205 = arith.index_cast %parallel_loop3A_1118 : i32 to index
          %parallel_loop3A_1206 = tpu.vector_load %arg13[%parallel_loop3A_1203, %parallel_loop3A_1204, %parallel_loop3A_1205] {strides = array<i32>} : memref<2x16x768xf32, #tpu.memory_space<vmem>>, vector<1x1x16xf32>,
          %parallel_loop3A_1207 = vector.shape_cast %parallel_loop3A_1206 : vector<1x1x16xf32> to vector<16xf32>
          %parallel_loop3A_1208 = vector.shape_cast %parallel_loop3A_1199 : vector<16xf32> to vector<1x1x16xf32>
          tpu.vector_store %arg13[%parallel_loop3A_1203, %parallel_loop3A_1204, %parallel_loop3A_1205], %parallel_loop3A_1208 {strides = array<i32>} : memref<2x16x768xf32, #tpu.memory_space<vmem>>, vector<1x1x16xf32>,
          %parallel_loop3A_1209 = arith.constant 4 : i32
          %parallel_loop3A_1210 = arith.addi %parallel_loop3A_224, %parallel_loop3A_1209 : i32
          %parallel_loop3A_1211 = arith.constant 0 : i32
          %parallel_loop3A_1212 = arith.index_cast %parallel_loop3A_1211 : i32 to index
          %parallel_loop3A_1213 = arith.index_cast %parallel_loop3A_1210 : i32 to index
          %parallel_loop3A_1214 = arith.index_cast %parallel_loop3A_1118 : i32 to index
          %parallel_loop3A_1215 = tpu.vector_load %arg13[%parallel_loop3A_1212, %parallel_loop3A_1213, %parallel_loop3A_1214] {strides = array<i32>} : memref<2x16x768xf32, #tpu.memory_space<vmem>>, vector<1x1x16xf32>,
          %parallel_loop3A_1216 = vector.shape_cast %parallel_loop3A_1215 : vector<1x1x16xf32> to vector<16xf32>
          %parallel_loop3A_1217 = arith.subf %parallel_loop3A_1216, %parallel_loop3A_714 : vector<16xf32>
          %parallel_loop3A_1218 = arith.mulf %parallel_loop3A_1121, %parallel_loop3A_786 : vector<16xf32>
          %parallel_loop3A_1219 = arith.mulf %parallel_loop3A_1217, %parallel_loop3A_1218 : vector<16xf32>
          %parallel_loop3A_1220 = arith.addf %parallel_loop3A_1219, %parallel_loop3A_1124 : vector<16xf32>
          %parallel_loop3A_1221 = arith.constant 4 : i32
          %parallel_loop3A_1222 = arith.addi %parallel_loop3A_224, %parallel_loop3A_1221 : i32
          %parallel_loop3A_1223 = arith.constant 0 : i32
          %parallel_loop3A_1224 = arith.index_cast %parallel_loop3A_1223 : i32 to index
          %parallel_loop3A_1225 = arith.index_cast %parallel_loop3A_1222 : i32 to index
          %parallel_loop3A_1226 = arith.index_cast %parallel_loop3A_1118 : i32 to index
          %parallel_loop3A_1227 = tpu.vector_load %arg13[%parallel_loop3A_1224, %parallel_loop3A_1225, %parallel_loop3A_1226] {strides = array<i32>} : memref<2x16x768xf32, #tpu.memory_space<vmem>>, vector<1x1x16xf32>,
          %parallel_loop3A_1228 = vector.shape_cast %parallel_loop3A_1227 : vector<1x1x16xf32> to vector<16xf32>
          %parallel_loop3A_1229 = vector.shape_cast %parallel_loop3A_1220 : vector<16xf32> to vector<1x1x16xf32>
          tpu.vector_store %arg13[%parallel_loop3A_1224, %parallel_loop3A_1225, %parallel_loop3A_1226], %parallel_loop3A_1229 {strides = array<i32>} : memref<2x16x768xf32, #tpu.memory_space<vmem>>, vector<1x1x16xf32>,
          %parallel_loop3A_1230 = arith.constant 5 : i32
          %parallel_loop3A_1231 = arith.addi %parallel_loop3A_224, %parallel_loop3A_1230 : i32
          %parallel_loop3A_1232 = arith.constant 0 : i32
          %parallel_loop3A_1233 = arith.index_cast %parallel_loop3A_1232 : i32 to index
          %parallel_loop3A_1234 = arith.index_cast %parallel_loop3A_1231 : i32 to index
          %parallel_loop3A_1235 = arith.index_cast %parallel_loop3A_1118 : i32 to index
          %parallel_loop3A_1236 = tpu.vector_load %arg13[%parallel_loop3A_1233, %parallel_loop3A_1234, %parallel_loop3A_1235] {strides = array<i32>} : memref<2x16x768xf32, #tpu.memory_space<vmem>>, vector<1x1x16xf32>,
          %parallel_loop3A_1237 = vector.shape_cast %parallel_loop3A_1236 : vector<1x1x16xf32> to vector<16xf32>
          %parallel_loop3A_1238 = arith.subf %parallel_loop3A_1237, %parallel_loop3A_818 : vector<16xf32>
          %parallel_loop3A_1239 = arith.mulf %parallel_loop3A_1121, %parallel_loop3A_890 : vector<16xf32>
          %parallel_loop3A_1240 = arith.mulf %parallel_loop3A_1238, %parallel_loop3A_1239 : vector<16xf32>
          %parallel_loop3A_1241 = arith.addf %parallel_loop3A_1240, %parallel_loop3A_1124 : vector<16xf32>
          %parallel_loop3A_1242 = arith.constant 5 : i32
          %parallel_loop3A_1243 = arith.addi %parallel_loop3A_224, %parallel_loop3A_1242 : i32
          %parallel_loop3A_1244 = arith.constant 0 : i32
          %parallel_loop3A_1245 = arith.index_cast %parallel_loop3A_1244 : i32 to index
          %parallel_loop3A_1246 = arith.index_cast %parallel_loop3A_1243 : i32 to index
          %parallel_loop3A_1247 = arith.index_cast %parallel_loop3A_1118 : i32 to index
          %parallel_loop3A_1248 = tpu.vector_load %arg13[%parallel_loop3A_1245, %parallel_loop3A_1246, %parallel_loop3A_1247] {strides = array<i32>} : memref<2x16x768xf32, #tpu.memory_space<vmem>>, vector<1x1x16xf32>,
          %parallel_loop3A_1249 = vector.shape_cast %parallel_loop3A_1248 : vector<1x1x16xf32> to vector<16xf32>
          %parallel_loop3A_1250 = vector.shape_cast %parallel_loop3A_1241 : vector<16xf32> to vector<1x1x16xf32>
          tpu.vector_store %arg13[%parallel_loop3A_1245, %parallel_loop3A_1246, %parallel_loop3A_1247], %parallel_loop3A_1250 {strides = array<i32>} : memref<2x16x768xf32, #tpu.memory_space<vmem>>, vector<1x1x16xf32>,
          %parallel_loop3A_1251 = arith.constant 6 : i32
          %parallel_loop3A_1252 = arith.addi %parallel_loop3A_224, %parallel_loop3A_1251 : i32
          %parallel_loop3A_1253 = arith.constant 0 : i32
          %parallel_loop3A_1254 = arith.index_cast %parallel_loop3A_1253 : i32 to index
          %parallel_loop3A_1255 = arith.index_cast %parallel_loop3A_1252 : i32 to index
          %parallel_loop3A_1256 = arith.index_cast %parallel_loop3A_1118 : i32 to index
          %parallel_loop3A_1257 = tpu.vector_load %arg13[%parallel_loop3A_1254, %parallel_loop3A_1255, %parallel_loop3A_1256] {strides = array<i32>} : memref<2x16x768xf32, #tpu.memory_space<vmem>>, vector<1x1x16xf32>,
          %parallel_loop3A_1258 = vector.shape_cast %parallel_loop3A_1257 : vector<1x1x16xf32> to vector<16xf32>
          %parallel_loop3A_1259 = arith.subf %parallel_loop3A_1258, %parallel_loop3A_936 : vector<16xf32>
          %parallel_loop3A_1260 = arith.mulf %parallel_loop3A_1121, %parallel_loop3A_1008 : vector<16xf32>
          %parallel_loop3A_1261 = arith.mulf %parallel_loop3A_1259, %parallel_loop3A_1260 : vector<16xf32>
          %parallel_loop3A_1262 = arith.addf %parallel_loop3A_1261, %parallel_loop3A_1124 : vector<16xf32>
          %parallel_loop3A_1263 = arith.constant 6 : i32
          %parallel_loop3A_1264 = arith.addi %parallel_loop3A_224, %parallel_loop3A_1263 : i32
          %parallel_loop3A_1265 = arith.constant 0 : i32
          %parallel_loop3A_1266 = arith.index_cast %parallel_loop3A_1265 : i32 to index
          %parallel_loop3A_1267 = arith.index_cast %parallel_loop3A_1264 : i32 to index
          %parallel_loop3A_1268 = arith.index_cast %parallel_loop3A_1118 : i32 to index
          %parallel_loop3A_1269 = tpu.vector_load %arg13[%parallel_loop3A_1266, %parallel_loop3A_1267, %parallel_loop3A_1268] {strides = array<i32>} : memref<2x16x768xf32, #tpu.memory_space<vmem>>, vector<1x1x16xf32>,
          %parallel_loop3A_1270 = vector.shape_cast %parallel_loop3A_1269 : vector<1x1x16xf32> to vector<16xf32>
          %parallel_loop3A_1271 = vector.shape_cast %parallel_loop3A_1262 : vector<16xf32> to vector<1x1x16xf32>
          tpu.vector_store %arg13[%parallel_loop3A_1266, %parallel_loop3A_1267, %parallel_loop3A_1268], %parallel_loop3A_1271 {strides = array<i32>} : memref<2x16x768xf32, #tpu.memory_space<vmem>>, vector<1x1x16xf32>,
          %parallel_loop3A_1272 = arith.constant 7 : i32
          %parallel_loop3A_1273 = arith.addi %parallel_loop3A_224, %parallel_loop3A_1272 : i32
          %parallel_loop3A_1274 = arith.constant 0 : i32
          %parallel_loop3A_1275 = arith.index_cast %parallel_loop3A_1274 : i32 to index
          %parallel_loop3A_1276 = arith.index_cast %parallel_loop3A_1273 : i32 to index
          %parallel_loop3A_1277 = arith.index_cast %parallel_loop3A_1118 : i32 to index
          %parallel_loop3A_1278 = tpu.vector_load %arg13[%parallel_loop3A_1275, %parallel_loop3A_1276, %parallel_loop3A_1277] {strides = array<i32>} : memref<2x16x768xf32, #tpu.memory_space<vmem>>, vector<1x1x16xf32>,
          %parallel_loop3A_1279 = vector.shape_cast %parallel_loop3A_1278 : vector<1x1x16xf32> to vector<16xf32>
          %parallel_loop3A_1280 = arith.subf %parallel_loop3A_1279, %parallel_loop3A_1040 : vector<16xf32>
          %parallel_loop3A_1281 = arith.mulf %parallel_loop3A_1121, %parallel_loop3A_1112 : vector<16xf32>
          %parallel_loop3A_1282 = arith.mulf %parallel_loop3A_1280, %parallel_loop3A_1281 : vector<16xf32>
          %parallel_loop3A_1283 = arith.addf %parallel_loop3A_1282, %parallel_loop3A_1124 : vector<16xf32>
          %parallel_loop3A_1284 = arith.constant 7 : i32
          %parallel_loop3A_1285 = arith.addi %parallel_loop3A_224, %parallel_loop3A_1284 : i32
          %parallel_loop3A_1286 = arith.constant 0 : i32
          %parallel_loop3A_1287 = arith.index_cast %parallel_loop3A_1286 : i32 to index
          %parallel_loop3A_1288 = arith.index_cast %parallel_loop3A_1285 : i32 to index
          %parallel_loop3A_1289 = arith.index_cast %parallel_loop3A_1118 : i32 to index
          %parallel_loop3A_1290 = tpu.vector_load %arg13[%parallel_loop3A_1287, %parallel_loop3A_1288, %parallel_loop3A_1289] {strides = array<i32>} : memref<2x16x768xf32, #tpu.memory_space<vmem>>, vector<1x1x16xf32>,
          %parallel_loop3A_1291 = vector.shape_cast %parallel_loop3A_1290 : vector<1x1x16xf32> to vector<16xf32>
          %parallel_loop3A_1292 = vector.shape_cast %parallel_loop3A_1283 : vector<16xf32> to vector<1x1x16xf32>
          tpu.vector_store %arg13[%parallel_loop3A_1287, %parallel_loop3A_1288, %parallel_loop3A_1289], %parallel_loop3A_1292 {strides = array<i32>} : memref<2x16x768xf32, #tpu.memory_space<vmem>>, vector<1x1x16xf32>,
        } {sc.loop_unroll_factor = 2 : i64, sc.parallel_access}
      } {sc.loop_unroll_factor = 1 : i64, sc.parallel_access}
      %dma_start3A_134 = arith.constant 0 : i32
      %dma_start3A_135 = arith.constant 0 : i32
      %dma_start3A_136 = arith.constant 0 : i32
      %dma_start3A_137 = tpu.memref_slice %arg13[%dma_start3A_134, %dma_start3A_135, %dma_start3A_136] : memref<2x16x768xf32, #tpu.memory_space<vmem>> -> memref<1x16x768xf32, #tpu.memory_space<vmem>>
      %dma_start3A_138 = tpu.memref_squeeze %dma_start3A_137 : memref<1x16x768xf32, #tpu.memory_space<vmem>> -> memref<16x768xf32, #tpu.memory_space<vmem>>
      %dma_start3A_139 = arith.constant 0 : i32
      %dma_start3A_140 = tpu.memref_slice %arg8[%add3A_126, %dma_start3A_139] : memref<32768x768xf32, #tpu.memory_space<hbm>> -> memref<16x768xf32, #tpu.memory_space<hbm>>
      %dma_start3A_141 = arith.constant 0 : i32
      %dma_start3A_142 = tpu.memref_slice %arg8[%add3A_126, %dma_start3A_141] : memref<32768x768xf32, #tpu.memory_space<hbm>> -> memref<16x768xf32, #tpu.memory_space<hbm>>
      %dma_start3A_143 = arith.constant 0 : i32
      %dma_start3A_144 = arith.constant 0 : i32
      %dma_start3A_145 = tpu.memref_slice %arg13[%dma_start3A_134, %dma_start3A_143, %dma_start3A_144] : memref<2x16x768xf32, #tpu.memory_space<vmem>> -> memref<1x16x768xf32, #tpu.memory_space<vmem>>
      %dma_start3A_146 = tpu.memref_squeeze %dma_start3A_145 : memref<1x16x768xf32, #tpu.memory_space<vmem>> -> memref<16x768xf32, #tpu.memory_space<vmem>>
      tpu.enqueue_dma source(%dma_start3A_146 : memref<16x768xf32, #tpu.memory_space<vmem>>) target(%dma_start3A_142 : memref<16x768xf32, #tpu.memory_space<hbm>>) target_semaphore(%arg18 : memref<!tpu.dma_semaphore, #tpu.memory_space<semaphore_mem>>)
      %mul3A_147 = arith.constant 2 : i32
      %mul3A_148 = arith.muli %scan3A_75, %mul3A_147 : i32
      %add3A_149 = arith.constant 1 : i32
      %add3A_150 = arith.addi %mul3A_148, %add3A_149 : i32
      %mul3A_151 = arith.constant 16 : i32
      %mul3A_152 = arith.muli %add3A_150, %mul3A_151 : i32
      %add3A_153 = arith.addi %mul3A_2, %mul3A_152 : i32
      %dma_wait3A_154 = arith.constant 1 : i32
      %dma_wait3A_155 = arith.constant 1 : i32
      %dma_wait3A_156 = arith.constant 0 : i32
      %dma_wait3A_157 = arith.constant 0 : i32
      %dma_wait3A_158 = tpu.memref_slice %arg10[%dma_wait3A_155, %dma_wait3A_156, %dma_wait3A_157] : memref<2x16x768xf32, #tpu.memory_space<vmem>> -> memref<1x16x768xf32, #tpu.memory_space<vmem>>
      %dma_wait3A_159 = tpu.memref_squeeze %dma_wait3A_158 : memref<1x16x768xf32, #tpu.memory_space<vmem>> -> memref<16x768xf32, #tpu.memory_space<vmem>>
      %dma_wait3A_160 = arith.constant 0 : i32
      %dma_wait3A_161 = tpu.memref_slice %arg9[%dma_wait3A_154, %dma_wait3A_160] : memref<2x16xi32, #tpu.memory_space<vmem>> -> memref<1x16xi32, #tpu.memory_space<vmem>>
      %dma_wait3A_162 = tpu.memref_squeeze %dma_wait3A_161 : memref<1x16xi32, #tpu.memory_space<vmem>> -> memref<16xi32, #tpu.memory_space<vmem>>
      %dma_wait3A_163 = arith.constant 0 : i32
      %dma_wait3A_164 = arith.constant 0 : i32
      %dma_wait3A_165 = tpu.memref_slice %arg4[%dma_wait3A_163, %dma_wait3A_164] : memref<8192x768xf32, #tpu.memory_space<hbm>> -> memref<8192x768xf32, #tpu.memory_space<hbm>>
      tpu.wait_indirect_dma semaphore(%arg17 : memref<!tpu.dma_semaphore, #tpu.memory_space<semaphore_mem>>) src(%dma_wait3A_165 : memref<8192x768xf32, #tpu.memory_space<hbm>>) dst(%dma_wait3A_159 : memref<16x768xf32, #tpu.memory_space<vmem>>)
      %dma_wait3A_166 = arith.constant 1 : i32
      %dma_wait3A_167 = arith.constant 1 : i32
      %dma_wait3A_168 = arith.constant 0 : i32
      %dma_wait3A_169 = arith.constant 0 : i32
      %dma_wait3A_170 = tpu.memref_slice %arg11[%dma_wait3A_167, %dma_wait3A_168, %dma_wait3A_169] : memref<2x16x768xf32, #tpu.memory_space<vmem>> -> memref<1x16x768xf32, #tpu.memory_space<vmem>>
      %dma_wait3A_171 = tpu.memref_squeeze %dma_wait3A_170 : memref<1x16x768xf32, #tpu.memory_space<vmem>> -> memref<16x768xf32, #tpu.memory_space<vmem>>
      %dma_wait3A_172 = arith.constant 0 : i32
      %dma_wait3A_173 = tpu.memref_slice %arg9[%dma_wait3A_166, %dma_wait3A_172] : memref<2x16xi32, #tpu.memory_space<vmem>> -> memref<1x16xi32, #tpu.memory_space<vmem>>
      %dma_wait3A_174 = tpu.memref_squeeze %dma_wait3A_173 : memref<1x16xi32, #tpu.memory_space<vmem>> -> memref<16xi32, #tpu.memory_space<vmem>>
      %dma_wait3A_175 = arith.constant 0 : i32
      %dma_wait3A_176 = arith.constant 0 : i32
      %dma_wait3A_177 = tpu.memref_slice %arg5[%dma_wait3A_175, %dma_wait3A_176] : memref<8192x768xf32, #tpu.memory_space<hbm>> -> memref<8192x768xf32, #tpu.memory_space<hbm>>
      tpu.wait_indirect_dma semaphore(%arg17 : memref<!tpu.dma_semaphore, #tpu.memory_space<semaphore_mem>>) src(%dma_wait3A_177 : memref<8192x768xf32, #tpu.memory_space<hbm>>) dst(%dma_wait3A_171 : memref<16x768xf32, #tpu.memory_space<vmem>>)
      %dma_wait3A_178 = arith.constant 1 : i32
      %dma_wait3A_179 = arith.constant 0 : i32
      %dma_wait3A_180 = arith.constant 0 : i32
      %dma_wait3A_181 = tpu.memref_slice %arg12[%dma_wait3A_178, %dma_wait3A_179, %dma_wait3A_180] : memref<2x16x768xf32, #tpu.memory_space<vmem>> -> memref<1x16x768xf32, #tpu.memory_space<vmem>>
      %dma_wait3A_182 = tpu.memref_squeeze %dma_wait3A_181 : memref<1x16x768xf32, #tpu.memory_space<vmem>> -> memref<16x768xf32, #tpu.memory_space<vmem>>
      %dma_wait3A_183 = arith.constant 0 : i32
      %dma_wait3A_184 = tpu.memref_slice %arg2[%add3A_153, %dma_wait3A_183] : memref<32768x768xf32, #tpu.memory_space<hbm>> -> memref<16x768xf32, #tpu.memory_space<hbm>>
      %dma_wait3A_185 = arith.constant 0 : i32
      %dma_wait3A_186 = arith.constant 0 : i32
      %dma_wait3A_187 = tpu.memref_slice %arg12[%dma_wait3A_178, %dma_wait3A_185, %dma_wait3A_186] : memref<2x16x768xf32, #tpu.memory_space<vmem>> -> memref<1x16x768xf32, #tpu.memory_space<vmem>>
      %dma_wait3A_188 = tpu.memref_squeeze %dma_wait3A_187 : memref<1x16x768xf32, #tpu.memory_space<vmem>> -> memref<16x768xf32, #tpu.memory_space<vmem>>
      %dma_wait3A_189 = arith.constant 0 : i32
      %dma_wait3A_190 = tpu.memref_slice %arg2[%add3A_153, %dma_wait3A_189] : memref<32768x768xf32, #tpu.memory_space<hbm>> -> memref<16x768xf32, #tpu.memory_space<hbm>>
      tpu.wait_dma2 semaphore(%arg17 : memref<!tpu.dma_semaphore, #tpu.memory_space<semaphore_mem>>) src(%dma_wait3A_190 : memref<16x768xf32, #tpu.memory_space<hbm>>) dst(%dma_wait3A_188 : memref<16x768xf32, #tpu.memory_space<vmem>>)
      %add3A_191 = arith.constant 1 : i32
      %add3A_192 = arith.addi %add3A_150, %add3A_191 : i32
      %lt3A_193 = arith.constant 64 : i32
      %lt3A_194 = arith.cmpi slt, %add3A_192, %lt3A_193 : i32
      %convert_element_type3A_195 = arith.extui %lt3A_194 : i1 to i32
      %cond3A_196 = arith.constant 0 : i32
      %cond3A_197 = arith.cmpi ne, %convert_element_type3A_195, %cond3A_196 : i32
      scf.if %cond3A_197 {
        %add3A_224 = arith.constant 1 : i32
        %add3A_225 = arith.addi %add3A_150, %add3A_224 : i32
        %mul3A_226 = arith.constant 16 : i32
        %mul3A_227 = arith.muli %add3A_225, %mul3A_226 : i32
        %add3A_228 = arith.addi %mul3A_2, %mul3A_227 : i32
        %run_scoped3A_229 = arith.constant 0 : i32
        "tpu.region"() ({
          %run_scoped3A_267 = tpu.sem_alloc : memref<!tpu.dma_semaphore, #tpu.memory_space<semaphore_mem>>
          %dma_start3A_268 = arith.constant 0 : i32
          %dma_start3A_269 = tpu.memref_slice %arg9[%run_scoped3A_229, %dma_start3A_268] : memref<2x16xi32, #tpu.memory_space<vmem>> -> memref<1x16xi32, #tpu.memory_space<vmem>>
          %dma_start3A_270 = tpu.memref_squeeze %dma_start3A_269 : memref<1x16xi32, #tpu.memory_space<vmem>> -> memref<16xi32, #tpu.memory_space<vmem>>
          %dma_start3A_271 = tpu.memref_slice %arg3[%add3A_228] : memref<32768xi32, #tpu.memory_space<hbm>> -> memref<16xi32, #tpu.memory_space<hbm>>
          %dma_start3A_272 = arith.constant 0 : i32
          %dma_start3A_273 = tpu.memref_slice %arg9[%run_scoped3A_229, %dma_start3A_272] : memref<2x16xi32, #tpu.memory_space<vmem>> -> memref<1x16xi32, #tpu.memory_space<vmem>>
          %dma_start3A_274 = tpu.memref_squeeze %dma_start3A_273 : memref<1x16xi32, #tpu.memory_space<vmem>> -> memref<16xi32, #tpu.memory_space<vmem>>
          %dma_start3A_275 = tpu.memref_slice %arg3[%add3A_228] : memref<32768xi32, #tpu.memory_space<hbm>> -> memref<16xi32, #tpu.memory_space<hbm>>
          tpu.enqueue_dma source(%dma_start3A_275 : memref<16xi32, #tpu.memory_space<hbm>>) target(%dma_start3A_274 : memref<16xi32, #tpu.memory_space<vmem>>) target_semaphore(%run_scoped3A_267 : memref<!tpu.dma_semaphore, #tpu.memory_space<semaphore_mem>>)
          %dma_wait3A_276 = arith.constant 0 : i32
          %dma_wait3A_277 = tpu.memref_slice %arg9[%run_scoped3A_229, %dma_wait3A_276] : memref<2x16xi32, #tpu.memory_space<vmem>> -> memref<1x16xi32, #tpu.memory_space<vmem>>
          %dma_wait3A_278 = tpu.memref_squeeze %dma_wait3A_277 : memref<1x16xi32, #tpu.memory_space<vmem>> -> memref<16xi32, #tpu.memory_space<vmem>>
          %dma_wait3A_279 = tpu.memref_slice %arg3[%add3A_228] : memref<32768xi32, #tpu.memory_space<hbm>> -> memref<16xi32, #tpu.memory_space<hbm>>
          %dma_wait3A_280 = arith.constant 0 : i32
          %dma_wait3A_281 = tpu.memref_slice %arg9[%run_scoped3A_229, %dma_wait3A_280] : memref<2x16xi32, #tpu.memory_space<vmem>> -> memref<1x16xi32, #tpu.memory_space<vmem>>
          %dma_wait3A_282 = tpu.memref_squeeze %dma_wait3A_281 : memref<1x16xi32, #tpu.memory_space<vmem>> -> memref<16xi32, #tpu.memory_space<vmem>>
          %dma_wait3A_283 = tpu.memref_slice %arg3[%add3A_228] : memref<32768xi32, #tpu.memory_space<hbm>> -> memref<16xi32, #tpu.memory_space<hbm>>
          tpu.wait_dma2 semaphore(%run_scoped3A_267 : memref<!tpu.dma_semaphore, #tpu.memory_space<semaphore_mem>>) src(%dma_wait3A_283 : memref<16xi32, #tpu.memory_space<hbm>>) dst(%dma_wait3A_282 : memref<16xi32, #tpu.memory_space<vmem>>)
          tpu.yield
        }) : () -> ()
        %dma_start3A_230 = arith.constant 0 : i32
        %dma_start3A_231 = arith.constant 0 : i32
        %dma_start3A_232 = arith.constant 0 : i32
        %dma_start3A_233 = arith.constant 0 : i32
        %dma_start3A_234 = tpu.memref_slice %arg10[%dma_start3A_231, %dma_start3A_232, %dma_start3A_233] : memref<2x16x768xf32, #tpu.memory_space<vmem>> -> memref<1x16x768xf32, #tpu.memory_space<vmem>>
        %dma_start3A_235 = tpu.memref_squeeze %dma_start3A_234 : memref<1x16x768xf32, #tpu.memory_space<vmem>> -> memref<16x768xf32, #tpu.memory_space<vmem>>
        %dma_start3A_236 = arith.constant 0 : i32
        %dma_start3A_237 = tpu.memref_slice %arg9[%dma_start3A_230, %dma_start3A_236] : memref<2x16xi32, #tpu.memory_space<vmem>> -> memref<1x16xi32, #tpu.memory_space<vmem>>
        %dma_start3A_238 = tpu.memref_squeeze %dma_start3A_237 : memref<1x16xi32, #tpu.memory_space<vmem>> -> memref<16xi32, #tpu.memory_space<vmem>>
        %dma_start3A_239 = arith.constant 0 : i32
        %dma_start3A_240 = arith.constant 0 : i32
        %dma_start3A_241 = tpu.memref_slice %arg4[%dma_start3A_239, %dma_start3A_240] : memref<8192x768xf32, #tpu.memory_space<hbm>> -> memref<8192x768xf32, #tpu.memory_space<hbm>>
        tpu.enqueue_indirect_dma source(%dma_start3A_241 : memref<8192x768xf32, #tpu.memory_space<hbm>>) target(%dma_start3A_235 : memref<16x768xf32, #tpu.memory_space<vmem>>) offsets(%dma_start3A_238 : memref<16xi32, #tpu.memory_space<vmem>>) semaphore(%arg16 : memref<!tpu.dma_semaphore, #tpu.memory_space<semaphore_mem>>)
        %dma_start3A_242 = arith.constant 0 : i32
        %dma_start3A_243 = arith.constant 0 : i32
        %dma_start3A_244 = arith.constant 0 : i32
        %dma_start3A_245 = arith.constant 0 : i32
        %dma_start3A_246 = tpu.memref_slice %arg11[%dma_start3A_243, %dma_start3A_244, %dma_start3A_245] : memref<2x16x768xf32, #tpu.memory_space<vmem>> -> memref<1x16x768xf32, #tpu.memory_space<vmem>>
        %dma_start3A_247 = tpu.memref_squeeze %dma_start3A_246 : memref<1x16x768xf32, #tpu.memory_space<vmem>> -> memref<16x768xf32, #tpu.memory_space<vmem>>
        %dma_start3A_248 = arith.constant 0 : i32
        %dma_start3A_249 = tpu.memref_slice %arg9[%dma_start3A_242, %dma_start3A_248] : memref<2x16xi32, #tpu.memory_space<vmem>> -> memref<1x16xi32, #tpu.memory_space<vmem>>
        %dma_start3A_250 = tpu.memref_squeeze %dma_start3A_249 : memref<1x16xi32, #tpu.memory_space<vmem>> -> memref<16xi32, #tpu.memory_space<vmem>>
        %dma_start3A_251 = arith.constant 0 : i32
        %dma_start3A_252 = arith.constant 0 : i32
        %dma_start3A_253 = tpu.memref_slice %arg5[%dma_start3A_251, %dma_start3A_252] : memref<8192x768xf32, #tpu.memory_space<hbm>> -> memref<8192x768xf32, #tpu.memory_space<hbm>>
        tpu.enqueue_indirect_dma source(%dma_start3A_253 : memref<8192x768xf32, #tpu.memory_space<hbm>>) target(%dma_start3A_247 : memref<16x768xf32, #tpu.memory_space<vmem>>) offsets(%dma_start3A_250 : memref<16xi32, #tpu.memory_space<vmem>>) semaphore(%arg16 : memref<!tpu.dma_semaphore, #tpu.memory_space<semaphore_mem>>)
        %dma_start3A_254 = arith.constant 0 : i32
        %dma_start3A_255 = arith.constant 0 : i32
        %dma_start3A_256 = arith.constant 0 : i32
        %dma_start3A_257 = tpu.memref_slice %arg12[%dma_start3A_254, %dma_start3A_255, %dma_start3A_256] : memref<2x16x768xf32, #tpu.memory_space<vmem>> -> memref<1x16x768xf32, #tpu.memory_space<vmem>>
        %dma_start3A_258 = tpu.memref_squeeze %dma_start3A_257 : memref<1x16x768xf32, #tpu.memory_space<vmem>> -> memref<16x768xf32, #tpu.memory_space<vmem>>
        %dma_start3A_259 = arith.constant 0 : i32
        %dma_start3A_260 = tpu.memref_slice %arg2[%add3A_228, %dma_start3A_259] : memref<32768x768xf32, #tpu.memory_space<hbm>> -> memref<16x768xf32, #tpu.memory_space<hbm>>
        %dma_start3A_261 = arith.constant 0 : i32
        %dma_start3A_262 = arith.constant 0 : i32
        %dma_start3A_263 = tpu.memref_slice %arg12[%dma_start3A_254, %dma_start3A_261, %dma_start3A_262] : memref<2x16x768xf32, #tpu.memory_space<vmem>> -> memref<1x16x768xf32, #tpu.memory_space<vmem>>
        %dma_start3A_264 = tpu.memref_squeeze %dma_start3A_263 : memref<1x16x768xf32, #tpu.memory_space<vmem>> -> memref<16x768xf32, #tpu.memory_space<vmem>>
        %dma_start3A_265 = arith.constant 0 : i32
        %dma_start3A_266 = tpu.memref_slice %arg2[%add3A_228, %dma_start3A_265] : memref<32768x768xf32, #tpu.memory_space<hbm>> -> memref<16x768xf32, #tpu.memory_space<hbm>>
        tpu.enqueue_dma source(%dma_start3A_266 : memref<16x768xf32, #tpu.memory_space<hbm>>) target(%dma_start3A_264 : memref<16x768xf32, #tpu.memory_space<vmem>>) target_semaphore(%arg16 : memref<!tpu.dma_semaphore, #tpu.memory_space<semaphore_mem>>)
      } else {
      }
      %mul3A_198 = arith.constant 16 : i32
      %mul3A_199 = arith.muli %add3A_150, %mul3A_198 : i32
      %add3A_200 = arith.addi %mul3A_2, %mul3A_199 : i32
      %ge3A_201 = arith.constant 2 : i32
      %ge3A_202 = arith.cmpi sge, %add3A_150, %ge3A_201 : i32
      %convert_element_type3A_203 = arith.extui %ge3A_202 : i1 to i32
      %cond3A_204 = arith.constant 0 : i32
      %cond3A_205 = arith.cmpi ne, %convert_element_type3A_203, %cond3A_204 : i32
      scf.if %cond3A_205 {
        %dma_wait3A_224 = arith.constant 1 : i32
        %dma_wait3A_225 = arith.constant 0 : i32
        %dma_wait3A_226 = arith.constant 0 : i32
        %dma_wait3A_227 = tpu.memref_slice %arg13[%dma_wait3A_224, %dma_wait3A_225, %dma_wait3A_226] : memref<2x16x768xf32, #tpu.memory_space<vmem>> -> memref<1x16x768xf32, #tpu.memory_space<vmem>>
        %dma_wait3A_228 = tpu.memref_squeeze %dma_wait3A_227 : memref<1x16x768xf32, #tpu.memory_space<vmem>> -> memref<16x768xf32, #tpu.memory_space<vmem>>
        %dma_wait3A_229 = arith.constant 0 : i32
        %dma_wait3A_230 = tpu.memref_slice %arg8[%add3A_200, %dma_wait3A_229] : memref<32768x768xf32, #tpu.memory_space<hbm>> -> memref<16x768xf32, #tpu.memory_space<hbm>>
        %dma_wait3A_231 = arith.constant 0 : i32
        %dma_wait3A_232 = tpu.memref_slice %arg8[%add3A_200, %dma_wait3A_231] : memref<32768x768xf32, #tpu.memory_space<hbm>> -> memref<16x768xf32, #tpu.memory_space<hbm>>
        %dma_wait3A_233 = arith.constant 0 : i32
        %dma_wait3A_234 = arith.constant 0 : i32
        %dma_wait3A_235 = tpu.memref_slice %arg13[%dma_wait3A_224, %dma_wait3A_233, %dma_wait3A_234] : memref<2x16x768xf32, #tpu.memory_space<vmem>> -> memref<1x16x768xf32, #tpu.memory_space<vmem>>
        %dma_wait3A_236 = tpu.memref_squeeze %dma_wait3A_235 : memref<1x16x768xf32, #tpu.memory_space<vmem>> -> memref<16x768xf32, #tpu.memory_space<vmem>>
        tpu.wait_dma2 semaphore(%arg19 : memref<!tpu.dma_semaphore, #tpu.memory_space<semaphore_mem>>) src(%dma_wait3A_236 : memref<16x768xf32, #tpu.memory_space<vmem>>) dst(%dma_wait3A_232 : memref<16x768xf32, #tpu.memory_space<hbm>>)
      } else {
      }
      %broadcast_in_dim3A_206 = arith.constant 0.000000e+00 : f32
      %broadcast_in_dim3A_207 = vector.broadcast %broadcast_in_dim3A_206 : f32 to vector<16xf32>
      %parallel_loop3A_208 = arith.constant 0 : i32
      %parallel_loop3A_209 = arith.constant 16 : i32
      %parallel_loop3A_210 = arith.constant 8 : i32
      scf.for %parallel_loop3A_224 = %parallel_loop3A_208 to %parallel_loop3A_209 step %parallel_loop3A_210  : i32 {
        %parallel_loop3A_225 = arith.constant 0 : i32
        %parallel_loop3A_226 = arith.addi %parallel_loop3A_224, %parallel_loop3A_225 : i32
        %parallel_loop3A_227 = arith.constant 0 : i32
        %parallel_loop3A_228 = arith.addi %parallel_loop3A_224, %parallel_loop3A_227 : i32
        %parallel_loop3A_229 = arith.constant 1 : i32
        %parallel_loop3A_230 = arith.addi %parallel_loop3A_228, %parallel_loop3A_229 : i32
        %parallel_loop3A_231 = arith.constant 0 : i32
        %parallel_loop3A_232 = arith.constant 48 : i32
        %parallel_loop3A_233 = arith.constant 2 : i32
        %parallel_loop3A_234:8 = scf.for %parallel_loop3A_1116 = %parallel_loop3A_231 to %parallel_loop3A_232 step %parallel_loop3A_233 iter_args(%parallel_loop3A_1117 = %broadcast_in_dim3A_207, %parallel_loop3A_1118 = %broadcast_in_dim3A_207, %parallel_loop3A_1119 = %broadcast_in_dim3A_207, %parallel_loop3A_1120 = %broadcast_in_dim3A_207, %parallel_loop3A_1121 = %broadcast_in_dim3A_207, %parallel_loop3A_1122 = %broadcast_in_dim3A_207, %parallel_loop3A_1123 = %broadcast_in_dim3A_207, %parallel_loop3A_1124 = %broadcast_in_dim3A_207) -> (vector<16xf32>, vector<16xf32>, vector<16xf32>, vector<16xf32>, vector<16xf32>, vector<16xf32>, vector<16xf32>, vector<16xf32>)  : i32 {
          %parallel_loop3A_1125 = arith.constant 16 : i32
          %parallel_loop3A_1126 = arith.muli %parallel_loop3A_1116, %parallel_loop3A_1125 : i32
          %parallel_loop3A_1127 = arith.constant 1 : i32
          %parallel_loop3A_1128 = arith.addi %parallel_loop3A_1116, %parallel_loop3A_1127 : i32
          %parallel_loop3A_1129 = arith.constant 16 : i32
          %parallel_loop3A_1130 = arith.muli %parallel_loop3A_1128, %parallel_loop3A_1129 : i32
          %parallel_loop3A_1131 = arith.constant 1 : i32
          %parallel_loop3A_1132 = arith.index_cast %parallel_loop3A_1131 : i32 to index
          %parallel_loop3A_1133 = arith.index_cast %parallel_loop3A_226 : i32 to index
          %parallel_loop3A_1134 = arith.index_cast %parallel_loop3A_1126 : i32 to index
          %parallel_loop3A_1135 = tpu.vector_load %arg10[%parallel_loop3A_1132, %parallel_loop3A_1133, %parallel_loop3A_1134] {strides = array<i32>} : memref<2x16x768xf32, #tpu.memory_space<vmem>>, vector<1x1x16xf32>,
          %parallel_loop3A_1136 = vector.shape_cast %parallel_loop3A_1135 : vector<1x1x16xf32> to vector<16xf32>
          %parallel_loop3A_1137 = arith.constant 1 : i32
          %parallel_loop3A_1138 = arith.index_cast %parallel_loop3A_1137 : i32 to index
          %parallel_loop3A_1139 = arith.index_cast %parallel_loop3A_226 : i32 to index
          %parallel_loop3A_1140 = arith.index_cast %parallel_loop3A_1126 : i32 to index
          %parallel_loop3A_1141 = tpu.vector_load %arg12[%parallel_loop3A_1138, %parallel_loop3A_1139, %parallel_loop3A_1140] {strides = array<i32>} : memref<2x16x768xf32, #tpu.memory_space<vmem>>, vector<1x1x16xf32>,
          %parallel_loop3A_1142 = vector.shape_cast %parallel_loop3A_1141 : vector<1x1x16xf32> to vector<16xf32>
          %parallel_loop3A_1143 = arith.mulf %parallel_loop3A_1136, %parallel_loop3A_1142 : vector<16xf32>
          %parallel_loop3A_1144 = arith.constant 1 : i32
          %parallel_loop3A_1145 = arith.index_cast %parallel_loop3A_1144 : i32 to index
          %parallel_loop3A_1146 = arith.index_cast %parallel_loop3A_226 : i32 to index
          %parallel_loop3A_1147 = arith.index_cast %parallel_loop3A_1126 : i32 to index
          %parallel_loop3A_1148 = tpu.vector_load %arg11[%parallel_loop3A_1145, %parallel_loop3A_1146, %parallel_loop3A_1147] {strides = array<i32>} : memref<2x16x768xf32, #tpu.memory_space<vmem>>, vector<1x1x16xf32>,
          %parallel_loop3A_1149 = vector.shape_cast %parallel_loop3A_1148 : vector<1x1x16xf32> to vector<16xf32>
          %parallel_loop3A_1150 = arith.addf %parallel_loop3A_1143, %parallel_loop3A_1149 : vector<16xf32>
          %parallel_loop3A_1151 = arith.constant 1 : i32
          %parallel_loop3A_1152 = arith.index_cast %parallel_loop3A_1151 : i32 to index
          %parallel_loop3A_1153 = arith.index_cast %parallel_loop3A_226 : i32 to index
          %parallel_loop3A_1154 = arith.index_cast %parallel_loop3A_1130 : i32 to index
          %parallel_loop3A_1155 = tpu.vector_load %arg10[%parallel_loop3A_1152, %parallel_loop3A_1153, %parallel_loop3A_1154] {strides = array<i32>} : memref<2x16x768xf32, #tpu.memory_space<vmem>>, vector<1x1x16xf32>,
          %parallel_loop3A_1156 = vector.shape_cast %parallel_loop3A_1155 : vector<1x1x16xf32> to vector<16xf32>
          %parallel_loop3A_1157 = arith.constant 1 : i32
          %parallel_loop3A_1158 = arith.index_cast %parallel_loop3A_1157 : i32 to index
          %parallel_loop3A_1159 = arith.index_cast %parallel_loop3A_226 : i32 to index
          %parallel_loop3A_1160 = arith.index_cast %parallel_loop3A_1130 : i32 to index
          %parallel_loop3A_1161 = tpu.vector_load %arg12[%parallel_loop3A_1158, %parallel_loop3A_1159, %parallel_loop3A_1160] {strides = array<i32>} : memref<2x16x768xf32, #tpu.memory_space<vmem>>, vector<1x1x16xf32>,
          %parallel_loop3A_1162 = vector.shape_cast %parallel_loop3A_1161 : vector<1x1x16xf32> to vector<16xf32>
          %parallel_loop3A_1163 = arith.mulf %parallel_loop3A_1156, %parallel_loop3A_1162 : vector<16xf32>
          %parallel_loop3A_1164 = arith.constant 1 : i32
          %parallel_loop3A_1165 = arith.index_cast %parallel_loop3A_1164 : i32 to index
          %parallel_loop3A_1166 = arith.index_cast %parallel_loop3A_226 : i32 to index
          %parallel_loop3A_1167 = arith.index_cast %parallel_loop3A_1130 : i32 to index
          %parallel_loop3A_1168 = tpu.vector_load %arg11[%parallel_loop3A_1165, %parallel_loop3A_1166, %parallel_loop3A_1167] {strides = array<i32>} : memref<2x16x768xf32, #tpu.memory_space<vmem>>, vector<1x1x16xf32>,
          %parallel_loop3A_1169 = vector.shape_cast %parallel_loop3A_1168 : vector<1x1x16xf32> to vector<16xf32>
          %parallel_loop3A_1170 = arith.addf %parallel_loop3A_1163, %parallel_loop3A_1169 : vector<16xf32>
          %parallel_loop3A_1171 = arith.constant 1 : i32
          %parallel_loop3A_1172 = arith.index_cast %parallel_loop3A_1171 : i32 to index
          %parallel_loop3A_1173 = arith.index_cast %parallel_loop3A_230 : i32 to index
          %parallel_loop3A_1174 = arith.index_cast %parallel_loop3A_1126 : i32 to index
          %parallel_loop3A_1175 = tpu.vector_load %arg10[%parallel_loop3A_1172, %parallel_loop3A_1173, %parallel_loop3A_1174] {strides = array<i32>} : memref<2x16x768xf32, #tpu.memory_space<vmem>>, vector<1x1x16xf32>,
          %parallel_loop3A_1176 = vector.shape_cast %parallel_loop3A_1175 : vector<1x1x16xf32> to vector<16xf32>
          %parallel_loop3A_1177 = arith.constant 1 : i32
          %parallel_loop3A_1178 = arith.index_cast %parallel_loop3A_1177 : i32 to index
          %parallel_loop3A_1179 = arith.index_cast %parallel_loop3A_230 : i32 to index
          %parallel_loop3A_1180 = arith.index_cast %parallel_loop3A_1126 : i32 to index
          %parallel_loop3A_1181 = tpu.vector_load %arg12[%parallel_loop3A_1178, %parallel_loop3A_1179, %parallel_loop3A_1180] {strides = array<i32>} : memref<2x16x768xf32, #tpu.memory_space<vmem>>, vector<1x1x16xf32>,
          %parallel_loop3A_1182 = vector.shape_cast %parallel_loop3A_1181 : vector<1x1x16xf32> to vector<16xf32>
          %parallel_loop3A_1183 = arith.mulf %parallel_loop3A_1176, %parallel_loop3A_1182 : vector<16xf32>
          %parallel_loop3A_1184 = arith.constant 1 : i32
          %parallel_loop3A_1185 = arith.index_cast %parallel_loop3A_1184 : i32 to index
          %parallel_loop3A_1186 = arith.index_cast %parallel_loop3A_230 : i32 to index
          %parallel_loop3A_1187 = arith.index_cast %parallel_loop3A_1126 : i32 to index
          %parallel_loop3A_1188 = tpu.vector_load %arg11[%parallel_loop3A_1185, %parallel_loop3A_1186, %parallel_loop3A_1187] {strides = array<i32>} : memref<2x16x768xf32, #tpu.memory_space<vmem>>, vector<1x1x16xf32>,
          %parallel_loop3A_1189 = vector.shape_cast %parallel_loop3A_1188 : vector<1x1x16xf32> to vector<16xf32>
          %parallel_loop3A_1190 = arith.addf %parallel_loop3A_1183, %parallel_loop3A_1189 : vector<16xf32>
          %parallel_loop3A_1191 = arith.constant 1 : i32
          %parallel_loop3A_1192 = arith.index_cast %parallel_loop3A_1191 : i32 to index
          %parallel_loop3A_1193 = arith.index_cast %parallel_loop3A_230 : i32 to index
          %parallel_loop3A_1194 = arith.index_cast %parallel_loop3A_1130 : i32 to index
          %parallel_loop3A_1195 = tpu.vector_load %arg10[%parallel_loop3A_1192, %parallel_loop3A_1193, %parallel_loop3A_1194] {strides = array<i32>} : memref<2x16x768xf32, #tpu.memory_space<vmem>>, vector<1x1x16xf32>,
          %parallel_loop3A_1196 = vector.shape_cast %parallel_loop3A_1195 : vector<1x1x16xf32> to vector<16xf32>
          %parallel_loop3A_1197 = arith.constant 1 : i32
          %parallel_loop3A_1198 = arith.index_cast %parallel_loop3A_1197 : i32 to index
          %parallel_loop3A_1199 = arith.index_cast %parallel_loop3A_230 : i32 to index
          %parallel_loop3A_1200 = arith.index_cast %parallel_loop3A_1130 : i32 to index
          %parallel_loop3A_1201 = tpu.vector_load %arg12[%parallel_loop3A_1198, %parallel_loop3A_1199, %parallel_loop3A_1200] {strides = array<i32>} : memref<2x16x768xf32, #tpu.memory_space<vmem>>, vector<1x1x16xf32>,
          %parallel_loop3A_1202 = vector.shape_cast %parallel_loop3A_1201 : vector<1x1x16xf32> to vector<16xf32>
          %parallel_loop3A_1203 = arith.mulf %parallel_loop3A_1196, %parallel_loop3A_1202 : vector<16xf32>
          %parallel_loop3A_1204 = arith.constant 1 : i32
          %parallel_loop3A_1205 = arith.index_cast %parallel_loop3A_1204 : i32 to index
          %parallel_loop3A_1206 = arith.index_cast %parallel_loop3A_230 : i32 to index
          %parallel_loop3A_1207 = arith.index_cast %parallel_loop3A_1130 : i32 to index
          %parallel_loop3A_1208 = tpu.vector_load %arg11[%parallel_loop3A_1205, %parallel_loop3A_1206, %parallel_loop3A_1207] {strides = array<i32>} : memref<2x16x768xf32, #tpu.memory_space<vmem>>, vector<1x1x16xf32>,
          %parallel_loop3A_1209 = vector.shape_cast %parallel_loop3A_1208 : vector<1x1x16xf32> to vector<16xf32>
          %parallel_loop3A_1210 = arith.addf %parallel_loop3A_1203, %parallel_loop3A_1209 : vector<16xf32>
          %parallel_loop3A_1211 = arith.constant 1 : i32
          %parallel_loop3A_1212 = arith.index_cast %parallel_loop3A_1211 : i32 to index
          %parallel_loop3A_1213 = arith.index_cast %parallel_loop3A_226 : i32 to index
          %parallel_loop3A_1214 = arith.index_cast %parallel_loop3A_1126 : i32 to index
          %parallel_loop3A_1215 = tpu.vector_load %arg13[%parallel_loop3A_1212, %parallel_loop3A_1213, %parallel_loop3A_1214] {strides = array<i32>} : memref<2x16x768xf32, #tpu.memory_space<vmem>>, vector<1x1x16xf32>,
          %parallel_loop3A_1216 = vector.shape_cast %parallel_loop3A_1215 : vector<1x1x16xf32> to vector<16xf32>
          %parallel_loop3A_1217 = vector.shape_cast %parallel_loop3A_1150 : vector<16xf32> to vector<1x1x16xf32>
          tpu.vector_store %arg13[%parallel_loop3A_1212, %parallel_loop3A_1213, %parallel_loop3A_1214], %parallel_loop3A_1217 {strides = array<i32>} : memref<2x16x768xf32, #tpu.memory_space<vmem>>, vector<1x1x16xf32>,
          %parallel_loop3A_1218 = arith.constant 1 : i32
          %parallel_loop3A_1219 = arith.index_cast %parallel_loop3A_1218 : i32 to index
          %parallel_loop3A_1220 = arith.index_cast %parallel_loop3A_226 : i32 to index
          %parallel_loop3A_1221 = arith.index_cast %parallel_loop3A_1130 : i32 to index
          %parallel_loop3A_1222 = tpu.vector_load %arg13[%parallel_loop3A_1219, %parallel_loop3A_1220, %parallel_loop3A_1221] {strides = array<i32>} : memref<2x16x768xf32, #tpu.memory_space<vmem>>, vector<1x1x16xf32>,
          %parallel_loop3A_1223 = vector.shape_cast %parallel_loop3A_1222 : vector<1x1x16xf32> to vector<16xf32>
          %parallel_loop3A_1224 = vector.shape_cast %parallel_loop3A_1170 : vector<16xf32> to vector<1x1x16xf32>
          tpu.vector_store %arg13[%parallel_loop3A_1219, %parallel_loop3A_1220, %parallel_loop3A_1221], %parallel_loop3A_1224 {strides = array<i32>} : memref<2x16x768xf32, #tpu.memory_space<vmem>>, vector<1x1x16xf32>,
          %parallel_loop3A_1225 = arith.constant 1 : i32
          %parallel_loop3A_1226 = arith.index_cast %parallel_loop3A_1225 : i32 to index
          %parallel_loop3A_1227 = arith.index_cast %parallel_loop3A_230 : i32 to index
          %parallel_loop3A_1228 = arith.index_cast %parallel_loop3A_1126 : i32 to index
          %parallel_loop3A_1229 = tpu.vector_load %arg13[%parallel_loop3A_1226, %parallel_loop3A_1227, %parallel_loop3A_1228] {strides = array<i32>} : memref<2x16x768xf32, #tpu.memory_space<vmem>>, vector<1x1x16xf32>,
          %parallel_loop3A_1230 = vector.shape_cast %parallel_loop3A_1229 : vector<1x1x16xf32> to vector<16xf32>
          %parallel_loop3A_1231 = vector.shape_cast %parallel_loop3A_1190 : vector<16xf32> to vector<1x1x16xf32>
          tpu.vector_store %arg13[%parallel_loop3A_1226, %parallel_loop3A_1227, %parallel_loop3A_1228], %parallel_loop3A_1231 {strides = array<i32>} : memref<2x16x768xf32, #tpu.memory_space<vmem>>, vector<1x1x16xf32>,
          %parallel_loop3A_1232 = arith.constant 1 : i32
          %parallel_loop3A_1233 = arith.index_cast %parallel_loop3A_1232 : i32 to index
          %parallel_loop3A_1234 = arith.index_cast %parallel_loop3A_230 : i32 to index
          %parallel_loop3A_1235 = arith.index_cast %parallel_loop3A_1130 : i32 to index
          %parallel_loop3A_1236 = tpu.vector_load %arg13[%parallel_loop3A_1233, %parallel_loop3A_1234, %parallel_loop3A_1235] {strides = array<i32>} : memref<2x16x768xf32, #tpu.memory_space<vmem>>, vector<1x1x16xf32>,
          %parallel_loop3A_1237 = vector.shape_cast %parallel_loop3A_1236 : vector<1x1x16xf32> to vector<16xf32>
          %parallel_loop3A_1238 = vector.shape_cast %parallel_loop3A_1210 : vector<16xf32> to vector<1x1x16xf32>
          tpu.vector_store %arg13[%parallel_loop3A_1233, %parallel_loop3A_1234, %parallel_loop3A_1235], %parallel_loop3A_1238 {strides = array<i32>} : memref<2x16x768xf32, #tpu.memory_space<vmem>>, vector<1x1x16xf32>,
          %parallel_loop3A_1239 = arith.addf %parallel_loop3A_1117, %parallel_loop3A_1150 : vector<16xf32>
          %parallel_loop3A_1240 = arith.mulf %parallel_loop3A_1150, %parallel_loop3A_1150 : vector<16xf32>
          %parallel_loop3A_1241 = arith.addf %parallel_loop3A_1118, %parallel_loop3A_1240 : vector<16xf32>
          %parallel_loop3A_1242 = arith.addf %parallel_loop3A_1119, %parallel_loop3A_1170 : vector<16xf32>
          %parallel_loop3A_1243 = arith.mulf %parallel_loop3A_1170, %parallel_loop3A_1170 : vector<16xf32>
          %parallel_loop3A_1244 = arith.addf %parallel_loop3A_1120, %parallel_loop3A_1243 : vector<16xf32>
          %parallel_loop3A_1245 = arith.addf %parallel_loop3A_1121, %parallel_loop3A_1190 : vector<16xf32>
          %parallel_loop3A_1246 = arith.mulf %parallel_loop3A_1190, %parallel_loop3A_1190 : vector<16xf32>
          %parallel_loop3A_1247 = arith.addf %parallel_loop3A_1122, %parallel_loop3A_1246 : vector<16xf32>
          %parallel_loop3A_1248 = arith.addf %parallel_loop3A_1123, %parallel_loop3A_1210 : vector<16xf32>
          %parallel_loop3A_1249 = arith.mulf %parallel_loop3A_1210, %parallel_loop3A_1210 : vector<16xf32>
          %parallel_loop3A_1250 = arith.addf %parallel_loop3A_1124, %parallel_loop3A_1249 : vector<16xf32>
          scf.yield %parallel_loop3A_1239, %parallel_loop3A_1241, %parallel_loop3A_1242, %parallel_loop3A_1244, %parallel_loop3A_1245, %parallel_loop3A_1247, %parallel_loop3A_1248, %parallel_loop3A_1250 : vector<16xf32>, vector<16xf32>, vector<16xf32>, vector<16xf32>, vector<16xf32>, vector<16xf32>, vector<16xf32>, vector<16xf32>
        } {sc.loop_unroll_factor = 2 : i64, sc.parallel_access}
        %parallel_loop3A_235 = arith.addf %parallel_loop3A_234#0, %parallel_loop3A_234#2 : vector<16xf32>
        %parallel_loop3A_236 = arith.addf %parallel_loop3A_234#1, %parallel_loop3A_234#3 : vector<16xf32>
        %parallel_loop3A_237 = arith.addf %parallel_loop3A_234#4, %parallel_loop3A_234#6 : vector<16xf32>
        %parallel_loop3A_238 = arith.addf %parallel_loop3A_234#5, %parallel_loop3A_234#7 : vector<16xf32>
        %parallel_loop3A_239 = tpu.iota {dimensions = array<i32: 0>} : vector<16xi32>
        %parallel_loop3A_240 = arith.constant 8 : i32
        %parallel_loop3A_241 = vector.broadcast %parallel_loop3A_240 : i32 to vector<16xi32>
        %parallel_loop3A_242 = arith.xori %parallel_loop3A_239, %parallel_loop3A_241 : vector<16xi32>
        %parallel_loop3A_243 = vector.shape_cast %parallel_loop3A_242 : vector<16xi32> to vector<16x1xi32>
        %parallel_loop3A_244 = vector.shape_cast %parallel_loop3A_243 : vector<16x1xi32> to vector<16xi32>
        %parallel_loop3A_245 = tpu.dynamic_gather %parallel_loop3A_235[%parallel_loop3A_244] in [0] : vector<16xf32>, vector<16xi32> -> vector<16xf32>
        %parallel_loop3A_246 = arith.addf %parallel_loop3A_235, %parallel_loop3A_245 : vector<16xf32>
        %parallel_loop3A_247 = arith.constant 4 : i32
        %parallel_loop3A_248 = vector.broadcast %parallel_loop3A_247 : i32 to vector<16xi32>
        %parallel_loop3A_249 = arith.xori %parallel_loop3A_239, %parallel_loop3A_248 : vector<16xi32>
        %parallel_loop3A_250 = vector.shape_cast %parallel_loop3A_249 : vector<16xi32> to vector<16x1xi32>
        %parallel_loop3A_251 = vector.shape_cast %parallel_loop3A_250 : vector<16x1xi32> to vector<16xi32>
        %parallel_loop3A_252 = tpu.dynamic_gather %parallel_loop3A_246[%parallel_loop3A_251] in [0] : vector<16xf32>, vector<16xi32> -> vector<16xf32>
        %parallel_loop3A_253 = arith.addf %parallel_loop3A_246, %parallel_loop3A_252 : vector<16xf32>
        %parallel_loop3A_254 = arith.constant 2 : i32
        %parallel_loop3A_255 = vector.broadcast %parallel_loop3A_254 : i32 to vector<16xi32>
        %parallel_loop3A_256 = arith.xori %parallel_loop3A_239, %parallel_loop3A_255 : vector<16xi32>
        %parallel_loop3A_257 = vector.shape_cast %parallel_loop3A_256 : vector<16xi32> to vector<16x1xi32>
        %parallel_loop3A_258 = vector.shape_cast %parallel_loop3A_257 : vector<16x1xi32> to vector<16xi32>
        %parallel_loop3A_259 = tpu.dynamic_gather %parallel_loop3A_253[%parallel_loop3A_258] in [0] : vector<16xf32>, vector<16xi32> -> vector<16xf32>
        %parallel_loop3A_260 = arith.addf %parallel_loop3A_253, %parallel_loop3A_259 : vector<16xf32>
        %parallel_loop3A_261 = arith.constant 1 : i32
        %parallel_loop3A_262 = vector.broadcast %parallel_loop3A_261 : i32 to vector<16xi32>
        %parallel_loop3A_263 = arith.xori %parallel_loop3A_239, %parallel_loop3A_262 : vector<16xi32>
        %parallel_loop3A_264 = vector.shape_cast %parallel_loop3A_263 : vector<16xi32> to vector<16x1xi32>
        %parallel_loop3A_265 = vector.shape_cast %parallel_loop3A_264 : vector<16x1xi32> to vector<16xi32>
        %parallel_loop3A_266 = tpu.dynamic_gather %parallel_loop3A_260[%parallel_loop3A_265] in [0] : vector<16xf32>, vector<16xi32> -> vector<16xf32>
        %parallel_loop3A_267 = arith.addf %parallel_loop3A_260, %parallel_loop3A_266 : vector<16xf32>
        %parallel_loop3A_268 = arith.constant 0.00130208337 : f32
        %parallel_loop3A_269 = vector.broadcast %parallel_loop3A_268 : f32 to vector<16xf32>
        %parallel_loop3A_270 = arith.mulf %parallel_loop3A_267, %parallel_loop3A_269 : vector<16xf32>
        %parallel_loop3A_271 = tpu.iota {dimensions = array<i32: 0>} : vector<16xi32>
        %parallel_loop3A_272 = arith.constant 8 : i32
        %parallel_loop3A_273 = vector.broadcast %parallel_loop3A_272 : i32 to vector<16xi32>
        %parallel_loop3A_274 = arith.xori %parallel_loop3A_271, %parallel_loop3A_273 : vector<16xi32>
        %parallel_loop3A_275 = vector.shape_cast %parallel_loop3A_274 : vector<16xi32> to vector<16x1xi32>
        %parallel_loop3A_276 = vector.shape_cast %parallel_loop3A_275 : vector<16x1xi32> to vector<16xi32>
        %parallel_loop3A_277 = tpu.dynamic_gather %parallel_loop3A_236[%parallel_loop3A_276] in [0] : vector<16xf32>, vector<16xi32> -> vector<16xf32>
        %parallel_loop3A_278 = arith.addf %parallel_loop3A_236, %parallel_loop3A_277 : vector<16xf32>
        %parallel_loop3A_279 = arith.constant 4 : i32
        %parallel_loop3A_280 = vector.broadcast %parallel_loop3A_279 : i32 to vector<16xi32>
        %parallel_loop3A_281 = arith.xori %parallel_loop3A_271, %parallel_loop3A_280 : vector<16xi32>
        %parallel_loop3A_282 = vector.shape_cast %parallel_loop3A_281 : vector<16xi32> to vector<16x1xi32>
        %parallel_loop3A_283 = vector.shape_cast %parallel_loop3A_282 : vector<16x1xi32> to vector<16xi32>
        %parallel_loop3A_284 = tpu.dynamic_gather %parallel_loop3A_278[%parallel_loop3A_283] in [0] : vector<16xf32>, vector<16xi32> -> vector<16xf32>
        %parallel_loop3A_285 = arith.addf %parallel_loop3A_278, %parallel_loop3A_284 : vector<16xf32>
        %parallel_loop3A_286 = arith.constant 2 : i32
        %parallel_loop3A_287 = vector.broadcast %parallel_loop3A_286 : i32 to vector<16xi32>
        %parallel_loop3A_288 = arith.xori %parallel_loop3A_271, %parallel_loop3A_287 : vector<16xi32>
        %parallel_loop3A_289 = vector.shape_cast %parallel_loop3A_288 : vector<16xi32> to vector<16x1xi32>
        %parallel_loop3A_290 = vector.shape_cast %parallel_loop3A_289 : vector<16x1xi32> to vector<16xi32>
        %parallel_loop3A_291 = tpu.dynamic_gather %parallel_loop3A_285[%parallel_loop3A_290] in [0] : vector<16xf32>, vector<16xi32> -> vector<16xf32>
        %parallel_loop3A_292 = arith.addf %parallel_loop3A_285, %parallel_loop3A_291 : vector<16xf32>
        %parallel_loop3A_293 = arith.constant 1 : i32
        %parallel_loop3A_294 = vector.broadcast %parallel_loop3A_293 : i32 to vector<16xi32>
        %parallel_loop3A_295 = arith.xori %parallel_loop3A_271, %parallel_loop3A_294 : vector<16xi32>
        %parallel_loop3A_296 = vector.shape_cast %parallel_loop3A_295 : vector<16xi32> to vector<16x1xi32>
        %parallel_loop3A_297 = vector.shape_cast %parallel_loop3A_296 : vector<16x1xi32> to vector<16xi32>
        %parallel_loop3A_298 = tpu.dynamic_gather %parallel_loop3A_292[%parallel_loop3A_297] in [0] : vector<16xf32>, vector<16xi32> -> vector<16xf32>
        %parallel_loop3A_299 = arith.addf %parallel_loop3A_292, %parallel_loop3A_298 : vector<16xf32>
        %parallel_loop3A_300 = arith.constant 0.00130208337 : f32
        %parallel_loop3A_301 = vector.broadcast %parallel_loop3A_300 : f32 to vector<16xf32>
        %parallel_loop3A_302 = arith.mulf %parallel_loop3A_299, %parallel_loop3A_301 : vector<16xf32>
        %parallel_loop3A_303 = arith.mulf %parallel_loop3A_270, %parallel_loop3A_270 : vector<16xf32>
        %parallel_loop3A_304 = arith.subf %parallel_loop3A_302, %parallel_loop3A_303 : vector<16xf32>
        %parallel_loop3A_305 = arith.constant 9.99999996E-13 : f32
        %parallel_loop3A_306 = vector.broadcast %parallel_loop3A_305 : f32 to vector<16xf32>
        %parallel_loop3A_307 = arith.addf %parallel_loop3A_304, %parallel_loop3A_306 : vector<16xf32>
        %parallel_loop3A_308 = tpu.bitcast %parallel_loop3A_307 : vector<16xf32> -> vector<16xi32>
        %parallel_loop3A_309 = arith.constant 1597463007 : i32
        %parallel_loop3A_310 = vector.broadcast %parallel_loop3A_309 : i32 to vector<16xi32>
        %parallel_loop3A_311 = arith.constant 1 : i32
        %parallel_loop3A_312 = vector.broadcast %parallel_loop3A_311 : i32 to vector<16xi32>
        %parallel_loop3A_313 = arith.shrui %parallel_loop3A_308, %parallel_loop3A_312 : vector<16xi32>
        %parallel_loop3A_314 = arith.subi %parallel_loop3A_310, %parallel_loop3A_313 : vector<16xi32>
        %parallel_loop3A_315 = tpu.bitcast %parallel_loop3A_314 : vector<16xi32> -> vector<16xf32>
        %parallel_loop3A_316 = arith.constant 5.000000e-01 : f32
        %parallel_loop3A_317 = vector.broadcast %parallel_loop3A_316 : f32 to vector<16xf32>
        %parallel_loop3A_318 = arith.mulf %parallel_loop3A_317, %parallel_loop3A_307 : vector<16xf32>
        %parallel_loop3A_319 = arith.mulf %parallel_loop3A_318, %parallel_loop3A_315 : vector<16xf32>
        %parallel_loop3A_320 = arith.mulf %parallel_loop3A_319, %parallel_loop3A_315 : vector<16xf32>
        %parallel_loop3A_321 = arith.constant 1.500000e+00 : f32
        %parallel_loop3A_322 = vector.broadcast %parallel_loop3A_321 : f32 to vector<16xf32>
        %parallel_loop3A_323 = arith.subf %parallel_loop3A_322, %parallel_loop3A_320 : vector<16xf32>
        %parallel_loop3A_324 = arith.mulf %parallel_loop3A_315, %parallel_loop3A_323 : vector<16xf32>
        %parallel_loop3A_325 = arith.constant 5.000000e-01 : f32
        %parallel_loop3A_326 = vector.broadcast %parallel_loop3A_325 : f32 to vector<16xf32>
        %parallel_loop3A_327 = arith.mulf %parallel_loop3A_326, %parallel_loop3A_307 : vector<16xf32>
        %parallel_loop3A_328 = arith.mulf %parallel_loop3A_327, %parallel_loop3A_324 : vector<16xf32>
        %parallel_loop3A_329 = arith.mulf %parallel_loop3A_328, %parallel_loop3A_324 : vector<16xf32>
        %parallel_loop3A_330 = arith.constant 1.500000e+00 : f32
        %parallel_loop3A_331 = vector.broadcast %parallel_loop3A_330 : f32 to vector<16xf32>
        %parallel_loop3A_332 = arith.subf %parallel_loop3A_331, %parallel_loop3A_329 : vector<16xf32>
        %parallel_loop3A_333 = arith.mulf %parallel_loop3A_324, %parallel_loop3A_332 : vector<16xf32>
        %parallel_loop3A_334 = arith.constant 5.000000e-01 : f32
        %parallel_loop3A_335 = vector.broadcast %parallel_loop3A_334 : f32 to vector<16xf32>
        %parallel_loop3A_336 = arith.mulf %parallel_loop3A_335, %parallel_loop3A_307 : vector<16xf32>
        %parallel_loop3A_337 = arith.mulf %parallel_loop3A_336, %parallel_loop3A_333 : vector<16xf32>
        %parallel_loop3A_338 = arith.mulf %parallel_loop3A_337, %parallel_loop3A_333 : vector<16xf32>
        %parallel_loop3A_339 = arith.constant 1.500000e+00 : f32
        %parallel_loop3A_340 = vector.broadcast %parallel_loop3A_339 : f32 to vector<16xf32>
        %parallel_loop3A_341 = arith.subf %parallel_loop3A_340, %parallel_loop3A_338 : vector<16xf32>
        %parallel_loop3A_342 = arith.mulf %parallel_loop3A_333, %parallel_loop3A_341 : vector<16xf32>
        %parallel_loop3A_343 = tpu.iota {dimensions = array<i32: 0>} : vector<16xi32>
        %parallel_loop3A_344 = arith.constant 8 : i32
        %parallel_loop3A_345 = vector.broadcast %parallel_loop3A_344 : i32 to vector<16xi32>
        %parallel_loop3A_346 = arith.xori %parallel_loop3A_343, %parallel_loop3A_345 : vector<16xi32>
        %parallel_loop3A_347 = vector.shape_cast %parallel_loop3A_346 : vector<16xi32> to vector<16x1xi32>
        %parallel_loop3A_348 = vector.shape_cast %parallel_loop3A_347 : vector<16x1xi32> to vector<16xi32>
        %parallel_loop3A_349 = tpu.dynamic_gather %parallel_loop3A_237[%parallel_loop3A_348] in [0] : vector<16xf32>, vector<16xi32> -> vector<16xf32>
        %parallel_loop3A_350 = arith.addf %parallel_loop3A_237, %parallel_loop3A_349 : vector<16xf32>
        %parallel_loop3A_351 = arith.constant 4 : i32
        %parallel_loop3A_352 = vector.broadcast %parallel_loop3A_351 : i32 to vector<16xi32>
        %parallel_loop3A_353 = arith.xori %parallel_loop3A_343, %parallel_loop3A_352 : vector<16xi32>
        %parallel_loop3A_354 = vector.shape_cast %parallel_loop3A_353 : vector<16xi32> to vector<16x1xi32>
        %parallel_loop3A_355 = vector.shape_cast %parallel_loop3A_354 : vector<16x1xi32> to vector<16xi32>
        %parallel_loop3A_356 = tpu.dynamic_gather %parallel_loop3A_350[%parallel_loop3A_355] in [0] : vector<16xf32>, vector<16xi32> -> vector<16xf32>
        %parallel_loop3A_357 = arith.addf %parallel_loop3A_350, %parallel_loop3A_356 : vector<16xf32>
        %parallel_loop3A_358 = arith.constant 2 : i32
        %parallel_loop3A_359 = vector.broadcast %parallel_loop3A_358 : i32 to vector<16xi32>
        %parallel_loop3A_360 = arith.xori %parallel_loop3A_343, %parallel_loop3A_359 : vector<16xi32>
        %parallel_loop3A_361 = vector.shape_cast %parallel_loop3A_360 : vector<16xi32> to vector<16x1xi32>
        %parallel_loop3A_362 = vector.shape_cast %parallel_loop3A_361 : vector<16x1xi32> to vector<16xi32>
        %parallel_loop3A_363 = tpu.dynamic_gather %parallel_loop3A_357[%parallel_loop3A_362] in [0] : vector<16xf32>, vector<16xi32> -> vector<16xf32>
        %parallel_loop3A_364 = arith.addf %parallel_loop3A_357, %parallel_loop3A_363 : vector<16xf32>
        %parallel_loop3A_365 = arith.constant 1 : i32
        %parallel_loop3A_366 = vector.broadcast %parallel_loop3A_365 : i32 to vector<16xi32>
        %parallel_loop3A_367 = arith.xori %parallel_loop3A_343, %parallel_loop3A_366 : vector<16xi32>
        %parallel_loop3A_368 = vector.shape_cast %parallel_loop3A_367 : vector<16xi32> to vector<16x1xi32>
        %parallel_loop3A_369 = vector.shape_cast %parallel_loop3A_368 : vector<16x1xi32> to vector<16xi32>
        %parallel_loop3A_370 = tpu.dynamic_gather %parallel_loop3A_364[%parallel_loop3A_369] in [0] : vector<16xf32>, vector<16xi32> -> vector<16xf32>
        %parallel_loop3A_371 = arith.addf %parallel_loop3A_364, %parallel_loop3A_370 : vector<16xf32>
        %parallel_loop3A_372 = arith.constant 0.00130208337 : f32
        %parallel_loop3A_373 = vector.broadcast %parallel_loop3A_372 : f32 to vector<16xf32>
        %parallel_loop3A_374 = arith.mulf %parallel_loop3A_371, %parallel_loop3A_373 : vector<16xf32>
        %parallel_loop3A_375 = tpu.iota {dimensions = array<i32: 0>} : vector<16xi32>
        %parallel_loop3A_376 = arith.constant 8 : i32
        %parallel_loop3A_377 = vector.broadcast %parallel_loop3A_376 : i32 to vector<16xi32>
        %parallel_loop3A_378 = arith.xori %parallel_loop3A_375, %parallel_loop3A_377 : vector<16xi32>
        %parallel_loop3A_379 = vector.shape_cast %parallel_loop3A_378 : vector<16xi32> to vector<16x1xi32>
        %parallel_loop3A_380 = vector.shape_cast %parallel_loop3A_379 : vector<16x1xi32> to vector<16xi32>
        %parallel_loop3A_381 = tpu.dynamic_gather %parallel_loop3A_238[%parallel_loop3A_380] in [0] : vector<16xf32>, vector<16xi32> -> vector<16xf32>
        %parallel_loop3A_382 = arith.addf %parallel_loop3A_238, %parallel_loop3A_381 : vector<16xf32>
        %parallel_loop3A_383 = arith.constant 4 : i32
        %parallel_loop3A_384 = vector.broadcast %parallel_loop3A_383 : i32 to vector<16xi32>
        %parallel_loop3A_385 = arith.xori %parallel_loop3A_375, %parallel_loop3A_384 : vector<16xi32>
        %parallel_loop3A_386 = vector.shape_cast %parallel_loop3A_385 : vector<16xi32> to vector<16x1xi32>
        %parallel_loop3A_387 = vector.shape_cast %parallel_loop3A_386 : vector<16x1xi32> to vector<16xi32>
        %parallel_loop3A_388 = tpu.dynamic_gather %parallel_loop3A_382[%parallel_loop3A_387] in [0] : vector<16xf32>, vector<16xi32> -> vector<16xf32>
        %parallel_loop3A_389 = arith.addf %parallel_loop3A_382, %parallel_loop3A_388 : vector<16xf32>
        %parallel_loop3A_390 = arith.constant 2 : i32
        %parallel_loop3A_391 = vector.broadcast %parallel_loop3A_390 : i32 to vector<16xi32>
        %parallel_loop3A_392 = arith.xori %parallel_loop3A_375, %parallel_loop3A_391 : vector<16xi32>
        %parallel_loop3A_393 = vector.shape_cast %parallel_loop3A_392 : vector<16xi32> to vector<16x1xi32>
        %parallel_loop3A_394 = vector.shape_cast %parallel_loop3A_393 : vector<16x1xi32> to vector<16xi32>
        %parallel_loop3A_395 = tpu.dynamic_gather %parallel_loop3A_389[%parallel_loop3A_394] in [0] : vector<16xf32>, vector<16xi32> -> vector<16xf32>
        %parallel_loop3A_396 = arith.addf %parallel_loop3A_389, %parallel_loop3A_395 : vector<16xf32>
        %parallel_loop3A_397 = arith.constant 1 : i32
        %parallel_loop3A_398 = vector.broadcast %parallel_loop3A_397 : i32 to vector<16xi32>
        %parallel_loop3A_399 = arith.xori %parallel_loop3A_375, %parallel_loop3A_398 : vector<16xi32>
        %parallel_loop3A_400 = vector.shape_cast %parallel_loop3A_399 : vector<16xi32> to vector<16x1xi32>
        %parallel_loop3A_401 = vector.shape_cast %parallel_loop3A_400 : vector<16x1xi32> to vector<16xi32>
        %parallel_loop3A_402 = tpu.dynamic_gather %parallel_loop3A_396[%parallel_loop3A_401] in [0] : vector<16xf32>, vector<16xi32> -> vector<16xf32>
        %parallel_loop3A_403 = arith.addf %parallel_loop3A_396, %parallel_loop3A_402 : vector<16xf32>
        %parallel_loop3A_404 = arith.constant 0.00130208337 : f32
        %parallel_loop3A_405 = vector.broadcast %parallel_loop3A_404 : f32 to vector<16xf32>
        %parallel_loop3A_406 = arith.mulf %parallel_loop3A_403, %parallel_loop3A_405 : vector<16xf32>
        %parallel_loop3A_407 = arith.mulf %parallel_loop3A_374, %parallel_loop3A_374 : vector<16xf32>
        %parallel_loop3A_408 = arith.subf %parallel_loop3A_406, %parallel_loop3A_407 : vector<16xf32>
        %parallel_loop3A_409 = arith.constant 9.99999996E-13 : f32
        %parallel_loop3A_410 = vector.broadcast %parallel_loop3A_409 : f32 to vector<16xf32>
        %parallel_loop3A_411 = arith.addf %parallel_loop3A_408, %parallel_loop3A_410 : vector<16xf32>
        %parallel_loop3A_412 = tpu.bitcast %parallel_loop3A_411 : vector<16xf32> -> vector<16xi32>
        %parallel_loop3A_413 = arith.constant 1597463007 : i32
        %parallel_loop3A_414 = vector.broadcast %parallel_loop3A_413 : i32 to vector<16xi32>
        %parallel_loop3A_415 = arith.constant 1 : i32
        %parallel_loop3A_416 = vector.broadcast %parallel_loop3A_415 : i32 to vector<16xi32>
        %parallel_loop3A_417 = arith.shrui %parallel_loop3A_412, %parallel_loop3A_416 : vector<16xi32>
        %parallel_loop3A_418 = arith.subi %parallel_loop3A_414, %parallel_loop3A_417 : vector<16xi32>
        %parallel_loop3A_419 = tpu.bitcast %parallel_loop3A_418 : vector<16xi32> -> vector<16xf32>
        %parallel_loop3A_420 = arith.constant 5.000000e-01 : f32
        %parallel_loop3A_421 = vector.broadcast %parallel_loop3A_420 : f32 to vector<16xf32>
        %parallel_loop3A_422 = arith.mulf %parallel_loop3A_421, %parallel_loop3A_411 : vector<16xf32>
        %parallel_loop3A_423 = arith.mulf %parallel_loop3A_422, %parallel_loop3A_419 : vector<16xf32>
        %parallel_loop3A_424 = arith.mulf %parallel_loop3A_423, %parallel_loop3A_419 : vector<16xf32>
        %parallel_loop3A_425 = arith.constant 1.500000e+00 : f32
        %parallel_loop3A_426 = vector.broadcast %parallel_loop3A_425 : f32 to vector<16xf32>
        %parallel_loop3A_427 = arith.subf %parallel_loop3A_426, %parallel_loop3A_424 : vector<16xf32>
        %parallel_loop3A_428 = arith.mulf %parallel_loop3A_419, %parallel_loop3A_427 : vector<16xf32>
        %parallel_loop3A_429 = arith.constant 5.000000e-01 : f32
        %parallel_loop3A_430 = vector.broadcast %parallel_loop3A_429 : f32 to vector<16xf32>
        %parallel_loop3A_431 = arith.mulf %parallel_loop3A_430, %parallel_loop3A_411 : vector<16xf32>
        %parallel_loop3A_432 = arith.mulf %parallel_loop3A_431, %parallel_loop3A_428 : vector<16xf32>
        %parallel_loop3A_433 = arith.mulf %parallel_loop3A_432, %parallel_loop3A_428 : vector<16xf32>
        %parallel_loop3A_434 = arith.constant 1.500000e+00 : f32
        %parallel_loop3A_435 = vector.broadcast %parallel_loop3A_434 : f32 to vector<16xf32>
        %parallel_loop3A_436 = arith.subf %parallel_loop3A_435, %parallel_loop3A_433 : vector<16xf32>
        %parallel_loop3A_437 = arith.mulf %parallel_loop3A_428, %parallel_loop3A_436 : vector<16xf32>
        %parallel_loop3A_438 = arith.constant 5.000000e-01 : f32
        %parallel_loop3A_439 = vector.broadcast %parallel_loop3A_438 : f32 to vector<16xf32>
        %parallel_loop3A_440 = arith.mulf %parallel_loop3A_439, %parallel_loop3A_411 : vector<16xf32>
        %parallel_loop3A_441 = arith.mulf %parallel_loop3A_440, %parallel_loop3A_437 : vector<16xf32>
        %parallel_loop3A_442 = arith.mulf %parallel_loop3A_441, %parallel_loop3A_437 : vector<16xf32>
        %parallel_loop3A_443 = arith.constant 1.500000e+00 : f32
        %parallel_loop3A_444 = vector.broadcast %parallel_loop3A_443 : f32 to vector<16xf32>
        %parallel_loop3A_445 = arith.subf %parallel_loop3A_444, %parallel_loop3A_442 : vector<16xf32>
        %parallel_loop3A_446 = arith.mulf %parallel_loop3A_437, %parallel_loop3A_445 : vector<16xf32>
        %parallel_loop3A_447 = arith.constant 2 : i32
        %parallel_loop3A_448 = arith.addi %parallel_loop3A_224, %parallel_loop3A_447 : i32
        %parallel_loop3A_449 = arith.constant 2 : i32
        %parallel_loop3A_450 = arith.addi %parallel_loop3A_224, %parallel_loop3A_449 : i32
        %parallel_loop3A_451 = arith.constant 1 : i32
        %parallel_loop3A_452 = arith.addi %parallel_loop3A_450, %parallel_loop3A_451 : i32
        %parallel_loop3A_453 = arith.constant 0 : i32
        %parallel_loop3A_454 = arith.constant 48 : i32
        %parallel_loop3A_455 = arith.constant 2 : i32
        %parallel_loop3A_456:8 = scf.for %parallel_loop3A_1116 = %parallel_loop3A_453 to %parallel_loop3A_454 step %parallel_loop3A_455 iter_args(%parallel_loop3A_1117 = %broadcast_in_dim3A_207, %parallel_loop3A_1118 = %broadcast_in_dim3A_207, %parallel_loop3A_1119 = %broadcast_in_dim3A_207, %parallel_loop3A_1120 = %broadcast_in_dim3A_207, %parallel_loop3A_1121 = %broadcast_in_dim3A_207, %parallel_loop3A_1122 = %broadcast_in_dim3A_207, %parallel_loop3A_1123 = %broadcast_in_dim3A_207, %parallel_loop3A_1124 = %broadcast_in_dim3A_207) -> (vector<16xf32>, vector<16xf32>, vector<16xf32>, vector<16xf32>, vector<16xf32>, vector<16xf32>, vector<16xf32>, vector<16xf32>)  : i32 {
          %parallel_loop3A_1125 = arith.constant 16 : i32
          %parallel_loop3A_1126 = arith.muli %parallel_loop3A_1116, %parallel_loop3A_1125 : i32
          %parallel_loop3A_1127 = arith.constant 1 : i32
          %parallel_loop3A_1128 = arith.addi %parallel_loop3A_1116, %parallel_loop3A_1127 : i32
          %parallel_loop3A_1129 = arith.constant 16 : i32
          %parallel_loop3A_1130 = arith.muli %parallel_loop3A_1128, %parallel_loop3A_1129 : i32
          %parallel_loop3A_1131 = arith.constant 1 : i32
          %parallel_loop3A_1132 = arith.index_cast %parallel_loop3A_1131 : i32 to index
          %parallel_loop3A_1133 = arith.index_cast %parallel_loop3A_448 : i32 to index
          %parallel_loop3A_1134 = arith.index_cast %parallel_loop3A_1126 : i32 to index
          %parallel_loop3A_1135 = tpu.vector_load %arg10[%parallel_loop3A_1132, %parallel_loop3A_1133, %parallel_loop3A_1134] {strides = array<i32>} : memref<2x16x768xf32, #tpu.memory_space<vmem>>, vector<1x1x16xf32>,
          %parallel_loop3A_1136 = vector.shape_cast %parallel_loop3A_1135 : vector<1x1x16xf32> to vector<16xf32>
          %parallel_loop3A_1137 = arith.constant 1 : i32
          %parallel_loop3A_1138 = arith.index_cast %parallel_loop3A_1137 : i32 to index
          %parallel_loop3A_1139 = arith.index_cast %parallel_loop3A_448 : i32 to index
          %parallel_loop3A_1140 = arith.index_cast %parallel_loop3A_1126 : i32 to index
          %parallel_loop3A_1141 = tpu.vector_load %arg12[%parallel_loop3A_1138, %parallel_loop3A_1139, %parallel_loop3A_1140] {strides = array<i32>} : memref<2x16x768xf32, #tpu.memory_space<vmem>>, vector<1x1x16xf32>,
          %parallel_loop3A_1142 = vector.shape_cast %parallel_loop3A_1141 : vector<1x1x16xf32> to vector<16xf32>
          %parallel_loop3A_1143 = arith.mulf %parallel_loop3A_1136, %parallel_loop3A_1142 : vector<16xf32>
          %parallel_loop3A_1144 = arith.constant 1 : i32
          %parallel_loop3A_1145 = arith.index_cast %parallel_loop3A_1144 : i32 to index
          %parallel_loop3A_1146 = arith.index_cast %parallel_loop3A_448 : i32 to index
          %parallel_loop3A_1147 = arith.index_cast %parallel_loop3A_1126 : i32 to index
          %parallel_loop3A_1148 = tpu.vector_load %arg11[%parallel_loop3A_1145, %parallel_loop3A_1146, %parallel_loop3A_1147] {strides = array<i32>} : memref<2x16x768xf32, #tpu.memory_space<vmem>>, vector<1x1x16xf32>,
          %parallel_loop3A_1149 = vector.shape_cast %parallel_loop3A_1148 : vector<1x1x16xf32> to vector<16xf32>
          %parallel_loop3A_1150 = arith.addf %parallel_loop3A_1143, %parallel_loop3A_1149 : vector<16xf32>
          %parallel_loop3A_1151 = arith.constant 1 : i32
          %parallel_loop3A_1152 = arith.index_cast %parallel_loop3A_1151 : i32 to index
          %parallel_loop3A_1153 = arith.index_cast %parallel_loop3A_448 : i32 to index
          %parallel_loop3A_1154 = arith.index_cast %parallel_loop3A_1130 : i32 to index
          %parallel_loop3A_1155 = tpu.vector_load %arg10[%parallel_loop3A_1152, %parallel_loop3A_1153, %parallel_loop3A_1154] {strides = array<i32>} : memref<2x16x768xf32, #tpu.memory_space<vmem>>, vector<1x1x16xf32>,
          %parallel_loop3A_1156 = vector.shape_cast %parallel_loop3A_1155 : vector<1x1x16xf32> to vector<16xf32>
          %parallel_loop3A_1157 = arith.constant 1 : i32
          %parallel_loop3A_1158 = arith.index_cast %parallel_loop3A_1157 : i32 to index
          %parallel_loop3A_1159 = arith.index_cast %parallel_loop3A_448 : i32 to index
          %parallel_loop3A_1160 = arith.index_cast %parallel_loop3A_1130 : i32 to index
          %parallel_loop3A_1161 = tpu.vector_load %arg12[%parallel_loop3A_1158, %parallel_loop3A_1159, %parallel_loop3A_1160] {strides = array<i32>} : memref<2x16x768xf32, #tpu.memory_space<vmem>>, vector<1x1x16xf32>,
          %parallel_loop3A_1162 = vector.shape_cast %parallel_loop3A_1161 : vector<1x1x16xf32> to vector<16xf32>
          %parallel_loop3A_1163 = arith.mulf %parallel_loop3A_1156, %parallel_loop3A_1162 : vector<16xf32>
          %parallel_loop3A_1164 = arith.constant 1 : i32
          %parallel_loop3A_1165 = arith.index_cast %parallel_loop3A_1164 : i32 to index
          %parallel_loop3A_1166 = arith.index_cast %parallel_loop3A_448 : i32 to index
          %parallel_loop3A_1167 = arith.index_cast %parallel_loop3A_1130 : i32 to index
          %parallel_loop3A_1168 = tpu.vector_load %arg11[%parallel_loop3A_1165, %parallel_loop3A_1166, %parallel_loop3A_1167] {strides = array<i32>} : memref<2x16x768xf32, #tpu.memory_space<vmem>>, vector<1x1x16xf32>,
          %parallel_loop3A_1169 = vector.shape_cast %parallel_loop3A_1168 : vector<1x1x16xf32> to vector<16xf32>
          %parallel_loop3A_1170 = arith.addf %parallel_loop3A_1163, %parallel_loop3A_1169 : vector<16xf32>
          %parallel_loop3A_1171 = arith.constant 1 : i32
          %parallel_loop3A_1172 = arith.index_cast %parallel_loop3A_1171 : i32 to index
          %parallel_loop3A_1173 = arith.index_cast %parallel_loop3A_452 : i32 to index
          %parallel_loop3A_1174 = arith.index_cast %parallel_loop3A_1126 : i32 to index
          %parallel_loop3A_1175 = tpu.vector_load %arg10[%parallel_loop3A_1172, %parallel_loop3A_1173, %parallel_loop3A_1174] {strides = array<i32>} : memref<2x16x768xf32, #tpu.memory_space<vmem>>, vector<1x1x16xf32>,
          %parallel_loop3A_1176 = vector.shape_cast %parallel_loop3A_1175 : vector<1x1x16xf32> to vector<16xf32>
          %parallel_loop3A_1177 = arith.constant 1 : i32
          %parallel_loop3A_1178 = arith.index_cast %parallel_loop3A_1177 : i32 to index
          %parallel_loop3A_1179 = arith.index_cast %parallel_loop3A_452 : i32 to index
          %parallel_loop3A_1180 = arith.index_cast %parallel_loop3A_1126 : i32 to index
          %parallel_loop3A_1181 = tpu.vector_load %arg12[%parallel_loop3A_1178, %parallel_loop3A_1179, %parallel_loop3A_1180] {strides = array<i32>} : memref<2x16x768xf32, #tpu.memory_space<vmem>>, vector<1x1x16xf32>,
          %parallel_loop3A_1182 = vector.shape_cast %parallel_loop3A_1181 : vector<1x1x16xf32> to vector<16xf32>
          %parallel_loop3A_1183 = arith.mulf %parallel_loop3A_1176, %parallel_loop3A_1182 : vector<16xf32>
          %parallel_loop3A_1184 = arith.constant 1 : i32
          %parallel_loop3A_1185 = arith.index_cast %parallel_loop3A_1184 : i32 to index
          %parallel_loop3A_1186 = arith.index_cast %parallel_loop3A_452 : i32 to index
          %parallel_loop3A_1187 = arith.index_cast %parallel_loop3A_1126 : i32 to index
          %parallel_loop3A_1188 = tpu.vector_load %arg11[%parallel_loop3A_1185, %parallel_loop3A_1186, %parallel_loop3A_1187] {strides = array<i32>} : memref<2x16x768xf32, #tpu.memory_space<vmem>>, vector<1x1x16xf32>,
          %parallel_loop3A_1189 = vector.shape_cast %parallel_loop3A_1188 : vector<1x1x16xf32> to vector<16xf32>
          %parallel_loop3A_1190 = arith.addf %parallel_loop3A_1183, %parallel_loop3A_1189 : vector<16xf32>
          %parallel_loop3A_1191 = arith.constant 1 : i32
          %parallel_loop3A_1192 = arith.index_cast %parallel_loop3A_1191 : i32 to index
          %parallel_loop3A_1193 = arith.index_cast %parallel_loop3A_452 : i32 to index
          %parallel_loop3A_1194 = arith.index_cast %parallel_loop3A_1130 : i32 to index
          %parallel_loop3A_1195 = tpu.vector_load %arg10[%parallel_loop3A_1192, %parallel_loop3A_1193, %parallel_loop3A_1194] {strides = array<i32>} : memref<2x16x768xf32, #tpu.memory_space<vmem>>, vector<1x1x16xf32>,
          %parallel_loop3A_1196 = vector.shape_cast %parallel_loop3A_1195 : vector<1x1x16xf32> to vector<16xf32>
          %parallel_loop3A_1197 = arith.constant 1 : i32
          %parallel_loop3A_1198 = arith.index_cast %parallel_loop3A_1197 : i32 to index
          %parallel_loop3A_1199 = arith.index_cast %parallel_loop3A_452 : i32 to index
          %parallel_loop3A_1200 = arith.index_cast %parallel_loop3A_1130 : i32 to index
          %parallel_loop3A_1201 = tpu.vector_load %arg12[%parallel_loop3A_1198, %parallel_loop3A_1199, %parallel_loop3A_1200] {strides = array<i32>} : memref<2x16x768xf32, #tpu.memory_space<vmem>>, vector<1x1x16xf32>,
          %parallel_loop3A_1202 = vector.shape_cast %parallel_loop3A_1201 : vector<1x1x16xf32> to vector<16xf32>
          %parallel_loop3A_1203 = arith.mulf %parallel_loop3A_1196, %parallel_loop3A_1202 : vector<16xf32>
          %parallel_loop3A_1204 = arith.constant 1 : i32
          %parallel_loop3A_1205 = arith.index_cast %parallel_loop3A_1204 : i32 to index
          %parallel_loop3A_1206 = arith.index_cast %parallel_loop3A_452 : i32 to index
          %parallel_loop3A_1207 = arith.index_cast %parallel_loop3A_1130 : i32 to index
          %parallel_loop3A_1208 = tpu.vector_load %arg11[%parallel_loop3A_1205, %parallel_loop3A_1206, %parallel_loop3A_1207] {strides = array<i32>} : memref<2x16x768xf32, #tpu.memory_space<vmem>>, vector<1x1x16xf32>,
          %parallel_loop3A_1209 = vector.shape_cast %parallel_loop3A_1208 : vector<1x1x16xf32> to vector<16xf32>
          %parallel_loop3A_1210 = arith.addf %parallel_loop3A_1203, %parallel_loop3A_1209 : vector<16xf32>
          %parallel_loop3A_1211 = arith.constant 1 : i32
          %parallel_loop3A_1212 = arith.index_cast %parallel_loop3A_1211 : i32 to index
          %parallel_loop3A_1213 = arith.index_cast %parallel_loop3A_448 : i32 to index
          %parallel_loop3A_1214 = arith.index_cast %parallel_loop3A_1126 : i32 to index
          %parallel_loop3A_1215 = tpu.vector_load %arg13[%parallel_loop3A_1212, %parallel_loop3A_1213, %parallel_loop3A_1214] {strides = array<i32>} : memref<2x16x768xf32, #tpu.memory_space<vmem>>, vector<1x1x16xf32>,
          %parallel_loop3A_1216 = vector.shape_cast %parallel_loop3A_1215 : vector<1x1x16xf32> to vector<16xf32>
          %parallel_loop3A_1217 = vector.shape_cast %parallel_loop3A_1150 : vector<16xf32> to vector<1x1x16xf32>
          tpu.vector_store %arg13[%parallel_loop3A_1212, %parallel_loop3A_1213, %parallel_loop3A_1214], %parallel_loop3A_1217 {strides = array<i32>} : memref<2x16x768xf32, #tpu.memory_space<vmem>>, vector<1x1x16xf32>,
          %parallel_loop3A_1218 = arith.constant 1 : i32
          %parallel_loop3A_1219 = arith.index_cast %parallel_loop3A_1218 : i32 to index
          %parallel_loop3A_1220 = arith.index_cast %parallel_loop3A_448 : i32 to index
          %parallel_loop3A_1221 = arith.index_cast %parallel_loop3A_1130 : i32 to index
          %parallel_loop3A_1222 = tpu.vector_load %arg13[%parallel_loop3A_1219, %parallel_loop3A_1220, %parallel_loop3A_1221] {strides = array<i32>} : memref<2x16x768xf32, #tpu.memory_space<vmem>>, vector<1x1x16xf32>,
          %parallel_loop3A_1223 = vector.shape_cast %parallel_loop3A_1222 : vector<1x1x16xf32> to vector<16xf32>
          %parallel_loop3A_1224 = vector.shape_cast %parallel_loop3A_1170 : vector<16xf32> to vector<1x1x16xf32>
          tpu.vector_store %arg13[%parallel_loop3A_1219, %parallel_loop3A_1220, %parallel_loop3A_1221], %parallel_loop3A_1224 {strides = array<i32>} : memref<2x16x768xf32, #tpu.memory_space<vmem>>, vector<1x1x16xf32>,
          %parallel_loop3A_1225 = arith.constant 1 : i32
          %parallel_loop3A_1226 = arith.index_cast %parallel_loop3A_1225 : i32 to index
          %parallel_loop3A_1227 = arith.index_cast %parallel_loop3A_452 : i32 to index
          %parallel_loop3A_1228 = arith.index_cast %parallel_loop3A_1126 : i32 to index
          %parallel_loop3A_1229 = tpu.vector_load %arg13[%parallel_loop3A_1226, %parallel_loop3A_1227, %parallel_loop3A_1228] {strides = array<i32>} : memref<2x16x768xf32, #tpu.memory_space<vmem>>, vector<1x1x16xf32>,
          %parallel_loop3A_1230 = vector.shape_cast %parallel_loop3A_1229 : vector<1x1x16xf32> to vector<16xf32>
          %parallel_loop3A_1231 = vector.shape_cast %parallel_loop3A_1190 : vector<16xf32> to vector<1x1x16xf32>
          tpu.vector_store %arg13[%parallel_loop3A_1226, %parallel_loop3A_1227, %parallel_loop3A_1228], %parallel_loop3A_1231 {strides = array<i32>} : memref<2x16x768xf32, #tpu.memory_space<vmem>>, vector<1x1x16xf32>,
          %parallel_loop3A_1232 = arith.constant 1 : i32
          %parallel_loop3A_1233 = arith.index_cast %parallel_loop3A_1232 : i32 to index
          %parallel_loop3A_1234 = arith.index_cast %parallel_loop3A_452 : i32 to index
          %parallel_loop3A_1235 = arith.index_cast %parallel_loop3A_1130 : i32 to index
          %parallel_loop3A_1236 = tpu.vector_load %arg13[%parallel_loop3A_1233, %parallel_loop3A_1234, %parallel_loop3A_1235] {strides = array<i32>} : memref<2x16x768xf32, #tpu.memory_space<vmem>>, vector<1x1x16xf32>,
          %parallel_loop3A_1237 = vector.shape_cast %parallel_loop3A_1236 : vector<1x1x16xf32> to vector<16xf32>
          %parallel_loop3A_1238 = vector.shape_cast %parallel_loop3A_1210 : vector<16xf32> to vector<1x1x16xf32>
          tpu.vector_store %arg13[%parallel_loop3A_1233, %parallel_loop3A_1234, %parallel_loop3A_1235], %parallel_loop3A_1238 {strides = array<i32>} : memref<2x16x768xf32, #tpu.memory_space<vmem>>, vector<1x1x16xf32>,
          %parallel_loop3A_1239 = arith.addf %parallel_loop3A_1117, %parallel_loop3A_1150 : vector<16xf32>
          %parallel_loop3A_1240 = arith.mulf %parallel_loop3A_1150, %parallel_loop3A_1150 : vector<16xf32>
          %parallel_loop3A_1241 = arith.addf %parallel_loop3A_1118, %parallel_loop3A_1240 : vector<16xf32>
          %parallel_loop3A_1242 = arith.addf %parallel_loop3A_1119, %parallel_loop3A_1170 : vector<16xf32>
          %parallel_loop3A_1243 = arith.mulf %parallel_loop3A_1170, %parallel_loop3A_1170 : vector<16xf32>
          %parallel_loop3A_1244 = arith.addf %parallel_loop3A_1120, %parallel_loop3A_1243 : vector<16xf32>
          %parallel_loop3A_1245 = arith.addf %parallel_loop3A_1121, %parallel_loop3A_1190 : vector<16xf32>
          %parallel_loop3A_1246 = arith.mulf %parallel_loop3A_1190, %parallel_loop3A_1190 : vector<16xf32>
          %parallel_loop3A_1247 = arith.addf %parallel_loop3A_1122, %parallel_loop3A_1246 : vector<16xf32>
          %parallel_loop3A_1248 = arith.addf %parallel_loop3A_1123, %parallel_loop3A_1210 : vector<16xf32>
          %parallel_loop3A_1249 = arith.mulf %parallel_loop3A_1210, %parallel_loop3A_1210 : vector<16xf32>
          %parallel_loop3A_1250 = arith.addf %parallel_loop3A_1124, %parallel_loop3A_1249 : vector<16xf32>
          scf.yield %parallel_loop3A_1239, %parallel_loop3A_1241, %parallel_loop3A_1242, %parallel_loop3A_1244, %parallel_loop3A_1245, %parallel_loop3A_1247, %parallel_loop3A_1248, %parallel_loop3A_1250 : vector<16xf32>, vector<16xf32>, vector<16xf32>, vector<16xf32>, vector<16xf32>, vector<16xf32>, vector<16xf32>, vector<16xf32>
        } {sc.loop_unroll_factor = 2 : i64, sc.parallel_access}
        %parallel_loop3A_457 = arith.addf %parallel_loop3A_456#0, %parallel_loop3A_456#2 : vector<16xf32>
        %parallel_loop3A_458 = arith.addf %parallel_loop3A_456#1, %parallel_loop3A_456#3 : vector<16xf32>
        %parallel_loop3A_459 = arith.addf %parallel_loop3A_456#4, %parallel_loop3A_456#6 : vector<16xf32>
        %parallel_loop3A_460 = arith.addf %parallel_loop3A_456#5, %parallel_loop3A_456#7 : vector<16xf32>
        %parallel_loop3A_461 = tpu.iota {dimensions = array<i32: 0>} : vector<16xi32>
        %parallel_loop3A_462 = arith.constant 8 : i32
        %parallel_loop3A_463 = vector.broadcast %parallel_loop3A_462 : i32 to vector<16xi32>
        %parallel_loop3A_464 = arith.xori %parallel_loop3A_461, %parallel_loop3A_463 : vector<16xi32>
        %parallel_loop3A_465 = vector.shape_cast %parallel_loop3A_464 : vector<16xi32> to vector<16x1xi32>
        %parallel_loop3A_466 = vector.shape_cast %parallel_loop3A_465 : vector<16x1xi32> to vector<16xi32>
        %parallel_loop3A_467 = tpu.dynamic_gather %parallel_loop3A_457[%parallel_loop3A_466] in [0] : vector<16xf32>, vector<16xi32> -> vector<16xf32>
        %parallel_loop3A_468 = arith.addf %parallel_loop3A_457, %parallel_loop3A_467 : vector<16xf32>
        %parallel_loop3A_469 = arith.constant 4 : i32
        %parallel_loop3A_470 = vector.broadcast %parallel_loop3A_469 : i32 to vector<16xi32>
        %parallel_loop3A_471 = arith.xori %parallel_loop3A_461, %parallel_loop3A_470 : vector<16xi32>
        %parallel_loop3A_472 = vector.shape_cast %parallel_loop3A_471 : vector<16xi32> to vector<16x1xi32>
        %parallel_loop3A_473 = vector.shape_cast %parallel_loop3A_472 : vector<16x1xi32> to vector<16xi32>
        %parallel_loop3A_474 = tpu.dynamic_gather %parallel_loop3A_468[%parallel_loop3A_473] in [0] : vector<16xf32>, vector<16xi32> -> vector<16xf32>
        %parallel_loop3A_475 = arith.addf %parallel_loop3A_468, %parallel_loop3A_474 : vector<16xf32>
        %parallel_loop3A_476 = arith.constant 2 : i32
        %parallel_loop3A_477 = vector.broadcast %parallel_loop3A_476 : i32 to vector<16xi32>
        %parallel_loop3A_478 = arith.xori %parallel_loop3A_461, %parallel_loop3A_477 : vector<16xi32>
        %parallel_loop3A_479 = vector.shape_cast %parallel_loop3A_478 : vector<16xi32> to vector<16x1xi32>
        %parallel_loop3A_480 = vector.shape_cast %parallel_loop3A_479 : vector<16x1xi32> to vector<16xi32>
        %parallel_loop3A_481 = tpu.dynamic_gather %parallel_loop3A_475[%parallel_loop3A_480] in [0] : vector<16xf32>, vector<16xi32> -> vector<16xf32>
        %parallel_loop3A_482 = arith.addf %parallel_loop3A_475, %parallel_loop3A_481 : vector<16xf32>
        %parallel_loop3A_483 = arith.constant 1 : i32
        %parallel_loop3A_484 = vector.broadcast %parallel_loop3A_483 : i32 to vector<16xi32>
        %parallel_loop3A_485 = arith.xori %parallel_loop3A_461, %parallel_loop3A_484 : vector<16xi32>
        %parallel_loop3A_486 = vector.shape_cast %parallel_loop3A_485 : vector<16xi32> to vector<16x1xi32>
        %parallel_loop3A_487 = vector.shape_cast %parallel_loop3A_486 : vector<16x1xi32> to vector<16xi32>
        %parallel_loop3A_488 = tpu.dynamic_gather %parallel_loop3A_482[%parallel_loop3A_487] in [0] : vector<16xf32>, vector<16xi32> -> vector<16xf32>
        %parallel_loop3A_489 = arith.addf %parallel_loop3A_482, %parallel_loop3A_488 : vector<16xf32>
        %parallel_loop3A_490 = arith.constant 0.00130208337 : f32
        %parallel_loop3A_491 = vector.broadcast %parallel_loop3A_490 : f32 to vector<16xf32>
        %parallel_loop3A_492 = arith.mulf %parallel_loop3A_489, %parallel_loop3A_491 : vector<16xf32>
        %parallel_loop3A_493 = tpu.iota {dimensions = array<i32: 0>} : vector<16xi32>
        %parallel_loop3A_494 = arith.constant 8 : i32
        %parallel_loop3A_495 = vector.broadcast %parallel_loop3A_494 : i32 to vector<16xi32>
        %parallel_loop3A_496 = arith.xori %parallel_loop3A_493, %parallel_loop3A_495 : vector<16xi32>
        %parallel_loop3A_497 = vector.shape_cast %parallel_loop3A_496 : vector<16xi32> to vector<16x1xi32>
        %parallel_loop3A_498 = vector.shape_cast %parallel_loop3A_497 : vector<16x1xi32> to vector<16xi32>
        %parallel_loop3A_499 = tpu.dynamic_gather %parallel_loop3A_458[%parallel_loop3A_498] in [0] : vector<16xf32>, vector<16xi32> -> vector<16xf32>
        %parallel_loop3A_500 = arith.addf %parallel_loop3A_458, %parallel_loop3A_499 : vector<16xf32>
        %parallel_loop3A_501 = arith.constant 4 : i32
        %parallel_loop3A_502 = vector.broadcast %parallel_loop3A_501 : i32 to vector<16xi32>
        %parallel_loop3A_503 = arith.xori %parallel_loop3A_493, %parallel_loop3A_502 : vector<16xi32>
        %parallel_loop3A_504 = vector.shape_cast %parallel_loop3A_503 : vector<16xi32> to vector<16x1xi32>
        %parallel_loop3A_505 = vector.shape_cast %parallel_loop3A_504 : vector<16x1xi32> to vector<16xi32>
        %parallel_loop3A_506 = tpu.dynamic_gather %parallel_loop3A_500[%parallel_loop3A_505] in [0] : vector<16xf32>, vector<16xi32> -> vector<16xf32>
        %parallel_loop3A_507 = arith.addf %parallel_loop3A_500, %parallel_loop3A_506 : vector<16xf32>
        %parallel_loop3A_508 = arith.constant 2 : i32
        %parallel_loop3A_509 = vector.broadcast %parallel_loop3A_508 : i32 to vector<16xi32>
        %parallel_loop3A_510 = arith.xori %parallel_loop3A_493, %parallel_loop3A_509 : vector<16xi32>
        %parallel_loop3A_511 = vector.shape_cast %parallel_loop3A_510 : vector<16xi32> to vector<16x1xi32>
        %parallel_loop3A_512 = vector.shape_cast %parallel_loop3A_511 : vector<16x1xi32> to vector<16xi32>
        %parallel_loop3A_513 = tpu.dynamic_gather %parallel_loop3A_507[%parallel_loop3A_512] in [0] : vector<16xf32>, vector<16xi32> -> vector<16xf32>
        %parallel_loop3A_514 = arith.addf %parallel_loop3A_507, %parallel_loop3A_513 : vector<16xf32>
        %parallel_loop3A_515 = arith.constant 1 : i32
        %parallel_loop3A_516 = vector.broadcast %parallel_loop3A_515 : i32 to vector<16xi32>
        %parallel_loop3A_517 = arith.xori %parallel_loop3A_493, %parallel_loop3A_516 : vector<16xi32>
        %parallel_loop3A_518 = vector.shape_cast %parallel_loop3A_517 : vector<16xi32> to vector<16x1xi32>
        %parallel_loop3A_519 = vector.shape_cast %parallel_loop3A_518 : vector<16x1xi32> to vector<16xi32>
        %parallel_loop3A_520 = tpu.dynamic_gather %parallel_loop3A_514[%parallel_loop3A_519] in [0] : vector<16xf32>, vector<16xi32> -> vector<16xf32>
        %parallel_loop3A_521 = arith.addf %parallel_loop3A_514, %parallel_loop3A_520 : vector<16xf32>
        %parallel_loop3A_522 = arith.constant 0.00130208337 : f32
        %parallel_loop3A_523 = vector.broadcast %parallel_loop3A_522 : f32 to vector<16xf32>
        %parallel_loop3A_524 = arith.mulf %parallel_loop3A_521, %parallel_loop3A_523 : vector<16xf32>
        %parallel_loop3A_525 = arith.mulf %parallel_loop3A_492, %parallel_loop3A_492 : vector<16xf32>
        %parallel_loop3A_526 = arith.subf %parallel_loop3A_524, %parallel_loop3A_525 : vector<16xf32>
        %parallel_loop3A_527 = arith.constant 9.99999996E-13 : f32
        %parallel_loop3A_528 = vector.broadcast %parallel_loop3A_527 : f32 to vector<16xf32>
        %parallel_loop3A_529 = arith.addf %parallel_loop3A_526, %parallel_loop3A_528 : vector<16xf32>
        %parallel_loop3A_530 = tpu.bitcast %parallel_loop3A_529 : vector<16xf32> -> vector<16xi32>
        %parallel_loop3A_531 = arith.constant 1597463007 : i32
        %parallel_loop3A_532 = vector.broadcast %parallel_loop3A_531 : i32 to vector<16xi32>
        %parallel_loop3A_533 = arith.constant 1 : i32
        %parallel_loop3A_534 = vector.broadcast %parallel_loop3A_533 : i32 to vector<16xi32>
        %parallel_loop3A_535 = arith.shrui %parallel_loop3A_530, %parallel_loop3A_534 : vector<16xi32>
        %parallel_loop3A_536 = arith.subi %parallel_loop3A_532, %parallel_loop3A_535 : vector<16xi32>
        %parallel_loop3A_537 = tpu.bitcast %parallel_loop3A_536 : vector<16xi32> -> vector<16xf32>
        %parallel_loop3A_538 = arith.constant 5.000000e-01 : f32
        %parallel_loop3A_539 = vector.broadcast %parallel_loop3A_538 : f32 to vector<16xf32>
        %parallel_loop3A_540 = arith.mulf %parallel_loop3A_539, %parallel_loop3A_529 : vector<16xf32>
        %parallel_loop3A_541 = arith.mulf %parallel_loop3A_540, %parallel_loop3A_537 : vector<16xf32>
        %parallel_loop3A_542 = arith.mulf %parallel_loop3A_541, %parallel_loop3A_537 : vector<16xf32>
        %parallel_loop3A_543 = arith.constant 1.500000e+00 : f32
        %parallel_loop3A_544 = vector.broadcast %parallel_loop3A_543 : f32 to vector<16xf32>
        %parallel_loop3A_545 = arith.subf %parallel_loop3A_544, %parallel_loop3A_542 : vector<16xf32>
        %parallel_loop3A_546 = arith.mulf %parallel_loop3A_537, %parallel_loop3A_545 : vector<16xf32>
        %parallel_loop3A_547 = arith.constant 5.000000e-01 : f32
        %parallel_loop3A_548 = vector.broadcast %parallel_loop3A_547 : f32 to vector<16xf32>
        %parallel_loop3A_549 = arith.mulf %parallel_loop3A_548, %parallel_loop3A_529 : vector<16xf32>
        %parallel_loop3A_550 = arith.mulf %parallel_loop3A_549, %parallel_loop3A_546 : vector<16xf32>
        %parallel_loop3A_551 = arith.mulf %parallel_loop3A_550, %parallel_loop3A_546 : vector<16xf32>
        %parallel_loop3A_552 = arith.constant 1.500000e+00 : f32
        %parallel_loop3A_553 = vector.broadcast %parallel_loop3A_552 : f32 to vector<16xf32>
        %parallel_loop3A_554 = arith.subf %parallel_loop3A_553, %parallel_loop3A_551 : vector<16xf32>
        %parallel_loop3A_555 = arith.mulf %parallel_loop3A_546, %parallel_loop3A_554 : vector<16xf32>
        %parallel_loop3A_556 = arith.constant 5.000000e-01 : f32
        %parallel_loop3A_557 = vector.broadcast %parallel_loop3A_556 : f32 to vector<16xf32>
        %parallel_loop3A_558 = arith.mulf %parallel_loop3A_557, %parallel_loop3A_529 : vector<16xf32>
        %parallel_loop3A_559 = arith.mulf %parallel_loop3A_558, %parallel_loop3A_555 : vector<16xf32>
        %parallel_loop3A_560 = arith.mulf %parallel_loop3A_559, %parallel_loop3A_555 : vector<16xf32>
        %parallel_loop3A_561 = arith.constant 1.500000e+00 : f32
        %parallel_loop3A_562 = vector.broadcast %parallel_loop3A_561 : f32 to vector<16xf32>
        %parallel_loop3A_563 = arith.subf %parallel_loop3A_562, %parallel_loop3A_560 : vector<16xf32>
        %parallel_loop3A_564 = arith.mulf %parallel_loop3A_555, %parallel_loop3A_563 : vector<16xf32>
        %parallel_loop3A_565 = tpu.iota {dimensions = array<i32: 0>} : vector<16xi32>
        %parallel_loop3A_566 = arith.constant 8 : i32
        %parallel_loop3A_567 = vector.broadcast %parallel_loop3A_566 : i32 to vector<16xi32>
        %parallel_loop3A_568 = arith.xori %parallel_loop3A_565, %parallel_loop3A_567 : vector<16xi32>
        %parallel_loop3A_569 = vector.shape_cast %parallel_loop3A_568 : vector<16xi32> to vector<16x1xi32>
        %parallel_loop3A_570 = vector.shape_cast %parallel_loop3A_569 : vector<16x1xi32> to vector<16xi32>
        %parallel_loop3A_571 = tpu.dynamic_gather %parallel_loop3A_459[%parallel_loop3A_570] in [0] : vector<16xf32>, vector<16xi32> -> vector<16xf32>
        %parallel_loop3A_572 = arith.addf %parallel_loop3A_459, %parallel_loop3A_571 : vector<16xf32>
        %parallel_loop3A_573 = arith.constant 4 : i32
        %parallel_loop3A_574 = vector.broadcast %parallel_loop3A_573 : i32 to vector<16xi32>
        %parallel_loop3A_575 = arith.xori %parallel_loop3A_565, %parallel_loop3A_574 : vector<16xi32>
        %parallel_loop3A_576 = vector.shape_cast %parallel_loop3A_575 : vector<16xi32> to vector<16x1xi32>
        %parallel_loop3A_577 = vector.shape_cast %parallel_loop3A_576 : vector<16x1xi32> to vector<16xi32>
        %parallel_loop3A_578 = tpu.dynamic_gather %parallel_loop3A_572[%parallel_loop3A_577] in [0] : vector<16xf32>, vector<16xi32> -> vector<16xf32>
        %parallel_loop3A_579 = arith.addf %parallel_loop3A_572, %parallel_loop3A_578 : vector<16xf32>
        %parallel_loop3A_580 = arith.constant 2 : i32
        %parallel_loop3A_581 = vector.broadcast %parallel_loop3A_580 : i32 to vector<16xi32>
        %parallel_loop3A_582 = arith.xori %parallel_loop3A_565, %parallel_loop3A_581 : vector<16xi32>
        %parallel_loop3A_583 = vector.shape_cast %parallel_loop3A_582 : vector<16xi32> to vector<16x1xi32>
        %parallel_loop3A_584 = vector.shape_cast %parallel_loop3A_583 : vector<16x1xi32> to vector<16xi32>
        %parallel_loop3A_585 = tpu.dynamic_gather %parallel_loop3A_579[%parallel_loop3A_584] in [0] : vector<16xf32>, vector<16xi32> -> vector<16xf32>
        %parallel_loop3A_586 = arith.addf %parallel_loop3A_579, %parallel_loop3A_585 : vector<16xf32>
        %parallel_loop3A_587 = arith.constant 1 : i32
        %parallel_loop3A_588 = vector.broadcast %parallel_loop3A_587 : i32 to vector<16xi32>
        %parallel_loop3A_589 = arith.xori %parallel_loop3A_565, %parallel_loop3A_588 : vector<16xi32>
        %parallel_loop3A_590 = vector.shape_cast %parallel_loop3A_589 : vector<16xi32> to vector<16x1xi32>
        %parallel_loop3A_591 = vector.shape_cast %parallel_loop3A_590 : vector<16x1xi32> to vector<16xi32>
        %parallel_loop3A_592 = tpu.dynamic_gather %parallel_loop3A_586[%parallel_loop3A_591] in [0] : vector<16xf32>, vector<16xi32> -> vector<16xf32>
        %parallel_loop3A_593 = arith.addf %parallel_loop3A_586, %parallel_loop3A_592 : vector<16xf32>
        %parallel_loop3A_594 = arith.constant 0.00130208337 : f32
        %parallel_loop3A_595 = vector.broadcast %parallel_loop3A_594 : f32 to vector<16xf32>
        %parallel_loop3A_596 = arith.mulf %parallel_loop3A_593, %parallel_loop3A_595 : vector<16xf32>
        %parallel_loop3A_597 = tpu.iota {dimensions = array<i32: 0>} : vector<16xi32>
        %parallel_loop3A_598 = arith.constant 8 : i32
        %parallel_loop3A_599 = vector.broadcast %parallel_loop3A_598 : i32 to vector<16xi32>
        %parallel_loop3A_600 = arith.xori %parallel_loop3A_597, %parallel_loop3A_599 : vector<16xi32>
        %parallel_loop3A_601 = vector.shape_cast %parallel_loop3A_600 : vector<16xi32> to vector<16x1xi32>
        %parallel_loop3A_602 = vector.shape_cast %parallel_loop3A_601 : vector<16x1xi32> to vector<16xi32>
        %parallel_loop3A_603 = tpu.dynamic_gather %parallel_loop3A_460[%parallel_loop3A_602] in [0] : vector<16xf32>, vector<16xi32> -> vector<16xf32>
        %parallel_loop3A_604 = arith.addf %parallel_loop3A_460, %parallel_loop3A_603 : vector<16xf32>
        %parallel_loop3A_605 = arith.constant 4 : i32
        %parallel_loop3A_606 = vector.broadcast %parallel_loop3A_605 : i32 to vector<16xi32>
        %parallel_loop3A_607 = arith.xori %parallel_loop3A_597, %parallel_loop3A_606 : vector<16xi32>
        %parallel_loop3A_608 = vector.shape_cast %parallel_loop3A_607 : vector<16xi32> to vector<16x1xi32>
        %parallel_loop3A_609 = vector.shape_cast %parallel_loop3A_608 : vector<16x1xi32> to vector<16xi32>
        %parallel_loop3A_610 = tpu.dynamic_gather %parallel_loop3A_604[%parallel_loop3A_609] in [0] : vector<16xf32>, vector<16xi32> -> vector<16xf32>
        %parallel_loop3A_611 = arith.addf %parallel_loop3A_604, %parallel_loop3A_610 : vector<16xf32>
        %parallel_loop3A_612 = arith.constant 2 : i32
        %parallel_loop3A_613 = vector.broadcast %parallel_loop3A_612 : i32 to vector<16xi32>
        %parallel_loop3A_614 = arith.xori %parallel_loop3A_597, %parallel_loop3A_613 : vector<16xi32>
        %parallel_loop3A_615 = vector.shape_cast %parallel_loop3A_614 : vector<16xi32> to vector<16x1xi32>
        %parallel_loop3A_616 = vector.shape_cast %parallel_loop3A_615 : vector<16x1xi32> to vector<16xi32>
        %parallel_loop3A_617 = tpu.dynamic_gather %parallel_loop3A_611[%parallel_loop3A_616] in [0] : vector<16xf32>, vector<16xi32> -> vector<16xf32>
        %parallel_loop3A_618 = arith.addf %parallel_loop3A_611, %parallel_loop3A_617 : vector<16xf32>
        %parallel_loop3A_619 = arith.constant 1 : i32
        %parallel_loop3A_620 = vector.broadcast %parallel_loop3A_619 : i32 to vector<16xi32>
        %parallel_loop3A_621 = arith.xori %parallel_loop3A_597, %parallel_loop3A_620 : vector<16xi32>
        %parallel_loop3A_622 = vector.shape_cast %parallel_loop3A_621 : vector<16xi32> to vector<16x1xi32>
        %parallel_loop3A_623 = vector.shape_cast %parallel_loop3A_622 : vector<16x1xi32> to vector<16xi32>
        %parallel_loop3A_624 = tpu.dynamic_gather %parallel_loop3A_618[%parallel_loop3A_623] in [0] : vector<16xf32>, vector<16xi32> -> vector<16xf32>
        %parallel_loop3A_625 = arith.addf %parallel_loop3A_618, %parallel_loop3A_624 : vector<16xf32>
        %parallel_loop3A_626 = arith.constant 0.00130208337 : f32
        %parallel_loop3A_627 = vector.broadcast %parallel_loop3A_626 : f32 to vector<16xf32>
        %parallel_loop3A_628 = arith.mulf %parallel_loop3A_625, %parallel_loop3A_627 : vector<16xf32>
        %parallel_loop3A_629 = arith.mulf %parallel_loop3A_596, %parallel_loop3A_596 : vector<16xf32>
        %parallel_loop3A_630 = arith.subf %parallel_loop3A_628, %parallel_loop3A_629 : vector<16xf32>
        %parallel_loop3A_631 = arith.constant 9.99999996E-13 : f32
        %parallel_loop3A_632 = vector.broadcast %parallel_loop3A_631 : f32 to vector<16xf32>
        %parallel_loop3A_633 = arith.addf %parallel_loop3A_630, %parallel_loop3A_632 : vector<16xf32>
        %parallel_loop3A_634 = tpu.bitcast %parallel_loop3A_633 : vector<16xf32> -> vector<16xi32>
        %parallel_loop3A_635 = arith.constant 1597463007 : i32
        %parallel_loop3A_636 = vector.broadcast %parallel_loop3A_635 : i32 to vector<16xi32>
        %parallel_loop3A_637 = arith.constant 1 : i32
        %parallel_loop3A_638 = vector.broadcast %parallel_loop3A_637 : i32 to vector<16xi32>
        %parallel_loop3A_639 = arith.shrui %parallel_loop3A_634, %parallel_loop3A_638 : vector<16xi32>
        %parallel_loop3A_640 = arith.subi %parallel_loop3A_636, %parallel_loop3A_639 : vector<16xi32>
        %parallel_loop3A_641 = tpu.bitcast %parallel_loop3A_640 : vector<16xi32> -> vector<16xf32>
        %parallel_loop3A_642 = arith.constant 5.000000e-01 : f32
        %parallel_loop3A_643 = vector.broadcast %parallel_loop3A_642 : f32 to vector<16xf32>
        %parallel_loop3A_644 = arith.mulf %parallel_loop3A_643, %parallel_loop3A_633 : vector<16xf32>
        %parallel_loop3A_645 = arith.mulf %parallel_loop3A_644, %parallel_loop3A_641 : vector<16xf32>
        %parallel_loop3A_646 = arith.mulf %parallel_loop3A_645, %parallel_loop3A_641 : vector<16xf32>
        %parallel_loop3A_647 = arith.constant 1.500000e+00 : f32
        %parallel_loop3A_648 = vector.broadcast %parallel_loop3A_647 : f32 to vector<16xf32>
        %parallel_loop3A_649 = arith.subf %parallel_loop3A_648, %parallel_loop3A_646 : vector<16xf32>
        %parallel_loop3A_650 = arith.mulf %parallel_loop3A_641, %parallel_loop3A_649 : vector<16xf32>
        %parallel_loop3A_651 = arith.constant 5.000000e-01 : f32
        %parallel_loop3A_652 = vector.broadcast %parallel_loop3A_651 : f32 to vector<16xf32>
        %parallel_loop3A_653 = arith.mulf %parallel_loop3A_652, %parallel_loop3A_633 : vector<16xf32>
        %parallel_loop3A_654 = arith.mulf %parallel_loop3A_653, %parallel_loop3A_650 : vector<16xf32>
        %parallel_loop3A_655 = arith.mulf %parallel_loop3A_654, %parallel_loop3A_650 : vector<16xf32>
        %parallel_loop3A_656 = arith.constant 1.500000e+00 : f32
        %parallel_loop3A_657 = vector.broadcast %parallel_loop3A_656 : f32 to vector<16xf32>
        %parallel_loop3A_658 = arith.subf %parallel_loop3A_657, %parallel_loop3A_655 : vector<16xf32>
        %parallel_loop3A_659 = arith.mulf %parallel_loop3A_650, %parallel_loop3A_658 : vector<16xf32>
        %parallel_loop3A_660 = arith.constant 5.000000e-01 : f32
        %parallel_loop3A_661 = vector.broadcast %parallel_loop3A_660 : f32 to vector<16xf32>
        %parallel_loop3A_662 = arith.mulf %parallel_loop3A_661, %parallel_loop3A_633 : vector<16xf32>
        %parallel_loop3A_663 = arith.mulf %parallel_loop3A_662, %parallel_loop3A_659 : vector<16xf32>
        %parallel_loop3A_664 = arith.mulf %parallel_loop3A_663, %parallel_loop3A_659 : vector<16xf32>
        %parallel_loop3A_665 = arith.constant 1.500000e+00 : f32
        %parallel_loop3A_666 = vector.broadcast %parallel_loop3A_665 : f32 to vector<16xf32>
        %parallel_loop3A_667 = arith.subf %parallel_loop3A_666, %parallel_loop3A_664 : vector<16xf32>
        %parallel_loop3A_668 = arith.mulf %parallel_loop3A_659, %parallel_loop3A_667 : vector<16xf32>
        %parallel_loop3A_669 = arith.constant 4 : i32
        %parallel_loop3A_670 = arith.addi %parallel_loop3A_224, %parallel_loop3A_669 : i32
        %parallel_loop3A_671 = arith.constant 4 : i32
        %parallel_loop3A_672 = arith.addi %parallel_loop3A_224, %parallel_loop3A_671 : i32
        %parallel_loop3A_673 = arith.constant 1 : i32
        %parallel_loop3A_674 = arith.addi %parallel_loop3A_672, %parallel_loop3A_673 : i32
        %parallel_loop3A_675 = arith.constant 0 : i32
        %parallel_loop3A_676 = arith.constant 48 : i32
        %parallel_loop3A_677 = arith.constant 2 : i32
        %parallel_loop3A_678:8 = scf.for %parallel_loop3A_1116 = %parallel_loop3A_675 to %parallel_loop3A_676 step %parallel_loop3A_677 iter_args(%parallel_loop3A_1117 = %broadcast_in_dim3A_207, %parallel_loop3A_1118 = %broadcast_in_dim3A_207, %parallel_loop3A_1119 = %broadcast_in_dim3A_207, %parallel_loop3A_1120 = %broadcast_in_dim3A_207, %parallel_loop3A_1121 = %broadcast_in_dim3A_207, %parallel_loop3A_1122 = %broadcast_in_dim3A_207, %parallel_loop3A_1123 = %broadcast_in_dim3A_207, %parallel_loop3A_1124 = %broadcast_in_dim3A_207) -> (vector<16xf32>, vector<16xf32>, vector<16xf32>, vector<16xf32>, vector<16xf32>, vector<16xf32>, vector<16xf32>, vector<16xf32>)  : i32 {
          %parallel_loop3A_1125 = arith.constant 16 : i32
          %parallel_loop3A_1126 = arith.muli %parallel_loop3A_1116, %parallel_loop3A_1125 : i32
          %parallel_loop3A_1127 = arith.constant 1 : i32
          %parallel_loop3A_1128 = arith.addi %parallel_loop3A_1116, %parallel_loop3A_1127 : i32
          %parallel_loop3A_1129 = arith.constant 16 : i32
          %parallel_loop3A_1130 = arith.muli %parallel_loop3A_1128, %parallel_loop3A_1129 : i32
          %parallel_loop3A_1131 = arith.constant 1 : i32
          %parallel_loop3A_1132 = arith.index_cast %parallel_loop3A_1131 : i32 to index
          %parallel_loop3A_1133 = arith.index_cast %parallel_loop3A_670 : i32 to index
          %parallel_loop3A_1134 = arith.index_cast %parallel_loop3A_1126 : i32 to index
          %parallel_loop3A_1135 = tpu.vector_load %arg10[%parallel_loop3A_1132, %parallel_loop3A_1133, %parallel_loop3A_1134] {strides = array<i32>} : memref<2x16x768xf32, #tpu.memory_space<vmem>>, vector<1x1x16xf32>,
          %parallel_loop3A_1136 = vector.shape_cast %parallel_loop3A_1135 : vector<1x1x16xf32> to vector<16xf32>
          %parallel_loop3A_1137 = arith.constant 1 : i32
          %parallel_loop3A_1138 = arith.index_cast %parallel_loop3A_1137 : i32 to index
          %parallel_loop3A_1139 = arith.index_cast %parallel_loop3A_670 : i32 to index
          %parallel_loop3A_1140 = arith.index_cast %parallel_loop3A_1126 : i32 to index
          %parallel_loop3A_1141 = tpu.vector_load %arg12[%parallel_loop3A_1138, %parallel_loop3A_1139, %parallel_loop3A_1140] {strides = array<i32>} : memref<2x16x768xf32, #tpu.memory_space<vmem>>, vector<1x1x16xf32>,
          %parallel_loop3A_1142 = vector.shape_cast %parallel_loop3A_1141 : vector<1x1x16xf32> to vector<16xf32>
          %parallel_loop3A_1143 = arith.mulf %parallel_loop3A_1136, %parallel_loop3A_1142 : vector<16xf32>
          %parallel_loop3A_1144 = arith.constant 1 : i32
          %parallel_loop3A_1145 = arith.index_cast %parallel_loop3A_1144 : i32 to index
          %parallel_loop3A_1146 = arith.index_cast %parallel_loop3A_670 : i32 to index
          %parallel_loop3A_1147 = arith.index_cast %parallel_loop3A_1126 : i32 to index
          %parallel_loop3A_1148 = tpu.vector_load %arg11[%parallel_loop3A_1145, %parallel_loop3A_1146, %parallel_loop3A_1147] {strides = array<i32>} : memref<2x16x768xf32, #tpu.memory_space<vmem>>, vector<1x1x16xf32>,
          %parallel_loop3A_1149 = vector.shape_cast %parallel_loop3A_1148 : vector<1x1x16xf32> to vector<16xf32>
          %parallel_loop3A_1150 = arith.addf %parallel_loop3A_1143, %parallel_loop3A_1149 : vector<16xf32>
          %parallel_loop3A_1151 = arith.constant 1 : i32
          %parallel_loop3A_1152 = arith.index_cast %parallel_loop3A_1151 : i32 to index
          %parallel_loop3A_1153 = arith.index_cast %parallel_loop3A_670 : i32 to index
          %parallel_loop3A_1154 = arith.index_cast %parallel_loop3A_1130 : i32 to index
          %parallel_loop3A_1155 = tpu.vector_load %arg10[%parallel_loop3A_1152, %parallel_loop3A_1153, %parallel_loop3A_1154] {strides = array<i32>} : memref<2x16x768xf32, #tpu.memory_space<vmem>>, vector<1x1x16xf32>,
          %parallel_loop3A_1156 = vector.shape_cast %parallel_loop3A_1155 : vector<1x1x16xf32> to vector<16xf32>
          %parallel_loop3A_1157 = arith.constant 1 : i32
          %parallel_loop3A_1158 = arith.index_cast %parallel_loop3A_1157 : i32 to index
          %parallel_loop3A_1159 = arith.index_cast %parallel_loop3A_670 : i32 to index
          %parallel_loop3A_1160 = arith.index_cast %parallel_loop3A_1130 : i32 to index
          %parallel_loop3A_1161 = tpu.vector_load %arg12[%parallel_loop3A_1158, %parallel_loop3A_1159, %parallel_loop3A_1160] {strides = array<i32>} : memref<2x16x768xf32, #tpu.memory_space<vmem>>, vector<1x1x16xf32>,
          %parallel_loop3A_1162 = vector.shape_cast %parallel_loop3A_1161 : vector<1x1x16xf32> to vector<16xf32>
          %parallel_loop3A_1163 = arith.mulf %parallel_loop3A_1156, %parallel_loop3A_1162 : vector<16xf32>
          %parallel_loop3A_1164 = arith.constant 1 : i32
          %parallel_loop3A_1165 = arith.index_cast %parallel_loop3A_1164 : i32 to index
          %parallel_loop3A_1166 = arith.index_cast %parallel_loop3A_670 : i32 to index
          %parallel_loop3A_1167 = arith.index_cast %parallel_loop3A_1130 : i32 to index
          %parallel_loop3A_1168 = tpu.vector_load %arg11[%parallel_loop3A_1165, %parallel_loop3A_1166, %parallel_loop3A_1167] {strides = array<i32>} : memref<2x16x768xf32, #tpu.memory_space<vmem>>, vector<1x1x16xf32>,
          %parallel_loop3A_1169 = vector.shape_cast %parallel_loop3A_1168 : vector<1x1x16xf32> to vector<16xf32>
          %parallel_loop3A_1170 = arith.addf %parallel_loop3A_1163, %parallel_loop3A_1169 : vector<16xf32>
          %parallel_loop3A_1171 = arith.constant 1 : i32
          %parallel_loop3A_1172 = arith.index_cast %parallel_loop3A_1171 : i32 to index
          %parallel_loop3A_1173 = arith.index_cast %parallel_loop3A_674 : i32 to index
          %parallel_loop3A_1174 = arith.index_cast %parallel_loop3A_1126 : i32 to index
          %parallel_loop3A_1175 = tpu.vector_load %arg10[%parallel_loop3A_1172, %parallel_loop3A_1173, %parallel_loop3A_1174] {strides = array<i32>} : memref<2x16x768xf32, #tpu.memory_space<vmem>>, vector<1x1x16xf32>,
          %parallel_loop3A_1176 = vector.shape_cast %parallel_loop3A_1175 : vector<1x1x16xf32> to vector<16xf32>
          %parallel_loop3A_1177 = arith.constant 1 : i32
          %parallel_loop3A_1178 = arith.index_cast %parallel_loop3A_1177 : i32 to index
          %parallel_loop3A_1179 = arith.index_cast %parallel_loop3A_674 : i32 to index
          %parallel_loop3A_1180 = arith.index_cast %parallel_loop3A_1126 : i32 to index
          %parallel_loop3A_1181 = tpu.vector_load %arg12[%parallel_loop3A_1178, %parallel_loop3A_1179, %parallel_loop3A_1180] {strides = array<i32>} : memref<2x16x768xf32, #tpu.memory_space<vmem>>, vector<1x1x16xf32>,
          %parallel_loop3A_1182 = vector.shape_cast %parallel_loop3A_1181 : vector<1x1x16xf32> to vector<16xf32>
          %parallel_loop3A_1183 = arith.mulf %parallel_loop3A_1176, %parallel_loop3A_1182 : vector<16xf32>
          %parallel_loop3A_1184 = arith.constant 1 : i32
          %parallel_loop3A_1185 = arith.index_cast %parallel_loop3A_1184 : i32 to index
          %parallel_loop3A_1186 = arith.index_cast %parallel_loop3A_674 : i32 to index
          %parallel_loop3A_1187 = arith.index_cast %parallel_loop3A_1126 : i32 to index
          %parallel_loop3A_1188 = tpu.vector_load %arg11[%parallel_loop3A_1185, %parallel_loop3A_1186, %parallel_loop3A_1187] {strides = array<i32>} : memref<2x16x768xf32, #tpu.memory_space<vmem>>, vector<1x1x16xf32>,
          %parallel_loop3A_1189 = vector.shape_cast %parallel_loop3A_1188 : vector<1x1x16xf32> to vector<16xf32>
          %parallel_loop3A_1190 = arith.addf %parallel_loop3A_1183, %parallel_loop3A_1189 : vector<16xf32>
          %parallel_loop3A_1191 = arith.constant 1 : i32
          %parallel_loop3A_1192 = arith.index_cast %parallel_loop3A_1191 : i32 to index
          %parallel_loop3A_1193 = arith.index_cast %parallel_loop3A_674 : i32 to index
          %parallel_loop3A_1194 = arith.index_cast %parallel_loop3A_1130 : i32 to index
          %parallel_loop3A_1195 = tpu.vector_load %arg10[%parallel_loop3A_1192, %parallel_loop3A_1193, %parallel_loop3A_1194] {strides = array<i32>} : memref<2x16x768xf32, #tpu.memory_space<vmem>>, vector<1x1x16xf32>,
          %parallel_loop3A_1196 = vector.shape_cast %parallel_loop3A_1195 : vector<1x1x16xf32> to vector<16xf32>
          %parallel_loop3A_1197 = arith.constant 1 : i32
          %parallel_loop3A_1198 = arith.index_cast %parallel_loop3A_1197 : i32 to index
          %parallel_loop3A_1199 = arith.index_cast %parallel_loop3A_674 : i32 to index
          %parallel_loop3A_1200 = arith.index_cast %parallel_loop3A_1130 : i32 to index
          %parallel_loop3A_1201 = tpu.vector_load %arg12[%parallel_loop3A_1198, %parallel_loop3A_1199, %parallel_loop3A_1200] {strides = array<i32>} : memref<2x16x768xf32, #tpu.memory_space<vmem>>, vector<1x1x16xf32>,
          %parallel_loop3A_1202 = vector.shape_cast %parallel_loop3A_1201 : vector<1x1x16xf32> to vector<16xf32>
          %parallel_loop3A_1203 = arith.mulf %parallel_loop3A_1196, %parallel_loop3A_1202 : vector<16xf32>
          %parallel_loop3A_1204 = arith.constant 1 : i32
          %parallel_loop3A_1205 = arith.index_cast %parallel_loop3A_1204 : i32 to index
          %parallel_loop3A_1206 = arith.index_cast %parallel_loop3A_674 : i32 to index
          %parallel_loop3A_1207 = arith.index_cast %parallel_loop3A_1130 : i32 to index
          %parallel_loop3A_1208 = tpu.vector_load %arg11[%parallel_loop3A_1205, %parallel_loop3A_1206, %parallel_loop3A_1207] {strides = array<i32>} : memref<2x16x768xf32, #tpu.memory_space<vmem>>, vector<1x1x16xf32>,
          %parallel_loop3A_1209 = vector.shape_cast %parallel_loop3A_1208 : vector<1x1x16xf32> to vector<16xf32>
          %parallel_loop3A_1210 = arith.addf %parallel_loop3A_1203, %parallel_loop3A_1209 : vector<16xf32>
          %parallel_loop3A_1211 = arith.constant 1 : i32
          %parallel_loop3A_1212 = arith.index_cast %parallel_loop3A_1211 : i32 to index
          %parallel_loop3A_1213 = arith.index_cast %parallel_loop3A_670 : i32 to index
          %parallel_loop3A_1214 = arith.index_cast %parallel_loop3A_1126 : i32 to index
          %parallel_loop3A_1215 = tpu.vector_load %arg13[%parallel_loop3A_1212, %parallel_loop3A_1213, %parallel_loop3A_1214] {strides = array<i32>} : memref<2x16x768xf32, #tpu.memory_space<vmem>>, vector<1x1x16xf32>,
          %parallel_loop3A_1216 = vector.shape_cast %parallel_loop3A_1215 : vector<1x1x16xf32> to vector<16xf32>
          %parallel_loop3A_1217 = vector.shape_cast %parallel_loop3A_1150 : vector<16xf32> to vector<1x1x16xf32>
          tpu.vector_store %arg13[%parallel_loop3A_1212, %parallel_loop3A_1213, %parallel_loop3A_1214], %parallel_loop3A_1217 {strides = array<i32>} : memref<2x16x768xf32, #tpu.memory_space<vmem>>, vector<1x1x16xf32>,
          %parallel_loop3A_1218 = arith.constant 1 : i32
          %parallel_loop3A_1219 = arith.index_cast %parallel_loop3A_1218 : i32 to index
          %parallel_loop3A_1220 = arith.index_cast %parallel_loop3A_670 : i32 to index
          %parallel_loop3A_1221 = arith.index_cast %parallel_loop3A_1130 : i32 to index
          %parallel_loop3A_1222 = tpu.vector_load %arg13[%parallel_loop3A_1219, %parallel_loop3A_1220, %parallel_loop3A_1221] {strides = array<i32>} : memref<2x16x768xf32, #tpu.memory_space<vmem>>, vector<1x1x16xf32>,
          %parallel_loop3A_1223 = vector.shape_cast %parallel_loop3A_1222 : vector<1x1x16xf32> to vector<16xf32>
          %parallel_loop3A_1224 = vector.shape_cast %parallel_loop3A_1170 : vector<16xf32> to vector<1x1x16xf32>
          tpu.vector_store %arg13[%parallel_loop3A_1219, %parallel_loop3A_1220, %parallel_loop3A_1221], %parallel_loop3A_1224 {strides = array<i32>} : memref<2x16x768xf32, #tpu.memory_space<vmem>>, vector<1x1x16xf32>,
          %parallel_loop3A_1225 = arith.constant 1 : i32
          %parallel_loop3A_1226 = arith.index_cast %parallel_loop3A_1225 : i32 to index
          %parallel_loop3A_1227 = arith.index_cast %parallel_loop3A_674 : i32 to index
          %parallel_loop3A_1228 = arith.index_cast %parallel_loop3A_1126 : i32 to index
          %parallel_loop3A_1229 = tpu.vector_load %arg13[%parallel_loop3A_1226, %parallel_loop3A_1227, %parallel_loop3A_1228] {strides = array<i32>} : memref<2x16x768xf32, #tpu.memory_space<vmem>>, vector<1x1x16xf32>,
          %parallel_loop3A_1230 = vector.shape_cast %parallel_loop3A_1229 : vector<1x1x16xf32> to vector<16xf32>
          %parallel_loop3A_1231 = vector.shape_cast %parallel_loop3A_1190 : vector<16xf32> to vector<1x1x16xf32>
          tpu.vector_store %arg13[%parallel_loop3A_1226, %parallel_loop3A_1227, %parallel_loop3A_1228], %parallel_loop3A_1231 {strides = array<i32>} : memref<2x16x768xf32, #tpu.memory_space<vmem>>, vector<1x1x16xf32>,
          %parallel_loop3A_1232 = arith.constant 1 : i32
          %parallel_loop3A_1233 = arith.index_cast %parallel_loop3A_1232 : i32 to index
          %parallel_loop3A_1234 = arith.index_cast %parallel_loop3A_674 : i32 to index
          %parallel_loop3A_1235 = arith.index_cast %parallel_loop3A_1130 : i32 to index
          %parallel_loop3A_1236 = tpu.vector_load %arg13[%parallel_loop3A_1233, %parallel_loop3A_1234, %parallel_loop3A_1235] {strides = array<i32>} : memref<2x16x768xf32, #tpu.memory_space<vmem>>, vector<1x1x16xf32>,
          %parallel_loop3A_1237 = vector.shape_cast %parallel_loop3A_1236 : vector<1x1x16xf32> to vector<16xf32>
          %parallel_loop3A_1238 = vector.shape_cast %parallel_loop3A_1210 : vector<16xf32> to vector<1x1x16xf32>
          tpu.vector_store %arg13[%parallel_loop3A_1233, %parallel_loop3A_1234, %parallel_loop3A_1235], %parallel_loop3A_1238 {strides = array<i32>} : memref<2x16x768xf32, #tpu.memory_space<vmem>>, vector<1x1x16xf32>,
          %parallel_loop3A_1239 = arith.addf %parallel_loop3A_1117, %parallel_loop3A_1150 : vector<16xf32>
          %parallel_loop3A_1240 = arith.mulf %parallel_loop3A_1150, %parallel_loop3A_1150 : vector<16xf32>
          %parallel_loop3A_1241 = arith.addf %parallel_loop3A_1118, %parallel_loop3A_1240 : vector<16xf32>
          %parallel_loop3A_1242 = arith.addf %parallel_loop3A_1119, %parallel_loop3A_1170 : vector<16xf32>
          %parallel_loop3A_1243 = arith.mulf %parallel_loop3A_1170, %parallel_loop3A_1170 : vector<16xf32>
          %parallel_loop3A_1244 = arith.addf %parallel_loop3A_1120, %parallel_loop3A_1243 : vector<16xf32>
          %parallel_loop3A_1245 = arith.addf %parallel_loop3A_1121, %parallel_loop3A_1190 : vector<16xf32>
          %parallel_loop3A_1246 = arith.mulf %parallel_loop3A_1190, %parallel_loop3A_1190 : vector<16xf32>
          %parallel_loop3A_1247 = arith.addf %parallel_loop3A_1122, %parallel_loop3A_1246 : vector<16xf32>
          %parallel_loop3A_1248 = arith.addf %parallel_loop3A_1123, %parallel_loop3A_1210 : vector<16xf32>
          %parallel_loop3A_1249 = arith.mulf %parallel_loop3A_1210, %parallel_loop3A_1210 : vector<16xf32>
          %parallel_loop3A_1250 = arith.addf %parallel_loop3A_1124, %parallel_loop3A_1249 : vector<16xf32>
          scf.yield %parallel_loop3A_1239, %parallel_loop3A_1241, %parallel_loop3A_1242, %parallel_loop3A_1244, %parallel_loop3A_1245, %parallel_loop3A_1247, %parallel_loop3A_1248, %parallel_loop3A_1250 : vector<16xf32>, vector<16xf32>, vector<16xf32>, vector<16xf32>, vector<16xf32>, vector<16xf32>, vector<16xf32>, vector<16xf32>
        } {sc.loop_unroll_factor = 2 : i64, sc.parallel_access}
        %parallel_loop3A_679 = arith.addf %parallel_loop3A_678#0, %parallel_loop3A_678#2 : vector<16xf32>
        %parallel_loop3A_680 = arith.addf %parallel_loop3A_678#1, %parallel_loop3A_678#3 : vector<16xf32>
        %parallel_loop3A_681 = arith.addf %parallel_loop3A_678#4, %parallel_loop3A_678#6 : vector<16xf32>
        %parallel_loop3A_682 = arith.addf %parallel_loop3A_678#5, %parallel_loop3A_678#7 : vector<16xf32>
        %parallel_loop3A_683 = tpu.iota {dimensions = array<i32: 0>} : vector<16xi32>
        %parallel_loop3A_684 = arith.constant 8 : i32
        %parallel_loop3A_685 = vector.broadcast %parallel_loop3A_684 : i32 to vector<16xi32>
        %parallel_loop3A_686 = arith.xori %parallel_loop3A_683, %parallel_loop3A_685 : vector<16xi32>
        %parallel_loop3A_687 = vector.shape_cast %parallel_loop3A_686 : vector<16xi32> to vector<16x1xi32>
        %parallel_loop3A_688 = vector.shape_cast %parallel_loop3A_687 : vector<16x1xi32> to vector<16xi32>
        %parallel_loop3A_689 = tpu.dynamic_gather %parallel_loop3A_679[%parallel_loop3A_688] in [0] : vector<16xf32>, vector<16xi32> -> vector<16xf32>
        %parallel_loop3A_690 = arith.addf %parallel_loop3A_679, %parallel_loop3A_689 : vector<16xf32>
        %parallel_loop3A_691 = arith.constant 4 : i32
        %parallel_loop3A_692 = vector.broadcast %parallel_loop3A_691 : i32 to vector<16xi32>
        %parallel_loop3A_693 = arith.xori %parallel_loop3A_683, %parallel_loop3A_692 : vector<16xi32>
        %parallel_loop3A_694 = vector.shape_cast %parallel_loop3A_693 : vector<16xi32> to vector<16x1xi32>
        %parallel_loop3A_695 = vector.shape_cast %parallel_loop3A_694 : vector<16x1xi32> to vector<16xi32>
        %parallel_loop3A_696 = tpu.dynamic_gather %parallel_loop3A_690[%parallel_loop3A_695] in [0] : vector<16xf32>, vector<16xi32> -> vector<16xf32>
        %parallel_loop3A_697 = arith.addf %parallel_loop3A_690, %parallel_loop3A_696 : vector<16xf32>
        %parallel_loop3A_698 = arith.constant 2 : i32
        %parallel_loop3A_699 = vector.broadcast %parallel_loop3A_698 : i32 to vector<16xi32>
        %parallel_loop3A_700 = arith.xori %parallel_loop3A_683, %parallel_loop3A_699 : vector<16xi32>
        %parallel_loop3A_701 = vector.shape_cast %parallel_loop3A_700 : vector<16xi32> to vector<16x1xi32>
        %parallel_loop3A_702 = vector.shape_cast %parallel_loop3A_701 : vector<16x1xi32> to vector<16xi32>
        %parallel_loop3A_703 = tpu.dynamic_gather %parallel_loop3A_697[%parallel_loop3A_702] in [0] : vector<16xf32>, vector<16xi32> -> vector<16xf32>
        %parallel_loop3A_704 = arith.addf %parallel_loop3A_697, %parallel_loop3A_703 : vector<16xf32>
        %parallel_loop3A_705 = arith.constant 1 : i32
        %parallel_loop3A_706 = vector.broadcast %parallel_loop3A_705 : i32 to vector<16xi32>
        %parallel_loop3A_707 = arith.xori %parallel_loop3A_683, %parallel_loop3A_706 : vector<16xi32>
        %parallel_loop3A_708 = vector.shape_cast %parallel_loop3A_707 : vector<16xi32> to vector<16x1xi32>
        %parallel_loop3A_709 = vector.shape_cast %parallel_loop3A_708 : vector<16x1xi32> to vector<16xi32>
        %parallel_loop3A_710 = tpu.dynamic_gather %parallel_loop3A_704[%parallel_loop3A_709] in [0] : vector<16xf32>, vector<16xi32> -> vector<16xf32>
        %parallel_loop3A_711 = arith.addf %parallel_loop3A_704, %parallel_loop3A_710 : vector<16xf32>
        %parallel_loop3A_712 = arith.constant 0.00130208337 : f32
        %parallel_loop3A_713 = vector.broadcast %parallel_loop3A_712 : f32 to vector<16xf32>
        %parallel_loop3A_714 = arith.mulf %parallel_loop3A_711, %parallel_loop3A_713 : vector<16xf32>
        %parallel_loop3A_715 = tpu.iota {dimensions = array<i32: 0>} : vector<16xi32>
        %parallel_loop3A_716 = arith.constant 8 : i32
        %parallel_loop3A_717 = vector.broadcast %parallel_loop3A_716 : i32 to vector<16xi32>
        %parallel_loop3A_718 = arith.xori %parallel_loop3A_715, %parallel_loop3A_717 : vector<16xi32>
        %parallel_loop3A_719 = vector.shape_cast %parallel_loop3A_718 : vector<16xi32> to vector<16x1xi32>
        %parallel_loop3A_720 = vector.shape_cast %parallel_loop3A_719 : vector<16x1xi32> to vector<16xi32>
        %parallel_loop3A_721 = tpu.dynamic_gather %parallel_loop3A_680[%parallel_loop3A_720] in [0] : vector<16xf32>, vector<16xi32> -> vector<16xf32>
        %parallel_loop3A_722 = arith.addf %parallel_loop3A_680, %parallel_loop3A_721 : vector<16xf32>
        %parallel_loop3A_723 = arith.constant 4 : i32
        %parallel_loop3A_724 = vector.broadcast %parallel_loop3A_723 : i32 to vector<16xi32>
        %parallel_loop3A_725 = arith.xori %parallel_loop3A_715, %parallel_loop3A_724 : vector<16xi32>
        %parallel_loop3A_726 = vector.shape_cast %parallel_loop3A_725 : vector<16xi32> to vector<16x1xi32>
        %parallel_loop3A_727 = vector.shape_cast %parallel_loop3A_726 : vector<16x1xi32> to vector<16xi32>
        %parallel_loop3A_728 = tpu.dynamic_gather %parallel_loop3A_722[%parallel_loop3A_727] in [0] : vector<16xf32>, vector<16xi32> -> vector<16xf32>
        %parallel_loop3A_729 = arith.addf %parallel_loop3A_722, %parallel_loop3A_728 : vector<16xf32>
        %parallel_loop3A_730 = arith.constant 2 : i32
        %parallel_loop3A_731 = vector.broadcast %parallel_loop3A_730 : i32 to vector<16xi32>
        %parallel_loop3A_732 = arith.xori %parallel_loop3A_715, %parallel_loop3A_731 : vector<16xi32>
        %parallel_loop3A_733 = vector.shape_cast %parallel_loop3A_732 : vector<16xi32> to vector<16x1xi32>
        %parallel_loop3A_734 = vector.shape_cast %parallel_loop3A_733 : vector<16x1xi32> to vector<16xi32>
        %parallel_loop3A_735 = tpu.dynamic_gather %parallel_loop3A_729[%parallel_loop3A_734] in [0] : vector<16xf32>, vector<16xi32> -> vector<16xf32>
        %parallel_loop3A_736 = arith.addf %parallel_loop3A_729, %parallel_loop3A_735 : vector<16xf32>
        %parallel_loop3A_737 = arith.constant 1 : i32
        %parallel_loop3A_738 = vector.broadcast %parallel_loop3A_737 : i32 to vector<16xi32>
        %parallel_loop3A_739 = arith.xori %parallel_loop3A_715, %parallel_loop3A_738 : vector<16xi32>
        %parallel_loop3A_740 = vector.shape_cast %parallel_loop3A_739 : vector<16xi32> to vector<16x1xi32>
        %parallel_loop3A_741 = vector.shape_cast %parallel_loop3A_740 : vector<16x1xi32> to vector<16xi32>
        %parallel_loop3A_742 = tpu.dynamic_gather %parallel_loop3A_736[%parallel_loop3A_741] in [0] : vector<16xf32>, vector<16xi32> -> vector<16xf32>
        %parallel_loop3A_743 = arith.addf %parallel_loop3A_736, %parallel_loop3A_742 : vector<16xf32>
        %parallel_loop3A_744 = arith.constant 0.00130208337 : f32
        %parallel_loop3A_745 = vector.broadcast %parallel_loop3A_744 : f32 to vector<16xf32>
        %parallel_loop3A_746 = arith.mulf %parallel_loop3A_743, %parallel_loop3A_745 : vector<16xf32>
        %parallel_loop3A_747 = arith.mulf %parallel_loop3A_714, %parallel_loop3A_714 : vector<16xf32>
        %parallel_loop3A_748 = arith.subf %parallel_loop3A_746, %parallel_loop3A_747 : vector<16xf32>
        %parallel_loop3A_749 = arith.constant 9.99999996E-13 : f32
        %parallel_loop3A_750 = vector.broadcast %parallel_loop3A_749 : f32 to vector<16xf32>
        %parallel_loop3A_751 = arith.addf %parallel_loop3A_748, %parallel_loop3A_750 : vector<16xf32>
        %parallel_loop3A_752 = tpu.bitcast %parallel_loop3A_751 : vector<16xf32> -> vector<16xi32>
        %parallel_loop3A_753 = arith.constant 1597463007 : i32
        %parallel_loop3A_754 = vector.broadcast %parallel_loop3A_753 : i32 to vector<16xi32>
        %parallel_loop3A_755 = arith.constant 1 : i32
        %parallel_loop3A_756 = vector.broadcast %parallel_loop3A_755 : i32 to vector<16xi32>
        %parallel_loop3A_757 = arith.shrui %parallel_loop3A_752, %parallel_loop3A_756 : vector<16xi32>
        %parallel_loop3A_758 = arith.subi %parallel_loop3A_754, %parallel_loop3A_757 : vector<16xi32>
        %parallel_loop3A_759 = tpu.bitcast %parallel_loop3A_758 : vector<16xi32> -> vector<16xf32>
        %parallel_loop3A_760 = arith.constant 5.000000e-01 : f32
        %parallel_loop3A_761 = vector.broadcast %parallel_loop3A_760 : f32 to vector<16xf32>
        %parallel_loop3A_762 = arith.mulf %parallel_loop3A_761, %parallel_loop3A_751 : vector<16xf32>
        %parallel_loop3A_763 = arith.mulf %parallel_loop3A_762, %parallel_loop3A_759 : vector<16xf32>
        %parallel_loop3A_764 = arith.mulf %parallel_loop3A_763, %parallel_loop3A_759 : vector<16xf32>
        %parallel_loop3A_765 = arith.constant 1.500000e+00 : f32
        %parallel_loop3A_766 = vector.broadcast %parallel_loop3A_765 : f32 to vector<16xf32>
        %parallel_loop3A_767 = arith.subf %parallel_loop3A_766, %parallel_loop3A_764 : vector<16xf32>
        %parallel_loop3A_768 = arith.mulf %parallel_loop3A_759, %parallel_loop3A_767 : vector<16xf32>
        %parallel_loop3A_769 = arith.constant 5.000000e-01 : f32
        %parallel_loop3A_770 = vector.broadcast %parallel_loop3A_769 : f32 to vector<16xf32>
        %parallel_loop3A_771 = arith.mulf %parallel_loop3A_770, %parallel_loop3A_751 : vector<16xf32>
        %parallel_loop3A_772 = arith.mulf %parallel_loop3A_771, %parallel_loop3A_768 : vector<16xf32>
        %parallel_loop3A_773 = arith.mulf %parallel_loop3A_772, %parallel_loop3A_768 : vector<16xf32>
        %parallel_loop3A_774 = arith.constant 1.500000e+00 : f32
        %parallel_loop3A_775 = vector.broadcast %parallel_loop3A_774 : f32 to vector<16xf32>
        %parallel_loop3A_776 = arith.subf %parallel_loop3A_775, %parallel_loop3A_773 : vector<16xf32>
        %parallel_loop3A_777 = arith.mulf %parallel_loop3A_768, %parallel_loop3A_776 : vector<16xf32>
        %parallel_loop3A_778 = arith.constant 5.000000e-01 : f32
        %parallel_loop3A_779 = vector.broadcast %parallel_loop3A_778 : f32 to vector<16xf32>
        %parallel_loop3A_780 = arith.mulf %parallel_loop3A_779, %parallel_loop3A_751 : vector<16xf32>
        %parallel_loop3A_781 = arith.mulf %parallel_loop3A_780, %parallel_loop3A_777 : vector<16xf32>
        %parallel_loop3A_782 = arith.mulf %parallel_loop3A_781, %parallel_loop3A_777 : vector<16xf32>
        %parallel_loop3A_783 = arith.constant 1.500000e+00 : f32
        %parallel_loop3A_784 = vector.broadcast %parallel_loop3A_783 : f32 to vector<16xf32>
        %parallel_loop3A_785 = arith.subf %parallel_loop3A_784, %parallel_loop3A_782 : vector<16xf32>
        %parallel_loop3A_786 = arith.mulf %parallel_loop3A_777, %parallel_loop3A_785 : vector<16xf32>
        %parallel_loop3A_787 = tpu.iota {dimensions = array<i32: 0>} : vector<16xi32>
        %parallel_loop3A_788 = arith.constant 8 : i32
        %parallel_loop3A_789 = vector.broadcast %parallel_loop3A_788 : i32 to vector<16xi32>
        %parallel_loop3A_790 = arith.xori %parallel_loop3A_787, %parallel_loop3A_789 : vector<16xi32>
        %parallel_loop3A_791 = vector.shape_cast %parallel_loop3A_790 : vector<16xi32> to vector<16x1xi32>
        %parallel_loop3A_792 = vector.shape_cast %parallel_loop3A_791 : vector<16x1xi32> to vector<16xi32>
        %parallel_loop3A_793 = tpu.dynamic_gather %parallel_loop3A_681[%parallel_loop3A_792] in [0] : vector<16xf32>, vector<16xi32> -> vector<16xf32>
        %parallel_loop3A_794 = arith.addf %parallel_loop3A_681, %parallel_loop3A_793 : vector<16xf32>
        %parallel_loop3A_795 = arith.constant 4 : i32
        %parallel_loop3A_796 = vector.broadcast %parallel_loop3A_795 : i32 to vector<16xi32>
        %parallel_loop3A_797 = arith.xori %parallel_loop3A_787, %parallel_loop3A_796 : vector<16xi32>
        %parallel_loop3A_798 = vector.shape_cast %parallel_loop3A_797 : vector<16xi32> to vector<16x1xi32>
        %parallel_loop3A_799 = vector.shape_cast %parallel_loop3A_798 : vector<16x1xi32> to vector<16xi32>
        %parallel_loop3A_800 = tpu.dynamic_gather %parallel_loop3A_794[%parallel_loop3A_799] in [0] : vector<16xf32>, vector<16xi32> -> vector<16xf32>
        %parallel_loop3A_801 = arith.addf %parallel_loop3A_794, %parallel_loop3A_800 : vector<16xf32>
        %parallel_loop3A_802 = arith.constant 2 : i32
        %parallel_loop3A_803 = vector.broadcast %parallel_loop3A_802 : i32 to vector<16xi32>
        %parallel_loop3A_804 = arith.xori %parallel_loop3A_787, %parallel_loop3A_803 : vector<16xi32>
        %parallel_loop3A_805 = vector.shape_cast %parallel_loop3A_804 : vector<16xi32> to vector<16x1xi32>
        %parallel_loop3A_806 = vector.shape_cast %parallel_loop3A_805 : vector<16x1xi32> to vector<16xi32>
        %parallel_loop3A_807 = tpu.dynamic_gather %parallel_loop3A_801[%parallel_loop3A_806] in [0] : vector<16xf32>, vector<16xi32> -> vector<16xf32>
        %parallel_loop3A_808 = arith.addf %parallel_loop3A_801, %parallel_loop3A_807 : vector<16xf32>
        %parallel_loop3A_809 = arith.constant 1 : i32
        %parallel_loop3A_810 = vector.broadcast %parallel_loop3A_809 : i32 to vector<16xi32>
        %parallel_loop3A_811 = arith.xori %parallel_loop3A_787, %parallel_loop3A_810 : vector<16xi32>
        %parallel_loop3A_812 = vector.shape_cast %parallel_loop3A_811 : vector<16xi32> to vector<16x1xi32>
        %parallel_loop3A_813 = vector.shape_cast %parallel_loop3A_812 : vector<16x1xi32> to vector<16xi32>
        %parallel_loop3A_814 = tpu.dynamic_gather %parallel_loop3A_808[%parallel_loop3A_813] in [0] : vector<16xf32>, vector<16xi32> -> vector<16xf32>
        %parallel_loop3A_815 = arith.addf %parallel_loop3A_808, %parallel_loop3A_814 : vector<16xf32>
        %parallel_loop3A_816 = arith.constant 0.00130208337 : f32
        %parallel_loop3A_817 = vector.broadcast %parallel_loop3A_816 : f32 to vector<16xf32>
        %parallel_loop3A_818 = arith.mulf %parallel_loop3A_815, %parallel_loop3A_817 : vector<16xf32>
        %parallel_loop3A_819 = tpu.iota {dimensions = array<i32: 0>} : vector<16xi32>
        %parallel_loop3A_820 = arith.constant 8 : i32
        %parallel_loop3A_821 = vector.broadcast %parallel_loop3A_820 : i32 to vector<16xi32>
        %parallel_loop3A_822 = arith.xori %parallel_loop3A_819, %parallel_loop3A_821 : vector<16xi32>
        %parallel_loop3A_823 = vector.shape_cast %parallel_loop3A_822 : vector<16xi32> to vector<16x1xi32>
        %parallel_loop3A_824 = vector.shape_cast %parallel_loop3A_823 : vector<16x1xi32> to vector<16xi32>
        %parallel_loop3A_825 = tpu.dynamic_gather %parallel_loop3A_682[%parallel_loop3A_824] in [0] : vector<16xf32>, vector<16xi32> -> vector<16xf32>
        %parallel_loop3A_826 = arith.addf %parallel_loop3A_682, %parallel_loop3A_825 : vector<16xf32>
        %parallel_loop3A_827 = arith.constant 4 : i32
        %parallel_loop3A_828 = vector.broadcast %parallel_loop3A_827 : i32 to vector<16xi32>
        %parallel_loop3A_829 = arith.xori %parallel_loop3A_819, %parallel_loop3A_828 : vector<16xi32>
        %parallel_loop3A_830 = vector.shape_cast %parallel_loop3A_829 : vector<16xi32> to vector<16x1xi32>
        %parallel_loop3A_831 = vector.shape_cast %parallel_loop3A_830 : vector<16x1xi32> to vector<16xi32>
        %parallel_loop3A_832 = tpu.dynamic_gather %parallel_loop3A_826[%parallel_loop3A_831] in [0] : vector<16xf32>, vector<16xi32> -> vector<16xf32>
        %parallel_loop3A_833 = arith.addf %parallel_loop3A_826, %parallel_loop3A_832 : vector<16xf32>
        %parallel_loop3A_834 = arith.constant 2 : i32
        %parallel_loop3A_835 = vector.broadcast %parallel_loop3A_834 : i32 to vector<16xi32>
        %parallel_loop3A_836 = arith.xori %parallel_loop3A_819, %parallel_loop3A_835 : vector<16xi32>
        %parallel_loop3A_837 = vector.shape_cast %parallel_loop3A_836 : vector<16xi32> to vector<16x1xi32>
        %parallel_loop3A_838 = vector.shape_cast %parallel_loop3A_837 : vector<16x1xi32> to vector<16xi32>
        %parallel_loop3A_839 = tpu.dynamic_gather %parallel_loop3A_833[%parallel_loop3A_838] in [0] : vector<16xf32>, vector<16xi32> -> vector<16xf32>
        %parallel_loop3A_840 = arith.addf %parallel_loop3A_833, %parallel_loop3A_839 : vector<16xf32>
        %parallel_loop3A_841 = arith.constant 1 : i32
        %parallel_loop3A_842 = vector.broadcast %parallel_loop3A_841 : i32 to vector<16xi32>
        %parallel_loop3A_843 = arith.xori %parallel_loop3A_819, %parallel_loop3A_842 : vector<16xi32>
        %parallel_loop3A_844 = vector.shape_cast %parallel_loop3A_843 : vector<16xi32> to vector<16x1xi32>
        %parallel_loop3A_845 = vector.shape_cast %parallel_loop3A_844 : vector<16x1xi32> to vector<16xi32>
        %parallel_loop3A_846 = tpu.dynamic_gather %parallel_loop3A_840[%parallel_loop3A_845] in [0] : vector<16xf32>, vector<16xi32> -> vector<16xf32>
        %parallel_loop3A_847 = arith.addf %parallel_loop3A_840, %parallel_loop3A_846 : vector<16xf32>
        %parallel_loop3A_848 = arith.constant 0.00130208337 : f32
        %parallel_loop3A_849 = vector.broadcast %parallel_loop3A_848 : f32 to vector<16xf32>
        %parallel_loop3A_850 = arith.mulf %parallel_loop3A_847, %parallel_loop3A_849 : vector<16xf32>
        %parallel_loop3A_851 = arith.mulf %parallel_loop3A_818, %parallel_loop3A_818 : vector<16xf32>
        %parallel_loop3A_852 = arith.subf %parallel_loop3A_850, %parallel_loop3A_851 : vector<16xf32>
        %parallel_loop3A_853 = arith.constant 9.99999996E-13 : f32
        %parallel_loop3A_854 = vector.broadcast %parallel_loop3A_853 : f32 to vector<16xf32>
        %parallel_loop3A_855 = arith.addf %parallel_loop3A_852, %parallel_loop3A_854 : vector<16xf32>
        %parallel_loop3A_856 = tpu.bitcast %parallel_loop3A_855 : vector<16xf32> -> vector<16xi32>
        %parallel_loop3A_857 = arith.constant 1597463007 : i32
        %parallel_loop3A_858 = vector.broadcast %parallel_loop3A_857 : i32 to vector<16xi32>
        %parallel_loop3A_859 = arith.constant 1 : i32
        %parallel_loop3A_860 = vector.broadcast %parallel_loop3A_859 : i32 to vector<16xi32>
        %parallel_loop3A_861 = arith.shrui %parallel_loop3A_856, %parallel_loop3A_860 : vector<16xi32>
        %parallel_loop3A_862 = arith.subi %parallel_loop3A_858, %parallel_loop3A_861 : vector<16xi32>
        %parallel_loop3A_863 = tpu.bitcast %parallel_loop3A_862 : vector<16xi32> -> vector<16xf32>
        %parallel_loop3A_864 = arith.constant 5.000000e-01 : f32
        %parallel_loop3A_865 = vector.broadcast %parallel_loop3A_864 : f32 to vector<16xf32>
        %parallel_loop3A_866 = arith.mulf %parallel_loop3A_865, %parallel_loop3A_855 : vector<16xf32>
        %parallel_loop3A_867 = arith.mulf %parallel_loop3A_866, %parallel_loop3A_863 : vector<16xf32>
        %parallel_loop3A_868 = arith.mulf %parallel_loop3A_867, %parallel_loop3A_863 : vector<16xf32>
        %parallel_loop3A_869 = arith.constant 1.500000e+00 : f32
        %parallel_loop3A_870 = vector.broadcast %parallel_loop3A_869 : f32 to vector<16xf32>
        %parallel_loop3A_871 = arith.subf %parallel_loop3A_870, %parallel_loop3A_868 : vector<16xf32>
        %parallel_loop3A_872 = arith.mulf %parallel_loop3A_863, %parallel_loop3A_871 : vector<16xf32>
        %parallel_loop3A_873 = arith.constant 5.000000e-01 : f32
        %parallel_loop3A_874 = vector.broadcast %parallel_loop3A_873 : f32 to vector<16xf32>
        %parallel_loop3A_875 = arith.mulf %parallel_loop3A_874, %parallel_loop3A_855 : vector<16xf32>
        %parallel_loop3A_876 = arith.mulf %parallel_loop3A_875, %parallel_loop3A_872 : vector<16xf32>
        %parallel_loop3A_877 = arith.mulf %parallel_loop3A_876, %parallel_loop3A_872 : vector<16xf32>
        %parallel_loop3A_878 = arith.constant 1.500000e+00 : f32
        %parallel_loop3A_879 = vector.broadcast %parallel_loop3A_878 : f32 to vector<16xf32>
        %parallel_loop3A_880 = arith.subf %parallel_loop3A_879, %parallel_loop3A_877 : vector<16xf32>
        %parallel_loop3A_881 = arith.mulf %parallel_loop3A_872, %parallel_loop3A_880 : vector<16xf32>
        %parallel_loop3A_882 = arith.constant 5.000000e-01 : f32
        %parallel_loop3A_883 = vector.broadcast %parallel_loop3A_882 : f32 to vector<16xf32>
        %parallel_loop3A_884 = arith.mulf %parallel_loop3A_883, %parallel_loop3A_855 : vector<16xf32>
        %parallel_loop3A_885 = arith.mulf %parallel_loop3A_884, %parallel_loop3A_881 : vector<16xf32>
        %parallel_loop3A_886 = arith.mulf %parallel_loop3A_885, %parallel_loop3A_881 : vector<16xf32>
        %parallel_loop3A_887 = arith.constant 1.500000e+00 : f32
        %parallel_loop3A_888 = vector.broadcast %parallel_loop3A_887 : f32 to vector<16xf32>
        %parallel_loop3A_889 = arith.subf %parallel_loop3A_888, %parallel_loop3A_886 : vector<16xf32>
        %parallel_loop3A_890 = arith.mulf %parallel_loop3A_881, %parallel_loop3A_889 : vector<16xf32>
        %parallel_loop3A_891 = arith.constant 6 : i32
        %parallel_loop3A_892 = arith.addi %parallel_loop3A_224, %parallel_loop3A_891 : i32
        %parallel_loop3A_893 = arith.constant 6 : i32
        %parallel_loop3A_894 = arith.addi %parallel_loop3A_224, %parallel_loop3A_893 : i32
        %parallel_loop3A_895 = arith.constant 1 : i32
        %parallel_loop3A_896 = arith.addi %parallel_loop3A_894, %parallel_loop3A_895 : i32
        %parallel_loop3A_897 = arith.constant 0 : i32
        %parallel_loop3A_898 = arith.constant 48 : i32
        %parallel_loop3A_899 = arith.constant 2 : i32
        %parallel_loop3A_900:8 = scf.for %parallel_loop3A_1116 = %parallel_loop3A_897 to %parallel_loop3A_898 step %parallel_loop3A_899 iter_args(%parallel_loop3A_1117 = %broadcast_in_dim3A_207, %parallel_loop3A_1118 = %broadcast_in_dim3A_207, %parallel_loop3A_1119 = %broadcast_in_dim3A_207, %parallel_loop3A_1120 = %broadcast_in_dim3A_207, %parallel_loop3A_1121 = %broadcast_in_dim3A_207, %parallel_loop3A_1122 = %broadcast_in_dim3A_207, %parallel_loop3A_1123 = %broadcast_in_dim3A_207, %parallel_loop3A_1124 = %broadcast_in_dim3A_207) -> (vector<16xf32>, vector<16xf32>, vector<16xf32>, vector<16xf32>, vector<16xf32>, vector<16xf32>, vector<16xf32>, vector<16xf32>)  : i32 {
          %parallel_loop3A_1125 = arith.constant 16 : i32
          %parallel_loop3A_1126 = arith.muli %parallel_loop3A_1116, %parallel_loop3A_1125 : i32
          %parallel_loop3A_1127 = arith.constant 1 : i32
          %parallel_loop3A_1128 = arith.addi %parallel_loop3A_1116, %parallel_loop3A_1127 : i32
          %parallel_loop3A_1129 = arith.constant 16 : i32
          %parallel_loop3A_1130 = arith.muli %parallel_loop3A_1128, %parallel_loop3A_1129 : i32
          %parallel_loop3A_1131 = arith.constant 1 : i32
          %parallel_loop3A_1132 = arith.index_cast %parallel_loop3A_1131 : i32 to index
          %parallel_loop3A_1133 = arith.index_cast %parallel_loop3A_892 : i32 to index
          %parallel_loop3A_1134 = arith.index_cast %parallel_loop3A_1126 : i32 to index
          %parallel_loop3A_1135 = tpu.vector_load %arg10[%parallel_loop3A_1132, %parallel_loop3A_1133, %parallel_loop3A_1134] {strides = array<i32>} : memref<2x16x768xf32, #tpu.memory_space<vmem>>, vector<1x1x16xf32>,
          %parallel_loop3A_1136 = vector.shape_cast %parallel_loop3A_1135 : vector<1x1x16xf32> to vector<16xf32>
          %parallel_loop3A_1137 = arith.constant 1 : i32
          %parallel_loop3A_1138 = arith.index_cast %parallel_loop3A_1137 : i32 to index
          %parallel_loop3A_1139 = arith.index_cast %parallel_loop3A_892 : i32 to index
          %parallel_loop3A_1140 = arith.index_cast %parallel_loop3A_1126 : i32 to index
          %parallel_loop3A_1141 = tpu.vector_load %arg12[%parallel_loop3A_1138, %parallel_loop3A_1139, %parallel_loop3A_1140] {strides = array<i32>} : memref<2x16x768xf32, #tpu.memory_space<vmem>>, vector<1x1x16xf32>,
          %parallel_loop3A_1142 = vector.shape_cast %parallel_loop3A_1141 : vector<1x1x16xf32> to vector<16xf32>
          %parallel_loop3A_1143 = arith.mulf %parallel_loop3A_1136, %parallel_loop3A_1142 : vector<16xf32>
          %parallel_loop3A_1144 = arith.constant 1 : i32
          %parallel_loop3A_1145 = arith.index_cast %parallel_loop3A_1144 : i32 to index
          %parallel_loop3A_1146 = arith.index_cast %parallel_loop3A_892 : i32 to index
          %parallel_loop3A_1147 = arith.index_cast %parallel_loop3A_1126 : i32 to index
          %parallel_loop3A_1148 = tpu.vector_load %arg11[%parallel_loop3A_1145, %parallel_loop3A_1146, %parallel_loop3A_1147] {strides = array<i32>} : memref<2x16x768xf32, #tpu.memory_space<vmem>>, vector<1x1x16xf32>,
          %parallel_loop3A_1149 = vector.shape_cast %parallel_loop3A_1148 : vector<1x1x16xf32> to vector<16xf32>
          %parallel_loop3A_1150 = arith.addf %parallel_loop3A_1143, %parallel_loop3A_1149 : vector<16xf32>
          %parallel_loop3A_1151 = arith.constant 1 : i32
          %parallel_loop3A_1152 = arith.index_cast %parallel_loop3A_1151 : i32 to index
          %parallel_loop3A_1153 = arith.index_cast %parallel_loop3A_892 : i32 to index
          %parallel_loop3A_1154 = arith.index_cast %parallel_loop3A_1130 : i32 to index
          %parallel_loop3A_1155 = tpu.vector_load %arg10[%parallel_loop3A_1152, %parallel_loop3A_1153, %parallel_loop3A_1154] {strides = array<i32>} : memref<2x16x768xf32, #tpu.memory_space<vmem>>, vector<1x1x16xf32>,
          %parallel_loop3A_1156 = vector.shape_cast %parallel_loop3A_1155 : vector<1x1x16xf32> to vector<16xf32>
          %parallel_loop3A_1157 = arith.constant 1 : i32
          %parallel_loop3A_1158 = arith.index_cast %parallel_loop3A_1157 : i32 to index
          %parallel_loop3A_1159 = arith.index_cast %parallel_loop3A_892 : i32 to index
          %parallel_loop3A_1160 = arith.index_cast %parallel_loop3A_1130 : i32 to index
          %parallel_loop3A_1161 = tpu.vector_load %arg12[%parallel_loop3A_1158, %parallel_loop3A_1159, %parallel_loop3A_1160] {strides = array<i32>} : memref<2x16x768xf32, #tpu.memory_space<vmem>>, vector<1x1x16xf32>,
          %parallel_loop3A_1162 = vector.shape_cast %parallel_loop3A_1161 : vector<1x1x16xf32> to vector<16xf32>
          %parallel_loop3A_1163 = arith.mulf %parallel_loop3A_1156, %parallel_loop3A_1162 : vector<16xf32>
          %parallel_loop3A_1164 = arith.constant 1 : i32
          %parallel_loop3A_1165 = arith.index_cast %parallel_loop3A_1164 : i32 to index
          %parallel_loop3A_1166 = arith.index_cast %parallel_loop3A_892 : i32 to index
          %parallel_loop3A_1167 = arith.index_cast %parallel_loop3A_1130 : i32 to index
          %parallel_loop3A_1168 = tpu.vector_load %arg11[%parallel_loop3A_1165, %parallel_loop3A_1166, %parallel_loop3A_1167] {strides = array<i32>} : memref<2x16x768xf32, #tpu.memory_space<vmem>>, vector<1x1x16xf32>,
          %parallel_loop3A_1169 = vector.shape_cast %parallel_loop3A_1168 : vector<1x1x16xf32> to vector<16xf32>
          %parallel_loop3A_1170 = arith.addf %parallel_loop3A_1163, %parallel_loop3A_1169 : vector<16xf32>
          %parallel_loop3A_1171 = arith.constant 1 : i32
          %parallel_loop3A_1172 = arith.index_cast %parallel_loop3A_1171 : i32 to index
          %parallel_loop3A_1173 = arith.index_cast %parallel_loop3A_896 : i32 to index
          %parallel_loop3A_1174 = arith.index_cast %parallel_loop3A_1126 : i32 to index
          %parallel_loop3A_1175 = tpu.vector_load %arg10[%parallel_loop3A_1172, %parallel_loop3A_1173, %parallel_loop3A_1174] {strides = array<i32>} : memref<2x16x768xf32, #tpu.memory_space<vmem>>, vector<1x1x16xf32>,
          %parallel_loop3A_1176 = vector.shape_cast %parallel_loop3A_1175 : vector<1x1x16xf32> to vector<16xf32>
          %parallel_loop3A_1177 = arith.constant 1 : i32
          %parallel_loop3A_1178 = arith.index_cast %parallel_loop3A_1177 : i32 to index
          %parallel_loop3A_1179 = arith.index_cast %parallel_loop3A_896 : i32 to index
          %parallel_loop3A_1180 = arith.index_cast %parallel_loop3A_1126 : i32 to index
          %parallel_loop3A_1181 = tpu.vector_load %arg12[%parallel_loop3A_1178, %parallel_loop3A_1179, %parallel_loop3A_1180] {strides = array<i32>} : memref<2x16x768xf32, #tpu.memory_space<vmem>>, vector<1x1x16xf32>,
          %parallel_loop3A_1182 = vector.shape_cast %parallel_loop3A_1181 : vector<1x1x16xf32> to vector<16xf32>
          %parallel_loop3A_1183 = arith.mulf %parallel_loop3A_1176, %parallel_loop3A_1182 : vector<16xf32>
          %parallel_loop3A_1184 = arith.constant 1 : i32
          %parallel_loop3A_1185 = arith.index_cast %parallel_loop3A_1184 : i32 to index
          %parallel_loop3A_1186 = arith.index_cast %parallel_loop3A_896 : i32 to index
          %parallel_loop3A_1187 = arith.index_cast %parallel_loop3A_1126 : i32 to index
          %parallel_loop3A_1188 = tpu.vector_load %arg11[%parallel_loop3A_1185, %parallel_loop3A_1186, %parallel_loop3A_1187] {strides = array<i32>} : memref<2x16x768xf32, #tpu.memory_space<vmem>>, vector<1x1x16xf32>,
          %parallel_loop3A_1189 = vector.shape_cast %parallel_loop3A_1188 : vector<1x1x16xf32> to vector<16xf32>
          %parallel_loop3A_1190 = arith.addf %parallel_loop3A_1183, %parallel_loop3A_1189 : vector<16xf32>
          %parallel_loop3A_1191 = arith.constant 1 : i32
          %parallel_loop3A_1192 = arith.index_cast %parallel_loop3A_1191 : i32 to index
          %parallel_loop3A_1193 = arith.index_cast %parallel_loop3A_896 : i32 to index
          %parallel_loop3A_1194 = arith.index_cast %parallel_loop3A_1130 : i32 to index
          %parallel_loop3A_1195 = tpu.vector_load %arg10[%parallel_loop3A_1192, %parallel_loop3A_1193, %parallel_loop3A_1194] {strides = array<i32>} : memref<2x16x768xf32, #tpu.memory_space<vmem>>, vector<1x1x16xf32>,
          %parallel_loop3A_1196 = vector.shape_cast %parallel_loop3A_1195 : vector<1x1x16xf32> to vector<16xf32>
          %parallel_loop3A_1197 = arith.constant 1 : i32
          %parallel_loop3A_1198 = arith.index_cast %parallel_loop3A_1197 : i32 to index
          %parallel_loop3A_1199 = arith.index_cast %parallel_loop3A_896 : i32 to index
          %parallel_loop3A_1200 = arith.index_cast %parallel_loop3A_1130 : i32 to index
          %parallel_loop3A_1201 = tpu.vector_load %arg12[%parallel_loop3A_1198, %parallel_loop3A_1199, %parallel_loop3A_1200] {strides = array<i32>} : memref<2x16x768xf32, #tpu.memory_space<vmem>>, vector<1x1x16xf32>,
          %parallel_loop3A_1202 = vector.shape_cast %parallel_loop3A_1201 : vector<1x1x16xf32> to vector<16xf32>
          %parallel_loop3A_1203 = arith.mulf %parallel_loop3A_1196, %parallel_loop3A_1202 : vector<16xf32>
          %parallel_loop3A_1204 = arith.constant 1 : i32
          %parallel_loop3A_1205 = arith.index_cast %parallel_loop3A_1204 : i32 to index
          %parallel_loop3A_1206 = arith.index_cast %parallel_loop3A_896 : i32 to index
          %parallel_loop3A_1207 = arith.index_cast %parallel_loop3A_1130 : i32 to index
          %parallel_loop3A_1208 = tpu.vector_load %arg11[%parallel_loop3A_1205, %parallel_loop3A_1206, %parallel_loop3A_1207] {strides = array<i32>} : memref<2x16x768xf32, #tpu.memory_space<vmem>>, vector<1x1x16xf32>,
          %parallel_loop3A_1209 = vector.shape_cast %parallel_loop3A_1208 : vector<1x1x16xf32> to vector<16xf32>
          %parallel_loop3A_1210 = arith.addf %parallel_loop3A_1203, %parallel_loop3A_1209 : vector<16xf32>
          %parallel_loop3A_1211 = arith.constant 1 : i32
          %parallel_loop3A_1212 = arith.index_cast %parallel_loop3A_1211 : i32 to index
          %parallel_loop3A_1213 = arith.index_cast %parallel_loop3A_892 : i32 to index
          %parallel_loop3A_1214 = arith.index_cast %parallel_loop3A_1126 : i32 to index
          %parallel_loop3A_1215 = tpu.vector_load %arg13[%parallel_loop3A_1212, %parallel_loop3A_1213, %parallel_loop3A_1214] {strides = array<i32>} : memref<2x16x768xf32, #tpu.memory_space<vmem>>, vector<1x1x16xf32>,
          %parallel_loop3A_1216 = vector.shape_cast %parallel_loop3A_1215 : vector<1x1x16xf32> to vector<16xf32>
          %parallel_loop3A_1217 = vector.shape_cast %parallel_loop3A_1150 : vector<16xf32> to vector<1x1x16xf32>
          tpu.vector_store %arg13[%parallel_loop3A_1212, %parallel_loop3A_1213, %parallel_loop3A_1214], %parallel_loop3A_1217 {strides = array<i32>} : memref<2x16x768xf32, #tpu.memory_space<vmem>>, vector<1x1x16xf32>,
          %parallel_loop3A_1218 = arith.constant 1 : i32
          %parallel_loop3A_1219 = arith.index_cast %parallel_loop3A_1218 : i32 to index
          %parallel_loop3A_1220 = arith.index_cast %parallel_loop3A_892 : i32 to index
          %parallel_loop3A_1221 = arith.index_cast %parallel_loop3A_1130 : i32 to index
          %parallel_loop3A_1222 = tpu.vector_load %arg13[%parallel_loop3A_1219, %parallel_loop3A_1220, %parallel_loop3A_1221] {strides = array<i32>} : memref<2x16x768xf32, #tpu.memory_space<vmem>>, vector<1x1x16xf32>,
          %parallel_loop3A_1223 = vector.shape_cast %parallel_loop3A_1222 : vector<1x1x16xf32> to vector<16xf32>
          %parallel_loop3A_1224 = vector.shape_cast %parallel_loop3A_1170 : vector<16xf32> to vector<1x1x16xf32>
          tpu.vector_store %arg13[%parallel_loop3A_1219, %parallel_loop3A_1220, %parallel_loop3A_1221], %parallel_loop3A_1224 {strides = array<i32>} : memref<2x16x768xf32, #tpu.memory_space<vmem>>, vector<1x1x16xf32>,
          %parallel_loop3A_1225 = arith.constant 1 : i32
          %parallel_loop3A_1226 = arith.index_cast %parallel_loop3A_1225 : i32 to index
          %parallel_loop3A_1227 = arith.index_cast %parallel_loop3A_896 : i32 to index
          %parallel_loop3A_1228 = arith.index_cast %parallel_loop3A_1126 : i32 to index
          %parallel_loop3A_1229 = tpu.vector_load %arg13[%parallel_loop3A_1226, %parallel_loop3A_1227, %parallel_loop3A_1228] {strides = array<i32>} : memref<2x16x768xf32, #tpu.memory_space<vmem>>, vector<1x1x16xf32>,
          %parallel_loop3A_1230 = vector.shape_cast %parallel_loop3A_1229 : vector<1x1x16xf32> to vector<16xf32>
          %parallel_loop3A_1231 = vector.shape_cast %parallel_loop3A_1190 : vector<16xf32> to vector<1x1x16xf32>
          tpu.vector_store %arg13[%parallel_loop3A_1226, %parallel_loop3A_1227, %parallel_loop3A_1228], %parallel_loop3A_1231 {strides = array<i32>} : memref<2x16x768xf32, #tpu.memory_space<vmem>>, vector<1x1x16xf32>,
          %parallel_loop3A_1232 = arith.constant 1 : i32
          %parallel_loop3A_1233 = arith.index_cast %parallel_loop3A_1232 : i32 to index
          %parallel_loop3A_1234 = arith.index_cast %parallel_loop3A_896 : i32 to index
          %parallel_loop3A_1235 = arith.index_cast %parallel_loop3A_1130 : i32 to index
          %parallel_loop3A_1236 = tpu.vector_load %arg13[%parallel_loop3A_1233, %parallel_loop3A_1234, %parallel_loop3A_1235] {strides = array<i32>} : memref<2x16x768xf32, #tpu.memory_space<vmem>>, vector<1x1x16xf32>,
          %parallel_loop3A_1237 = vector.shape_cast %parallel_loop3A_1236 : vector<1x1x16xf32> to vector<16xf32>
          %parallel_loop3A_1238 = vector.shape_cast %parallel_loop3A_1210 : vector<16xf32> to vector<1x1x16xf32>
          tpu.vector_store %arg13[%parallel_loop3A_1233, %parallel_loop3A_1234, %parallel_loop3A_1235], %parallel_loop3A_1238 {strides = array<i32>} : memref<2x16x768xf32, #tpu.memory_space<vmem>>, vector<1x1x16xf32>,
          %parallel_loop3A_1239 = arith.addf %parallel_loop3A_1117, %parallel_loop3A_1150 : vector<16xf32>
          %parallel_loop3A_1240 = arith.mulf %parallel_loop3A_1150, %parallel_loop3A_1150 : vector<16xf32>
          %parallel_loop3A_1241 = arith.addf %parallel_loop3A_1118, %parallel_loop3A_1240 : vector<16xf32>
          %parallel_loop3A_1242 = arith.addf %parallel_loop3A_1119, %parallel_loop3A_1170 : vector<16xf32>
          %parallel_loop3A_1243 = arith.mulf %parallel_loop3A_1170, %parallel_loop3A_1170 : vector<16xf32>
          %parallel_loop3A_1244 = arith.addf %parallel_loop3A_1120, %parallel_loop3A_1243 : vector<16xf32>
          %parallel_loop3A_1245 = arith.addf %parallel_loop3A_1121, %parallel_loop3A_1190 : vector<16xf32>
          %parallel_loop3A_1246 = arith.mulf %parallel_loop3A_1190, %parallel_loop3A_1190 : vector<16xf32>
          %parallel_loop3A_1247 = arith.addf %parallel_loop3A_1122, %parallel_loop3A_1246 : vector<16xf32>
          %parallel_loop3A_1248 = arith.addf %parallel_loop3A_1123, %parallel_loop3A_1210 : vector<16xf32>
          %parallel_loop3A_1249 = arith.mulf %parallel_loop3A_1210, %parallel_loop3A_1210 : vector<16xf32>
          %parallel_loop3A_1250 = arith.addf %parallel_loop3A_1124, %parallel_loop3A_1249 : vector<16xf32>
          scf.yield %parallel_loop3A_1239, %parallel_loop3A_1241, %parallel_loop3A_1242, %parallel_loop3A_1244, %parallel_loop3A_1245, %parallel_loop3A_1247, %parallel_loop3A_1248, %parallel_loop3A_1250 : vector<16xf32>, vector<16xf32>, vector<16xf32>, vector<16xf32>, vector<16xf32>, vector<16xf32>, vector<16xf32>, vector<16xf32>
        } {sc.loop_unroll_factor = 2 : i64, sc.parallel_access}
        %parallel_loop3A_901 = arith.addf %parallel_loop3A_900#0, %parallel_loop3A_900#2 : vector<16xf32>
        %parallel_loop3A_902 = arith.addf %parallel_loop3A_900#1, %parallel_loop3A_900#3 : vector<16xf32>
        %parallel_loop3A_903 = arith.addf %parallel_loop3A_900#4, %parallel_loop3A_900#6 : vector<16xf32>
        %parallel_loop3A_904 = arith.addf %parallel_loop3A_900#5, %parallel_loop3A_900#7 : vector<16xf32>
        %parallel_loop3A_905 = tpu.iota {dimensions = array<i32: 0>} : vector<16xi32>
        %parallel_loop3A_906 = arith.constant 8 : i32
        %parallel_loop3A_907 = vector.broadcast %parallel_loop3A_906 : i32 to vector<16xi32>
        %parallel_loop3A_908 = arith.xori %parallel_loop3A_905, %parallel_loop3A_907 : vector<16xi32>
        %parallel_loop3A_909 = vector.shape_cast %parallel_loop3A_908 : vector<16xi32> to vector<16x1xi32>
        %parallel_loop3A_910 = vector.shape_cast %parallel_loop3A_909 : vector<16x1xi32> to vector<16xi32>
        %parallel_loop3A_911 = tpu.dynamic_gather %parallel_loop3A_901[%parallel_loop3A_910] in [0] : vector<16xf32>, vector<16xi32> -> vector<16xf32>
        %parallel_loop3A_912 = arith.addf %parallel_loop3A_901, %parallel_loop3A_911 : vector<16xf32>
        %parallel_loop3A_913 = arith.constant 4 : i32
        %parallel_loop3A_914 = vector.broadcast %parallel_loop3A_913 : i32 to vector<16xi32>
        %parallel_loop3A_915 = arith.xori %parallel_loop3A_905, %parallel_loop3A_914 : vector<16xi32>
        %parallel_loop3A_916 = vector.shape_cast %parallel_loop3A_915 : vector<16xi32> to vector<16x1xi32>
        %parallel_loop3A_917 = vector.shape_cast %parallel_loop3A_916 : vector<16x1xi32> to vector<16xi32>
        %parallel_loop3A_918 = tpu.dynamic_gather %parallel_loop3A_912[%parallel_loop3A_917] in [0] : vector<16xf32>, vector<16xi32> -> vector<16xf32>
        %parallel_loop3A_919 = arith.addf %parallel_loop3A_912, %parallel_loop3A_918 : vector<16xf32>
        %parallel_loop3A_920 = arith.constant 2 : i32
        %parallel_loop3A_921 = vector.broadcast %parallel_loop3A_920 : i32 to vector<16xi32>
        %parallel_loop3A_922 = arith.xori %parallel_loop3A_905, %parallel_loop3A_921 : vector<16xi32>
        %parallel_loop3A_923 = vector.shape_cast %parallel_loop3A_922 : vector<16xi32> to vector<16x1xi32>
        %parallel_loop3A_924 = vector.shape_cast %parallel_loop3A_923 : vector<16x1xi32> to vector<16xi32>
        %parallel_loop3A_925 = tpu.dynamic_gather %parallel_loop3A_919[%parallel_loop3A_924] in [0] : vector<16xf32>, vector<16xi32> -> vector<16xf32>
        %parallel_loop3A_926 = arith.addf %parallel_loop3A_919, %parallel_loop3A_925 : vector<16xf32>
        %parallel_loop3A_927 = arith.constant 1 : i32
        %parallel_loop3A_928 = vector.broadcast %parallel_loop3A_927 : i32 to vector<16xi32>
        %parallel_loop3A_929 = arith.xori %parallel_loop3A_905, %parallel_loop3A_928 : vector<16xi32>
        %parallel_loop3A_930 = vector.shape_cast %parallel_loop3A_929 : vector<16xi32> to vector<16x1xi32>
        %parallel_loop3A_931 = vector.shape_cast %parallel_loop3A_930 : vector<16x1xi32> to vector<16xi32>
        %parallel_loop3A_932 = tpu.dynamic_gather %parallel_loop3A_926[%parallel_loop3A_931] in [0] : vector<16xf32>, vector<16xi32> -> vector<16xf32>
        %parallel_loop3A_933 = arith.addf %parallel_loop3A_926, %parallel_loop3A_932 : vector<16xf32>
        %parallel_loop3A_934 = arith.constant 0.00130208337 : f32
        %parallel_loop3A_935 = vector.broadcast %parallel_loop3A_934 : f32 to vector<16xf32>
        %parallel_loop3A_936 = arith.mulf %parallel_loop3A_933, %parallel_loop3A_935 : vector<16xf32>
        %parallel_loop3A_937 = tpu.iota {dimensions = array<i32: 0>} : vector<16xi32>
        %parallel_loop3A_938 = arith.constant 8 : i32
        %parallel_loop3A_939 = vector.broadcast %parallel_loop3A_938 : i32 to vector<16xi32>
        %parallel_loop3A_940 = arith.xori %parallel_loop3A_937, %parallel_loop3A_939 : vector<16xi32>
        %parallel_loop3A_941 = vector.shape_cast %parallel_loop3A_940 : vector<16xi32> to vector<16x1xi32>
        %parallel_loop3A_942 = vector.shape_cast %parallel_loop3A_941 : vector<16x1xi32> to vector<16xi32>
        %parallel_loop3A_943 = tpu.dynamic_gather %parallel_loop3A_902[%parallel_loop3A_942] in [0] : vector<16xf32>, vector<16xi32> -> vector<16xf32>
        %parallel_loop3A_944 = arith.addf %parallel_loop3A_902, %parallel_loop3A_943 : vector<16xf32>
        %parallel_loop3A_945 = arith.constant 4 : i32
        %parallel_loop3A_946 = vector.broadcast %parallel_loop3A_945 : i32 to vector<16xi32>
        %parallel_loop3A_947 = arith.xori %parallel_loop3A_937, %parallel_loop3A_946 : vector<16xi32>
        %parallel_loop3A_948 = vector.shape_cast %parallel_loop3A_947 : vector<16xi32> to vector<16x1xi32>
        %parallel_loop3A_949 = vector.shape_cast %parallel_loop3A_948 : vector<16x1xi32> to vector<16xi32>
        %parallel_loop3A_950 = tpu.dynamic_gather %parallel_loop3A_944[%parallel_loop3A_949] in [0] : vector<16xf32>, vector<16xi32> -> vector<16xf32>
        %parallel_loop3A_951 = arith.addf %parallel_loop3A_944, %parallel_loop3A_950 : vector<16xf32>
        %parallel_loop3A_952 = arith.constant 2 : i32
        %parallel_loop3A_953 = vector.broadcast %parallel_loop3A_952 : i32 to vector<16xi32>
        %parallel_loop3A_954 = arith.xori %parallel_loop3A_937, %parallel_loop3A_953 : vector<16xi32>
        %parallel_loop3A_955 = vector.shape_cast %parallel_loop3A_954 : vector<16xi32> to vector<16x1xi32>
        %parallel_loop3A_956 = vector.shape_cast %parallel_loop3A_955 : vector<16x1xi32> to vector<16xi32>
        %parallel_loop3A_957 = tpu.dynamic_gather %parallel_loop3A_951[%parallel_loop3A_956] in [0] : vector<16xf32>, vector<16xi32> -> vector<16xf32>
        %parallel_loop3A_958 = arith.addf %parallel_loop3A_951, %parallel_loop3A_957 : vector<16xf32>
        %parallel_loop3A_959 = arith.constant 1 : i32
        %parallel_loop3A_960 = vector.broadcast %parallel_loop3A_959 : i32 to vector<16xi32>
        %parallel_loop3A_961 = arith.xori %parallel_loop3A_937, %parallel_loop3A_960 : vector<16xi32>
        %parallel_loop3A_962 = vector.shape_cast %parallel_loop3A_961 : vector<16xi32> to vector<16x1xi32>
        %parallel_loop3A_963 = vector.shape_cast %parallel_loop3A_962 : vector<16x1xi32> to vector<16xi32>
        %parallel_loop3A_964 = tpu.dynamic_gather %parallel_loop3A_958[%parallel_loop3A_963] in [0] : vector<16xf32>, vector<16xi32> -> vector<16xf32>
        %parallel_loop3A_965 = arith.addf %parallel_loop3A_958, %parallel_loop3A_964 : vector<16xf32>
        %parallel_loop3A_966 = arith.constant 0.00130208337 : f32
        %parallel_loop3A_967 = vector.broadcast %parallel_loop3A_966 : f32 to vector<16xf32>
        %parallel_loop3A_968 = arith.mulf %parallel_loop3A_965, %parallel_loop3A_967 : vector<16xf32>
        %parallel_loop3A_969 = arith.mulf %parallel_loop3A_936, %parallel_loop3A_936 : vector<16xf32>
        %parallel_loop3A_970 = arith.subf %parallel_loop3A_968, %parallel_loop3A_969 : vector<16xf32>
        %parallel_loop3A_971 = arith.constant 9.99999996E-13 : f32
        %parallel_loop3A_972 = vector.broadcast %parallel_loop3A_971 : f32 to vector<16xf32>
        %parallel_loop3A_973 = arith.addf %parallel_loop3A_970, %parallel_loop3A_972 : vector<16xf32>
        %parallel_loop3A_974 = tpu.bitcast %parallel_loop3A_973 : vector<16xf32> -> vector<16xi32>
        %parallel_loop3A_975 = arith.constant 1597463007 : i32
        %parallel_loop3A_976 = vector.broadcast %parallel_loop3A_975 : i32 to vector<16xi32>
        %parallel_loop3A_977 = arith.constant 1 : i32
        %parallel_loop3A_978 = vector.broadcast %parallel_loop3A_977 : i32 to vector<16xi32>
        %parallel_loop3A_979 = arith.shrui %parallel_loop3A_974, %parallel_loop3A_978 : vector<16xi32>
        %parallel_loop3A_980 = arith.subi %parallel_loop3A_976, %parallel_loop3A_979 : vector<16xi32>
        %parallel_loop3A_981 = tpu.bitcast %parallel_loop3A_980 : vector<16xi32> -> vector<16xf32>
        %parallel_loop3A_982 = arith.constant 5.000000e-01 : f32
        %parallel_loop3A_983 = vector.broadcast %parallel_loop3A_982 : f32 to vector<16xf32>
        %parallel_loop3A_984 = arith.mulf %parallel_loop3A_983, %parallel_loop3A_973 : vector<16xf32>
        %parallel_loop3A_985 = arith.mulf %parallel_loop3A_984, %parallel_loop3A_981 : vector<16xf32>
        %parallel_loop3A_986 = arith.mulf %parallel_loop3A_985, %parallel_loop3A_981 : vector<16xf32>
        %parallel_loop3A_987 = arith.constant 1.500000e+00 : f32
        %parallel_loop3A_988 = vector.broadcast %parallel_loop3A_987 : f32 to vector<16xf32>
        %parallel_loop3A_989 = arith.subf %parallel_loop3A_988, %parallel_loop3A_986 : vector<16xf32>
        %parallel_loop3A_990 = arith.mulf %parallel_loop3A_981, %parallel_loop3A_989 : vector<16xf32>
        %parallel_loop3A_991 = arith.constant 5.000000e-01 : f32
        %parallel_loop3A_992 = vector.broadcast %parallel_loop3A_991 : f32 to vector<16xf32>
        %parallel_loop3A_993 = arith.mulf %parallel_loop3A_992, %parallel_loop3A_973 : vector<16xf32>
        %parallel_loop3A_994 = arith.mulf %parallel_loop3A_993, %parallel_loop3A_990 : vector<16xf32>
        %parallel_loop3A_995 = arith.mulf %parallel_loop3A_994, %parallel_loop3A_990 : vector<16xf32>
        %parallel_loop3A_996 = arith.constant 1.500000e+00 : f32
        %parallel_loop3A_997 = vector.broadcast %parallel_loop3A_996 : f32 to vector<16xf32>
        %parallel_loop3A_998 = arith.subf %parallel_loop3A_997, %parallel_loop3A_995 : vector<16xf32>
        %parallel_loop3A_999 = arith.mulf %parallel_loop3A_990, %parallel_loop3A_998 : vector<16xf32>
        %parallel_loop3A_1000 = arith.constant 5.000000e-01 : f32
        %parallel_loop3A_1001 = vector.broadcast %parallel_loop3A_1000 : f32 to vector<16xf32>
        %parallel_loop3A_1002 = arith.mulf %parallel_loop3A_1001, %parallel_loop3A_973 : vector<16xf32>
        %parallel_loop3A_1003 = arith.mulf %parallel_loop3A_1002, %parallel_loop3A_999 : vector<16xf32>
        %parallel_loop3A_1004 = arith.mulf %parallel_loop3A_1003, %parallel_loop3A_999 : vector<16xf32>
        %parallel_loop3A_1005 = arith.constant 1.500000e+00 : f32
        %parallel_loop3A_1006 = vector.broadcast %parallel_loop3A_1005 : f32 to vector<16xf32>
        %parallel_loop3A_1007 = arith.subf %parallel_loop3A_1006, %parallel_loop3A_1004 : vector<16xf32>
        %parallel_loop3A_1008 = arith.mulf %parallel_loop3A_999, %parallel_loop3A_1007 : vector<16xf32>
        %parallel_loop3A_1009 = tpu.iota {dimensions = array<i32: 0>} : vector<16xi32>
        %parallel_loop3A_1010 = arith.constant 8 : i32
        %parallel_loop3A_1011 = vector.broadcast %parallel_loop3A_1010 : i32 to vector<16xi32>
        %parallel_loop3A_1012 = arith.xori %parallel_loop3A_1009, %parallel_loop3A_1011 : vector<16xi32>
        %parallel_loop3A_1013 = vector.shape_cast %parallel_loop3A_1012 : vector<16xi32> to vector<16x1xi32>
        %parallel_loop3A_1014 = vector.shape_cast %parallel_loop3A_1013 : vector<16x1xi32> to vector<16xi32>
        %parallel_loop3A_1015 = tpu.dynamic_gather %parallel_loop3A_903[%parallel_loop3A_1014] in [0] : vector<16xf32>, vector<16xi32> -> vector<16xf32>
        %parallel_loop3A_1016 = arith.addf %parallel_loop3A_903, %parallel_loop3A_1015 : vector<16xf32>
        %parallel_loop3A_1017 = arith.constant 4 : i32
        %parallel_loop3A_1018 = vector.broadcast %parallel_loop3A_1017 : i32 to vector<16xi32>
        %parallel_loop3A_1019 = arith.xori %parallel_loop3A_1009, %parallel_loop3A_1018 : vector<16xi32>
        %parallel_loop3A_1020 = vector.shape_cast %parallel_loop3A_1019 : vector<16xi32> to vector<16x1xi32>
        %parallel_loop3A_1021 = vector.shape_cast %parallel_loop3A_1020 : vector<16x1xi32> to vector<16xi32>
        %parallel_loop3A_1022 = tpu.dynamic_gather %parallel_loop3A_1016[%parallel_loop3A_1021] in [0] : vector<16xf32>, vector<16xi32> -> vector<16xf32>
        %parallel_loop3A_1023 = arith.addf %parallel_loop3A_1016, %parallel_loop3A_1022 : vector<16xf32>
        %parallel_loop3A_1024 = arith.constant 2 : i32
        %parallel_loop3A_1025 = vector.broadcast %parallel_loop3A_1024 : i32 to vector<16xi32>
        %parallel_loop3A_1026 = arith.xori %parallel_loop3A_1009, %parallel_loop3A_1025 : vector<16xi32>
        %parallel_loop3A_1027 = vector.shape_cast %parallel_loop3A_1026 : vector<16xi32> to vector<16x1xi32>
        %parallel_loop3A_1028 = vector.shape_cast %parallel_loop3A_1027 : vector<16x1xi32> to vector<16xi32>
        %parallel_loop3A_1029 = tpu.dynamic_gather %parallel_loop3A_1023[%parallel_loop3A_1028] in [0] : vector<16xf32>, vector<16xi32> -> vector<16xf32>
        %parallel_loop3A_1030 = arith.addf %parallel_loop3A_1023, %parallel_loop3A_1029 : vector<16xf32>
        %parallel_loop3A_1031 = arith.constant 1 : i32
        %parallel_loop3A_1032 = vector.broadcast %parallel_loop3A_1031 : i32 to vector<16xi32>
        %parallel_loop3A_1033 = arith.xori %parallel_loop3A_1009, %parallel_loop3A_1032 : vector<16xi32>
        %parallel_loop3A_1034 = vector.shape_cast %parallel_loop3A_1033 : vector<16xi32> to vector<16x1xi32>
        %parallel_loop3A_1035 = vector.shape_cast %parallel_loop3A_1034 : vector<16x1xi32> to vector<16xi32>
        %parallel_loop3A_1036 = tpu.dynamic_gather %parallel_loop3A_1030[%parallel_loop3A_1035] in [0] : vector<16xf32>, vector<16xi32> -> vector<16xf32>
        %parallel_loop3A_1037 = arith.addf %parallel_loop3A_1030, %parallel_loop3A_1036 : vector<16xf32>
        %parallel_loop3A_1038 = arith.constant 0.00130208337 : f32
        %parallel_loop3A_1039 = vector.broadcast %parallel_loop3A_1038 : f32 to vector<16xf32>
        %parallel_loop3A_1040 = arith.mulf %parallel_loop3A_1037, %parallel_loop3A_1039 : vector<16xf32>
        %parallel_loop3A_1041 = tpu.iota {dimensions = array<i32: 0>} : vector<16xi32>
        %parallel_loop3A_1042 = arith.constant 8 : i32
        %parallel_loop3A_1043 = vector.broadcast %parallel_loop3A_1042 : i32 to vector<16xi32>
        %parallel_loop3A_1044 = arith.xori %parallel_loop3A_1041, %parallel_loop3A_1043 : vector<16xi32>
        %parallel_loop3A_1045 = vector.shape_cast %parallel_loop3A_1044 : vector<16xi32> to vector<16x1xi32>
        %parallel_loop3A_1046 = vector.shape_cast %parallel_loop3A_1045 : vector<16x1xi32> to vector<16xi32>
        %parallel_loop3A_1047 = tpu.dynamic_gather %parallel_loop3A_904[%parallel_loop3A_1046] in [0] : vector<16xf32>, vector<16xi32> -> vector<16xf32>
        %parallel_loop3A_1048 = arith.addf %parallel_loop3A_904, %parallel_loop3A_1047 : vector<16xf32>
        %parallel_loop3A_1049 = arith.constant 4 : i32
        %parallel_loop3A_1050 = vector.broadcast %parallel_loop3A_1049 : i32 to vector<16xi32>
        %parallel_loop3A_1051 = arith.xori %parallel_loop3A_1041, %parallel_loop3A_1050 : vector<16xi32>
        %parallel_loop3A_1052 = vector.shape_cast %parallel_loop3A_1051 : vector<16xi32> to vector<16x1xi32>
        %parallel_loop3A_1053 = vector.shape_cast %parallel_loop3A_1052 : vector<16x1xi32> to vector<16xi32>
        %parallel_loop3A_1054 = tpu.dynamic_gather %parallel_loop3A_1048[%parallel_loop3A_1053] in [0] : vector<16xf32>, vector<16xi32> -> vector<16xf32>
        %parallel_loop3A_1055 = arith.addf %parallel_loop3A_1048, %parallel_loop3A_1054 : vector<16xf32>
        %parallel_loop3A_1056 = arith.constant 2 : i32
        %parallel_loop3A_1057 = vector.broadcast %parallel_loop3A_1056 : i32 to vector<16xi32>
        %parallel_loop3A_1058 = arith.xori %parallel_loop3A_1041, %parallel_loop3A_1057 : vector<16xi32>
        %parallel_loop3A_1059 = vector.shape_cast %parallel_loop3A_1058 : vector<16xi32> to vector<16x1xi32>
        %parallel_loop3A_1060 = vector.shape_cast %parallel_loop3A_1059 : vector<16x1xi32> to vector<16xi32>
        %parallel_loop3A_1061 = tpu.dynamic_gather %parallel_loop3A_1055[%parallel_loop3A_1060] in [0] : vector<16xf32>, vector<16xi32> -> vector<16xf32>
        %parallel_loop3A_1062 = arith.addf %parallel_loop3A_1055, %parallel_loop3A_1061 : vector<16xf32>
        %parallel_loop3A_1063 = arith.constant 1 : i32
        %parallel_loop3A_1064 = vector.broadcast %parallel_loop3A_1063 : i32 to vector<16xi32>
        %parallel_loop3A_1065 = arith.xori %parallel_loop3A_1041, %parallel_loop3A_1064 : vector<16xi32>
        %parallel_loop3A_1066 = vector.shape_cast %parallel_loop3A_1065 : vector<16xi32> to vector<16x1xi32>
        %parallel_loop3A_1067 = vector.shape_cast %parallel_loop3A_1066 : vector<16x1xi32> to vector<16xi32>
        %parallel_loop3A_1068 = tpu.dynamic_gather %parallel_loop3A_1062[%parallel_loop3A_1067] in [0] : vector<16xf32>, vector<16xi32> -> vector<16xf32>
        %parallel_loop3A_1069 = arith.addf %parallel_loop3A_1062, %parallel_loop3A_1068 : vector<16xf32>
        %parallel_loop3A_1070 = arith.constant 0.00130208337 : f32
        %parallel_loop3A_1071 = vector.broadcast %parallel_loop3A_1070 : f32 to vector<16xf32>
        %parallel_loop3A_1072 = arith.mulf %parallel_loop3A_1069, %parallel_loop3A_1071 : vector<16xf32>
        %parallel_loop3A_1073 = arith.mulf %parallel_loop3A_1040, %parallel_loop3A_1040 : vector<16xf32>
        %parallel_loop3A_1074 = arith.subf %parallel_loop3A_1072, %parallel_loop3A_1073 : vector<16xf32>
        %parallel_loop3A_1075 = arith.constant 9.99999996E-13 : f32
        %parallel_loop3A_1076 = vector.broadcast %parallel_loop3A_1075 : f32 to vector<16xf32>
        %parallel_loop3A_1077 = arith.addf %parallel_loop3A_1074, %parallel_loop3A_1076 : vector<16xf32>
        %parallel_loop3A_1078 = tpu.bitcast %parallel_loop3A_1077 : vector<16xf32> -> vector<16xi32>
        %parallel_loop3A_1079 = arith.constant 1597463007 : i32
        %parallel_loop3A_1080 = vector.broadcast %parallel_loop3A_1079 : i32 to vector<16xi32>
        %parallel_loop3A_1081 = arith.constant 1 : i32
        %parallel_loop3A_1082 = vector.broadcast %parallel_loop3A_1081 : i32 to vector<16xi32>
        %parallel_loop3A_1083 = arith.shrui %parallel_loop3A_1078, %parallel_loop3A_1082 : vector<16xi32>
        %parallel_loop3A_1084 = arith.subi %parallel_loop3A_1080, %parallel_loop3A_1083 : vector<16xi32>
        %parallel_loop3A_1085 = tpu.bitcast %parallel_loop3A_1084 : vector<16xi32> -> vector<16xf32>
        %parallel_loop3A_1086 = arith.constant 5.000000e-01 : f32
        %parallel_loop3A_1087 = vector.broadcast %parallel_loop3A_1086 : f32 to vector<16xf32>
        %parallel_loop3A_1088 = arith.mulf %parallel_loop3A_1087, %parallel_loop3A_1077 : vector<16xf32>
        %parallel_loop3A_1089 = arith.mulf %parallel_loop3A_1088, %parallel_loop3A_1085 : vector<16xf32>
        %parallel_loop3A_1090 = arith.mulf %parallel_loop3A_1089, %parallel_loop3A_1085 : vector<16xf32>
        %parallel_loop3A_1091 = arith.constant 1.500000e+00 : f32
        %parallel_loop3A_1092 = vector.broadcast %parallel_loop3A_1091 : f32 to vector<16xf32>
        %parallel_loop3A_1093 = arith.subf %parallel_loop3A_1092, %parallel_loop3A_1090 : vector<16xf32>
        %parallel_loop3A_1094 = arith.mulf %parallel_loop3A_1085, %parallel_loop3A_1093 : vector<16xf32>
        %parallel_loop3A_1095 = arith.constant 5.000000e-01 : f32
        %parallel_loop3A_1096 = vector.broadcast %parallel_loop3A_1095 : f32 to vector<16xf32>
        %parallel_loop3A_1097 = arith.mulf %parallel_loop3A_1096, %parallel_loop3A_1077 : vector<16xf32>
        %parallel_loop3A_1098 = arith.mulf %parallel_loop3A_1097, %parallel_loop3A_1094 : vector<16xf32>
        %parallel_loop3A_1099 = arith.mulf %parallel_loop3A_1098, %parallel_loop3A_1094 : vector<16xf32>
        %parallel_loop3A_1100 = arith.constant 1.500000e+00 : f32
        %parallel_loop3A_1101 = vector.broadcast %parallel_loop3A_1100 : f32 to vector<16xf32>
        %parallel_loop3A_1102 = arith.subf %parallel_loop3A_1101, %parallel_loop3A_1099 : vector<16xf32>
        %parallel_loop3A_1103 = arith.mulf %parallel_loop3A_1094, %parallel_loop3A_1102 : vector<16xf32>
        %parallel_loop3A_1104 = arith.constant 5.000000e-01 : f32
        %parallel_loop3A_1105 = vector.broadcast %parallel_loop3A_1104 : f32 to vector<16xf32>
        %parallel_loop3A_1106 = arith.mulf %parallel_loop3A_1105, %parallel_loop3A_1077 : vector<16xf32>
        %parallel_loop3A_1107 = arith.mulf %parallel_loop3A_1106, %parallel_loop3A_1103 : vector<16xf32>
        %parallel_loop3A_1108 = arith.mulf %parallel_loop3A_1107, %parallel_loop3A_1103 : vector<16xf32>
        %parallel_loop3A_1109 = arith.constant 1.500000e+00 : f32
        %parallel_loop3A_1110 = vector.broadcast %parallel_loop3A_1109 : f32 to vector<16xf32>
        %parallel_loop3A_1111 = arith.subf %parallel_loop3A_1110, %parallel_loop3A_1108 : vector<16xf32>
        %parallel_loop3A_1112 = arith.mulf %parallel_loop3A_1103, %parallel_loop3A_1111 : vector<16xf32>
        %parallel_loop3A_1113 = arith.constant 0 : i32
        %parallel_loop3A_1114 = arith.constant 48 : i32
        %parallel_loop3A_1115 = arith.constant 1 : i32
        scf.for %parallel_loop3A_1116 = %parallel_loop3A_1113 to %parallel_loop3A_1114 step %parallel_loop3A_1115  : i32 {
          %parallel_loop3A_1117 = arith.constant 16 : i32
          %parallel_loop3A_1118 = arith.muli %parallel_loop3A_1116, %parallel_loop3A_1117 : i32
          %parallel_loop3A_1119 = arith.index_cast %parallel_loop3A_1118 : i32 to index
          %parallel_loop3A_1120 = tpu.vector_load %arg14[%parallel_loop3A_1119] {strides = array<i32>} : memref<768xf32, #tpu.memory_space<vmem>>, vector<16xf32>,
          %parallel_loop3A_1121 = vector.shape_cast %parallel_loop3A_1120 : vector<16xf32> to vector<16xf32>
          %parallel_loop3A_1122 = arith.index_cast %parallel_loop3A_1118 : i32 to index
          %parallel_loop3A_1123 = tpu.vector_load %arg15[%parallel_loop3A_1122] {strides = array<i32>} : memref<768xf32, #tpu.memory_space<vmem>>, vector<16xf32>,
          %parallel_loop3A_1124 = vector.shape_cast %parallel_loop3A_1123 : vector<16xf32> to vector<16xf32>
          %parallel_loop3A_1125 = arith.constant 0 : i32
          %parallel_loop3A_1126 = arith.addi %parallel_loop3A_224, %parallel_loop3A_1125 : i32
          %parallel_loop3A_1127 = arith.constant 1 : i32
          %parallel_loop3A_1128 = arith.index_cast %parallel_loop3A_1127 : i32 to index
          %parallel_loop3A_1129 = arith.index_cast %parallel_loop3A_1126 : i32 to index
          %parallel_loop3A_1130 = arith.index_cast %parallel_loop3A_1118 : i32 to index
          %parallel_loop3A_1131 = tpu.vector_load %arg13[%parallel_loop3A_1128, %parallel_loop3A_1129, %parallel_loop3A_1130] {strides = array<i32>} : memref<2x16x768xf32, #tpu.memory_space<vmem>>, vector<1x1x16xf32>,
          %parallel_loop3A_1132 = vector.shape_cast %parallel_loop3A_1131 : vector<1x1x16xf32> to vector<16xf32>
          %parallel_loop3A_1133 = arith.subf %parallel_loop3A_1132, %parallel_loop3A_270 : vector<16xf32>
          %parallel_loop3A_1134 = arith.mulf %parallel_loop3A_1121, %parallel_loop3A_342 : vector<16xf32>
          %parallel_loop3A_1135 = arith.mulf %parallel_loop3A_1133, %parallel_loop3A_1134 : vector<16xf32>
          %parallel_loop3A_1136 = arith.addf %parallel_loop3A_1135, %parallel_loop3A_1124 : vector<16xf32>
          %parallel_loop3A_1137 = arith.constant 0 : i32
          %parallel_loop3A_1138 = arith.addi %parallel_loop3A_224, %parallel_loop3A_1137 : i32
          %parallel_loop3A_1139 = arith.constant 1 : i32
          %parallel_loop3A_1140 = arith.index_cast %parallel_loop3A_1139 : i32 to index
          %parallel_loop3A_1141 = arith.index_cast %parallel_loop3A_1138 : i32 to index
          %parallel_loop3A_1142 = arith.index_cast %parallel_loop3A_1118 : i32 to index
          %parallel_loop3A_1143 = tpu.vector_load %arg13[%parallel_loop3A_1140, %parallel_loop3A_1141, %parallel_loop3A_1142] {strides = array<i32>} : memref<2x16x768xf32, #tpu.memory_space<vmem>>, vector<1x1x16xf32>,
          %parallel_loop3A_1144 = vector.shape_cast %parallel_loop3A_1143 : vector<1x1x16xf32> to vector<16xf32>
          %parallel_loop3A_1145 = vector.shape_cast %parallel_loop3A_1136 : vector<16xf32> to vector<1x1x16xf32>
          tpu.vector_store %arg13[%parallel_loop3A_1140, %parallel_loop3A_1141, %parallel_loop3A_1142], %parallel_loop3A_1145 {strides = array<i32>} : memref<2x16x768xf32, #tpu.memory_space<vmem>>, vector<1x1x16xf32>,
          %parallel_loop3A_1146 = arith.constant 1 : i32
          %parallel_loop3A_1147 = arith.addi %parallel_loop3A_224, %parallel_loop3A_1146 : i32
          %parallel_loop3A_1148 = arith.constant 1 : i32
          %parallel_loop3A_1149 = arith.index_cast %parallel_loop3A_1148 : i32 to index
          %parallel_loop3A_1150 = arith.index_cast %parallel_loop3A_1147 : i32 to index
          %parallel_loop3A_1151 = arith.index_cast %parallel_loop3A_1118 : i32 to index
          %parallel_loop3A_1152 = tpu.vector_load %arg13[%parallel_loop3A_1149, %parallel_loop3A_1150, %parallel_loop3A_1151] {strides = array<i32>} : memref<2x16x768xf32, #tpu.memory_space<vmem>>, vector<1x1x16xf32>,
          %parallel_loop3A_1153 = vector.shape_cast %parallel_loop3A_1152 : vector<1x1x16xf32> to vector<16xf32>
          %parallel_loop3A_1154 = arith.subf %parallel_loop3A_1153, %parallel_loop3A_374 : vector<16xf32>
          %parallel_loop3A_1155 = arith.mulf %parallel_loop3A_1121, %parallel_loop3A_446 : vector<16xf32>
          %parallel_loop3A_1156 = arith.mulf %parallel_loop3A_1154, %parallel_loop3A_1155 : vector<16xf32>
          %parallel_loop3A_1157 = arith.addf %parallel_loop3A_1156, %parallel_loop3A_1124 : vector<16xf32>
          %parallel_loop3A_1158 = arith.constant 1 : i32
          %parallel_loop3A_1159 = arith.addi %parallel_loop3A_224, %parallel_loop3A_1158 : i32
          %parallel_loop3A_1160 = arith.constant 1 : i32
          %parallel_loop3A_1161 = arith.index_cast %parallel_loop3A_1160 : i32 to index
          %parallel_loop3A_1162 = arith.index_cast %parallel_loop3A_1159 : i32 to index
          %parallel_loop3A_1163 = arith.index_cast %parallel_loop3A_1118 : i32 to index
          %parallel_loop3A_1164 = tpu.vector_load %arg13[%parallel_loop3A_1161, %parallel_loop3A_1162, %parallel_loop3A_1163] {strides = array<i32>} : memref<2x16x768xf32, #tpu.memory_space<vmem>>, vector<1x1x16xf32>,
          %parallel_loop3A_1165 = vector.shape_cast %parallel_loop3A_1164 : vector<1x1x16xf32> to vector<16xf32>
          %parallel_loop3A_1166 = vector.shape_cast %parallel_loop3A_1157 : vector<16xf32> to vector<1x1x16xf32>
          tpu.vector_store %arg13[%parallel_loop3A_1161, %parallel_loop3A_1162, %parallel_loop3A_1163], %parallel_loop3A_1166 {strides = array<i32>} : memref<2x16x768xf32, #tpu.memory_space<vmem>>, vector<1x1x16xf32>,
          %parallel_loop3A_1167 = arith.constant 2 : i32
          %parallel_loop3A_1168 = arith.addi %parallel_loop3A_224, %parallel_loop3A_1167 : i32
          %parallel_loop3A_1169 = arith.constant 1 : i32
          %parallel_loop3A_1170 = arith.index_cast %parallel_loop3A_1169 : i32 to index
          %parallel_loop3A_1171 = arith.index_cast %parallel_loop3A_1168 : i32 to index
          %parallel_loop3A_1172 = arith.index_cast %parallel_loop3A_1118 : i32 to index
          %parallel_loop3A_1173 = tpu.vector_load %arg13[%parallel_loop3A_1170, %parallel_loop3A_1171, %parallel_loop3A_1172] {strides = array<i32>} : memref<2x16x768xf32, #tpu.memory_space<vmem>>, vector<1x1x16xf32>,
          %parallel_loop3A_1174 = vector.shape_cast %parallel_loop3A_1173 : vector<1x1x16xf32> to vector<16xf32>
          %parallel_loop3A_1175 = arith.subf %parallel_loop3A_1174, %parallel_loop3A_492 : vector<16xf32>
          %parallel_loop3A_1176 = arith.mulf %parallel_loop3A_1121, %parallel_loop3A_564 : vector<16xf32>
          %parallel_loop3A_1177 = arith.mulf %parallel_loop3A_1175, %parallel_loop3A_1176 : vector<16xf32>
          %parallel_loop3A_1178 = arith.addf %parallel_loop3A_1177, %parallel_loop3A_1124 : vector<16xf32>
          %parallel_loop3A_1179 = arith.constant 2 : i32
          %parallel_loop3A_1180 = arith.addi %parallel_loop3A_224, %parallel_loop3A_1179 : i32
          %parallel_loop3A_1181 = arith.constant 1 : i32
          %parallel_loop3A_1182 = arith.index_cast %parallel_loop3A_1181 : i32 to index
          %parallel_loop3A_1183 = arith.index_cast %parallel_loop3A_1180 : i32 to index
          %parallel_loop3A_1184 = arith.index_cast %parallel_loop3A_1118 : i32 to index
          %parallel_loop3A_1185 = tpu.vector_load %arg13[%parallel_loop3A_1182, %parallel_loop3A_1183, %parallel_loop3A_1184] {strides = array<i32>} : memref<2x16x768xf32, #tpu.memory_space<vmem>>, vector<1x1x16xf32>,
          %parallel_loop3A_1186 = vector.shape_cast %parallel_loop3A_1185 : vector<1x1x16xf32> to vector<16xf32>
          %parallel_loop3A_1187 = vector.shape_cast %parallel_loop3A_1178 : vector<16xf32> to vector<1x1x16xf32>
          tpu.vector_store %arg13[%parallel_loop3A_1182, %parallel_loop3A_1183, %parallel_loop3A_1184], %parallel_loop3A_1187 {strides = array<i32>} : memref<2x16x768xf32, #tpu.memory_space<vmem>>, vector<1x1x16xf32>,
          %parallel_loop3A_1188 = arith.constant 3 : i32
          %parallel_loop3A_1189 = arith.addi %parallel_loop3A_224, %parallel_loop3A_1188 : i32
          %parallel_loop3A_1190 = arith.constant 1 : i32
          %parallel_loop3A_1191 = arith.index_cast %parallel_loop3A_1190 : i32 to index
          %parallel_loop3A_1192 = arith.index_cast %parallel_loop3A_1189 : i32 to index
          %parallel_loop3A_1193 = arith.index_cast %parallel_loop3A_1118 : i32 to index
          %parallel_loop3A_1194 = tpu.vector_load %arg13[%parallel_loop3A_1191, %parallel_loop3A_1192, %parallel_loop3A_1193] {strides = array<i32>} : memref<2x16x768xf32, #tpu.memory_space<vmem>>, vector<1x1x16xf32>,
          %parallel_loop3A_1195 = vector.shape_cast %parallel_loop3A_1194 : vector<1x1x16xf32> to vector<16xf32>
          %parallel_loop3A_1196 = arith.subf %parallel_loop3A_1195, %parallel_loop3A_596 : vector<16xf32>
          %parallel_loop3A_1197 = arith.mulf %parallel_loop3A_1121, %parallel_loop3A_668 : vector<16xf32>
          %parallel_loop3A_1198 = arith.mulf %parallel_loop3A_1196, %parallel_loop3A_1197 : vector<16xf32>
          %parallel_loop3A_1199 = arith.addf %parallel_loop3A_1198, %parallel_loop3A_1124 : vector<16xf32>
          %parallel_loop3A_1200 = arith.constant 3 : i32
          %parallel_loop3A_1201 = arith.addi %parallel_loop3A_224, %parallel_loop3A_1200 : i32
          %parallel_loop3A_1202 = arith.constant 1 : i32
          %parallel_loop3A_1203 = arith.index_cast %parallel_loop3A_1202 : i32 to index
          %parallel_loop3A_1204 = arith.index_cast %parallel_loop3A_1201 : i32 to index
          %parallel_loop3A_1205 = arith.index_cast %parallel_loop3A_1118 : i32 to index
          %parallel_loop3A_1206 = tpu.vector_load %arg13[%parallel_loop3A_1203, %parallel_loop3A_1204, %parallel_loop3A_1205] {strides = array<i32>} : memref<2x16x768xf32, #tpu.memory_space<vmem>>, vector<1x1x16xf32>,
          %parallel_loop3A_1207 = vector.shape_cast %parallel_loop3A_1206 : vector<1x1x16xf32> to vector<16xf32>
          %parallel_loop3A_1208 = vector.shape_cast %parallel_loop3A_1199 : vector<16xf32> to vector<1x1x16xf32>
          tpu.vector_store %arg13[%parallel_loop3A_1203, %parallel_loop3A_1204, %parallel_loop3A_1205], %parallel_loop3A_1208 {strides = array<i32>} : memref<2x16x768xf32, #tpu.memory_space<vmem>>, vector<1x1x16xf32>,
          %parallel_loop3A_1209 = arith.constant 4 : i32
          %parallel_loop3A_1210 = arith.addi %parallel_loop3A_224, %parallel_loop3A_1209 : i32
          %parallel_loop3A_1211 = arith.constant 1 : i32
          %parallel_loop3A_1212 = arith.index_cast %parallel_loop3A_1211 : i32 to index
          %parallel_loop3A_1213 = arith.index_cast %parallel_loop3A_1210 : i32 to index
          %parallel_loop3A_1214 = arith.index_cast %parallel_loop3A_1118 : i32 to index
          %parallel_loop3A_1215 = tpu.vector_load %arg13[%parallel_loop3A_1212, %parallel_loop3A_1213, %parallel_loop3A_1214] {strides = array<i32>} : memref<2x16x768xf32, #tpu.memory_space<vmem>>, vector<1x1x16xf32>,
          %parallel_loop3A_1216 = vector.shape_cast %parallel_loop3A_1215 : vector<1x1x16xf32> to vector<16xf32>
          %parallel_loop3A_1217 = arith.subf %parallel_loop3A_1216, %parallel_loop3A_714 : vector<16xf32>
          %parallel_loop3A_1218 = arith.mulf %parallel_loop3A_1121, %parallel_loop3A_786 : vector<16xf32>
          %parallel_loop3A_1219 = arith.mulf %parallel_loop3A_1217, %parallel_loop3A_1218 : vector<16xf32>
          %parallel_loop3A_1220 = arith.addf %parallel_loop3A_1219, %parallel_loop3A_1124 : vector<16xf32>
          %parallel_loop3A_1221 = arith.constant 4 : i32
          %parallel_loop3A_1222 = arith.addi %parallel_loop3A_224, %parallel_loop3A_1221 : i32
          %parallel_loop3A_1223 = arith.constant 1 : i32
          %parallel_loop3A_1224 = arith.index_cast %parallel_loop3A_1223 : i32 to index
          %parallel_loop3A_1225 = arith.index_cast %parallel_loop3A_1222 : i32 to index
          %parallel_loop3A_1226 = arith.index_cast %parallel_loop3A_1118 : i32 to index
          %parallel_loop3A_1227 = tpu.vector_load %arg13[%parallel_loop3A_1224, %parallel_loop3A_1225, %parallel_loop3A_1226] {strides = array<i32>} : memref<2x16x768xf32, #tpu.memory_space<vmem>>, vector<1x1x16xf32>,
          %parallel_loop3A_1228 = vector.shape_cast %parallel_loop3A_1227 : vector<1x1x16xf32> to vector<16xf32>
          %parallel_loop3A_1229 = vector.shape_cast %parallel_loop3A_1220 : vector<16xf32> to vector<1x1x16xf32>
          tpu.vector_store %arg13[%parallel_loop3A_1224, %parallel_loop3A_1225, %parallel_loop3A_1226], %parallel_loop3A_1229 {strides = array<i32>} : memref<2x16x768xf32, #tpu.memory_space<vmem>>, vector<1x1x16xf32>,
          %parallel_loop3A_1230 = arith.constant 5 : i32
          %parallel_loop3A_1231 = arith.addi %parallel_loop3A_224, %parallel_loop3A_1230 : i32
          %parallel_loop3A_1232 = arith.constant 1 : i32
          %parallel_loop3A_1233 = arith.index_cast %parallel_loop3A_1232 : i32 to index
          %parallel_loop3A_1234 = arith.index_cast %parallel_loop3A_1231 : i32 to index
          %parallel_loop3A_1235 = arith.index_cast %parallel_loop3A_1118 : i32 to index
          %parallel_loop3A_1236 = tpu.vector_load %arg13[%parallel_loop3A_1233, %parallel_loop3A_1234, %parallel_loop3A_1235] {strides = array<i32>} : memref<2x16x768xf32, #tpu.memory_space<vmem>>, vector<1x1x16xf32>,
          %parallel_loop3A_1237 = vector.shape_cast %parallel_loop3A_1236 : vector<1x1x16xf32> to vector<16xf32>
          %parallel_loop3A_1238 = arith.subf %parallel_loop3A_1237, %parallel_loop3A_818 : vector<16xf32>
          %parallel_loop3A_1239 = arith.mulf %parallel_loop3A_1121, %parallel_loop3A_890 : vector<16xf32>
          %parallel_loop3A_1240 = arith.mulf %parallel_loop3A_1238, %parallel_loop3A_1239 : vector<16xf32>
          %parallel_loop3A_1241 = arith.addf %parallel_loop3A_1240, %parallel_loop3A_1124 : vector<16xf32>
          %parallel_loop3A_1242 = arith.constant 5 : i32
          %parallel_loop3A_1243 = arith.addi %parallel_loop3A_224, %parallel_loop3A_1242 : i32
          %parallel_loop3A_1244 = arith.constant 1 : i32
          %parallel_loop3A_1245 = arith.index_cast %parallel_loop3A_1244 : i32 to index
          %parallel_loop3A_1246 = arith.index_cast %parallel_loop3A_1243 : i32 to index
          %parallel_loop3A_1247 = arith.index_cast %parallel_loop3A_1118 : i32 to index
          %parallel_loop3A_1248 = tpu.vector_load %arg13[%parallel_loop3A_1245, %parallel_loop3A_1246, %parallel_loop3A_1247] {strides = array<i32>} : memref<2x16x768xf32, #tpu.memory_space<vmem>>, vector<1x1x16xf32>,
          %parallel_loop3A_1249 = vector.shape_cast %parallel_loop3A_1248 : vector<1x1x16xf32> to vector<16xf32>
          %parallel_loop3A_1250 = vector.shape_cast %parallel_loop3A_1241 : vector<16xf32> to vector<1x1x16xf32>
          tpu.vector_store %arg13[%parallel_loop3A_1245, %parallel_loop3A_1246, %parallel_loop3A_1247], %parallel_loop3A_1250 {strides = array<i32>} : memref<2x16x768xf32, #tpu.memory_space<vmem>>, vector<1x1x16xf32>,
          %parallel_loop3A_1251 = arith.constant 6 : i32
          %parallel_loop3A_1252 = arith.addi %parallel_loop3A_224, %parallel_loop3A_1251 : i32
          %parallel_loop3A_1253 = arith.constant 1 : i32
          %parallel_loop3A_1254 = arith.index_cast %parallel_loop3A_1253 : i32 to index
          %parallel_loop3A_1255 = arith.index_cast %parallel_loop3A_1252 : i32 to index
          %parallel_loop3A_1256 = arith.index_cast %parallel_loop3A_1118 : i32 to index
          %parallel_loop3A_1257 = tpu.vector_load %arg13[%parallel_loop3A_1254, %parallel_loop3A_1255, %parallel_loop3A_1256] {strides = array<i32>} : memref<2x16x768xf32, #tpu.memory_space<vmem>>, vector<1x1x16xf32>,
          %parallel_loop3A_1258 = vector.shape_cast %parallel_loop3A_1257 : vector<1x1x16xf32> to vector<16xf32>
          %parallel_loop3A_1259 = arith.subf %parallel_loop3A_1258, %parallel_loop3A_936 : vector<16xf32>
          %parallel_loop3A_1260 = arith.mulf %parallel_loop3A_1121, %parallel_loop3A_1008 : vector<16xf32>
          %parallel_loop3A_1261 = arith.mulf %parallel_loop3A_1259, %parallel_loop3A_1260 : vector<16xf32>
          %parallel_loop3A_1262 = arith.addf %parallel_loop3A_1261, %parallel_loop3A_1124 : vector<16xf32>
          %parallel_loop3A_1263 = arith.constant 6 : i32
          %parallel_loop3A_1264 = arith.addi %parallel_loop3A_224, %parallel_loop3A_1263 : i32
          %parallel_loop3A_1265 = arith.constant 1 : i32
          %parallel_loop3A_1266 = arith.index_cast %parallel_loop3A_1265 : i32 to index
          %parallel_loop3A_1267 = arith.index_cast %parallel_loop3A_1264 : i32 to index
          %parallel_loop3A_1268 = arith.index_cast %parallel_loop3A_1118 : i32 to index
          %parallel_loop3A_1269 = tpu.vector_load %arg13[%parallel_loop3A_1266, %parallel_loop3A_1267, %parallel_loop3A_1268] {strides = array<i32>} : memref<2x16x768xf32, #tpu.memory_space<vmem>>, vector<1x1x16xf32>,
          %parallel_loop3A_1270 = vector.shape_cast %parallel_loop3A_1269 : vector<1x1x16xf32> to vector<16xf32>
          %parallel_loop3A_1271 = vector.shape_cast %parallel_loop3A_1262 : vector<16xf32> to vector<1x1x16xf32>
          tpu.vector_store %arg13[%parallel_loop3A_1266, %parallel_loop3A_1267, %parallel_loop3A_1268], %parallel_loop3A_1271 {strides = array<i32>} : memref<2x16x768xf32, #tpu.memory_space<vmem>>, vector<1x1x16xf32>,
          %parallel_loop3A_1272 = arith.constant 7 : i32
          %parallel_loop3A_1273 = arith.addi %parallel_loop3A_224, %parallel_loop3A_1272 : i32
          %parallel_loop3A_1274 = arith.constant 1 : i32
          %parallel_loop3A_1275 = arith.index_cast %parallel_loop3A_1274 : i32 to index
          %parallel_loop3A_1276 = arith.index_cast %parallel_loop3A_1273 : i32 to index
          %parallel_loop3A_1277 = arith.index_cast %parallel_loop3A_1118 : i32 to index
          %parallel_loop3A_1278 = tpu.vector_load %arg13[%parallel_loop3A_1275, %parallel_loop3A_1276, %parallel_loop3A_1277] {strides = array<i32>} : memref<2x16x768xf32, #tpu.memory_space<vmem>>, vector<1x1x16xf32>,
          %parallel_loop3A_1279 = vector.shape_cast %parallel_loop3A_1278 : vector<1x1x16xf32> to vector<16xf32>
          %parallel_loop3A_1280 = arith.subf %parallel_loop3A_1279, %parallel_loop3A_1040 : vector<16xf32>
          %parallel_loop3A_1281 = arith.mulf %parallel_loop3A_1121, %parallel_loop3A_1112 : vector<16xf32>
          %parallel_loop3A_1282 = arith.mulf %parallel_loop3A_1280, %parallel_loop3A_1281 : vector<16xf32>
          %parallel_loop3A_1283 = arith.addf %parallel_loop3A_1282, %parallel_loop3A_1124 : vector<16xf32>
          %parallel_loop3A_1284 = arith.constant 7 : i32
          %parallel_loop3A_1285 = arith.addi %parallel_loop3A_224, %parallel_loop3A_1284 : i32
          %parallel_loop3A_1286 = arith.constant 1 : i32
          %parallel_loop3A_1287 = arith.index_cast %parallel_loop3A_1286 : i32 to index
          %parallel_loop3A_1288 = arith.index_cast %parallel_loop3A_1285 : i32 to index
          %parallel_loop3A_1289 = arith.index_cast %parallel_loop3A_1118 : i32 to index
          %parallel_loop3A_1290 = tpu.vector_load %arg13[%parallel_loop3A_1287, %parallel_loop3A_1288, %parallel_loop3A_1289] {strides = array<i32>} : memref<2x16x768xf32, #tpu.memory_space<vmem>>, vector<1x1x16xf32>,
          %parallel_loop3A_1291 = vector.shape_cast %parallel_loop3A_1290 : vector<1x1x16xf32> to vector<16xf32>
          %parallel_loop3A_1292 = vector.shape_cast %parallel_loop3A_1283 : vector<16xf32> to vector<1x1x16xf32>
          tpu.vector_store %arg13[%parallel_loop3A_1287, %parallel_loop3A_1288, %parallel_loop3A_1289], %parallel_loop3A_1292 {strides = array<i32>} : memref<2x16x768xf32, #tpu.memory_space<vmem>>, vector<1x1x16xf32>,
        } {sc.loop_unroll_factor = 2 : i64, sc.parallel_access}
      } {sc.loop_unroll_factor = 1 : i64, sc.parallel_access}
      %dma_start3A_211 = arith.constant 1 : i32
      %dma_start3A_212 = arith.constant 0 : i32
      %dma_start3A_213 = arith.constant 0 : i32
      %dma_start3A_214 = tpu.memref_slice %arg13[%dma_start3A_211, %dma_start3A_212, %dma_start3A_213] : memref<2x16x768xf32, #tpu.memory_space<vmem>> -> memref<1x16x768xf32, #tpu.memory_space<vmem>>
      %dma_start3A_215 = tpu.memref_squeeze %dma_start3A_214 : memref<1x16x768xf32, #tpu.memory_space<vmem>> -> memref<16x768xf32, #tpu.memory_space<vmem>>
      %dma_start3A_216 = arith.constant 0 : i32
      %dma_start3A_217 = tpu.memref_slice %arg8[%add3A_200, %dma_start3A_216] : memref<32768x768xf32, #tpu.memory_space<hbm>> -> memref<16x768xf32, #tpu.memory_space<hbm>>
      %dma_start3A_218 = arith.constant 0 : i32
      %dma_start3A_219 = tpu.memref_slice %arg8[%add3A_200, %dma_start3A_218] : memref<32768x768xf32, #tpu.memory_space<hbm>> -> memref<16x768xf32, #tpu.memory_space<hbm>>
      %dma_start3A_220 = arith.constant 0 : i32
      %dma_start3A_221 = arith.constant 0 : i32
      %dma_start3A_222 = tpu.memref_slice %arg13[%dma_start3A_211, %dma_start3A_220, %dma_start3A_221] : memref<2x16x768xf32, #tpu.memory_space<vmem>> -> memref<1x16x768xf32, #tpu.memory_space<vmem>>
      %dma_start3A_223 = tpu.memref_squeeze %dma_start3A_222 : memref<1x16x768xf32, #tpu.memory_space<vmem>> -> memref<16x768xf32, #tpu.memory_space<vmem>>
      tpu.enqueue_dma source(%dma_start3A_223 : memref<16x768xf32, #tpu.memory_space<vmem>>) target(%dma_start3A_219 : memref<16x768xf32, #tpu.memory_space<hbm>>) target_semaphore(%arg19 : memref<!tpu.dma_semaphore, #tpu.memory_space<semaphore_mem>>)
    }
    %scan3A_45 = arith.constant 32 : i32
    %add3A_46 = arith.constant 992 : i32
    %add3A_47 = arith.addi %mul3A_2, %add3A_46 : i32
    %dma_wait3A = arith.constant 0 : i32
    %dma_wait3A_48 = arith.constant 0 : i32
    %dma_wait3A_49 = arith.constant 0 : i32
    %dma_wait3A_50 = tpu.memref_slice %arg13[%dma_wait3A, %dma_wait3A_48, %dma_wait3A_49] : memref<2x16x768xf32, #tpu.memory_space<vmem>> -> memref<1x16x768xf32, #tpu.memory_space<vmem>>
    %dma_wait3A_51 = tpu.memref_squeeze %dma_wait3A_50 : memref<1x16x768xf32, #tpu.memory_space<vmem>> -> memref<16x768xf32, #tpu.memory_space<vmem>>
    %dma_wait3A_52 = arith.constant 0 : i32
    %dma_wait3A_53 = tpu.memref_slice %arg8[%add3A_47, %dma_wait3A_52] : memref<32768x768xf32, #tpu.memory_space<hbm>> -> memref<16x768xf32, #tpu.memory_space<hbm>>
    %dma_wait3A_54 = arith.constant 0 : i32
    %dma_wait3A_55 = tpu.memref_slice %arg8[%add3A_47, %dma_wait3A_54] : memref<32768x768xf32, #tpu.memory_space<hbm>> -> memref<16x768xf32, #tpu.memory_space<hbm>>
    %dma_wait3A_56 = arith.constant 0 : i32
    %dma_wait3A_57 = arith.constant 0 : i32
    %dma_wait3A_58 = tpu.memref_slice %arg13[%dma_wait3A, %dma_wait3A_56, %dma_wait3A_57] : memref<2x16x768xf32, #tpu.memory_space<vmem>> -> memref<1x16x768xf32, #tpu.memory_space<vmem>>
    %dma_wait3A_59 = tpu.memref_squeeze %dma_wait3A_58 : memref<1x16x768xf32, #tpu.memory_space<vmem>> -> memref<16x768xf32, #tpu.memory_space<vmem>>
    tpu.wait_dma2 semaphore(%arg18 : memref<!tpu.dma_semaphore, #tpu.memory_space<semaphore_mem>>) src(%dma_wait3A_59 : memref<16x768xf32, #tpu.memory_space<vmem>>) dst(%dma_wait3A_55 : memref<16x768xf32, #tpu.memory_space<hbm>>)
    %add3A_60 = arith.constant 1008 : i32
    %add3A_61 = arith.addi %mul3A_2, %add3A_60 : i32
    %dma_wait3A_62 = arith.constant 1 : i32
    %dma_wait3A_63 = arith.constant 0 : i32
    %dma_wait3A_64 = arith.constant 0 : i32
    %dma_wait3A_65 = tpu.memref_slice %arg13[%dma_wait3A_62, %dma_wait3A_63, %dma_wait3A_64] : memref<2x16x768xf32, #tpu.memory_space<vmem>> -> memref<1x16x768xf32, #tpu.memory_space<vmem>>
    %dma_wait3A_66 = tpu.memref_squeeze %dma_wait3A_65 : memref<1x16x768xf32, #tpu.memory_space<vmem>> -> memref<16x768xf32, #tpu.memory_space<vmem>>
    %dma_wait3A_67 = arith.constant 0 : i32
    %dma_wait3A_68 = tpu.memref_slice %arg8[%add3A_61, %dma_wait3A_67] : memref<32768x768xf32, #tpu.memory_space<hbm>> -> memref<16x768xf32, #tpu.memory_space<hbm>>
    %dma_wait3A_69 = arith.constant 0 : i32
    %dma_wait3A_70 = tpu.memref_slice %arg8[%add3A_61, %dma_wait3A_69] : memref<32768x768xf32, #tpu.memory_space<hbm>> -> memref<16x768xf32, #tpu.memory_space<hbm>>
    %dma_wait3A_71 = arith.constant 0 : i32
    %dma_wait3A_72 = arith.constant 0 : i32
    %dma_wait3A_73 = tpu.memref_slice %arg13[%dma_wait3A_62, %dma_wait3A_71, %dma_wait3A_72] : memref<2x16x768xf32, #tpu.memory_space<vmem>> -> memref<1x16x768xf32, #tpu.memory_space<vmem>>
    %dma_wait3A_74 = tpu.memref_squeeze %dma_wait3A_73 : memref<1x16x768xf32, #tpu.memory_space<vmem>> -> memref<16x768xf32, #tpu.memory_space<vmem>>
    tpu.wait_dma2 semaphore(%arg19 : memref<!tpu.dma_semaphore, #tpu.memory_space<semaphore_mem>>) src(%dma_wait3A_74 : memref<16x768xf32, #tpu.memory_space<vmem>>) dst(%dma_wait3A_70 : memref<16x768xf32, #tpu.memory_space<hbm>>)
    return
  }
}

</mosaic_0001>

<sc_bundles>
// kernel: _fc_embed.3.cloned.1.call-start
scs
__scs_entry_jumppad:
0x0: {  	(pc) =	sbr.rel $0x88, $3  }
0x1: {  	(tag) =	ssettag $0x0;
	lr =	simm.s32 $0x1  }
0x2: {  	[smem:$0x3F9B] =	sst lr;
	_ =	strace $0xD0000000  }
0x3: {  	_ = 	snop  }
0x4: {  	_ = 	snop  }
0x5: {  	_ = 	snop  }
0x6: {  	_ = 	snop  }
0x7: {  	_ = 	snop  }
__scs_overlays_trampoline_lowered:
0x8: {  	[smem:$0x3FAA] =	sst s0  }
0x9: {  	[smem:$0x3FAB] =	sst s1  }
0xa: {  	[smem:$0x3FAC] =	sst s2  }
0xb: {  	[smem:$0x3FAD] =	sst s3  }
0xc: {  	[smem:$0x3FAE] =	sst s4  }
0xd: {  	[smem:$0x3FAF] =	sst s5  }
0xe: {  	[smem:$0x3FB0] =	sst s6  }
0xf: {  	[smem:$0x3FB1] =	sst s7  }
0x10: {  	[smem:$0x3FB2] =	sst s8  }
0x11: {  	[smem:$0x3FB3] =	sst s9;
	s0 =	simm.s32 @!p0 $0x0  }
0x12: {  	s1 =	sld [smem:$0x3F99];
	s0 =	simm.s32 @p0 $0x1  }
0x13: {  	[smem:$0x3FB4] =	sst s0;
	s0 =	simm.s32 @!p1 $0x0  }
0x14: {  	s2 =	sld [smem:$0x3F98];
	s0 =	simm.s32 @p1 $0x1  }
0x15: {  	[smem:$0x3FB5] =	sst s0;
	s0 =	simm.s32 @!p2 $0x0  }
0x16: {  	s3 =	sld [smem:$0x3FDB];
	s0 =	simm.s32 @p2 $0x1  }
0x17: {  	s4 =	simm.s32 $0x1BF5;
	[smem:$0x3FB7] =	sst s0  }
0x18: {  	s0 =	sld [smem:$0x3F9A];
	_ =	swait.ge [sflag:s4], $0x0  }
0x19: {  	s7 =	sld [smem:$0x3F9B]  }
0x1a: {  	s8 =	sadd.s32 $0xFFFFE003, lr  }
0x1b: {  	s9 =	sadd.s32 $0xFFFFFEF7, lr;
	s5 =	simm.s32 $0xFFFFFFFF;
	p2 =	slt.u32 s8, $0xFFFFF086  }
0x1c: {  	p1 =	slt.u32 s9, $0xF7A;
	s5 =	simm.s32 @!p2 $0x0  }
0x1d: {  	s5 =	simm.s32 @p1 $0x1;
	p0 =	seq.s32 s7, s2  }
0x1e: {  	s7 =	smul.u32 @!p0 $0xF7A, s2;
	p2 =	seq.s32 @!p0 s5, $0x0  }
0x1f: {  	s9 =	smul.u32 $0xF7A, s1;
	s8 =	simm.s32 @!p0 $0x1BF5;
	p2 =	por !p2, p0  }
0x20: {  	[sflag:s8] =	ssyncset.s32 @!p0 $0xFFFFF086;
	s6 =	sadd.s32 @!p0 s3, s7;
	s7 =	simm.s32 @!p0 $0x108  }
0x21: {  	s3 =	sadd.s32 s3, s9;
	s6 =	sadd.s32 @!p0 $0x88, s6;
	s7 =	simm.s32 @p2 $0x1082  }
0x22: {  	[simem:s7], [sflag:s8] =	dma.local @!p0 [hbm:s6], $0xF7A  }
0x23: {  	s9 =	sor.u32 $0xD0000000, s2;
	s6 =	simm.s32 $0x108;
	_ =	swait.ge @!p0 [sflag:s8], $0x0  }
0x24: {  	s3 =	sadd.s32 $0x88, s3;
	s6 =	simm.s32 @!p1 $0x1082;
	[sflag:s4] =	ssyncset.s32 $0xFFFFF086  }
0x25: {  	[simem:s6], [sflag:s4] =	dma.local [hbm:s3], $0xF7A  }
0x26: {  	[smem:$0x3F9B] =	sst s1;
	(tag) =	ssettag s2;
	_ =	strace s9  }
0x27: {  	s1 =	sld [smem:$0x3FAB]  }
0x28: {  	s2 =	sld [smem:$0x3FAC]  }
0x29: {  	s4 =	sld [smem:$0x3FAE]  }
0x2a: {  	p0 =	seq.s32 s5, $0x0;
	s5 =	sld [smem:$0x3FAF]  }
0x2b: {  	s6 =	sld [smem:$0x3FB0]  }
0x2c: {  	s7 =	sld [smem:$0x3FB1]  }
0x2d: {  	s3 =	simm.s32 $0x108;
	s8 =	sld [smem:$0x3FB2]  }
0x2e: {  	s3 =	simm.s32 @!p0 $0x1082;
	s9 =	sld [smem:$0x3FB3]  }
0x2f: {  	lr =	sadd.s32 s0, s3;
	s0 =	sld [smem:$0x3FAA]  }
0x30: {  	s3 =	sld [smem:$0x3FAD]  }
0x31: {  	[smem:$0x3FB6] =	sst s10  }
0x32: {  	s10 =	sld [smem:$0x3FB4];
	_ =	sdelay $0x3  }
0x33: {  	p0 =	seq.s32 s10, $0x1;
	s10 =	sld [smem:$0x3FB6];
	_ =	sdelay $0x3  }
0x34: {  	[smem:$0x3FB6] =	sst s10  }
0x35: {  	s10 =	sld [smem:$0x3FB5];
	_ =	sdelay $0x3  }
0x36: {  	p1 =	seq.s32 s10, $0x1;
	s10 =	sld [smem:$0x3FB6];
	_ =	sdelay $0x3  }
0x37: {  	[smem:$0x3FB6] =	sst s10  }
0x38: {  	s10 =	sld [smem:$0x3FB7]  }
0x39: {  	_ = 	snop;
	(pc) =	sbr.ind lr, $3  }
0x3a: {  	_ = 	snop  }
0x3b: {  	_ = 	snop  }
0x3c: {  	p2 =	seq.s32 s10, $0x1;
	s10 =	sld [smem:$0x3FB6]  }
0x3d: {  	_ =	shalt  }
0x3e: {  	_ =	shalt  }
0x3f: {  	_ =	shalt  }
0x40: {  	_ =	shalt  }
0x41: {  	_ =	shalt  }
0x42: {  	_ =	shalt  }
0x43: {  	_ =	shalt  }
0x44: {  	_ =	shalt  }
0x45: {  	_ =	shalt  }
0x46: {  	_ =	shalt  }
0x47: {  	_ =	shalt  }
0x48: {  	_ =	shalt  }
0x49: {  	_ =	shalt  }
0x4a: {  	_ =	shalt  }
0x4b: {  	_ =	shalt  }
0x4c: {  	_ =	shalt  }
0x4d: {  	_ =	shalt  }
0x4e: {  	_ =	shalt  }
0x4f: {  	_ =	shalt  }
0x50: {  	_ =	shalt  }
0x51: {  	_ =	shalt  }
0x52: {  	_ =	shalt  }
0x53: {  	_ =	shalt  }
0x54: {  	_ =	shalt  }
0x55: {  	_ =	shalt  }
0x56: {  	_ =	shalt  }
0x57: {  	_ =	shalt  }
0x58: {  	_ =	shalt  }
0x59: {  	_ =	shalt  }
0x5a: {  	_ =	shalt  }
0x5b: {  	_ =	shalt  }
0x5c: {  	_ =	shalt  }
0x5d: {  	_ =	shalt  }
0x5e: {  	_ =	shalt  }
0x5f: {  	_ =	shalt  }
0x60: {  	_ =	shalt  }
0x61: {  	_ =	shalt  }
0x62: {  	_ =	shalt  }
0x63: {  	_ =	shalt  }
0x64: {  	_ =	shalt  }
0x65: {  	_ =	shalt  }
0x66: {  	_ =	shalt  }
0x67: {  	_ =	shalt  }
0x68: {  	_ =	shalt  }
0x69: {  	_ =	shalt  }
0x6a: {  	_ =	shalt  }
0x6b: {  	_ =	shalt  }
0x6c: {  	_ =	shalt  }
0x6d: {  	_ =	shalt  }
0x6e: {  	_ =	shalt  }
0x6f: {  	_ =	shalt  }
0x70: {  	_ =	shalt  }
0x71: {  	_ =	shalt  }
0x72: {  	_ =	shalt  }
0x73: {  	_ =	shalt  }
0x74: {  	_ =	shalt  }
0x75: {  	_ =	shalt  }
0x76: {  	_ =	shalt  }
0x77: {  	_ =	shalt  }
0x78: {  	_ =	shalt  }
0x79: {  	_ =	shalt  }
0x7a: {  	_ =	shalt  }
0x7b: {  	_ =	shalt  }
0x7c: {  	_ =	shalt  }
0x7d: {  	_ =	shalt  }
0x7e: {  	_ =	shalt  }
0x7f: {  	_ =	shalt  }
0x80: {  	_ =	shalt  }
0x81: {  	_ =	shalt  }
0x82: {  	_ =	shalt  }
0x83: {  	_ =	shalt  }
0x84: {  	_ =	shalt  }
0x85: {  	_ =	shalt  }
0x86: {  	_ =	shalt  }
0x87: {  	_ =	shalt  }
.Lfunc_end0:
.L_simem_size_0:
called_computation_lowered:
.L_overlay_start_0:
0x88: {  	s2 =	sld [smem:$0x3FD9]  }
0x89: {  	s3 =	sld [smem:$0x3FFE];
	_ =	sdelay $0x1  }
0x8a: {  	s1 =	srdreg.scid  }
0x8b: {  	s0 =	sand.u32 $0x1, s1  }
0x8c: {  	s18 =	sshll.u32 s0, $0xA;
	s2 =	sadd.s32 s3, s2  }
0x8d: {  	s2 =	sadd.s32 s2, s18  }
0x8e: {  	[smem:$0x3FC2] =	sst s2  }
0x8f: {  	_ = 	snop  }
0x90: {  	s2 =	sld [smem:$0x3FC9]  }
0x91: {  	s19 =	sld [smem:$0x3FC8]  }
0x92: {  	s4 =	sld [smem:$0x3FC7]  }
0x93: {  	s5 =	sld [smem:$0x3FC6]  }
0x94: {  	s6 =	sld [smem:$0x3FC5]  }
0x95: {  	s7 =	sld [smem:$0x3FC4]  }
0x96: {  	s8 =	sld [smem:$0x3FD0];
	(tm) =	ssettm $0x1  }
0x97: {  	s9 =	sld [smem:$0x3FFB];
	_ =	sdelay $0x3  }
0x98: {  	_ =	strace s9  }
0x99: {  	s9 =	sld [smem:$0x3FFC];
	_ =	sdelay $0x3  }
0x9a: {  	_ =	strace s9  }
0x9b: {  	s9 =	sld [smem:$0x3FFD];
	_ =	sdelay $0x3  }
0x9c: {  	_ =	strace s9  }
0x9d: {  	_ =	strace $0x8FFFFFFF  }
0x9e: {  	s20 =	sld [smem:$0x3FDB];
	_ =	sdelay $0x1  }
0x9f: {  	s10 =	simm.s32 $_scs_section_size  }
0xa0: {  	s11 =	simm.s32 $_size__tile_overlayer_lowered;
	s12 =	simm.s32 $_tile_overlayer_lowered  }
0xa1: {  	s23 =	simm.s32 $0x1BFF;
	s22 =	sshll.u32 s12, $0x1;
	s9 =	sadd.s32 s10, s20  }
0xa2: {  	s13 =	simm.s32 $0x0;
	s21 =	sshll.u32 s11, $0x1;
	s11 =	sadd.s32 s22, s9  }
0xa3: {  	[timem:s13], [sflag:s23] =	dma.local [hbm:s11], s21  }
0xa4: {  	_ =	swait.ge [sflag:s23], s21  }
0xa5: {  	s10 =	ssub.s32 $0x0, s21;
	[sflag:s23] =	ssyncset.done $0x0  }
0xa6: {  	[sflag:s23] =	ssyncadd.s32 s10;
	_ =	sdelay $0x1  }
0xa7: {  	s24 =	simm.s32 $0x1B8B  }
0xa8: {  	_ =	swait.ge [sflag:s24], $0x1  }
0xa9: {  	[sflag:s24] =	ssyncset.done $0x0  }
0xaa: {  	s25 =	simm.s32 $0x1B8E;
	[sflag:s24] =	ssyncadd.s32 $0xFFFFFFFF  }
0xab: {  	s26 =	simm.s32 $execute0_lowered;
	[smem:$0x3FD2] =	sst s25  }
0xac: {  	s10 =	sshll.u32 s26, $0x1;
	_ =	strace $0x80000046;
	[dreg:$0x1] =	wrdreg $0xFFFFFFFF  }
0xad: {  	s28 =	simm.s32 $_size_execute0_lowered;
	s9 =	sadd.s32 s9, s10;
	[dreg:$0x0] =	wrdreg $0x0  }
0xae: {  	s10 =	sshll.u32 s28, $0x1;
	[dreg:$0x2] =	wrdreg s9  }
0xaf: {  	[dreg:$0x3] =	wrdreg s10  }
0xb0: {  	[dreg:$0x4] =	wrdreg $0xC0  }
0xb1: {  	_ =	task [dreg:s13], $0x5FFFF  }
0xb2: {  	[dreg:$0x1] =	wrdreg $0xFFFFFFFF  }
0xb3: {  	[dreg:$0x0] =	wrdreg $0x60  }
0xb4: {  	[dreg:$0x2] =	wrdreg s2  }
0xb5: {  	[dreg:$0x3] =	wrdreg s19  }
0xb6: {  	[dreg:$0x4] =	wrdreg s4  }
0xb7: {  	[dreg:$0x5] =	wrdreg s5  }
0xb8: {  	[dreg:$0x6] =	wrdreg s6  }
0xb9: {  	[dreg:$0x7] =	wrdreg s7  }
0xba: {  	[dreg:$0x8] =	wrdreg s8  }
0xbb: {  	[dreg:$0x9] =	wrdreg $0x9  }
0xbc: {  	_ =	task.clear_ibuf [dreg:s13], $0xAFFFF;
	_ =	strace $0x90000046  }
0xbd: {  	s29 =	simm.s32 $0x9;
	_ =	strace $0x80000048  }
0xbe: {  	_ =	swait.ge [sflag:s29], $0x1  }
0xbf: {  	[sflag:s29] =	ssyncadd.s32 $0xFFFFFFFF  }
0xc0: {  	_ =	strace $0x90000048  }
0xc1: {  	_ =	sfence  }
0xc2: {  	s30 =	sld [smem:$0x0];
	_ =	sdelay $0x2  }
0xc3: {  	s31 =	sshll.u32 s1, $0xD;
	s1 =	sshrl.u32 s1, $0x2  }
0xc4: {  	s3 =	sand.u32 $0x4000, s31;
	s1 =	sadd.s32 s1, s30  }
0xc5: {  	s0 =	sor.u32 s3, s0;
	s1 =	sshll.u32 s1, $0x11  }
0xc6: {  	s0 =	sor.u32 s1, s0  }
0xc7: {  	s0 =	sadd.s32 $0x8F2B, s0  }
0xc8: {  	[sflag:s0] =	ssyncadd.remote.s32 $0x1  }
0xc9: {  	_ =	sfence.sel $0xFFFF  }
0xca: {  	[dreg:$0x0] =	wrdreg $0xFFFFFFFF;
	(pc) =	sbr.abs _section_cstart, $3  }
0xcb: {  	[dreg:$0x1] =	wrdreg $0xFFFFFFFF  }
0xcc: {  	_ =	task.clear_ibuf [dreg:s13], $0x2FFFF;
	_ =	strace $0x9FFFFFFF  }
0xcd: {  	(tm) =	ssettm $0x7FFFFFFF  }
tec
execute0_lowered:
.L_overlay_start_1:
0x0: {  	(tag) =	ssettag $0x1  }
0x1: {  	s30 =	rddreg [dreg:$0x0]  }
0x2: {  	s31 =	rddreg [dreg:$0x1]  }
0x3: {  	s3 =	rddreg [dreg:$0x2];
	v0 =	vimm.s32 $0x76543210;
	v1 =	vimm.s32 $0xBA98FEDC  }
0x4: {  	s4 =	rddreg [dreg:$0x3];
	s2 =	srdreg.scid;
	v2 =	vimm.s32 $0xFEDCBA98;
	v3 =	vimm.s32 $0x32107654;
	v4 =	vimm.s32 $0xDCFE98BA  }
0x5: {  	s0 =	stileid.u32;
	s9 =	simm.s32 $0x0;
	s21 =	simm.s32 $0x5;
	v5 =	vimm.s32 $0x54761032;
	v6 =	vimm.s32 $0xEFCDAB89;
	v7 =	vimm.s32 $0x67452301  }
0x6: {  	s22 =	simm.s32 $0x1;
	vm0 =	vmmov $0xffff;
	s19 =	simm.s32 $0x2;
	s2 =	sand.u32 $0x1, s2;
	v1 =	vunpack.c.l.s4.s8 v1;
	v3 =	vunpack.c.l.s4.s8 v3  }
0x7: {  	s5 =	sshll.u32 s0, $0xB;
	[smem:$0x7FF] =	sst s9;
	s12 =	sadd.s32 $0x100, s3;
	v0 =	vunpack.c.l.s4.s8 v0;
	v4 =	vunpack.c.l.s4.s8 v4;
	v5 =	vunpack.c.l.s4.s8 v5  }
0x8: {  	s13 =	sadd.s32 $0x200, s3;
	v2 =	vunpack.c.l.s4.s8 v2;
	s6 =	sshll.u32 s2, $0xA;
	s2 =	ssub.s32 $0x2, s2;
	v1 =	vunpack.c.0.s8.s32 v1;
	v3 =	vunpack.c.0.s8.s32 v3  }
0x9: {  	v6 =	vunpack.c.l.s4.s8 v6;
	v7 =	vunpack.c.l.s4.s8 v7;
	_ =	strace $0x80000047;
	s0 =	sor.u32 s6, s5;
	s24 =	sshrl.u32 s2, $0x1;
	v4 =	vunpack.c.0.s8.s32 v4  }
0xa: {  	v5 =	vunpack.c.0.s8.s32 v5;
	v2 =	vunpack.c.0.s8.s32 v2;
	s6 =	sshrl.u32 s0, $0x3;
	s2 =	ssub.s32 s2, s24;
	s28 =	sor.u32 $0x10, s0;
	v8 =	vcombine.low v3, v1  }
0xb: {  	s18 =	smov.u32 s0;
	s0 =	sor.u32 $0x20, s0;
	[dreg:$0xa] =	wrdreg s28;
	v1 =	vunpack.c.0.s8.s32 v6;
	v3 =	vunpack.c.0.s8.s32 v7;
	v6 =	vlaneseq.u32  }
0xc: {  	s1 =	sadd.s32 s31, s6;
	s25 =	smul.u32 $0x300, s6;
	[dreg:$0xb] =	wrdreg s0;
	v5 =	vcombine.low v5, v4;
	v7 =	vunpack.c.0.s8.s32 v0;
	v4 =	vshrl.u32 v6, $0x3  }
0xd: {  	s14 =	sadd.s32 $0x100, s4;
	s29 =	smax.u32 s2, $0x1;
	[dreg:$0x8] =	wrdreg s1;
	v0 =	vand.u32 $0x7, v6;
	v9 =	vcombine.low v3, v1;
	v1 =	vmul.u32 $0x8, v4  }
0xe: {  	s15 =	sadd.s32 $0x200, s4;
	[dreg:$0xc] =	wrdreg s29;
	s26 =	sadd.s32 s30, s25;
	v3 =	vand.u32 $0xF, v2;
	v2 =	vor.u32 $0x8, v6;
	v4 =	vand.u32 $0xF, v8  }
0xf: {  	s24 =	simm.s32 $0x4;
	s1 =	simm.s32 $0x0;
	v5 =	vand.u32 $0xF, v5;
	[dreg:$0x9] =	wrdreg s26;
	v3 =	vcombine.low v3, v7;
	v6 =	vand.u32 $0xF, v9  }
.LBB2_1:
0x10: {  	[dreg:$0xd] =	wrdreg s1  }
0x11: {  	s0 =	rddreg [dreg:$0x4];
	s26 =	simm.s32 $0x18100  }
0x12: {  	[tilespmem:s26], [sflag:$0x5] =	stream.linear.gather [hbm4b:s0+s9], $0x300, $0x38;
	[tilespmem:$0x18700] =	vst v63  }
0x13: {  	_ =	swait.ge [sflag:s21], $0x300  }
0x14: {  	[sflag:s21] =	ssyncset.done $0x0  }
0x15: {  	[sflag:s21] =	ssyncadd.s32 $0xFFFFFD00  }
0x16: {  	s29 =	simm.s32 $0x18400;
	s28 =	rddreg [dreg:$0x5]  }
0x17: {  	[tilespmem:s29], [sflag:$0x5] =	stream.linear.gather [hbm4b:s28+s9], $0x300, $0x38;
	[tilespmem:$0x18700] =	vst v63  }
0x18: {  	_ =	swait.ge [sflag:s21], $0x300  }
0x19: {  	[sflag:s21] =	ssyncset.done $0x0  }
0x1a: {  	s2 =	rddreg [dreg:$0x8];
	[sflag:s21] =	ssyncadd.s32 $0xFFFFFD00  }
0x1b: {  	[tilespmem:s9], [sflag:$0x5] =	stream.linear.gather [hbm4b:s2+s9], $0x10, $0x38;
	[tilespmem:$0x18700] =	vst v63  }
0x1c: {  	_ =	swait.ge [sflag:s21], $0x10  }
0x1d: {  	[sflag:s21] =	ssyncset.done $0x0  }
0x1e: {  	[sflag:s21] =	ssyncadd.s32 $0xFFFFFFF0  }
0x1f: {  	v7 =	vld [tilespmem:$0x0];
	_ =	sdelay $0x4  }
0x20: {  	v8 =	vshrl.u32 v7, $0x3  }
0x21: {  	v8 =	vmul.u32 $0x30, v8  }
0x22: {  	v7 =	vand.u32 $0x7, v7  }
0x23: {  	v7 =	vor.u32 v7, v8  }
0x24: {  	v8 =	vperm.xlane v7, v0;
	_ =	sdelay $0x1  }
0x25: {  	v8 =	vadd.s32 v1, v8;
	_ =	sdelay $0x3  }
0x26: {  	s5 =	simm.s32 $0x100;
	v7 =	vperm.xlane v7, v2  }
0x27: {  	[tilespmem:s5], [sflag:$0x1] =	stream.indirect_vreg.gather [hbm4b:s3+s9], $0x80, v8, vm0, $0xb8;
	[tilespmem:$0x18700] =	vst v63  }
0x28: {  	s6 =	simm.s32 $0x900;
	v7 =	vadd.s32 v1, v7  }
0x29: {  	[tilespmem:s6], [sflag:$0x1] =	stream.indirect_vreg.gather [hbm4b:s12+s9], $0x80, v8, vm0, $0xb8;
	[tilespmem:$0x18700] =	vst v63  }
0x2a: {  	s7 =	simm.s32 $0x1100  }
0x2b: {  	[tilespmem:s7], [sflag:$0x1] =	stream.indirect_vreg.gather [hbm4b:s13+s9], $0x80, v8, vm0, $0xb8;
	[tilespmem:$0x18700] =	vst v63  }
0x2c: {  	s8 =	simm.s32 $0x1900  }
0x2d: {  	[tilespmem:s8], [sflag:$0x1] =	stream.indirect_vreg.gather [hbm4b:s3+s9], $0x80, v7, vm0, $0xb8;
	[tilespmem:$0x18700] =	vst v63  }
0x2e: {  	s10 =	simm.s32 $0x2100  }
0x2f: {  	[tilespmem:s10], [sflag:$0x1] =	stream.indirect_vreg.gather [hbm4b:s12+s9], $0x80, v7, vm0, $0xb8;
	[tilespmem:$0x18700] =	vst v63  }
0x30: {  	s11 =	simm.s32 $0x2900  }
0x31: {  	[tilespmem:s11], [sflag:$0x1] =	stream.indirect_vreg.gather [hbm4b:s13+s9], $0x80, v7, vm0, $0xb8;
	[tilespmem:$0x18700] =	vst v63  }
0x32: {  	v7 =	vld [tilespmem:$0x0];
	_ =	sdelay $0x4  }
0x33: {  	v8 =	vshrl.u32 v7, $0x3  }
0x34: {  	v8 =	vmul.u32 $0x30, v8  }
0x35: {  	v7 =	vand.u32 $0x7, v7  }
0x36: {  	v7 =	vor.u32 v7, v8  }
0x37: {  	v8 =	vperm.xlane v7, v0;
	_ =	sdelay $0x1  }
0x38: {  	v8 =	vadd.s32 v1, v8;
	_ =	sdelay $0x3  }
0x39: {  	s16 =	simm.s32 $0x6100;
	v7 =	vperm.xlane v7, v2  }
0x3a: {  	[tilespmem:s16], [sflag:$0x1] =	stream.indirect_vreg.gather [hbm4b:s4+s9], $0x80, v8, vm0, $0xb8;
	[tilespmem:$0x18700] =	vst v63  }
0x3b: {  	s17 =	simm.s32 $0x6900;
	v7 =	vadd.s32 v1, v7  }
0x3c: {  	[tilespmem:s17], [sflag:$0x1] =	stream.indirect_vreg.gather [hbm4b:s14+s9], $0x80, v8, vm0, $0xb8;
	[tilespmem:$0x18700] =	vst v63  }
0x3d: {  	s20 =	simm.s32 $0x7100  }
0x3e: {  	[tilespmem:s20], [sflag:$0x1] =	stream.indirect_vreg.gather [hbm4b:s15+s9], $0x80, v8, vm0, $0xb8;
	[tilespmem:$0x18700] =	vst v63  }
0x3f: {  	s23 =	simm.s32 $0x7900  }
0x40: {  	[tilespmem:s23], [sflag:$0x1] =	stream.indirect_vreg.gather [hbm4b:s4+s9], $0x80, v7, vm0, $0xb8;
	[tilespmem:$0x18700] =	vst v63  }
0x41: {  	s25 =	simm.s32 $0x8100  }
0x42: {  	[tilespmem:s25], [sflag:$0x1] =	stream.indirect_vreg.gather [hbm4b:s14+s9], $0x80, v7, vm0, $0xb8;
	[tilespmem:$0x18700] =	vst v63  }
0x43: {  	s26 =	simm.s32 $0x8900  }
0x44: {  	[tilespmem:s26], [sflag:$0x1] =	stream.indirect_vreg.gather [hbm4b:s15+s9], $0x80, v7, vm0, $0xb8;
	[tilespmem:$0x18700] =	vst v63  }
0x45: {  	s29 =	simm.s32 $0xC100;
	s28 =	rddreg [dreg:$0x9];
	s25 =	simm.s32 $0x0  }
0x46: {  	[tilespmem:s29], [sflag:$0x1] =	stream.linear.gather [hbm4b:s28+s9], $0x3000, $0x38;
	[tilespmem:$0x18700] =	vst v63  }
.LBB2_2:
0x47: {  	_ =	swait.ge [sflag:s22], $0x3000  }
0x48: {  	[sflag:s22] =	ssyncset.done $0x0  }
0x49: {  	[sflag:s22] =	ssyncadd.s32 $0xFFFFD000  }
0x4a: {  	_ =	swait.ge [sflag:s22], $0x3000  }
0x4b: {  	[sflag:s22] =	ssyncset.done $0x0  }
0x4c: {  	[sflag:s22] =	ssyncadd.s32 $0xFFFFD000  }
0x4d: {  	_ =	swait.ge [sflag:s22], $0x3000  }
0x4e: {  	s28 =	sshll.u32 s25, $0x5;
	s0 =	rddreg [dreg:$0xa]  }
0x4f: {  	s2 =	sadd.s32 s0, s28  }
0x50: {  	[sflag:s22] =	ssyncset.done $0x0;
	s2 =	sshrl.u32 s2, $0x3  }
0x51: {  	s16 =	simm.s32 $0x80;
	[sflag:s22] =	ssyncadd.s32 $0xFFFFD000;
	s5 =	sadd.s32 s31, s2  }
0x52: {  	[tilespmem:s16], [sflag:$0x5] =	stream.linear.gather [hbm4b:s5+s9], $0x10, $0x38;
	[tilespmem:$0x18700] =	vst v63  }
0x53: {  	_ =	swait.ge [sflag:s21], $0x10  }
0x54: {  	[sflag:s21] =	ssyncset.done $0x0  }
0x55: {  	[sflag:s21] =	ssyncadd.s32 $0xFFFFFFF0  }
0x56: {  	v7 =	vld [tilespmem:$0x80];
	_ =	sdelay $0x4  }
0x57: {  	v8 =	vshrl.u32 v7, $0x3  }
0x58: {  	v8 =	vmul.u32 $0x30, v8  }
0x59: {  	v7 =	vand.u32 $0x7, v7  }
0x5a: {  	v7 =	vor.u32 v7, v8  }
0x5b: {  	v8 =	vperm.xlane v7, v0;
	_ =	sdelay $0x1  }
0x5c: {  	v8 =	vadd.s32 v1, v8;
	_ =	sdelay $0x3  }
0x5d: {  	s20 =	simm.s32 $0x3100;
	v7 =	vperm.xlane v7, v2  }
0x5e: {  	[tilespmem:s20], [sflag:$0x2] =	stream.indirect_vreg.gather [hbm4b:s3+s9], $0x80, v8, vm0, $0xb8;
	[tilespmem:$0x18700] =	vst v63  }
0x5f: {  	s23 =	simm.s32 $0x3900;
	v7 =	vadd.s32 v1, v7  }
0x60: {  	[tilespmem:s23], [sflag:$0x2] =	stream.indirect_vreg.gather [hbm4b:s12+s9], $0x80, v8, vm0, $0xb8;
	[tilespmem:$0x18700] =	vst v63  }
0x61: {  	s26 =	simm.s32 $0x4100  }
0x62: {  	[tilespmem:s26], [sflag:$0x2] =	stream.indirect_vreg.gather [hbm4b:s13+s9], $0x80, v8, vm0, $0xb8;
	[tilespmem:$0x18700] =	vst v63  }
0x63: {  	s1 =	simm.s32 $0x4900  }
0x64: {  	[tilespmem:s1], [sflag:$0x2] =	stream.indirect_vreg.gather [hbm4b:s3+s9], $0x80, v7, vm0, $0xb8;
	[tilespmem:$0x18700] =	vst v63  }
0x65: {  	s5 =	simm.s32 $0x5100  }
0x66: {  	[tilespmem:s5], [sflag:$0x2] =	stream.indirect_vreg.gather [hbm4b:s12+s9], $0x80, v7, vm0, $0xb8;
	[tilespmem:$0x18700] =	vst v63  }
0x67: {  	s6 =	simm.s32 $0x5900  }
0x68: {  	[tilespmem:s6], [sflag:$0x2] =	stream.indirect_vreg.gather [hbm4b:s13+s9], $0x80, v7, vm0, $0xb8;
	[tilespmem:$0x18700] =	vst v63  }
0x69: {  	v7 =	vld [tilespmem:$0x80];
	_ =	sdelay $0x4  }
0x6a: {  	v8 =	vshrl.u32 v7, $0x3  }
0x6b: {  	v8 =	vmul.u32 $0x30, v8  }
0x6c: {  	v7 =	vand.u32 $0x7, v7  }
0x6d: {  	v7 =	vor.u32 v7, v8  }
0x6e: {  	v8 =	vperm.xlane v7, v0;
	_ =	sdelay $0x1  }
0x6f: {  	v8 =	vadd.s32 v1, v8;
	_ =	sdelay $0x3  }
0x70: {  	s7 =	simm.s32 $0x9100;
	v7 =	vperm.xlane v7, v2  }
0x71: {  	[tilespmem:s7], [sflag:$0x2] =	stream.indirect_vreg.gather [hbm4b:s4+s9], $0x80, v8, vm0, $0xb8;
	[tilespmem:$0x18700] =	vst v63  }
0x72: {  	s8 =	simm.s32 $0x9900;
	v7 =	vadd.s32 v1, v7  }
0x73: {  	[tilespmem:s8], [sflag:$0x2] =	stream.indirect_vreg.gather [hbm4b:s14+s9], $0x80, v8, vm0, $0xb8;
	[tilespmem:$0x18700] =	vst v63  }
0x74: {  	s10 =	simm.s32 $0xA100  }
0x75: {  	[tilespmem:s10], [sflag:$0x2] =	stream.indirect_vreg.gather [hbm4b:s15+s9], $0x80, v8, vm0, $0xb8;
	[tilespmem:$0x18700] =	vst v63  }
0x76: {  	s11 =	simm.s32 $0xA900  }
0x77: {  	[tilespmem:s11], [sflag:$0x2] =	stream.indirect_vreg.gather [hbm4b:s4+s9], $0x80, v7, vm0, $0xb8;
	[tilespmem:$0x18700] =	vst v63  }
0x78: {  	s16 =	simm.s32 $0xB100  }
0x79: {  	[tilespmem:s16], [sflag:$0x2] =	stream.indirect_vreg.gather [hbm4b:s14+s9], $0x80, v7, vm0, $0xb8;
	[tilespmem:$0x18700] =	vst v63  }
0x7a: {  	s20 =	simm.s32 $0xB900;
	s26 =	smul.u32 $0x300, s2  }
0x7b: {  	[tilespmem:s20], [sflag:$0x2] =	stream.indirect_vreg.gather [hbm4b:s15+s9], $0x80, v7, vm0, $0xb8;
	[tilespmem:$0x18700] =	vst v63  }
0x7c: {  	p0 =	seq.s32 s25, $0x0;
	s23 =	simm.s32 $0xF100;
	s2 =	sadd.s32 s30, s26  }
0x7d: {  	[tilespmem:s23], [sflag:$0x2] =	stream.linear.gather [hbm4b:s2+s9], $0x3000, $0x38;
	[tilespmem:$0x18700] =	vst v63  }
0x7e: {  	s2 =	simm.s32 @!p0 $0x3  }
0x7f: {  	s17 =	smov.u32 s31;
	p1 =	por $0x1, $0x1;
	_ =	swait.ge @!p0 [sflag:s2], $0x3000  }
0x80: {  	s29 =	sor.u32 s18, s28;
	s31 =	simm.s32 $0x0;
	[sflag:s2] =	ssyncset.done @!p0 $0x0  }
0x81: {  	s10 =	smov.u32 s30;
	s30 =	simm.s32 $0x0;
	[sflag:s2] =	ssyncadd.s32 @!p0 $0xFFFFD000  }
.LBB2_3:
0x82: {  	s2 =	smul.u32 $0x1800, s31  }
0x83: {  	s5 =	sand.u32 $0x1C00, s30  }
0x84: {  	s6 =	sand.u32 $0x60, s30;
	s5 =	sadd.s32 s2, s5  }
0x85: {  	s5 =	sor.u32 s6, s5  }
0x86: {  	v7 =	vld [tilespmem:s5+$0x190]  }
0x87: {  	v8 =	vld [tilespmem:s5+$0xC190]  }
0x88: {  	v9 =	vld [tilespmem:s5+$0x6190]  }
0x89: {  	v15 =	vld [tilespmem:s5+$0x100]  }
0x8a: {  	v17 =	vld [tilespmem:s5+$0xC100]  }
0x8b: {  	v11 =	vimm.f32 $0.0e+00;
	v16 =	vld [tilespmem:s5+$0x110]  }
0x8c: {  	v10 =	vimm.f32 $0.0e+00;
	v12 =	vimm.f32 $0.0e+00;
	v18 =	vld [tilespmem:s5+$0xC110];
	v8 =	vmul.f32 v8, v7  }
0x8d: {  	p0 =	por p1, p1;
	v13 =	vimm.f32 $0.0e+00;
	v14 =	vimm.f32 $0.0e+00;
	v19 =	vld [tilespmem:s5+$0x180];
	v7 =	vimm.f32 $0.0e+00  }
0x8e: {  	s7 =	simm.s32 $0x100;
	s11 =	simm.s32 $0x0;
	s6 =	simm.s32 $0x0;
	v21 =	vld [tilespmem:s5+$0xC180];
	v20 =	vadd.f32 v9, v8;
	v8 =	vimm.f32 $0.0e+00;
	v9 =	vimm.f32 $0.0e+00  }
.LBB2_4:
0x8f: {  	s16 =	sand.u32 $0x1C00, s7;
	v17 =	vmul.f32 v17, v15;
	v22 =	vld [tilespmem:s5+$0x6100];
	s11 =	sadd.s32 $0x20, s11  }
0x90: {  	s6 =	sadd.s32 $0x2, s6;
	s20 =	sand.u32 $0x60, s11;
	s16 =	sadd.s32 s2, s16;
	v23 =	vld [tilespmem:s5+$0x6110];
	[tilespmem:s5+$0x12190] =	vst v20;
	v7 =	vadd.f32 v20, v7;
	v15 =	vmul.f32 v20, v20  }
0x91: {  	p1 =	slt.u32 s6, $0x2E;
	s16 =	sor.u32 s20, s16;
	v16 =	vmul.f32 v18, v16;
	v18 =	vld [tilespmem:s5+$0x6180]  }
0x92: {  	v20 =	vld [tilespmem:s16+$0x190];
	v8 =	vadd.f32 v15, v8  }
0x93: {  	v24 =	vld [tilespmem:s16+$0xC190];
	v19 =	vmul.f32 v21, v19  }
0x94: {  	v15 =	vld [tilespmem:s16+$0x100];
	v21 =	vadd.f32 v22, v17  }
0x95: {  	v22 =	vld [tilespmem:s16+$0x6190];
	v23 =	vadd.f32 v23, v16  }
.Ltmp0:
0x96: {  	v17 =	vld [tilespmem:s16+$0xC100];
	v25 =	vadd.f32 v18, v19;
	[tilespmem:s5+$0x12100] =	vst v21;
	v11 =	vadd.f32 v21, v11;
	v19 =	vmul.f32 v21, v21;
	(pc) =	sbr.rel @p1 .LBB2_4-.Ltmp0, $4  }
0x97: {  	v16 =	vld [tilespmem:s16+$0x110];
	[tilespmem:s5+$0x12110] =	vst v23;
	v9 =	vadd.f32 v23, v9;
	v21 =	vmul.f32 v23, v23  }
0x98: {  	v18 =	vld [tilespmem:s16+$0xC110];
	v20 =	vmul.f32 v24, v20;
	[tilespmem:s5+$0x12180] =	vst v25;
	v10 =	vadd.f32 v19, v10;
	v23 =	vmul.f32 v25, v25;
	s5 =	smov.u32 s16  }
0x99: {  	v13 =	vadd.f32 v25, v13;
	v19 =	vld [tilespmem:s5+$0x180];
	v12 =	vadd.f32 v21, v12  }
0x9a: {  	s7 =	sadd.s32 $0x100, s7;
	v21 =	vld [tilespmem:s5+$0xC180];
	v20 =	vadd.f32 v22, v20;
	v14 =	vadd.f32 v23, v14  }
0x9b: {  	v22 =	vld [tilespmem:s5+$0x6100]  }
0x9c: {  	v23 =	vld [tilespmem:s5+$0x6110]  }
0x9d: {  	v24 =	vld [tilespmem:s5+$0x6180]  }
0x9e: {  	v15 =	vmul.f32 v17, v15  }
0x9f: {  	v16 =	vmul.f32 v18, v16  }
0xa0: {  	v17 =	vmul.f32 v21, v19;
	v15 =	vadd.f32 v22, v15  }
0xa1: {  	v18 =	vmul.f32 v20, v20;
	v16 =	vadd.f32 v23, v16  }
0xa2: {  	v7 =	vadd.f32 v20, v7;
	v17 =	vadd.f32 v24, v17;
	v19 =	vmul.f32 v15, v15  }
0xa3: {  	v8 =	vadd.f32 v18, v8;
	v11 =	vadd.f32 v15, v11;
	v18 =	vmul.f32 v16, v16  }
0xa4: {  	v9 =	vadd.f32 v16, v9;
	v10 =	vadd.f32 v19, v10;
	v19 =	vmul.f32 v17, v17  }
0xa5: {  	v13 =	vadd.f32 v17, v13;
	v12 =	vadd.f32 v18, v12  }
0xa6: {  	v9 =	vadd.f32 v9, v11;
	v14 =	vadd.f32 v19, v14  }
0xa7: {  	v10 =	vadd.f32 v12, v10  }
0xa8: {  	v7 =	vadd.f32 v7, v13;
	v11 =	vperm.xlane v9, v3;
	v8 =	vadd.f32 v8, v14  }
0xa9: {  	v12 =	vperm.xlane v10, v3  }
0xaa: {  	v9 =	vadd.f32 v11, v9;
	v11 =	vperm.xlane v7, v3;
	v13 =	vperm.xlane v8, v3  }
0xab: {  	s6 =	simm.s32 $0x0;
	[tilespmem:s5+$0x12190] =	vst v20;
	v10 =	vadd.f32 v12, v10  }
0xac: {  	s7 =	sand.u32 $0x1C00, s6;
	[tilespmem:s5+$0x12100] =	vst v15;
	v12 =	vperm.xlane v9, v4;
	v7 =	vadd.f32 v11, v7;
	v8 =	vadd.f32 v13, v8  }
0xad: {  	s11 =	sand.u32 $0x60, s6;
	s7 =	sadd.s32 s2, s7;
	[tilespmem:s5+$0x12110] =	vst v16;
	v11 =	vperm.xlane v10, v4  }
0xae: {  	[tilespmem:s5+$0x12180] =	vst v17;
	s5 =	sor.u32 s11, s7;
	v9 =	vadd.f32 v12, v9;
	v12 =	vperm.xlane v7, v4;
	v13 =	vperm.xlane v8, v4  }
0xaf: {  	v15 =	vld [tilespmem:s5+$0xC290];
	v10 =	vadd.f32 v11, v10  }
0xb0: {  	v14 =	vld [tilespmem:s5+$0x290];
	v11 =	vperm.xlane v9, v5;
	v12 =	vadd.f32 v12, v7;
	v13 =	vadd.f32 v13, v8  }
0xb1: {  	v20 =	vimm.f32 $0.0e+00;
	v21 =	vimm.f32 $0.0e+00;
	v17 =	vld [tilespmem:s5+$0x6290];
	v8 =	vperm.xlane v10, v5  }
0xb2: {  	v23 =	vld [tilespmem:s5+$0x200];
	v7 =	vadd.f32 v11, v9;
	v9 =	vperm.xlane v12, v5;
	v16 =	vperm.xlane v13, v5  }
0xb3: {  	v22 =	vimm.f32 $0.0e+00;
	v25 =	vld [tilespmem:s5+$0xC200];
	v18 =	vimm.f32 $0.0e+00;
	v8 =	vadd.f32 v8, v10  }
0xb4: {  	v24 =	vld [tilespmem:s5+$0x210];
	v11 =	vperm.xlane v7, v6;
	v10 =	vadd.f32 v9, v12;
	v9 =	vadd.f32 v16, v13  }
0xb5: {  	v26 =	vld [tilespmem:s5+$0xC210];
	v19 =	vimm.f32 $0.0e+00;
	v13 =	vperm.xlane v8, v6;
	v16 =	vmul.f32 v15, v14  }
0xb6: {  	v27 =	vld [tilespmem:s5+$0x280];
	v14 =	vperm.xlane v10, v6;
	v15 =	vimm.f32 $0.0e+00;
	v12 =	vperm.xlane v9, v6  }
0xb7: {  	s7 =	simm.s32 $0x0;
	s11 =	simm.s32 $0x100;
	v28 =	vld [tilespmem:s5+$0xC280];
	v29 =	vadd.f32 v17, v16;
	v16 =	vimm.f32 $0.0e+00;
	v17 =	vimm.f32 $0.0e+00  }
.LBB2_6:
0xb8: {  	s16 =	sand.u32 $0x1C00, s11;
	v25 =	vmul.f32 v25, v23;
	v30 =	vld [tilespmem:s5+$0x6200];
	s6 =	sadd.s32 $0x20, s6  }
0xb9: {  	s7 =	sadd.s32 $0x2, s7;
	s20 =	sand.u32 $0x60, s6;
	s16 =	sadd.s32 s2, s16;
	v31 =	vld [tilespmem:s5+$0x6210];
	[tilespmem:s5+$0x12290] =	vst v29;
	v15 =	vadd.f32 v29, v15;
	v23 =	vmul.f32 v29, v29  }
0xba: {  	p1 =	slt.u32 s7, $0x2E;
	s16 =	sor.u32 s20, s16;
	v24 =	vmul.f32 v26, v24;
	v26 =	vld [tilespmem:s5+$0x6280]  }
0xbb: {  	v29 =	vld [tilespmem:s16+$0x290];
	v16 =	vadd.f32 v23, v16  }
0xbc: {  	v32 =	vld [tilespmem:s16+$0xC290];
	v27 =	vmul.f32 v28, v27  }
0xbd: {  	v23 =	vld [tilespmem:s16+$0x200];
	v28 =	vadd.f32 v30, v25  }
0xbe: {  	v30 =	vld [tilespmem:s16+$0x6290];
	v31 =	vadd.f32 v31, v24  }
.Ltmp1:
0xbf: {  	v25 =	vld [tilespmem:s16+$0xC200];
	v33 =	vadd.f32 v26, v27;
	[tilespmem:s5+$0x12200] =	vst v28;
	v19 =	vadd.f32 v28, v19;
	v27 =	vmul.f32 v28, v28;
	(pc) =	sbr.rel @p1 .LBB2_6-.Ltmp1, $4  }
0xc0: {  	v24 =	vld [tilespmem:s16+$0x210];
	[tilespmem:s5+$0x12210] =	vst v31;
	v17 =	vadd.f32 v31, v17;
	v28 =	vmul.f32 v31, v31  }
0xc1: {  	v26 =	vld [tilespmem:s16+$0xC210];
	v29 =	vmul.f32 v32, v29;
	[tilespmem:s5+$0x12280] =	vst v33;
	v18 =	vadd.f32 v27, v18;
	v31 =	vmul.f32 v33, v33;
	s5 =	smov.u32 s16  }
0xc2: {  	v21 =	vadd.f32 v33, v21;
	v27 =	vld [tilespmem:s5+$0x280];
	v20 =	vadd.f32 v28, v20  }
0xc3: {  	s11 =	sadd.s32 $0x100, s11;
	v28 =	vld [tilespmem:s5+$0xC280];
	v29 =	vadd.f32 v30, v29;
	v22 =	vadd.f32 v31, v22  }
0xc4: {  	v30 =	vld [tilespmem:s5+$0x6200]  }
0xc5: {  	v31 =	vld [tilespmem:s5+$0x6210]  }
0xc6: {  	v32 =	vld [tilespmem:s5+$0x6280]  }
0xc7: {  	v23 =	vmul.f32 v25, v23  }
0xc8: {  	v24 =	vmul.f32 v26, v24  }
0xc9: {  	v25 =	vmul.f32 v28, v27;
	v23 =	vadd.f32 v30, v23  }
0xca: {  	v26 =	vmul.f32 v29, v29;
	v24 =	vadd.f32 v31, v24  }
0xcb: {  	v15 =	vadd.f32 v29, v15;
	v25 =	vadd.f32 v32, v25;
	v27 =	vmul.f32 v23, v23  }
0xcc: {  	v16 =	vadd.f32 v26, v16;
	v19 =	vadd.f32 v23, v19;
	v26 =	vmul.f32 v24, v24  }
0xcd: {  	v17 =	vadd.f32 v24, v17;
	v18 =	vadd.f32 v27, v18;
	v27 =	vmul.f32 v25, v25  }
0xce: {  	v21 =	vadd.f32 v25, v21;
	v20 =	vadd.f32 v26, v20  }
0xcf: {  	v17 =	vadd.f32 v17, v19;
	v22 =	vadd.f32 v27, v22  }
0xd0: {  	s6 =	simm.s32 $0x0;
	[tilespmem:s5+$0x12290] =	vst v29;
	v18 =	vadd.f32 v20, v18  }
0xd1: {  	s7 =	sand.u32 $0x1C00, s6;
	[tilespmem:s5+$0x12200] =	vst v23;
	v15 =	vadd.f32 v15, v21;
	v19 =	vperm.xlane v17, v3;
	v16 =	vadd.f32 v16, v22  }
0xd2: {  	s11 =	sand.u32 $0x60, s6;
	s7 =	sadd.s32 s2, s7;
	[tilespmem:s5+$0x12210] =	vst v24;
	v20 =	vperm.xlane v18, v3  }
0xd3: {  	[tilespmem:s5+$0x12280] =	vst v25;
	s5 =	sor.u32 s11, s7;
	v17 =	vadd.f32 v19, v17;
	v19 =	vperm.xlane v15, v3;
	v21 =	vperm.xlane v16, v3  }
0xd4: {  	v23 =	vld [tilespmem:s5+$0x390];
	v18 =	vadd.f32 v20, v18  }
0xd5: {  	v24 =	vld [tilespmem:s5+$0xC390];
	v20 =	vperm.xlane v17, v4;
	v15 =	vadd.f32 v19, v15;
	v16 =	vadd.f32 v21, v16  }
0xd6: {  	v29 =	vimm.f32 $0.0e+00;
	v19 =	vperm.xlane v18, v4  }
0xd7: {  	v26 =	vld [tilespmem:s5+$0x6390];
	v17 =	vadd.f32 v20, v17;
	v20 =	vperm.xlane v15, v4;
	v21 =	vperm.xlane v16, v4  }
0xd8: {  	v28 =	vimm.f32 $0.0e+00;
	v30 =	vimm.f32 $0.0e+00;
	v18 =	vadd.f32 v19, v18  }
0xd9: {  	v19 =	vperm.xlane v17, v5;
	v15 =	vadd.f32 v20, v15;
	v21 =	vadd.f32 v21, v16  }
0xda: {  	v31 =	vld [tilespmem:s5+$0x300];
	v27 =	vimm.f32 $0.0e+00;
	v23 =	vmul.f32 v24, v23;
	v16 =	vperm.xlane v18, v5  }
0xdb: {  	v33 =	vld [tilespmem:s5+$0xC300];
	v20 =	vadd.f32 v19, v17;
	v17 =	vperm.xlane v15, v5;
	v25 =	vperm.xlane v21, v5  }
0xdc: {  	v32 =	vld [tilespmem:s5+$0x310];
	v24 =	vimm.f32 $0.0e+00;
	v37 =	vadd.f32 v26, v23;
	v19 =	vadd.f32 v16, v18  }
0xdd: {  	v34 =	vld [tilespmem:s5+$0xC310];
	v26 =	vimm.f32 $0.0e+00;
	v16 =	vadd.f32 v17, v15;
	v15 =	vadd.f32 v25, v21  }
0xde: {  	v35 =	vld [tilespmem:s5+$0x380];
	v23 =	vimm.f32 $0.0e+00;
	v22 =	vperm.xlane v20, v6;
	v21 =	vperm.xlane v19, v6  }
0xdf: {  	s7 =	simm.s32 $0x0;
	s11 =	simm.s32 $0x100;
	v36 =	vld [tilespmem:s5+$0xC380];
	v18 =	vperm.xlane v16, v6;
	v25 =	vimm.f32 $0.0e+00;
	v17 =	vperm.xlane v15, v6  }
.LBB2_8:
0xe0: {  	s16 =	sand.u32 $0x1C00, s11;
	v33 =	vmul.f32 v33, v31;
	v38 =	vld [tilespmem:s5+$0x6300];
	s6 =	sadd.s32 $0x20, s6  }
0xe1: {  	s7 =	sadd.s32 $0x2, s7;
	s20 =	sand.u32 $0x60, s6;
	s16 =	sadd.s32 s2, s16;
	v39 =	vld [tilespmem:s5+$0x6310];
	[tilespmem:s5+$0x12390] =	vst v37;
	v24 =	vadd.f32 v37, v24;
	v31 =	vmul.f32 v37, v37  }
0xe2: {  	p1 =	slt.u32 s7, $0x2E;
	s16 =	sor.u32 s20, s16;
	v32 =	vmul.f32 v34, v32;
	v34 =	vld [tilespmem:s5+$0x6380]  }
0xe3: {  	v37 =	vld [tilespmem:s16+$0x390];
	v27 =	vadd.f32 v31, v27  }
0xe4: {  	v40 =	vld [tilespmem:s16+$0xC390];
	v35 =	vmul.f32 v36, v35  }
0xe5: {  	v31 =	vld [tilespmem:s16+$0x300];
	v36 =	vadd.f32 v38, v33  }
0xe6: {  	v38 =	vld [tilespmem:s16+$0x6390];
	v39 =	vadd.f32 v39, v32  }
.Ltmp2:
0xe7: {  	v33 =	vld [tilespmem:s16+$0xC300];
	v41 =	vadd.f32 v34, v35;
	[tilespmem:s5+$0x12300] =	vst v36;
	v25 =	vadd.f32 v36, v25;
	v35 =	vmul.f32 v36, v36;
	(pc) =	sbr.rel @p1 .LBB2_8-.Ltmp2, $4  }
0xe8: {  	v32 =	vld [tilespmem:s16+$0x310];
	[tilespmem:s5+$0x12310] =	vst v39;
	v26 =	vadd.f32 v39, v26;
	v36 =	vmul.f32 v39, v39  }
0xe9: {  	v34 =	vld [tilespmem:s16+$0xC310];
	v37 =	vmul.f32 v40, v37;
	[tilespmem:s5+$0x12380] =	vst v41;
	v23 =	vadd.f32 v35, v23;
	v39 =	vmul.f32 v41, v41;
	s5 =	smov.u32 s16  }
0xea: {  	v29 =	vadd.f32 v41, v29;
	v35 =	vld [tilespmem:s5+$0x380];
	v28 =	vadd.f32 v36, v28  }
0xeb: {  	s11 =	sadd.s32 $0x100, s11;
	v36 =	vld [tilespmem:s5+$0xC380];
	v37 =	vadd.f32 v38, v37;
	v30 =	vadd.f32 v39, v30  }
0xec: {  	v38 =	vld [tilespmem:s5+$0x6300]  }
0xed: {  	v39 =	vld [tilespmem:s5+$0x6310];
	_ =	sdelay $0x1  }
0xee: {  	v40 =	vld [tilespmem:s5+$0x6380]  }
0xef: {  	v31 =	vmul.f32 v33, v31;
	v32 =	vmul.f32 v34, v32  }
0xf0: {  	v53 =	vmul.f32 v37, v37  }
0xf1: {  	v52 =	vmul.f32 v36, v35;
	v31 =	vadd.f32 v38, v31;
	v32 =	vadd.f32 v39, v32  }
0xf2: {  	v24 =	vadd.f32 v37, v24;
	v27 =	vadd.f32 v53, v27  }
0xf3: {  	v33 =	vadd.f32 v40, v52;
	v54 =	vmul.f32 v31, v31;
	v55 =	vmul.f32 v32, v32  }
0xf4: {  	v25 =	vadd.f32 v31, v25;
	v26 =	vadd.f32 v32, v26  }
0xf5: {  	v56 =	vmul.f32 v33, v33;
	v23 =	vadd.f32 v54, v23;
	v28 =	vadd.f32 v55, v28  }
0xf6: {  	s7 =	simm.s32 $0x0;
	[tilespmem:s5+$0x12390] =	vst v37;
	v29 =	vadd.f32 v33, v29;
	v25 =	vadd.f32 v26, v25  }
0xf7: {  	s6 =	sand.u32 $0x1C00, s7;
	[tilespmem:s5+$0x12300] =	vst v31;
	v30 =	vadd.f32 v56, v30;
	v23 =	vadd.f32 v28, v23  }
0xf8: {  	s11 =	sand.u32 $0x60, s7;
	s16 =	sadd.s32 s2, s6;
	[tilespmem:s5+$0x12310] =	vst v32;
	v24 =	vadd.f32 v24, v29  }
0xf9: {  	s6 =	sor.u32 s11, s16;
	[tilespmem:s5+$0x12380] =	vst v33;
	v26 =	vadd.f32 v27, v30;
	v27 =	vperm.xlane v25, v3;
	v28 =	vperm.xlane v23, v3  }
0xfa: {  	v58 =	vld [tilespmem:s6+$0x400];
	v29 =	vperm.xlane v24, v3  }
0xfb: {  	s23 =	sor.u32 s16, s7;
	v59 =	vld [tilespmem:s6+$0x410];
	v25 =	vadd.f32 v27, v25;
	v27 =	vperm.xlane v26, v3;
	v23 =	vadd.f32 v28, v23  }
0xfc: {  	s5 =	sor.u32 $0x380, s23;
	v60 =	vld [tilespmem:s6+$0xC410];
	v24 =	vadd.f32 v29, v24  }
0xfd: {  	v61 =	vld [tilespmem:s5+$0xC100];
	v28 =	vperm.xlane v25, v4;
	v26 =	vadd.f32 v27, v26;
	v29 =	vperm.xlane v23, v4  }
0xfe: {  	v37 =	vimm.f32 $0.0e+00;
	v62 =	vld [tilespmem:s6+$0xC490];
	v30 =	vperm.xlane v24, v4  }
0xff: {  	v41 =	vld [tilespmem:s5+$0x100];
	v25 =	vadd.f32 v28, v25;
	v28 =	vperm.xlane v26, v4;
	v23 =	vadd.f32 v29, v23  }
0x100: {  	v34 =	vimm.f32 $0.0e+00;
	v36 =	vimm.f32 $0.0e+00;
	v27 =	vld [tilespmem:s6+$0xC400];
	v24 =	vadd.f32 v30, v24  }
0x101: {  	v42 =	vld [tilespmem:s6+$0x490];
	v29 =	vperm.xlane v25, v5;
	v26 =	vadd.f32 v28, v26;
	v31 =	vperm.xlane v23, v5  }
0x102: {  	v35 =	vimm.f32 $0.0e+00;
	v39 =	vimm.f32 $0.0e+00;
	v33 =	vld [tilespmem:s6+$0x6400];
	v28 =	vperm.xlane v24, v5  }
0x103: {  	v57 =	vld [tilespmem:s6+$0x6410];
	v30 =	vadd.f32 v29, v25;
	v29 =	vadd.f32 v31, v23;
	v23 =	vperm.xlane v26, v5  }
0x104: {  	v38 =	vimm.f32 $0.0e+00;
	v43 =	vld [tilespmem:s5+$0x6100];
	v63 =	vmul.f32 v60, v59;
	v44 =	vmul.f32 v61, v41  }
0x105: {  	v41 =	vld [tilespmem:s6+$0x6490];
	v25 =	vadd.f32 v28, v24;
	v26 =	vadd.f32 v23, v26;
	v23 =	vmul.f32 v27, v58  }
0x106: {  	v40 =	vimm.f32 $0.0e+00;
	v42 =	vmul.f32 v62, v42;
	v32 =	vperm.xlane v30, v6  }
0x107: {  	v28 =	vperm.xlane v25, v6;
	v31 =	vperm.xlane v29, v6;
	v24 =	vadd.f32 v33, v23  }
0x108: {  	s11 =	simm.s32 $0x0;
	s16 =	simm.s32 $0x100;
	v27 =	vperm.xlane v26, v6;
	v23 =	vadd.f32 v57, v63;
	v33 =	vimm.f32 $0.0e+00  }
.LBB2_10:
0x109: {  	s20 =	sand.u32 $0x1C00, s16;
	v43 =	vadd.f32 v43, v44;
	[tilespmem:s6+$0x12400] =	vst v24;
	v39 =	vadd.f32 v24, v39;
	v24 =	vmul.f32 v24, v24;
	s7 =	sadd.s32 $0x20, s7  }
0x10a: {  	s23 =	sand.u32 $0x60, s7;
	s20 =	sadd.s32 s2, s20;
	v41 =	vadd.f32 v41, v42;
	[tilespmem:s6+$0x12410] =	vst v23;
	v37 =	vadd.f32 v23, v37;
	v23 =	vmul.f32 v23, v23  }
0x10b: {  	s23 =	sor.u32 s23, s20;
	[tilespmem:s5+$0x12100] =	vst v43;
	v40 =	vadd.f32 v24, v40;
	v38 =	vadd.f32 v43, v38;
	v24 =	vmul.f32 v43, v43  }
0x10c: {  	v42 =	vld [tilespmem:s23+$0x6400];
	[tilespmem:s6+$0x12490] =	vst v41;
	v36 =	vadd.f32 v23, v36;
	v35 =	vadd.f32 v41, v35;
	v23 =	vmul.f32 v41, v41;
	s6 =	smov.u32 s23  }
0x10d: {  	v45 =	vld [tilespmem:s6+$0x6410];
	v34 =	vadd.f32 v24, v34  }
0x10e: {  	v24 =	vld [tilespmem:s6+$0xC400];
	v33 =	vadd.f32 v23, v33  }
0x10f: {  	s11 =	sadd.s32 $0x2, s11;
	v23 =	vld [tilespmem:s6+$0x400]  }
0x110: {  	p1 =	slt.u32 s11, $0x2E;
	s5 =	sor.u32 s20, s7;
	v44 =	vld [tilespmem:s6+$0x410]  }
0x111: {  	s5 =	sor.u32 $0x380, s5;
	v46 =	vld [tilespmem:s6+$0xC410]  }
0x112: {  	v47 =	vld [tilespmem:s5+$0xC100]  }
0x113: {  	v48 =	vld [tilespmem:s6+$0xC490]  }
0x114: {  	v49 =	vld [tilespmem:s5+$0x100]  }
0x115: {  	v50 =	vld [tilespmem:s6+$0x490]  }
.Ltmp3:
0x116: {  	v43 =	vld [tilespmem:s5+$0x6100];
	(pc) =	sbr.rel @p1 .LBB2_10-.Ltmp3, $4  }
0x117: {  	v23 =	vmul.f32 v24, v23;
	v41 =	vld [tilespmem:s6+$0x6490]  }
0x118: {  	v46 =	vmul.f32 v46, v44  }
0x119: {  	v24 =	vadd.f32 v42, v23;
	v44 =	vmul.f32 v47, v49  }
0x11a: {  	s16 =	sadd.s32 $0x100, s16;
	v23 =	vadd.f32 v45, v46;
	v42 =	vmul.f32 v48, v50  }
0x11b: {  	v7 =	vadd.f32 v11, v7  }
0x11c: {  	v8 =	vadd.f32 v13, v8  }
0x11d: {  	v10 =	vadd.f32 v14, v10;
	v7 =	vmul.f32 $1.302083370e-03, v7  }
0x11e: {  	v11 =	vmul.f32 $1.302083370e-03, v8  }
0x11f: {  	v9 =	vadd.f32 v12, v9;
	v8 =	vmul.f32 $1.302083370e-03, v10;
	v13 =	vmul.f32 v7, v7;
	_ =	sdelay $0x1  }
0x120: {  	v9 =	vmul.f32 $1.302083370e-03, v9;
	v10 =	vsub.f32 v11, v13;
	v11 =	vmul.f32 v8, v8;
	_ =	sdelay $0x1  }
0x121: {  	v10 =	vadd.f32 $9.999999960e-13, v10;
	v9 =	vsub.f32 v9, v11;
	_ =	sdelay $0x1  }
0x122: {  	v11 =	vshrl.u32 v10, $0x1;
	v12 =	vmul.f32 $5.000000000e-01, v10;
	v9 =	vadd.f32 $9.999999960e-13, v9  }
0x123: {  	v10 =	vsub.s32 $0x5F3759DF, v11  }
0x124: {  	v11 =	vmul.f32 v10, v12;
	v13 =	vshrl.u32 v9, $0x1;
	v14 =	vmul.f32 $5.000000000e-01, v9  }
0x125: {  	v13 =	vsub.s32 $0x5F3759DF, v13  }
0x126: {  	v9 =	vmul.f32 v10, v11;
	v11 =	vmul.f32 v13, v14;
	_ =	sdelay $0x1  }
0x127: {  	v9 =	vsub.f32 $1.500000000e+00, v9;
	v11 =	vmul.f32 v13, v11  }
0x128: {  	v22 =	vadd.f32 v22, v20;
	v20 =	vadd.f32 v43, v44  }
0x129: {  	v59 =	vmul.f32 v24, v24;
	v10 =	vmul.f32 v10, v9;
	v11 =	vsub.f32 $1.500000000e+00, v11  }
0x12a: {  	v21 =	vadd.f32 v21, v19;
	v16 =	vadd.f32 v18, v16;
	v9 =	vmul.f32 $1.302083370e-03, v22  }
0x12b: {  	v15 =	vadd.f32 v17, v15;
	v60 =	vmul.f32 v10, v12;
	v11 =	vmul.f32 v13, v11  }
0x12c: {  	v30 =	vadd.f32 v32, v30;
	v13 =	vmul.f32 $1.302083370e-03, v21;
	v21 =	vmul.f32 v9, v9  }
0x12d: {  	v19 =	vadd.f32 v41, v42;
	v22 =	vadd.f32 v24, v39;
	v39 =	vmul.f32 v60, v10  }
0x12e: {  	v37 =	vadd.f32 v23, v37;
	v61 =	vmul.f32 v11, v14;
	v13 =	vsub.f32 v13, v21  }
0x12f: {  	v40 =	vadd.f32 v59, v40;
	v18 =	vmul.f32 v20, v20;
	v39 =	vsub.f32 $1.500000000e+00, v39  }
0x130: {  	v15 =	vmul.f32 $1.302083370e-03, v15;
	v41 =	vmul.f32 v61, v11;
	v13 =	vadd.f32 $9.999999960e-13, v13  }
0x131: {  	v38 =	vadd.f32 v20, v38;
	v39 =	vmul.f32 v39, v10;
	v10 =	vmul.f32 $1.302083370e-03, v16  }
0x132: {  	v16 =	vsub.f32 $1.500000000e+00, v41;
	v17 =	vshrl.u32 v13, $0x1;
	v62 =	vmul.f32 $5.000000000e-01, v13  }
0x133: {  	v63 =	vmul.f32 v19, v19;
	v13 =	vsub.s32 $0x5F3759DF, v17;
	v17 =	vmul.f32 v10, v10  }
0x134: {  	v18 =	vadd.f32 v18, v34;
	v16 =	vmul.f32 v16, v11;
	v11 =	vmul.f32 v13, v62  }
0x135: {  	v21 =	vmul.f32 v23, v23;
	v12 =	vmul.f32 v39, v12;
	v15 =	vsub.f32 v15, v17  }
0x136: {  	v33 =	vadd.f32 v63, v33;
	v14 =	vmul.f32 v16, v14;
	v11 =	vmul.f32 v13, v11  }
0x137: {  	v21 =	vadd.f32 v21, v36;
	v12 =	vmul.f32 v12, v39;
	v15 =	vadd.f32 $9.999999960e-13, v15  }
0x138: {  	v17 =	vadd.f32 v19, v35;
	v14 =	vmul.f32 v14, v16;
	v11 =	vsub.f32 $1.500000000e+00, v11  }
0x139: {  	v12 =	vsub.f32 $1.500000000e+00, v12;
	v36 =	vshrl.u32 v15, $0x1;
	v42 =	vmul.f32 $5.000000000e-01, v15  }
0x13a: {  	v14 =	vsub.f32 $1.500000000e+00, v14;
	v13 =	vmul.f32 v13, v11;
	v15 =	vsub.s32 $0x5F3759DF, v36  }
0x13b: {  	v22 =	vadd.f32 v37, v22;
	v11 =	vmul.f32 v12, v39;
	v34 =	vmul.f32 v15, v42  }
0x13c: {  	v12 =	vmul.f32 v14, v16;
	v14 =	vmul.f32 v13, v62;
	v16 =	vadd.f32 v17, v38  }
0x13d: {  	v43 =	vperm.xlane v22, v3;
	v21 =	vadd.f32 v21, v40;
	v17 =	vmul.f32 v15, v34  }
0x13e: {  	v18 =	vadd.f32 v33, v18;
	v14 =	vmul.f32 v14, v13;
	v44 =	vperm.xlane v16, v3  }
0x13f: {  	v22 =	vadd.f32 v43, v22;
	v45 =	vperm.xlane v21, v3;
	v17 =	vsub.f32 $1.500000000e+00, v17  }
0x140: {  	v46 =	vperm.xlane v18, v3;
	v14 =	vsub.f32 $1.500000000e+00, v14;
	v16 =	vadd.f32 v44, v16  }
0x141: {  	v21 =	vadd.f32 v45, v21;
	v47 =	vmul.f32 v15, v17;
	v15 =	vperm.xlane v22, v4  }
0x142: {  	v17 =	vmul.f32 v14, v13;
	v13 =	vperm.xlane v16, v4;
	v14 =	vadd.f32 v46, v18  }
0x143: {  	v29 =	vadd.f32 v31, v29;
	v15 =	vadd.f32 v15, v22;
	v22 =	vperm.xlane v21, v4  }
0x144: {  	v25 =	vadd.f32 v28, v25;
	v16 =	vadd.f32 v13, v16;
	v48 =	vperm.xlane v14, v4  }
0x145: {  	v26 =	vadd.f32 v27, v26;
	v31 =	vperm.xlane v15, v5;
	v21 =	vadd.f32 v22, v21  }
0x146: {  	v29 =	vmul.f32 $1.302083370e-03, v29;
	v22 =	vperm.xlane v16, v5;
	v14 =	vadd.f32 v48, v14  }
0x147: {  	v13 =	vmul.f32 $1.302083370e-03, v30;
	v15 =	vadd.f32 v31, v15;
	v30 =	vperm.xlane v21, v5  }
0x148: {  	v26 =	vmul.f32 $1.302083370e-03, v26;
	v16 =	vadd.f32 v22, v16;
	v22 =	vperm.xlane v14, v5  }
0x149: {  	v18 =	vmul.f32 v47, v42;
	v28 =	vperm.xlane v15, v6;
	v21 =	vadd.f32 v30, v21  }
0x14a: {  	v27 =	vperm.xlane v16, v6;
	v22 =	vadd.f32 v22, v14;
	v14 =	vmul.f32 $1.302083370e-03, v25  }
0x14b: {  	v31 =	vmul.f32 v13, v13;
	v15 =	vadd.f32 v28, v15;
	v25 =	vperm.xlane v21, v6  }
0x14c: {  	v16 =	vadd.f32 v27, v16;
	v27 =	vperm.xlane v22, v6;
	v28 =	vmul.f32 v14, v14  }
0x14d: {  	v15 =	vmul.f32 $1.302083370e-03, v15;
	v21 =	vadd.f32 v25, v21;
	v25 =	vsub.f32 v29, v31  }
0x14e: {  	v16 =	vmul.f32 $1.302083370e-03, v16;
	v22 =	vadd.f32 v27, v22;
	v26 =	vsub.f32 v26, v28  }
0x14f: {  	v21 =	vmul.f32 $1.302083370e-03, v21;
	v27 =	vmul.f32 v15, v15;
	v25 =	vadd.f32 $9.999999960e-13, v25  }
0x150: {  	v22 =	vmul.f32 $1.302083370e-03, v22;
	v28 =	vmul.f32 v16, v16;
	v26 =	vadd.f32 $9.999999960e-13, v26  }
0x151: {  	v18 =	vmul.f32 v18, v47;
	v21 =	vsub.f32 v21, v27;
	v27 =	vshrl.u32 v25, $0x1  }
0x152: {  	v25 =	vmul.f32 $5.000000000e-01, v25;
	v22 =	vsub.f32 v22, v28;
	v28 =	vshrl.u32 v26, $0x1  }
0x153: {  	s2 =	smul.u32 $0x6000, s31;
	[tilespmem:s6+$0x12400] =	vst v24;
	s31 =	simm.s32 $0x0;
	v26 =	vmul.f32 $5.000000000e-01, v26;
	v27 =	vsub.s32 $0x5F3759DF, v27;
	v21 =	vadd.f32 $9.999999960e-13, v21  }
0x154: {  	[tilespmem:s6+$0x12410] =	vst v23;
	s7 =	sand.u32 $0x60, s31;
	v28 =	vsub.s32 $0x5F3759DF, v28;
	v29 =	vmul.f32 v27, v25;
	v22 =	vadd.f32 $9.999999960e-13, v22  }
0x155: {  	s8 =	sand.u32 $0x380, s31;
	[tilespmem:s5+$0x12100] =	vst v20;
	s16 =	sor.u32 $0x10, s7;
	v49 =	vmul.f32 v28, v26;
	v30 =	vshrl.u32 v21, $0x1;
	v21 =	vmul.f32 $5.000000000e-01, v21  }
0x156: {  	[tilespmem:s6+$0x12490] =	vst v19;
	s23 =	sor.u32 s8, s16;
	v31 =	vshrl.u32 v22, $0x1;
	v22 =	vmul.f32 $5.000000000e-01, v22;
	v30 =	vsub.s32 $0x5F3759DF, v30  }
0x157: {  	v57 =	vld [tilespmem:s23+$0x18100];
	v29 =	vmul.f32 v27, v29;
	v31 =	vsub.s32 $0x5F3759DF, v31;
	v50 =	vmul.f32 v30, v21  }
0x158: {  	v32 =	vmul.f32 v28, v49;
	v51 =	vmul.f32 v31, v22  }
0x159: {  	v18 =	vsub.f32 $1.500000000e+00, v18;
	v29 =	vsub.f32 $1.500000000e+00, v29;
	v33 =	vmul.f32 v30, v50  }
0x15a: {  	v32 =	vsub.f32 $1.500000000e+00, v32;
	v34 =	vmul.f32 v31, v51  }
0x15b: {  	v36 =	vmul.f32 v18, v47;
	v18 =	vmul.f32 v27, v29;
	v33 =	vsub.f32 $1.500000000e+00, v33  }
0x15c: {  	v41 =	vmul.f32 v57, v11;
	v28 =	vmul.f32 v28, v32;
	v27 =	vsub.f32 $1.500000000e+00, v34  }
0x15d: {  	v29 =	vmul.f32 v30, v33;
	v30 =	vmul.f32 v18, v25  }
0x15e: {  	v27 =	vmul.f32 v31, v27;
	v31 =	vmul.f32 v28, v26  }
0x15f: {  	v53 =	vmul.f32 v29, v21;
	v30 =	vmul.f32 v30, v18  }
0x160: {  	v54 =	vmul.f32 v27, v22;
	v31 =	vmul.f32 v31, v28  }
0x161: {  	v52 =	vmul.f32 v17, v62;
	v32 =	vmul.f32 v53, v29;
	v30 =	vsub.f32 $1.500000000e+00, v30  }
0x162: {  	v55 =	vmul.f32 v36, v42;
	v33 =	vmul.f32 v54, v27;
	v31 =	vsub.f32 $1.500000000e+00, v31  }
0x163: {  	s2 =	sshra.s32 s2, $0x2;
	v56 =	vmul.f32 v52, v17;
	v32 =	vsub.f32 $1.500000000e+00, v32;
	v30 =	vmul.f32 v30, v18  }
0x164: {  	s11 =	sand.u32 $0x1C00, s31;
	s5 =	sadd.s32 $0x12100, s2;
	v34 =	vmul.f32 v55, v36;
	v18 =	vsub.f32 $1.500000000e+00, v33;
	v24 =	vmul.f32 v31, v28  }
0x165: {  	s0 =	simm.s32 $0x18100;
	s20 =	sadd.s32 s11, s5;
	v28 =	vmul.f32 v32, v29;
	v23 =	vmul.f32 v30, v25  }
0x166: {  	s6 =	sadd.s32 s7, s20;
	v31 =	vld [tilespmem:s0+$0x0];
	v25 =	vmul.f32 v18, v27;
	v18 =	vmul.f32 v24, v26  }
0x167: {  	v60 =	vld [tilespmem:s6+$0x100];
	v20 =	vmul.f32 v28, v21;
	v19 =	vmul.f32 v23, v30  }
0x168: {  	v62 =	vld [tilespmem:s6+$0x180];
	v21 =	vmul.f32 v25, v22;
	v22 =	vsub.f32 $1.500000000e+00, v56;
	v23 =	vmul.f32 v18, v24  }
0x169: {  	v52 =	vld [tilespmem:s6+$0x300];
	v26 =	vsub.f32 $1.500000000e+00, v34;
	v20 =	vmul.f32 v20, v28;
	v27 =	vsub.f32 $1.500000000e+00, v19  }
0x16a: {  	v49 =	vld [tilespmem:s6+$0x200];
	v29 =	vmul.f32 v21, v25;
	v18 =	vmul.f32 v22, v17;
	v17 =	vsub.f32 $1.500000000e+00, v23  }
0x16b: {  	v53 =	vld [tilespmem:s6+$0x380];
	v58 =	vmul.f32 v31, v12;
	v19 =	vmul.f32 v26, v36;
	v23 =	vsub.f32 $1.500000000e+00, v20  }
0x16c: {  	s2 =	sadd.s32 s16, s20;
	v51 =	vld [tilespmem:s6+$0x280];
	v20 =	vmul.f32 v27, v30;
	v26 =	vsub.f32 $1.500000000e+00, v29;
	v22 =	vmul.f32 v17, v24  }
0x16d: {  	v27 =	vld [tilespmem:s2+$0x380];
	v59 =	vmul.f32 v31, v18;
	v36 =	vmul.f32 v31, v19  }
0x16e: {  	v35 =	vsub.f32 v60, v9;
	v30 =	vmul.f32 v57, v12;
	v24 =	vmul.f32 v26, v25;
	v25 =	vld [tilespmem:s6+$0x80]  }
0x16f: {  	s1 =	simm.s32 $0x18400;
	v55 =	vsub.f32 v62, v10;
	v29 =	vld [tilespmem:s6+$0x0];
	v23 =	vmul.f32 v23, v28;
	v26 =	vmul.f32 v31, v11  }
0x170: {  	v62 =	vsub.f32 v53, v16;
	v21 =	vld [tilespmem:s1+$0x0];
	v61 =	vmul.f32 v31, v20;
	v28 =	vmul.f32 v57, v18  }
0x171: {  	v56 =	vsub.f32 v49, v13;
	v54 =	vmul.f32 v31, v22;
	v34 =	vmul.f32 v35, v59  }
0x172: {  	v35 =	vmul.f32 v55, v36;
	v59 =	vsub.f32 v51, v14;
	v48 =	vmul.f32 v57, v24  }
0x173: {  	v17 =	vld [tilespmem:s23+$0x18400];
	v37 =	vmul.f32 v56, v61;
	v61 =	vsub.f32 v52, v15;
	v45 =	vsub.f32 v25, v8  }
0x174: {  	v63 =	vsub.f32 v27, v16;
	v50 =	vsub.f32 v29, v7;
	v29 =	vmul.f32 v57, v19  }
0x175: {  	v46 =	vld [tilespmem:s2+$0x0];
	v35 =	vadd.f32 v35, v21;
	v27 =	vmul.f32 v57, v20;
	v33 =	vmul.f32 v45, v58  }
0x176: {  	v47 =	vld [tilespmem:s2+$0x80];
	v37 =	vadd.f32 v37, v21;
	v25 =	vmul.f32 v57, v22;
	v39 =	vmul.f32 v63, v48  }
0x177: {  	v60 =	vld [tilespmem:s2+$0x100];
	[tilespmem:s6+$0x180] =	vst v35;
	v43 =	vmul.f32 v50, v26;
	v26 =	vmul.f32 v57, v23;
	v33 =	vadd.f32 v33, v21  }
0x178: {  	v57 =	vmul.f32 v31, v23;
	[tilespmem:s6+$0x200] =	vst v37;
	v39 =	vadd.f32 v39, v17;
	v58 =	vadd.f32 v34, v21;
	v34 =	vld [tilespmem:s2+$0x180]  }
0x179: {  	v36 =	vmul.f32 v59, v54;
	v31 =	vmul.f32 v31, v24;
	v43 =	vadd.f32 v43, v21;
	[tilespmem:s6+$0x80] =	vst v33;
	v33 =	vld [tilespmem:s2+$0x200]  }
0x17a: {  	v32 =	vld [tilespmem:s2+$0x280];
	v63 =	vsub.f32 v46, v7;
	v42 =	vmul.f32 v61, v57;
	[tilespmem:s2+$0x380] =	vst v39  }
0x17b: {  	s11 =	simm.s32 $0x18120;
	v40 =	vsub.f32 v47, v8;
	v38 =	vadd.f32 v36, v21;
	[tilespmem:s6+$0x0] =	vst v43;
	v39 =	vmul.f32 v62, v31;
	v31 =	vld [tilespmem:s2+$0x300]  }
0x17c: {  	s7 =	simm.s32 $0x0;
	s20 =	simm.s32 $0x20;
	s16 =	simm.s32 $0x18420;
	v37 =	vsub.f32 v60, v9;
	v36 =	vmul.f32 v63, v41;
	[tilespmem:s6+$0x100] =	vst v58;
	v35 =	vadd.f32 v42, v21  }
.LBB2_12:
0x17d: {  	s23 =	sand.u32 $0x60, s20;
	v41 =	vld [tilespmem:s11+$0x0];
	s0 =	sand.u32 $0x380, s20;
	[tilespmem:s6+$0x280] =	vst v38;
	v38 =	vadd.f32 v39, v21;
	v30 =	vmul.f32 v40, v30;
	v34 =	vsub.f32 v34, v10;
	s31 =	sadd.s32 $0x100, s31  }
0x17e: {  	s7 =	sadd.s32 $0x2, s7;
	s1 =	sand.u32 $0x1C00, s31;
	s8 =	sor.u32 $0x10, s23;
	[tilespmem:s6+$0x300] =	vst v35;
	v35 =	vadd.f32 v36, v17;
	v28 =	vmul.f32 v37, v28;
	v33 =	vsub.f32 v33, v13  }
0x17f: {  	p1 =	slt.u32 s7, $0x2E;
	v21 =	vld [tilespmem:s16+$0x0];
	s1 =	sadd.s32 s1, s5;
	s0 =	sor.u32 s0, s8;
	[tilespmem:s6+$0x380] =	vst v38;
	v30 =	vadd.f32 v30, v17;
	v29 =	vmul.f32 v34, v29;
	v32 =	vsub.f32 v32, v14  }
0x180: {  	s6 =	sadd.s32 s23, s1;
	v34 =	vld [tilespmem:s0+$0x18100];
	s1 =	sadd.s32 s8, s1;
	[tilespmem:s2+$0x0] =	vst v35;
	v28 =	vadd.f32 v28, v17;
	v27 =	vmul.f32 v33, v27;
	v31 =	vsub.f32 v31, v15  }
0x181: {  	v33 =	vld [tilespmem:s1+$0x380];
	[tilespmem:s2+$0x80] =	vst v30;
	v29 =	vadd.f32 v29, v17;
	v25 =	vmul.f32 v32, v25  }
0x182: {  	v32 =	vld [tilespmem:s6+$0x0];
	v35 =	vmul.f32 v41, v11;
	[tilespmem:s2+$0x100] =	vst v28;
	v27 =	vadd.f32 v27, v17;
	v26 =	vmul.f32 v31, v26  }
0x183: {  	v36 =	vmul.f32 v41, v12;
	v37 =	vmul.f32 v41, v18;
	v31 =	vld [tilespmem:s6+$0x80];
	[tilespmem:s2+$0x180] =	vst v29;
	v25 =	vadd.f32 v25, v17  }
0x184: {  	v39 =	vmul.f32 v41, v19;
	v40 =	vmul.f32 v41, v20;
	v38 =	vld [tilespmem:s6+$0x100];
	[tilespmem:s2+$0x200] =	vst v27;
	v26 =	vadd.f32 v26, v17  }
0x185: {  	v17 =	vld [tilespmem:s0+$0x18400];
	v42 =	vmul.f32 v34, v11;
	v30 =	vmul.f32 v34, v12;
	[tilespmem:s2+$0x280] =	vst v25  }
0x186: {  	v28 =	vmul.f32 v34, v18;
	v44 =	vmul.f32 v34, v24;
	v43 =	vld [tilespmem:s6+$0x180];
	v33 =	vsub.f32 v33, v16;
	[tilespmem:s2+$0x300] =	vst v26;
	s2 =	smov.u32 s1  }
0x187: {  	v29 =	vmul.f32 v34, v19;
	v27 =	vmul.f32 v34, v20;
	v26 =	vsub.f32 v32, v7;
	v32 =	vld [tilespmem:s6+$0x200]  }
0x188: {  	v25 =	vmul.f32 v34, v22;
	v31 =	vsub.f32 v31, v8;
	v45 =	vld [tilespmem:s6+$0x280];
	v33 =	vmul.f32 v33, v44  }
0x189: {  	v35 =	vmul.f32 v26, v35;
	v38 =	vsub.f32 v38, v9;
	v44 =	vld [tilespmem:s6+$0x300];
	v26 =	vmul.f32 v34, v23  }
0x18a: {  	v31 =	vmul.f32 v31, v36;
	v36 =	vmul.f32 v41, v22;
	v46 =	vld [tilespmem:s6+$0x380];
	v33 =	vadd.f32 v33, v17  }
0x18b: {  	v34 =	vadd.f32 v35, v21;
	v35 =	vmul.f32 v38, v37;
	v37 =	vsub.f32 v43, v10;
	v38 =	vld [tilespmem:s2+$0x0]  }
0x18c: {  	v43 =	vmul.f32 v41, v23;
	v31 =	vadd.f32 v31, v21;
	v32 =	vsub.f32 v32, v13;
	v47 =	vld [tilespmem:s2+$0x80];
	[tilespmem:s2+$0x380] =	vst v33  }
0x18d: {  	[tilespmem:s6+$0x0] =	vst v34;
	v33 =	vadd.f32 v35, v21;
	v35 =	vmul.f32 v37, v39;
	v37 =	vsub.f32 v45, v14;
	v45 =	vld [tilespmem:s2+$0x100]  }
.Ltmp4:
0x18e: {  	v39 =	vmul.f32 v41, v24;
	[tilespmem:s6+$0x80] =	vst v31;
	v31 =	vmul.f32 v32, v40;
	v32 =	vsub.f32 v44, v15;
	v34 =	vld [tilespmem:s2+$0x180];
	(pc) =	sbr.rel @p1 .LBB2_12-.Ltmp4, $4  }
0x18f: {  	[tilespmem:s6+$0x100] =	vst v33;
	v35 =	vadd.f32 v35, v21;
	v36 =	vmul.f32 v37, v36;
	v37 =	vsub.f32 v46, v16;
	v33 =	vld [tilespmem:s2+$0x200]  }
0x190: {  	v41 =	vadd.f32 v31, v21;
	v43 =	vmul.f32 v32, v43;
	v44 =	vsub.f32 v38, v7;
	v32 =	vld [tilespmem:s2+$0x280]  }
0x191: {  	[tilespmem:s6+$0x180] =	vst v35;
	v38 =	vadd.f32 v36, v21;
	v39 =	vmul.f32 v37, v39;
	v40 =	vsub.f32 v47, v8;
	v31 =	vld [tilespmem:s2+$0x300]  }
0x192: {  	s20 =	sadd.s32 $0x20, s20;
	s11 =	sadd.s32 $0x20, s11;
	s16 =	sadd.s32 $0x20, s16;
	[tilespmem:s6+$0x200] =	vst v41;
	v35 =	vadd.f32 v43, v21;
	v36 =	vmul.f32 v44, v42;
	v37 =	vsub.f32 v45, v9  }
0x193: {  	[tilespmem:s6+$0x280] =	vst v38;
	v7 =	vadd.f32 v39, v21;
	v8 =	vmul.f32 v40, v30;
	v9 =	vsub.f32 v34, v10  }
0x194: {  	[tilespmem:s6+$0x300] =	vst v35;
	v57 =	vadd.f32 v36, v17;
	v11 =	vmul.f32 v37, v28;
	v12 =	vsub.f32 v33, v13  }
0x195: {  	[tilespmem:s6+$0x380] =	vst v7;
	v7 =	vadd.f32 v8, v17;
	v8 =	vmul.f32 v9, v29;
	v58 =	vsub.f32 v32, v14  }
0x196: {  	[tilespmem:s2+$0x0] =	vst v57;
	v59 =	vadd.f32 v11, v17;
	v60 =	vmul.f32 v12, v27;
	v61 =	vsub.f32 v31, v15  }
0x197: {  	[tilespmem:s2+$0x80] =	vst v7;
	v7 =	vadd.f32 v8, v17;
	v8 =	vmul.f32 v58, v25  }
.Ltmp5:
0x198: {  	[tilespmem:s2+$0x100] =	vst v59;
	v62 =	vadd.f32 v60, v17;
	v63 =	vmul.f32 v61, v26;
	(pc) =	sbr.rel @p0 .LBB2_3-.Ltmp5, $4  }
0x199: {  	[tilespmem:s2+$0x180] =	vst v7;
	v7 =	vadd.f32 v8, v17  }
0x19a: {  	[tilespmem:s2+$0x200] =	vst v62;
	v8 =	vadd.f32 v63, v17  }
0x19b: {  	[tilespmem:s2+$0x280] =	vst v7  }
0x19c: {  	s31 =	simm.s32 $0x1;
	p1 =	por $0x0, $0x0;
	[tilespmem:s2+$0x300] =	vst v8  }
0x19d: {  	s0 =	sshrl.u32 s29, $0x3  }
0x19e: {  	s0 =	smul.u32 $0x300, s0  }
0x19f: {  	s1 =	rddreg [dreg:$0x6]  }
0x1a0: {  	s23 =	simm.s32 $0x12100;
	s0 =	sadd.s32 s1, s0  }
0x1a1: {  	[hbm4b:s0+s9] =	stream.linear.scatter [tilespmem:s23], [sflag:$0x3], $0x3000, $0x38;
	[tilespmem:$0x18700] =	vst v63  }
0x1a2: {  	_ =	swait.ge [sflag:s19], $0x3000  }
0x1a3: {  	[sflag:s19] =	ssyncset.done $0x0  }
0x1a4: {  	[sflag:s19] =	ssyncadd.s32 $0xFFFFD000  }
0x1a5: {  	_ =	swait.ge [sflag:s19], $0x3000  }
0x1a6: {  	[sflag:s19] =	ssyncset.done $0x0  }
0x1a7: {  	[sflag:s19] =	ssyncadd.s32 $0xFFFFD000  }
0x1a8: {  	_ =	swait.ge [sflag:s19], $0x3000  }
0x1a9: {  	p0 =	seq.s32 s25, $0x1F;
	s0 =	rddreg [dreg:$0xb]  }
0x1aa: {  	s0 =	sadd.s32 @!p0 s28, s0  }
0x1ab: {  	[sflag:s19] =	ssyncset.done $0x0;
	s0 =	sshrl.u32 @!p0 s0, $0x3  }
0x1ac: {  	s2 =	simm.s32 @!p0 $0x0;
	[sflag:s19] =	ssyncadd.s32 $0xFFFFD000;
	s1 =	sadd.s32 @!p0 s17, s0  }
0x1ad: {  	[tilespmem:s2], [sflag:$0x5] =	stream.linear.gather @!p0 [hbm4b:s1+s2], $0x10, $0x38;
	[tilespmem:$0x18700] =	vst v63  }
0x1ae: {  	s1 =	simm.s32 @!p0 $0x5  }
0x1af: {  	_ =	swait.ge @!p0 [sflag:s1], $0x10  }
0x1b0: {  	[sflag:s1] =	ssyncset.done @!p0 $0x0  }
0x1b1: {  	[sflag:s1] =	ssyncadd.s32 @!p0 $0xFFFFFFF0  }
0x1b2: {  	v7 =	vld @!p0 [tilespmem:$0x0];
	_ =	sdelay $0x4  }
0x1b3: {  	v8 =	vshrl.u32 @!p0 v7, $0x3  }
0x1b4: {  	v8 =	vmul.u32 @!p0 $0x30, v8  }
0x1b5: {  	v9 =	vlaneseq.u32 @!p0;
	v7 =	vand.u32 @!p0 $0x7, v7  }
0x1b6: {  	v10 =	vshrl.u32 @!p0 v9, $0x3;
	v7 =	vor.u32 @!p0 v7, v8;
	v8 =	vand.u32 @!p0 $0x7, v9  }
0x1b7: {  	v10 =	vmul.u32 @!p0 $0x8, v10;
	v11 =	vperm.xlane @!p0 v7, v8;
	_ =	sdelay $0x1  }
0x1b8: {  	v11 =	vadd.s32 @!p0 v10, v11;
	_ =	sdelay $0x2  }
0x1b9: {  	v9 =	vor.u32 @!p0 $0x8, v9  }
0x1ba: {  	vm1 =	vmmov @!p0 $0xffff;
	s1 =	simm.s32 @!p0 $0x100;
	v7 =	vperm.xlane @!p0 v7, v9  }
0x1bb: {  	[tilespmem:s1], [sflag:$0x1] =	stream.indirect_vreg.gather @!p0 [hbm4b:s3+s2], $0x80, v11, vm1, $0xb8;
	[tilespmem:$0x18700] =	vst v63  }
0x1bc: {  	v7 =	vadd.s32 @!p0 v10, v7;
	s1 =	simm.s32 @!p0 $0x900  }
0x1bd: {  	[tilespmem:s1], [sflag:$0x1] =	stream.indirect_vreg.gather @!p0 [hbm4b:s12+s2], $0x80, v11, vm1, $0xb8;
	[tilespmem:$0x18700] =	vst v63  }
0x1be: {  	s1 =	simm.s32 @!p0 $0x1100  }
0x1bf: {  	[tilespmem:s1], [sflag:$0x1] =	stream.indirect_vreg.gather @!p0 [hbm4b:s13+s2], $0x80, v11, vm1, $0xb8;
	[tilespmem:$0x18700] =	vst v63  }
0x1c0: {  	s1 =	simm.s32 @!p0 $0x1900  }
0x1c1: {  	[tilespmem:s1], [sflag:$0x1] =	stream.indirect_vreg.gather @!p0 [hbm4b:s3+s2], $0x80, v7, vm1, $0xb8;
	[tilespmem:$0x18700] =	vst v63  }
0x1c2: {  	s1 =	simm.s32 @!p0 $0x2100  }
0x1c3: {  	[tilespmem:s1], [sflag:$0x1] =	stream.indirect_vreg.gather @!p0 [hbm4b:s12+s2], $0x80, v7, vm1, $0xb8;
	[tilespmem:$0x18700] =	vst v63  }
0x1c4: {  	s1 =	simm.s32 @!p0 $0x2900  }
0x1c5: {  	[tilespmem:s1], [sflag:$0x1] =	stream.indirect_vreg.gather @!p0 [hbm4b:s13+s2], $0x80, v7, vm1, $0xb8;
	[tilespmem:$0x18700] =	vst v63  }
0x1c6: {  	v7 =	vld @!p0 [tilespmem:$0x0];
	_ =	sdelay $0x4  }
0x1c7: {  	v11 =	vshrl.u32 @!p0 v7, $0x3  }
0x1c8: {  	v11 =	vmul.u32 @!p0 $0x30, v11  }
0x1c9: {  	v7 =	vand.u32 @!p0 $0x7, v7  }
0x1ca: {  	v7 =	vor.u32 @!p0 v7, v11  }
0x1cb: {  	v8 =	vperm.xlane @!p0 v7, v8;
	_ =	sdelay $0x1  }
0x1cc: {  	v8 =	vadd.s32 @!p0 v10, v8;
	_ =	sdelay $0x3  }
0x1cd: {  	s1 =	simm.s32 @!p0 $0x6100;
	v7 =	vperm.xlane @!p0 v7, v9  }
0x1ce: {  	[tilespmem:s1], [sflag:$0x1] =	stream.indirect_vreg.gather @!p0 [hbm4b:s4+s2], $0x80, v8, vm1, $0xb8;
	[tilespmem:$0x18700] =	vst v63  }
0x1cf: {  	v7 =	vadd.s32 @!p0 v10, v7;
	s1 =	simm.s32 @!p0 $0x6900  }
0x1d0: {  	[tilespmem:s1], [sflag:$0x1] =	stream.indirect_vreg.gather @!p0 [hbm4b:s14+s2], $0x80, v8, vm1, $0xb8;
	[tilespmem:$0x18700] =	vst v63  }
0x1d1: {  	s1 =	simm.s32 @!p0 $0x7100  }
0x1d2: {  	[tilespmem:s1], [sflag:$0x1] =	stream.indirect_vreg.gather @!p0 [hbm4b:s15+s2], $0x80, v8, vm1, $0xb8;
	[tilespmem:$0x18700] =	vst v63  }
0x1d3: {  	s1 =	simm.s32 @!p0 $0x7900  }
0x1d4: {  	[tilespmem:s1], [sflag:$0x1] =	stream.indirect_vreg.gather @!p0 [hbm4b:s4+s2], $0x80, v7, vm1, $0xb8;
	[tilespmem:$0x18700] =	vst v63  }
0x1d5: {  	s1 =	simm.s32 @!p0 $0x8100  }
0x1d6: {  	[tilespmem:s1], [sflag:$0x1] =	stream.indirect_vreg.gather @!p0 [hbm4b:s14+s2], $0x80, v7, vm1, $0xb8;
	[tilespmem:$0x18700] =	vst v63  }
0x1d7: {  	s0 =	smul.u32 @!p0 $0x300, s0;
	s1 =	simm.s32 @!p0 $0x8900  }
0x1d8: {  	[tilespmem:s1], [sflag:$0x1] =	stream.indirect_vreg.gather @!p0 [hbm4b:s15+s2], $0x80, v7, vm1, $0xb8;
	[tilespmem:$0x18700] =	vst v63  }
0x1d9: {  	p1 =	seq.s32 @!p0 s25, $0x0;
	s0 =	sadd.s32 @!p0 s10, s0;
	s1 =	simm.s32 @!p0 $0xC100  }
0x1da: {  	[tilespmem:s1], [sflag:$0x1] =	stream.linear.gather @!p0 [hbm4b:s0+s2], $0x3000, $0x38;
	[tilespmem:$0x18700] =	vst v63  }
0x1db: {  	p0 =	por p0, !p1  }
0x1dc: {  	s31 =	smov.u32 s17;
	_ =	swait.ge @p0 [sflag:s24], $0x3000  }
0x1dd: {  	s30 =	smov.u32 s10;
	s29 =	simm.s32 $0x0;
	[sflag:s24] =	ssyncset.done @p0 $0x0  }
0x1de: {  	s28 =	simm.s32 $0x0;
	p1 =	por $0x1, $0x1;
	[sflag:s24] =	ssyncadd.s32 @p0 $0xFFFFD000  }
.LBB2_15:
0x1df: {  	s0 =	smul.u32 $0x1800, s29;
	_ =	sdelay $0x1  }
0x1e0: {  	s23 =	sand.u32 $0x1C00, s28;
	s2 =	sadd.s32 $0x3000, s0  }
0x1e1: {  	s1 =	sand.u32 $0x60, s28;
	s0 =	sadd.s32 s23, s2  }
0x1e2: {  	s5 =	sor.u32 s1, s0  }
0x1e3: {  	v7 =	vld [tilespmem:s5+$0x190]  }
0x1e4: {  	v8 =	vld [tilespmem:s5+$0xC190]  }
0x1e5: {  	v9 =	vld [tilespmem:s5+$0x6190]  }
0x1e6: {  	v15 =	vld [tilespmem:s5+$0x100]  }
0x1e7: {  	v17 =	vld [tilespmem:s5+$0xC100]  }
0x1e8: {  	v11 =	vimm.f32 $0.0e+00;
	v16 =	vld [tilespmem:s5+$0x110]  }
0x1e9: {  	v10 =	vimm.f32 $0.0e+00;
	v12 =	vimm.f32 $0.0e+00;
	v18 =	vld [tilespmem:s5+$0xC110];
	v8 =	vmul.f32 v8, v7  }
0x1ea: {  	p0 =	por p1, p1;
	v13 =	vimm.f32 $0.0e+00;
	v14 =	vimm.f32 $0.0e+00;
	v19 =	vld [tilespmem:s5+$0x180];
	v7 =	vimm.f32 $0.0e+00  }
0x1eb: {  	s6 =	simm.s32 $0x0;
	s7 =	simm.s32 $0x100;
	s11 =	simm.s32 $0x0;
	v21 =	vld [tilespmem:s5+$0xC180];
	v20 =	vadd.f32 v9, v8;
	v8 =	vimm.f32 $0.0e+00;
	v9 =	vimm.f32 $0.0e+00  }
.LBB2_16:
0x1ec: {  	s0 =	sand.u32 $0x1C00, s7;
	v17 =	vmul.f32 v17, v15;
	v22 =	vld [tilespmem:s5+$0x6100];
	s11 =	sadd.s32 $0x20, s11  }
0x1ed: {  	s6 =	sadd.s32 $0x2, s6;
	s1 =	sand.u32 $0x60, s11;
	s0 =	sadd.s32 s0, s2;
	v23 =	vld [tilespmem:s5+$0x6110];
	[tilespmem:s5+$0x12190] =	vst v20;
	v7 =	vadd.f32 v20, v7;
	v15 =	vmul.f32 v20, v20  }
0x1ee: {  	p1 =	slt.u32 s6, $0x2E;
	s0 =	sor.u32 s1, s0;
	v16 =	vmul.f32 v18, v16;
	v18 =	vld [tilespmem:s5+$0x6180]  }
0x1ef: {  	v20 =	vld [tilespmem:s0+$0x190];
	v8 =	vadd.f32 v15, v8  }
0x1f0: {  	v24 =	vld [tilespmem:s0+$0xC190];
	v19 =	vmul.f32 v21, v19  }
0x1f1: {  	v15 =	vld [tilespmem:s0+$0x100];
	v21 =	vadd.f32 v22, v17  }
0x1f2: {  	v22 =	vld [tilespmem:s0+$0x6190];
	v23 =	vadd.f32 v23, v16  }
.Ltmp6:
0x1f3: {  	v17 =	vld [tilespmem:s0+$0xC100];
	v25 =	vadd.f32 v18, v19;
	[tilespmem:s5+$0x12100] =	vst v21;
	v11 =	vadd.f32 v21, v11;
	v19 =	vmul.f32 v21, v21;
	(pc) =	sbr.rel @p1 .LBB2_16-.Ltmp6, $4  }
0x1f4: {  	v16 =	vld [tilespmem:s0+$0x110];
	[tilespmem:s5+$0x12110] =	vst v23;
	v9 =	vadd.f32 v23, v9;
	v21 =	vmul.f32 v23, v23  }
0x1f5: {  	v18 =	vld [tilespmem:s0+$0xC110];
	v20 =	vmul.f32 v24, v20;
	[tilespmem:s5+$0x12180] =	vst v25;
	v10 =	vadd.f32 v19, v10;
	v23 =	vmul.f32 v25, v25;
	s5 =	smov.u32 s0  }
0x1f6: {  	v13 =	vadd.f32 v25, v13;
	v19 =	vld [tilespmem:s5+$0x180];
	v12 =	vadd.f32 v21, v12  }
0x1f7: {  	s7 =	sadd.s32 $0x100, s7;
	v21 =	vld [tilespmem:s5+$0xC180];
	v20 =	vadd.f32 v22, v20;
	v14 =	vadd.f32 v23, v14  }
0x1f8: {  	v22 =	vld [tilespmem:s5+$0x6100]  }
0x1f9: {  	v23 =	vld [tilespmem:s5+$0x6110]  }
0x1fa: {  	v24 =	vld [tilespmem:s5+$0x6180]  }
0x1fb: {  	v15 =	vmul.f32 v17, v15  }
0x1fc: {  	v16 =	vmul.f32 v18, v16  }
0x1fd: {  	v17 =	vmul.f32 v21, v19;
	v15 =	vadd.f32 v22, v15  }
0x1fe: {  	v18 =	vmul.f32 v20, v20;
	v16 =	vadd.f32 v23, v16  }
0x1ff: {  	v7 =	vadd.f32 v20, v7;
	v17 =	vadd.f32 v24, v17;
	v19 =	vmul.f32 v15, v15  }
0x200: {  	v8 =	vadd.f32 v18, v8;
	v11 =	vadd.f32 v15, v11;
	v18 =	vmul.f32 v16, v16  }
0x201: {  	v9 =	vadd.f32 v16, v9;
	v10 =	vadd.f32 v19, v10;
	v19 =	vmul.f32 v17, v17  }
0x202: {  	v13 =	vadd.f32 v17, v13;
	v12 =	vadd.f32 v18, v12  }
0x203: {  	v9 =	vadd.f32 v9, v11;
	v14 =	vadd.f32 v19, v14  }
0x204: {  	v10 =	vadd.f32 v12, v10  }
0x205: {  	v7 =	vadd.f32 v7, v13;
	v11 =	vperm.xlane v9, v3;
	v8 =	vadd.f32 v8, v14  }
0x206: {  	v12 =	vperm.xlane v10, v3  }
0x207: {  	v9 =	vadd.f32 v11, v9;
	v11 =	vperm.xlane v7, v3;
	v13 =	vperm.xlane v8, v3  }
0x208: {  	s6 =	simm.s32 $0x0;
	[tilespmem:s5+$0x12190] =	vst v20;
	v10 =	vadd.f32 v12, v10  }
0x209: {  	s0 =	sand.u32 $0x1C00, s6;
	[tilespmem:s5+$0x12100] =	vst v15;
	v12 =	vperm.xlane v9, v4;
	v7 =	vadd.f32 v11, v7;
	v8 =	vadd.f32 v13, v8  }
0x20a: {  	s1 =	sand.u32 $0x60, s6;
	s0 =	sadd.s32 s0, s2;
	[tilespmem:s5+$0x12110] =	vst v16;
	v11 =	vperm.xlane v10, v4  }
0x20b: {  	[tilespmem:s5+$0x12180] =	vst v17;
	s5 =	sor.u32 s1, s0;
	v9 =	vadd.f32 v12, v9;
	v12 =	vperm.xlane v7, v4;
	v13 =	vperm.xlane v8, v4  }
0x20c: {  	v15 =	vld [tilespmem:s5+$0xC290];
	v10 =	vadd.f32 v11, v10  }
0x20d: {  	v14 =	vld [tilespmem:s5+$0x290];
	v11 =	vperm.xlane v9, v5;
	v12 =	vadd.f32 v12, v7;
	v13 =	vadd.f32 v13, v8  }
0x20e: {  	v20 =	vimm.f32 $0.0e+00;
	v21 =	vimm.f32 $0.0e+00;
	v17 =	vld [tilespmem:s5+$0x6290];
	v8 =	vperm.xlane v10, v5  }
0x20f: {  	v23 =	vld [tilespmem:s5+$0x200];
	v7 =	vadd.f32 v11, v9;
	v9 =	vperm.xlane v12, v5;
	v16 =	vperm.xlane v13, v5  }
0x210: {  	v22 =	vimm.f32 $0.0e+00;
	v25 =	vld [tilespmem:s5+$0xC200];
	v18 =	vimm.f32 $0.0e+00;
	v8 =	vadd.f32 v8, v10  }
0x211: {  	v24 =	vld [tilespmem:s5+$0x210];
	v11 =	vperm.xlane v7, v6;
	v10 =	vadd.f32 v9, v12;
	v9 =	vadd.f32 v16, v13  }
0x212: {  	v26 =	vld [tilespmem:s5+$0xC210];
	v19 =	vimm.f32 $0.0e+00;
	v13 =	vperm.xlane v8, v6;
	v16 =	vmul.f32 v15, v14  }
0x213: {  	v27 =	vld [tilespmem:s5+$0x280];
	v14 =	vperm.xlane v10, v6;
	v15 =	vimm.f32 $0.0e+00;
	v12 =	vperm.xlane v9, v6  }
0x214: {  	s7 =	simm.s32 $0x0;
	s11 =	simm.s32 $0x100;
	v28 =	vld [tilespmem:s5+$0xC280];
	v29 =	vadd.f32 v17, v16;
	v16 =	vimm.f32 $0.0e+00;
	v17 =	vimm.f32 $0.0e+00  }
.LBB2_18:
0x215: {  	s0 =	sand.u32 $0x1C00, s11;
	v25 =	vmul.f32 v25, v23;
	v30 =	vld [tilespmem:s5+$0x6200];
	s6 =	sadd.s32 $0x20, s6  }
0x216: {  	s7 =	sadd.s32 $0x2, s7;
	s1 =	sand.u32 $0x60, s6;
	s0 =	sadd.s32 s0, s2;
	v31 =	vld [tilespmem:s5+$0x6210];
	[tilespmem:s5+$0x12290] =	vst v29;
	v15 =	vadd.f32 v29, v15;
	v23 =	vmul.f32 v29, v29  }
0x217: {  	p1 =	slt.u32 s7, $0x2E;
	s0 =	sor.u32 s1, s0;
	v24 =	vmul.f32 v26, v24;
	v26 =	vld [tilespmem:s5+$0x6280]  }
0x218: {  	v29 =	vld [tilespmem:s0+$0x290];
	v16 =	vadd.f32 v23, v16  }
0x219: {  	v32 =	vld [tilespmem:s0+$0xC290];
	v27 =	vmul.f32 v28, v27  }
0x21a: {  	v23 =	vld [tilespmem:s0+$0x200];
	v28 =	vadd.f32 v30, v25  }
0x21b: {  	v30 =	vld [tilespmem:s0+$0x6290];
	v31 =	vadd.f32 v31, v24  }
.Ltmp7:
0x21c: {  	v25 =	vld [tilespmem:s0+$0xC200];
	v33 =	vadd.f32 v26, v27;
	[tilespmem:s5+$0x12200] =	vst v28;
	v19 =	vadd.f32 v28, v19;
	v27 =	vmul.f32 v28, v28;
	(pc) =	sbr.rel @p1 .LBB2_18-.Ltmp7, $4  }
0x21d: {  	v24 =	vld [tilespmem:s0+$0x210];
	[tilespmem:s5+$0x12210] =	vst v31;
	v17 =	vadd.f32 v31, v17;
	v28 =	vmul.f32 v31, v31  }
0x21e: {  	v26 =	vld [tilespmem:s0+$0xC210];
	v29 =	vmul.f32 v32, v29;
	[tilespmem:s5+$0x12280] =	vst v33;
	v18 =	vadd.f32 v27, v18;
	v31 =	vmul.f32 v33, v33;
	s5 =	smov.u32 s0  }
0x21f: {  	v21 =	vadd.f32 v33, v21;
	v27 =	vld [tilespmem:s5+$0x280];
	v20 =	vadd.f32 v28, v20  }
0x220: {  	s11 =	sadd.s32 $0x100, s11;
	v28 =	vld [tilespmem:s5+$0xC280];
	v29 =	vadd.f32 v30, v29;
	v22 =	vadd.f32 v31, v22  }
0x221: {  	v30 =	vld [tilespmem:s5+$0x6200]  }
0x222: {  	v31 =	vld [tilespmem:s5+$0x6210]  }
0x223: {  	v32 =	vld [tilespmem:s5+$0x6280]  }
0x224: {  	v23 =	vmul.f32 v25, v23  }
0x225: {  	v24 =	vmul.f32 v26, v24  }
0x226: {  	v25 =	vmul.f32 v28, v27;
	v23 =	vadd.f32 v30, v23  }
0x227: {  	v26 =	vmul.f32 v29, v29;
	v24 =	vadd.f32 v31, v24  }
0x228: {  	v15 =	vadd.f32 v29, v15;
	v25 =	vadd.f32 v32, v25;
	v27 =	vmul.f32 v23, v23  }
0x229: {  	v16 =	vadd.f32 v26, v16;
	v19 =	vadd.f32 v23, v19;
	v26 =	vmul.f32 v24, v24  }
0x22a: {  	v17 =	vadd.f32 v24, v17;
	v18 =	vadd.f32 v27, v18;
	v27 =	vmul.f32 v25, v25  }
0x22b: {  	v21 =	vadd.f32 v25, v21;
	v20 =	vadd.f32 v26, v20  }
0x22c: {  	v17 =	vadd.f32 v17, v19;
	v22 =	vadd.f32 v27, v22  }
0x22d: {  	s6 =	simm.s32 $0x0;
	[tilespmem:s5+$0x12290] =	vst v29;
	v18 =	vadd.f32 v20, v18  }
0x22e: {  	s0 =	sand.u32 $0x1C00, s6;
	[tilespmem:s5+$0x12200] =	vst v23;
	v15 =	vadd.f32 v15, v21;
	v19 =	vperm.xlane v17, v3;
	v16 =	vadd.f32 v16, v22  }
0x22f: {  	s1 =	sand.u32 $0x60, s6;
	s0 =	sadd.s32 s0, s2;
	[tilespmem:s5+$0x12210] =	vst v24;
	v20 =	vperm.xlane v18, v3  }
0x230: {  	[tilespmem:s5+$0x12280] =	vst v25;
	s5 =	sor.u32 s1, s0;
	v17 =	vadd.f32 v19, v17;
	v19 =	vperm.xlane v15, v3;
	v21 =	vperm.xlane v16, v3  }
0x231: {  	v23 =	vld [tilespmem:s5+$0x390];
	v18 =	vadd.f32 v20, v18  }
0x232: {  	v24 =	vld [tilespmem:s5+$0xC390];
	v20 =	vperm.xlane v17, v4;
	v15 =	vadd.f32 v19, v15;
	v16 =	vadd.f32 v21, v16  }
0x233: {  	v29 =	vimm.f32 $0.0e+00;
	v19 =	vperm.xlane v18, v4  }
0x234: {  	v26 =	vld [tilespmem:s5+$0x6390];
	v17 =	vadd.f32 v20, v17;
	v20 =	vperm.xlane v15, v4;
	v21 =	vperm.xlane v16, v4  }
0x235: {  	v28 =	vimm.f32 $0.0e+00;
	v30 =	vimm.f32 $0.0e+00;
	v18 =	vadd.f32 v19, v18  }
0x236: {  	v19 =	vperm.xlane v17, v5;
	v15 =	vadd.f32 v20, v15;
	v21 =	vadd.f32 v21, v16  }
0x237: {  	v31 =	vld [tilespmem:s5+$0x300];
	v27 =	vimm.f32 $0.0e+00;
	v23 =	vmul.f32 v24, v23;
	v16 =	vperm.xlane v18, v5  }
0x238: {  	v33 =	vld [tilespmem:s5+$0xC300];
	v20 =	vadd.f32 v19, v17;
	v17 =	vperm.xlane v15, v5;
	v25 =	vperm.xlane v21, v5  }
0x239: {  	v32 =	vld [tilespmem:s5+$0x310];
	v24 =	vimm.f32 $0.0e+00;
	v37 =	vadd.f32 v26, v23;
	v19 =	vadd.f32 v16, v18  }
0x23a: {  	v34 =	vld [tilespmem:s5+$0xC310];
	v26 =	vimm.f32 $0.0e+00;
	v16 =	vadd.f32 v17, v15;
	v15 =	vadd.f32 v25, v21  }
0x23b: {  	v35 =	vld [tilespmem:s5+$0x380];
	v23 =	vimm.f32 $0.0e+00;
	v22 =	vperm.xlane v20, v6;
	v21 =	vperm.xlane v19, v6  }
0x23c: {  	s7 =	simm.s32 $0x0;
	s11 =	simm.s32 $0x100;
	v36 =	vld [tilespmem:s5+$0xC380];
	v18 =	vperm.xlane v16, v6;
	v25 =	vimm.f32 $0.0e+00;
	v17 =	vperm.xlane v15, v6  }
.LBB2_20:
0x23d: {  	s0 =	sand.u32 $0x1C00, s11;
	v33 =	vmul.f32 v33, v31;
	v38 =	vld [tilespmem:s5+$0x6300];
	s6 =	sadd.s32 $0x20, s6  }
0x23e: {  	s7 =	sadd.s32 $0x2, s7;
	s1 =	sand.u32 $0x60, s6;
	s0 =	sadd.s32 s0, s2;
	v39 =	vld [tilespmem:s5+$0x6310];
	[tilespmem:s5+$0x12390] =	vst v37;
	v24 =	vadd.f32 v37, v24;
	v31 =	vmul.f32 v37, v37  }
0x23f: {  	p1 =	slt.u32 s7, $0x2E;
	s0 =	sor.u32 s1, s0;
	v32 =	vmul.f32 v34, v32;
	v34 =	vld [tilespmem:s5+$0x6380]  }
0x240: {  	v37 =	vld [tilespmem:s0+$0x390];
	v27 =	vadd.f32 v31, v27  }
0x241: {  	v40 =	vld [tilespmem:s0+$0xC390];
	v35 =	vmul.f32 v36, v35  }
0x242: {  	v31 =	vld [tilespmem:s0+$0x300];
	v36 =	vadd.f32 v38, v33  }
0x243: {  	v38 =	vld [tilespmem:s0+$0x6390];
	v39 =	vadd.f32 v39, v32  }
.Ltmp8:
0x244: {  	v33 =	vld [tilespmem:s0+$0xC300];
	v41 =	vadd.f32 v34, v35;
	[tilespmem:s5+$0x12300] =	vst v36;
	v25 =	vadd.f32 v36, v25;
	v35 =	vmul.f32 v36, v36;
	(pc) =	sbr.rel @p1 .LBB2_20-.Ltmp8, $4  }
0x245: {  	v32 =	vld [tilespmem:s0+$0x310];
	[tilespmem:s5+$0x12310] =	vst v39;
	v26 =	vadd.f32 v39, v26;
	v36 =	vmul.f32 v39, v39  }
0x246: {  	v34 =	vld [tilespmem:s0+$0xC310];
	v37 =	vmul.f32 v40, v37;
	[tilespmem:s5+$0x12380] =	vst v41;
	v23 =	vadd.f32 v35, v23;
	v39 =	vmul.f32 v41, v41;
	s5 =	smov.u32 s0  }
0x247: {  	v29 =	vadd.f32 v41, v29;
	v35 =	vld [tilespmem:s5+$0x380];
	v28 =	vadd.f32 v36, v28  }
0x248: {  	s11 =	sadd.s32 $0x100, s11;
	v36 =	vld [tilespmem:s5+$0xC380];
	v37 =	vadd.f32 v38, v37;
	v30 =	vadd.f32 v39, v30  }
0x249: {  	v38 =	vld [tilespmem:s5+$0x6300]  }
0x24a: {  	v39 =	vld [tilespmem:s5+$0x6310];
	_ =	sdelay $0x1  }
0x24b: {  	v40 =	vld [tilespmem:s5+$0x6380]  }
0x24c: {  	v31 =	vmul.f32 v33, v31;
	v32 =	vmul.f32 v34, v32  }
0x24d: {  	v53 =	vmul.f32 v37, v37  }
0x24e: {  	v52 =	vmul.f32 v36, v35;
	v31 =	vadd.f32 v38, v31;
	v32 =	vadd.f32 v39, v32  }
0x24f: {  	v24 =	vadd.f32 v37, v24;
	v27 =	vadd.f32 v53, v27  }
0x250: {  	v33 =	vadd.f32 v40, v52;
	v54 =	vmul.f32 v31, v31;
	v55 =	vmul.f32 v32, v32  }
0x251: {  	v25 =	vadd.f32 v31, v25;
	v26 =	vadd.f32 v32, v26  }
0x252: {  	v56 =	vmul.f32 v33, v33;
	v23 =	vadd.f32 v54, v23;
	v28 =	vadd.f32 v55, v28  }
0x253: {  	s7 =	simm.s32 $0x0;
	[tilespmem:s5+$0x12390] =	vst v37;
	v29 =	vadd.f32 v33, v29;
	v25 =	vadd.f32 v26, v25  }
0x254: {  	s0 =	sand.u32 $0x1C00, s7;
	[tilespmem:s5+$0x12300] =	vst v31;
	v30 =	vadd.f32 v56, v30;
	v23 =	vadd.f32 v28, v23  }
0x255: {  	s1 =	sand.u32 $0x60, s7;
	s0 =	sadd.s32 s0, s2;
	[tilespmem:s5+$0x12310] =	vst v32;
	v24 =	vadd.f32 v24, v29  }
0x256: {  	s6 =	sor.u32 s1, s0;
	[tilespmem:s5+$0x12380] =	vst v33;
	v26 =	vadd.f32 v27, v30;
	v27 =	vperm.xlane v25, v3;
	v28 =	vperm.xlane v23, v3  }
0x257: {  	v58 =	vld [tilespmem:s6+$0x400];
	v29 =	vperm.xlane v24, v3  }
0x258: {  	s0 =	sor.u32 s0, s7;
	v59 =	vld [tilespmem:s6+$0x410];
	v25 =	vadd.f32 v27, v25;
	v27 =	vperm.xlane v26, v3;
	v23 =	vadd.f32 v28, v23  }
0x259: {  	s5 =	sor.u32 $0x380, s0;
	v60 =	vld [tilespmem:s6+$0xC410];
	v24 =	vadd.f32 v29, v24  }
0x25a: {  	v61 =	vld [tilespmem:s5+$0xC100];
	v28 =	vperm.xlane v25, v4;
	v26 =	vadd.f32 v27, v26;
	v29 =	vperm.xlane v23, v4  }
0x25b: {  	v37 =	vimm.f32 $0.0e+00;
	v62 =	vld [tilespmem:s6+$0xC490];
	v30 =	vperm.xlane v24, v4  }
0x25c: {  	v41 =	vld [tilespmem:s5+$0x100];
	v25 =	vadd.f32 v28, v25;
	v28 =	vperm.xlane v26, v4;
	v23 =	vadd.f32 v29, v23  }
0x25d: {  	v34 =	vimm.f32 $0.0e+00;
	v36 =	vimm.f32 $0.0e+00;
	v27 =	vld [tilespmem:s6+$0xC400];
	v24 =	vadd.f32 v30, v24  }
0x25e: {  	v42 =	vld [tilespmem:s6+$0x490];
	v29 =	vperm.xlane v25, v5;
	v26 =	vadd.f32 v28, v26;
	v31 =	vperm.xlane v23, v5  }
0x25f: {  	v35 =	vimm.f32 $0.0e+00;
	v39 =	vimm.f32 $0.0e+00;
	v33 =	vld [tilespmem:s6+$0x6400];
	v28 =	vperm.xlane v24, v5  }
0x260: {  	v57 =	vld [tilespmem:s6+$0x6410];
	v30 =	vadd.f32 v29, v25;
	v29 =	vadd.f32 v31, v23;
	v23 =	vperm.xlane v26, v5  }
0x261: {  	v38 =	vimm.f32 $0.0e+00;
	v43 =	vld [tilespmem:s5+$0x6100];
	v63 =	vmul.f32 v60, v59;
	v44 =	vmul.f32 v61, v41  }
0x262: {  	v41 =	vld [tilespmem:s6+$0x6490];
	v25 =	vadd.f32 v28, v24;
	v26 =	vadd.f32 v23, v26;
	v23 =	vmul.f32 v27, v58  }
0x263: {  	v40 =	vimm.f32 $0.0e+00;
	v42 =	vmul.f32 v62, v42;
	v32 =	vperm.xlane v30, v6  }
0x264: {  	v28 =	vperm.xlane v25, v6;
	v31 =	vperm.xlane v29, v6;
	v24 =	vadd.f32 v33, v23  }
0x265: {  	s11 =	simm.s32 $0x0;
	s16 =	simm.s32 $0x100;
	v27 =	vperm.xlane v26, v6;
	v23 =	vadd.f32 v57, v63;
	v33 =	vimm.f32 $0.0e+00  }
.LBB2_22:
0x266: {  	s0 =	sand.u32 $0x1C00, s16;
	v43 =	vadd.f32 v43, v44;
	[tilespmem:s6+$0x12400] =	vst v24;
	v39 =	vadd.f32 v24, v39;
	v24 =	vmul.f32 v24, v24;
	s7 =	sadd.s32 $0x20, s7  }
0x267: {  	s1 =	sand.u32 $0x60, s7;
	s0 =	sadd.s32 s0, s2;
	v41 =	vadd.f32 v41, v42;
	[tilespmem:s6+$0x12410] =	vst v23;
	v37 =	vadd.f32 v23, v37;
	v23 =	vmul.f32 v23, v23  }
0x268: {  	s1 =	sor.u32 s1, s0;
	[tilespmem:s5+$0x12100] =	vst v43;
	v40 =	vadd.f32 v24, v40;
	v38 =	vadd.f32 v43, v38;
	v24 =	vmul.f32 v43, v43  }
0x269: {  	v42 =	vld [tilespmem:s1+$0x6400];
	[tilespmem:s6+$0x12490] =	vst v41;
	v36 =	vadd.f32 v23, v36;
	v35 =	vadd.f32 v41, v35;
	v23 =	vmul.f32 v41, v41;
	s6 =	smov.u32 s1  }
0x26a: {  	v45 =	vld [tilespmem:s6+$0x6410];
	v34 =	vadd.f32 v24, v34  }
0x26b: {  	v24 =	vld [tilespmem:s6+$0xC400];
	v33 =	vadd.f32 v23, v33  }
0x26c: {  	s11 =	sadd.s32 $0x2, s11;
	v23 =	vld [tilespmem:s6+$0x400]  }
0x26d: {  	p1 =	slt.u32 s11, $0x2E;
	s0 =	sor.u32 s0, s7;
	v44 =	vld [tilespmem:s6+$0x410]  }
0x26e: {  	s5 =	sor.u32 $0x380, s0;
	v46 =	vld [tilespmem:s6+$0xC410]  }
0x26f: {  	v47 =	vld [tilespmem:s5+$0xC100]  }
0x270: {  	v48 =	vld [tilespmem:s6+$0xC490]  }
0x271: {  	v49 =	vld [tilespmem:s5+$0x100]  }
0x272: {  	v50 =	vld [tilespmem:s6+$0x490]  }
.Ltmp9:
0x273: {  	v43 =	vld [tilespmem:s5+$0x6100];
	(pc) =	sbr.rel @p1 .LBB2_22-.Ltmp9, $4  }
0x274: {  	v23 =	vmul.f32 v24, v23;
	v41 =	vld [tilespmem:s6+$0x6490]  }
0x275: {  	v46 =	vmul.f32 v46, v44  }
0x276: {  	v24 =	vadd.f32 v42, v23;
	v44 =	vmul.f32 v47, v49  }
0x277: {  	s16 =	sadd.s32 $0x100, s16;
	v23 =	vadd.f32 v45, v46;
	v42 =	vmul.f32 v48, v50  }
0x278: {  	v7 =	vadd.f32 v11, v7  }
0x279: {  	v8 =	vadd.f32 v13, v8  }
0x27a: {  	v10 =	vadd.f32 v14, v10;
	v7 =	vmul.f32 $1.302083370e-03, v7  }
0x27b: {  	v11 =	vmul.f32 $1.302083370e-03, v8  }
0x27c: {  	v9 =	vadd.f32 v12, v9;
	v8 =	vmul.f32 $1.302083370e-03, v10;
	v13 =	vmul.f32 v7, v7;
	_ =	sdelay $0x1  }
0x27d: {  	v9 =	vmul.f32 $1.302083370e-03, v9;
	v10 =	vsub.f32 v11, v13;
	v11 =	vmul.f32 v8, v8;
	_ =	sdelay $0x1  }
0x27e: {  	v10 =	vadd.f32 $9.999999960e-13, v10;
	v9 =	vsub.f32 v9, v11;
	_ =	sdelay $0x1  }
0x27f: {  	v11 =	vshrl.u32 v10, $0x1;
	v12 =	vmul.f32 $5.000000000e-01, v10;
	v9 =	vadd.f32 $9.999999960e-13, v9  }
0x280: {  	v10 =	vsub.s32 $0x5F3759DF, v11  }
0x281: {  	v11 =	vmul.f32 v10, v12;
	v13 =	vshrl.u32 v9, $0x1;
	v14 =	vmul.f32 $5.000000000e-01, v9  }
0x282: {  	v13 =	vsub.s32 $0x5F3759DF, v13  }
0x283: {  	v9 =	vmul.f32 v10, v11;
	v11 =	vmul.f32 v13, v14;
	_ =	sdelay $0x1  }
0x284: {  	v9 =	vsub.f32 $1.500000000e+00, v9;
	v11 =	vmul.f32 v13, v11  }
0x285: {  	v22 =	vadd.f32 v22, v20;
	v20 =	vadd.f32 v43, v44  }
0x286: {  	v59 =	vmul.f32 v24, v24;
	v10 =	vmul.f32 v10, v9;
	v11 =	vsub.f32 $1.500000000e+00, v11  }
0x287: {  	v21 =	vadd.f32 v21, v19;
	v16 =	vadd.f32 v18, v16;
	v9 =	vmul.f32 $1.302083370e-03, v22  }
0x288: {  	v15 =	vadd.f32 v17, v15;
	v60 =	vmul.f32 v10, v12;
	v11 =	vmul.f32 v13, v11  }
0x289: {  	v30 =	vadd.f32 v32, v30;
	v13 =	vmul.f32 $1.302083370e-03, v21;
	v21 =	vmul.f32 v9, v9  }
0x28a: {  	v19 =	vadd.f32 v41, v42;
	v22 =	vadd.f32 v24, v39;
	v39 =	vmul.f32 v60, v10  }
0x28b: {  	v37 =	vadd.f32 v23, v37;
	v61 =	vmul.f32 v11, v14;
	v13 =	vsub.f32 v13, v21  }
0x28c: {  	v40 =	vadd.f32 v59, v40;
	v18 =	vmul.f32 v20, v20;
	v39 =	vsub.f32 $1.500000000e+00, v39  }
0x28d: {  	v15 =	vmul.f32 $1.302083370e-03, v15;
	v41 =	vmul.f32 v61, v11;
	v13 =	vadd.f32 $9.999999960e-13, v13  }
0x28e: {  	v38 =	vadd.f32 v20, v38;
	v39 =	vmul.f32 v39, v10;
	v10 =	vmul.f32 $1.302083370e-03, v16  }
0x28f: {  	v16 =	vsub.f32 $1.500000000e+00, v41;
	v17 =	vshrl.u32 v13, $0x1;
	v62 =	vmul.f32 $5.000000000e-01, v13  }
0x290: {  	v63 =	vmul.f32 v19, v19;
	v13 =	vsub.s32 $0x5F3759DF, v17;
	v17 =	vmul.f32 v10, v10  }
0x291: {  	v18 =	vadd.f32 v18, v34;
	v16 =	vmul.f32 v16, v11;
	v11 =	vmul.f32 v13, v62  }
0x292: {  	v21 =	vmul.f32 v23, v23;
	v12 =	vmul.f32 v39, v12;
	v15 =	vsub.f32 v15, v17  }
0x293: {  	v33 =	vadd.f32 v63, v33;
	v14 =	vmul.f32 v16, v14;
	v11 =	vmul.f32 v13, v11  }
0x294: {  	v21 =	vadd.f32 v21, v36;
	v12 =	vmul.f32 v12, v39;
	v15 =	vadd.f32 $9.999999960e-13, v15  }
0x295: {  	v17 =	vadd.f32 v19, v35;
	v14 =	vmul.f32 v14, v16;
	v11 =	vsub.f32 $1.500000000e+00, v11  }
0x296: {  	v12 =	vsub.f32 $1.500000000e+00, v12;
	v36 =	vshrl.u32 v15, $0x1;
	v42 =	vmul.f32 $5.000000000e-01, v15  }
0x297: {  	v14 =	vsub.f32 $1.500000000e+00, v14;
	v13 =	vmul.f32 v13, v11;
	v15 =	vsub.s32 $0x5F3759DF, v36  }
0x298: {  	v22 =	vadd.f32 v37, v22;
	v11 =	vmul.f32 v12, v39;
	v34 =	vmul.f32 v15, v42  }
0x299: {  	v12 =	vmul.f32 v14, v16;
	v14 =	vmul.f32 v13, v62;
	v16 =	vadd.f32 v17, v38  }
0x29a: {  	v43 =	vperm.xlane v22, v3;
	v21 =	vadd.f32 v21, v40;
	v17 =	vmul.f32 v15, v34  }
0x29b: {  	v18 =	vadd.f32 v33, v18;
	v14 =	vmul.f32 v14, v13;
	v44 =	vperm.xlane v16, v3  }
0x29c: {  	v22 =	vadd.f32 v43, v22;
	v45 =	vperm.xlane v21, v3;
	v17 =	vsub.f32 $1.500000000e+00, v17  }
0x29d: {  	v46 =	vperm.xlane v18, v3;
	v14 =	vsub.f32 $1.500000000e+00, v14;
	v16 =	vadd.f32 v44, v16  }
0x29e: {  	v21 =	vadd.f32 v45, v21;
	v47 =	vmul.f32 v15, v17;
	v15 =	vperm.xlane v22, v4  }
0x29f: {  	v17 =	vmul.f32 v14, v13;
	v13 =	vperm.xlane v16, v4;
	v14 =	vadd.f32 v46, v18  }
0x2a0: {  	v29 =	vadd.f32 v31, v29;
	v15 =	vadd.f32 v15, v22;
	v22 =	vperm.xlane v21, v4  }
0x2a1: {  	v25 =	vadd.f32 v28, v25;
	v16 =	vadd.f32 v13, v16;
	v48 =	vperm.xlane v14, v4  }
0x2a2: {  	v26 =	vadd.f32 v27, v26;
	v31 =	vperm.xlane v15, v5;
	v21 =	vadd.f32 v22, v21  }
0x2a3: {  	v29 =	vmul.f32 $1.302083370e-03, v29;
	v22 =	vperm.xlane v16, v5;
	v14 =	vadd.f32 v48, v14  }
0x2a4: {  	v13 =	vmul.f32 $1.302083370e-03, v30;
	v15 =	vadd.f32 v31, v15;
	v30 =	vperm.xlane v21, v5  }
0x2a5: {  	v26 =	vmul.f32 $1.302083370e-03, v26;
	v16 =	vadd.f32 v22, v16;
	v22 =	vperm.xlane v14, v5  }
0x2a6: {  	v18 =	vmul.f32 v47, v42;
	v28 =	vperm.xlane v15, v6;
	v21 =	vadd.f32 v30, v21  }
0x2a7: {  	v27 =	vperm.xlane v16, v6;
	v22 =	vadd.f32 v22, v14;
	v14 =	vmul.f32 $1.302083370e-03, v25  }
0x2a8: {  	v31 =	vmul.f32 v13, v13;
	v15 =	vadd.f32 v28, v15;
	v25 =	vperm.xlane v21, v6  }
0x2a9: {  	v16 =	vadd.f32 v27, v16;
	v27 =	vperm.xlane v22, v6;
	v28 =	vmul.f32 v14, v14  }
0x2aa: {  	v15 =	vmul.f32 $1.302083370e-03, v15;
	v21 =	vadd.f32 v25, v21;
	v25 =	vsub.f32 v29, v31  }
0x2ab: {  	v16 =	vmul.f32 $1.302083370e-03, v16;
	v22 =	vadd.f32 v27, v22;
	v26 =	vsub.f32 v26, v28  }
0x2ac: {  	v21 =	vmul.f32 $1.302083370e-03, v21;
	v27 =	vmul.f32 v15, v15;
	v25 =	vadd.f32 $9.999999960e-13, v25  }
0x2ad: {  	v22 =	vmul.f32 $1.302083370e-03, v22;
	v28 =	vmul.f32 v16, v16;
	v26 =	vadd.f32 $9.999999960e-13, v26  }
0x2ae: {  	v18 =	vmul.f32 v18, v47;
	v21 =	vsub.f32 v21, v27;
	v27 =	vshrl.u32 v25, $0x1  }
0x2af: {  	v25 =	vmul.f32 $5.000000000e-01, v25;
	v22 =	vsub.f32 v22, v28;
	v28 =	vshrl.u32 v26, $0x1  }
0x2b0: {  	s0 =	smul.u32 $0x6000, s29;
	[tilespmem:s6+$0x12400] =	vst v24;
	s29 =	simm.s32 $0x0;
	v26 =	vmul.f32 $5.000000000e-01, v26;
	v27 =	vsub.s32 $0x5F3759DF, v27;
	v21 =	vadd.f32 $9.999999960e-13, v21  }
0x2b1: {  	[tilespmem:s6+$0x12410] =	vst v23;
	s17 =	sand.u32 $0x60, s29;
	v28 =	vsub.s32 $0x5F3759DF, v28;
	v29 =	vmul.f32 v27, v25;
	v22 =	vadd.f32 $9.999999960e-13, v22  }
0x2b2: {  	s20 =	sand.u32 $0x380, s29;
	s0 =	sshra.s32 s0, $0x2;
	[tilespmem:s5+$0x12100] =	vst v20;
	s7 =	sor.u32 $0x10, s17;
	v49 =	vmul.f32 v28, v26;
	v30 =	vshrl.u32 v21, $0x1;
	v21 =	vmul.f32 $5.000000000e-01, v21  }
0x2b3: {  	s5 =	sadd.s32 $0x15100, s0;
	[tilespmem:s6+$0x12490] =	vst v19;
	s0 =	sor.u32 s20, s7;
	v31 =	vshrl.u32 v22, $0x1;
	v22 =	vmul.f32 $5.000000000e-01, v22;
	v30 =	vsub.s32 $0x5F3759DF, v30  }
0x2b4: {  	v57 =	vld [tilespmem:s0+$0x18100];
	v29 =	vmul.f32 v27, v29;
	v31 =	vsub.s32 $0x5F3759DF, v31;
	v50 =	vmul.f32 v30, v21  }
0x2b5: {  	v32 =	vmul.f32 v28, v49;
	v51 =	vmul.f32 v31, v22  }
0x2b6: {  	v18 =	vsub.f32 $1.500000000e+00, v18;
	v29 =	vsub.f32 $1.500000000e+00, v29;
	v33 =	vmul.f32 v30, v50  }
0x2b7: {  	v32 =	vsub.f32 $1.500000000e+00, v32;
	v34 =	vmul.f32 v31, v51  }
0x2b8: {  	v36 =	vmul.f32 v18, v47;
	v18 =	vmul.f32 v27, v29;
	v33 =	vsub.f32 $1.500000000e+00, v33  }
0x2b9: {  	v41 =	vmul.f32 v57, v11;
	v28 =	vmul.f32 v28, v32;
	v27 =	vsub.f32 $1.500000000e+00, v34  }
0x2ba: {  	v29 =	vmul.f32 v30, v33;
	v30 =	vmul.f32 v18, v25  }
0x2bb: {  	v27 =	vmul.f32 v31, v27;
	v31 =	vmul.f32 v28, v26  }
0x2bc: {  	v53 =	vmul.f32 v29, v21;
	v30 =	vmul.f32 v30, v18  }
0x2bd: {  	v54 =	vmul.f32 v27, v22;
	v31 =	vmul.f32 v31, v28  }
0x2be: {  	v52 =	vmul.f32 v17, v62;
	v32 =	vmul.f32 v53, v29;
	v30 =	vsub.f32 $1.500000000e+00, v30  }
0x2bf: {  	v55 =	vmul.f32 v36, v42;
	v33 =	vmul.f32 v54, v27;
	v31 =	vsub.f32 $1.500000000e+00, v31  }
0x2c0: {  	v56 =	vmul.f32 v52, v17;
	v32 =	vsub.f32 $1.500000000e+00, v32;
	v30 =	vmul.f32 v30, v18  }
0x2c1: {  	s2 =	sand.u32 $0x1C00, s29;
	v34 =	vmul.f32 v55, v36;
	v18 =	vsub.f32 $1.500000000e+00, v33;
	v24 =	vmul.f32 v31, v28  }
0x2c2: {  	s16 =	simm.s32 $0x18100;
	s23 =	sadd.s32 s2, s5;
	v28 =	vmul.f32 v32, v29;
	v23 =	vmul.f32 v30, v25  }
0x2c3: {  	s6 =	sadd.s32 s17, s23;
	v31 =	vld [tilespmem:s16+$0x0];
	v25 =	vmul.f32 v18, v27;
	v18 =	vmul.f32 v24, v26  }
0x2c4: {  	v60 =	vld [tilespmem:s6+$0x100];
	v20 =	vmul.f32 v28, v21;
	v19 =	vmul.f32 v23, v30  }
0x2c5: {  	v62 =	vld [tilespmem:s6+$0x180];
	v21 =	vmul.f32 v25, v22;
	v22 =	vsub.f32 $1.500000000e+00, v56;
	v23 =	vmul.f32 v18, v24  }
0x2c6: {  	v52 =	vld [tilespmem:s6+$0x300];
	v26 =	vsub.f32 $1.500000000e+00, v34;
	v20 =	vmul.f32 v20, v28;
	v27 =	vsub.f32 $1.500000000e+00, v19  }
0x2c7: {  	v49 =	vld [tilespmem:s6+$0x200];
	v29 =	vmul.f32 v21, v25;
	v18 =	vmul.f32 v22, v17;
	v17 =	vsub.f32 $1.500000000e+00, v23  }
0x2c8: {  	v53 =	vld [tilespmem:s6+$0x380];
	v58 =	vmul.f32 v31, v12;
	v19 =	vmul.f32 v26, v36;
	v23 =	vsub.f32 $1.500000000e+00, v20  }
0x2c9: {  	s2 =	sadd.s32 s7, s23;
	v51 =	vld [tilespmem:s6+$0x280];
	v20 =	vmul.f32 v27, v30;
	v26 =	vsub.f32 $1.500000000e+00, v29;
	v22 =	vmul.f32 v17, v24  }
0x2ca: {  	v27 =	vld [tilespmem:s2+$0x380];
	v59 =	vmul.f32 v31, v18;
	v36 =	vmul.f32 v31, v19  }
0x2cb: {  	v35 =	vsub.f32 v60, v9;
	v30 =	vmul.f32 v57, v12;
	v24 =	vmul.f32 v26, v25;
	v25 =	vld [tilespmem:s6+$0x80]  }
0x2cc: {  	s1 =	simm.s32 $0x18400;
	v55 =	vsub.f32 v62, v10;
	v29 =	vld [tilespmem:s6+$0x0];
	v23 =	vmul.f32 v23, v28;
	v26 =	vmul.f32 v31, v11  }
0x2cd: {  	v62 =	vsub.f32 v53, v16;
	v21 =	vld [tilespmem:s1+$0x0];
	v61 =	vmul.f32 v31, v20;
	v28 =	vmul.f32 v57, v18  }
0x2ce: {  	v56 =	vsub.f32 v49, v13;
	v54 =	vmul.f32 v31, v22;
	v34 =	vmul.f32 v35, v59  }
0x2cf: {  	v35 =	vmul.f32 v55, v36;
	v59 =	vsub.f32 v51, v14;
	v48 =	vmul.f32 v57, v24  }
0x2d0: {  	v17 =	vld [tilespmem:s0+$0x18400];
	v37 =	vmul.f32 v56, v61;
	v61 =	vsub.f32 v52, v15;
	v45 =	vsub.f32 v25, v8  }
0x2d1: {  	v63 =	vsub.f32 v27, v16;
	v50 =	vsub.f32 v29, v7;
	v29 =	vmul.f32 v57, v19  }
0x2d2: {  	v46 =	vld [tilespmem:s2+$0x0];
	v35 =	vadd.f32 v35, v21;
	v27 =	vmul.f32 v57, v20;
	v33 =	vmul.f32 v45, v58  }
0x2d3: {  	v47 =	vld [tilespmem:s2+$0x80];
	v37 =	vadd.f32 v37, v21;
	v25 =	vmul.f32 v57, v22;
	v39 =	vmul.f32 v63, v48  }
0x2d4: {  	v60 =	vld [tilespmem:s2+$0x100];
	[tilespmem:s6+$0x180] =	vst v35;
	v43 =	vmul.f32 v50, v26;
	v26 =	vmul.f32 v57, v23;
	v33 =	vadd.f32 v33, v21  }
0x2d5: {  	v57 =	vmul.f32 v31, v23;
	[tilespmem:s6+$0x200] =	vst v37;
	v39 =	vadd.f32 v39, v17;
	v58 =	vadd.f32 v34, v21;
	v34 =	vld [tilespmem:s2+$0x180]  }
0x2d6: {  	v36 =	vmul.f32 v59, v54;
	v31 =	vmul.f32 v31, v24;
	v43 =	vadd.f32 v43, v21;
	[tilespmem:s6+$0x80] =	vst v33;
	v33 =	vld [tilespmem:s2+$0x200]  }
0x2d7: {  	v32 =	vld [tilespmem:s2+$0x280];
	v63 =	vsub.f32 v46, v7;
	v42 =	vmul.f32 v61, v57;
	[tilespmem:s2+$0x380] =	vst v39  }
0x2d8: {  	s11 =	simm.s32 $0x18120;
	v40 =	vsub.f32 v47, v8;
	v38 =	vadd.f32 v36, v21;
	[tilespmem:s6+$0x0] =	vst v43;
	v39 =	vmul.f32 v62, v31;
	v31 =	vld [tilespmem:s2+$0x300]  }
0x2d9: {  	s20 =	simm.s32 $0x20;
	s7 =	simm.s32 $0x0;
	s16 =	simm.s32 $0x18420;
	v37 =	vsub.f32 v60, v9;
	v36 =	vmul.f32 v63, v41;
	[tilespmem:s6+$0x100] =	vst v58;
	v35 =	vadd.f32 v42, v21  }
.LBB2_24:
0x2da: {  	s0 =	sand.u32 $0x60, s20;
	v41 =	vld [tilespmem:s11+$0x0];
	s1 =	sand.u32 $0x380, s20;
	[tilespmem:s6+$0x280] =	vst v38;
	v38 =	vadd.f32 v39, v21;
	v30 =	vmul.f32 v40, v30;
	v34 =	vsub.f32 v34, v10;
	s29 =	sadd.s32 $0x100, s29  }
0x2db: {  	s7 =	sadd.s32 $0x2, s7;
	s8 =	sand.u32 $0x1C00, s29;
	s23 =	sor.u32 $0x10, s0;
	[tilespmem:s6+$0x300] =	vst v35;
	v35 =	vadd.f32 v36, v17;
	v28 =	vmul.f32 v37, v28;
	v33 =	vsub.f32 v33, v13  }
0x2dc: {  	p1 =	slt.u32 s7, $0x2E;
	v21 =	vld [tilespmem:s16+$0x0];
	s8 =	sadd.s32 s8, s5;
	s1 =	sor.u32 s1, s23;
	[tilespmem:s6+$0x380] =	vst v38;
	v30 =	vadd.f32 v30, v17;
	v29 =	vmul.f32 v34, v29;
	v32 =	vsub.f32 v32, v14  }
0x2dd: {  	s6 =	sadd.s32 s0, s8;
	v34 =	vld [tilespmem:s1+$0x18100];
	s0 =	sadd.s32 s23, s8;
	[tilespmem:s2+$0x0] =	vst v35;
	v28 =	vadd.f32 v28, v17;
	v27 =	vmul.f32 v33, v27;
	v31 =	vsub.f32 v31, v15  }
0x2de: {  	v33 =	vld [tilespmem:s0+$0x380];
	[tilespmem:s2+$0x80] =	vst v30;
	v29 =	vadd.f32 v29, v17;
	v25 =	vmul.f32 v32, v25  }
0x2df: {  	v32 =	vld [tilespmem:s6+$0x0];
	v35 =	vmul.f32 v41, v11;
	[tilespmem:s2+$0x100] =	vst v28;
	v27 =	vadd.f32 v27, v17;
	v26 =	vmul.f32 v31, v26  }
0x2e0: {  	v36 =	vmul.f32 v41, v12;
	v37 =	vmul.f32 v41, v18;
	v31 =	vld [tilespmem:s6+$0x80];
	[tilespmem:s2+$0x180] =	vst v29;
	v25 =	vadd.f32 v25, v17  }
0x2e1: {  	v39 =	vmul.f32 v41, v19;
	v40 =	vmul.f32 v41, v20;
	v38 =	vld [tilespmem:s6+$0x100];
	[tilespmem:s2+$0x200] =	vst v27;
	v26 =	vadd.f32 v26, v17  }
0x2e2: {  	v17 =	vld [tilespmem:s1+$0x18400];
	v42 =	vmul.f32 v34, v11;
	v30 =	vmul.f32 v34, v12;
	[tilespmem:s2+$0x280] =	vst v25  }
0x2e3: {  	v28 =	vmul.f32 v34, v18;
	v44 =	vmul.f32 v34, v24;
	v43 =	vld [tilespmem:s6+$0x180];
	v33 =	vsub.f32 v33, v16;
	[tilespmem:s2+$0x300] =	vst v26;
	s2 =	smov.u32 s0  }
0x2e4: {  	v29 =	vmul.f32 v34, v19;
	v27 =	vmul.f32 v34, v20;
	v26 =	vsub.f32 v32, v7;
	v32 =	vld [tilespmem:s6+$0x200]  }
0x2e5: {  	v25 =	vmul.f32 v34, v22;
	v31 =	vsub.f32 v31, v8;
	v45 =	vld [tilespmem:s6+$0x280];
	v33 =	vmul.f32 v33, v44  }
0x2e6: {  	v35 =	vmul.f32 v26, v35;
	v38 =	vsub.f32 v38, v9;
	v44 =	vld [tilespmem:s6+$0x300];
	v26 =	vmul.f32 v34, v23  }
0x2e7: {  	v31 =	vmul.f32 v31, v36;
	v36 =	vmul.f32 v41, v22;
	v46 =	vld [tilespmem:s6+$0x380];
	v33 =	vadd.f32 v33, v17  }
0x2e8: {  	v34 =	vadd.f32 v35, v21;
	v35 =	vmul.f32 v38, v37;
	v37 =	vsub.f32 v43, v10;
	v38 =	vld [tilespmem:s2+$0x0]  }
0x2e9: {  	v43 =	vmul.f32 v41, v23;
	v31 =	vadd.f32 v31, v21;
	v32 =	vsub.f32 v32, v13;
	v47 =	vld [tilespmem:s2+$0x80];
	[tilespmem:s2+$0x380] =	vst v33  }
0x2ea: {  	[tilespmem:s6+$0x0] =	vst v34;
	v33 =	vadd.f32 v35, v21;
	v35 =	vmul.f32 v37, v39;
	v37 =	vsub.f32 v45, v14;
	v45 =	vld [tilespmem:s2+$0x100]  }
.Ltmp10:
0x2eb: {  	v39 =	vmul.f32 v41, v24;
	[tilespmem:s6+$0x80] =	vst v31;
	v31 =	vmul.f32 v32, v40;
	v32 =	vsub.f32 v44, v15;
	v34 =	vld [tilespmem:s2+$0x180];
	(pc) =	sbr.rel @p1 .LBB2_24-.Ltmp10, $4  }
0x2ec: {  	[tilespmem:s6+$0x100] =	vst v33;
	v35 =	vadd.f32 v35, v21;
	v36 =	vmul.f32 v37, v36;
	v37 =	vsub.f32 v46, v16;
	v33 =	vld [tilespmem:s2+$0x200]  }
0x2ed: {  	v41 =	vadd.f32 v31, v21;
	v43 =	vmul.f32 v32, v43;
	v44 =	vsub.f32 v38, v7;
	v32 =	vld [tilespmem:s2+$0x280]  }
0x2ee: {  	[tilespmem:s6+$0x180] =	vst v35;
	v38 =	vadd.f32 v36, v21;
	v39 =	vmul.f32 v37, v39;
	v40 =	vsub.f32 v47, v8;
	v31 =	vld [tilespmem:s2+$0x300]  }
0x2ef: {  	s20 =	sadd.s32 $0x20, s20;
	s11 =	sadd.s32 $0x20, s11;
	s16 =	sadd.s32 $0x20, s16;
	[tilespmem:s6+$0x200] =	vst v41;
	v35 =	vadd.f32 v43, v21;
	v36 =	vmul.f32 v44, v42;
	v37 =	vsub.f32 v45, v9  }
0x2f0: {  	[tilespmem:s6+$0x280] =	vst v38;
	v7 =	vadd.f32 v39, v21;
	v8 =	vmul.f32 v40, v30;
	v9 =	vsub.f32 v34, v10  }
0x2f1: {  	[tilespmem:s6+$0x300] =	vst v35;
	v57 =	vadd.f32 v36, v17;
	v11 =	vmul.f32 v37, v28;
	v12 =	vsub.f32 v33, v13  }
0x2f2: {  	[tilespmem:s6+$0x380] =	vst v7;
	v7 =	vadd.f32 v8, v17;
	v8 =	vmul.f32 v9, v29;
	v58 =	vsub.f32 v32, v14  }
0x2f3: {  	[tilespmem:s2+$0x0] =	vst v57;
	v59 =	vadd.f32 v11, v17;
	v60 =	vmul.f32 v12, v27;
	v61 =	vsub.f32 v31, v15  }
0x2f4: {  	[tilespmem:s2+$0x80] =	vst v7;
	v7 =	vadd.f32 v8, v17;
	v8 =	vmul.f32 v58, v25  }
.Ltmp11:
0x2f5: {  	[tilespmem:s2+$0x100] =	vst v59;
	v62 =	vadd.f32 v60, v17;
	v63 =	vmul.f32 v61, v26;
	(pc) =	sbr.rel @p0 .LBB2_15-.Ltmp11, $4  }
0x2f6: {  	[tilespmem:s2+$0x180] =	vst v7;
	v7 =	vadd.f32 v8, v17  }
0x2f7: {  	[tilespmem:s2+$0x200] =	vst v62;
	v8 =	vadd.f32 v63, v17  }
0x2f8: {  	[tilespmem:s2+$0x280] =	vst v7  }
0x2f9: {  	s29 =	simm.s32 $0x1;
	p1 =	por $0x0, $0x0;
	[tilespmem:s2+$0x300] =	vst v8  }
0x2fa: {  	s25 =	sadd.s32 $0x1, s25  }
0x2fb: {  	p0 =	sne.s32 s25, $0x20  }
.Ltmp12:
0x2fc: {  	_ = 	snop;
	(pc) =	sbr.rel @p0 .LBB2_2-.Ltmp12, $4  }
0x2fd: {  	_ = 	snop  }
0x2fe: {  	s0 =	rddreg [dreg:$0x6]  }
0x2ff: {  	s1 =	simm.s32 $0x15100;
	s0 =	sadd.s32 s0, s26  }
0x300: {  	[hbm4b:s0+s9] =	stream.linear.scatter [tilespmem:s1], [sflag:$0x4], $0x3000, $0x38;
	[tilespmem:$0x18700] =	vst v63  }
0x301: {  	s0 =	simm.s32 $0x3  }
0x302: {  	_ =	swait.ge [sflag:s0], $0x3000  }
0x303: {  	[sflag:s0] =	ssyncset.done $0x0  }
0x304: {  	[sflag:s0] =	ssyncadd.s32 $0xFFFFD000  }
0x305: {  	_ =	swait.ge [sflag:s24], $0x3000  }
0x306: {  	s1 =	rddreg [dreg:$0xd]  }
0x307: {  	s29 =	rddreg [dreg:$0xc];
	s1 =	sadd.s32 $0x1, s1  }
0x308: {  	p0 =	sne.s32 s1, s29  }
.Ltmp13:
0x309: {  	_ = 	snop;
	(pc) =	sbr.rel @p0 .LBB2_1-.Ltmp13, $3  }
0x30a: {  	_ =	sdelay $0x1  }
0x30b: {  	[sflag:s24] =	ssyncset.done $0x0  }
0x30c: {  	[sflag:s24] =	ssyncadd.s32 $0xFFFFD000  }
0x30d: {  	_ =	sfence.sel $0x180000  }
0x30e: {  	[bflag:$0x0] =	sbarrier.arrive $0xFFFF  }
0x30f: {  	_ =	strace $0x90000047  }
0x310: {  	s0 =	stileid.u32;
	[bflag:$0x2] =	sbarrier.arrive $0xFFFF  }
0x311: {  	p0 =	sne.s32 s0, $0x0;
	s0 =	rddreg [dreg:$0x7]  }
0x312: {  	s0 =	sadd.s32 @!p0 $0x100000, s0  }
0x313: {  	[sflag:s0] =	ssyncadd.tile.s32 @!p0 $0x1;
	_ =	shalt  }
.Lfunc_end2:
_tile_overlayer_lowered:
.L_overlay_start_2:
0x314: {  	(tag) =	ssettag $0x2  }
0x315: {  	s0 =	rddreg [dreg:$0x0];
	s2 =	stileid.u32  }
0x316: {  	s1 =	rddreg [dreg:$0x1];
	p0 =	sne.s32 s2, $0x0  }
0x317: {  	s3 =	rddreg [dreg:$0x2];
	[bflag:$0x3] =	sbarrier.arrive $0xFFFF;
	s2 =	simm.s32 @!p0 $0x1C05  }
0x318: {  	[timem:s3], [sflag:s2] =	dma.local @!p0 [hbm:s0], s1  }
0x319: {  	s0 =	simm.s32 @!p0 $0x5  }
0x31a: {  	_ =	swait.ge @!p0 [sflag:s0], s1  }
0x31b: {  	s1 =	ssub.s32 @!p0 $0x0, s1;
	[sflag:s0] =	ssyncset.done @!p0 $0x0  }
0x31c: {  	[sflag:s0] =	ssyncadd.s32 @!p0 s1  }
0x31d: {  	[bflag:$0x3] =	sbarrier.arrive $0xFFFF  }
0x31e: {  	_ =	shalt  }

</sc_bundles>
